<compile_context>
chip_gen: v7x
topology: tpu7x:2x2x1
jax: 0.10.2.dev20260603
libtpu: 0.0.44.dev20260713+nightly
codegen_flags: <defaults>
</compile_context>

<pallas_src>
import functools

import jax
import jax.numpy as jnp
from jax import lax
from jax.experimental import pallas as pl
from jax.experimental.pallas import tpu as pltpu
from jax.experimental.pallas import tpu_sc as plsc

_B = 16384
_D = 128


def _build_sc_gather(n):
    info = plsc.get_sparse_core_info()
    nc, ns = info.num_cores, info.num_subcores
    nw = nc * ns
    b_per_w = n // nw
    ch = 64
    nq = b_per_w // ch
    mesh = plsc.VectorSubcoreMesh(core_axis_name="c", subcore_axis_name="s")

    @functools.partial(
        pl.kernel,
        out_type=jax.ShapeDtypeStruct((n, _D), jnp.int32),
        mesh=mesh,
        scratch_types=[
            pltpu.VMEM((b_per_w,), jnp.int32),
            pltpu.VMEM((b_per_w,), jnp.int32),
            pltpu.VMEM((2, ch, _D), jnp.float32),
            pltpu.VMEM((2, ch, _D), jnp.float32),
            pltpu.VMEM((1, ch, _D), jnp.int32),
            pltpu.SemaphoreType.DMA,
            pltpu.SemaphoreType.DMA,
            pltpu.SemaphoreType.DMA,
            pltpu.SemaphoreType.DMA,
            pltpu.SemaphoreType.DMA,
        ],
    )
    def gather_k(uids_hbm, gids_hbm, uemb_hbm, iemb_hbm, pk_out,
                 idxu_v, idxg_v, fu, fi, pk,
                 sem_gu0, sem_gu1, sem_gi0, sem_gi1, sem_w):
        sem_gu = (sem_gu0, sem_gu1)
        sem_gi = (sem_gi0, sem_gi1)
        wid = lax.axis_index("s") * nc + lax.axis_index("c")
        base = wid * b_per_w
        c1 = pltpu.make_async_copy(
            uids_hbm.at[pl.ds(base, b_per_w)], idxu_v, sem_w)
        c2 = pltpu.make_async_copy(
            gids_hbm.at[pl.ds(base, b_per_w)], idxg_v, sem_w)
        c1.start()
        c2.start()
        c1.wait()
        c2.wait()

        def bf16_round(x):
            return lax.bitcast_convert_type(x, jnp.int32) + 0x8000

        def convert(b):
            def body(i, carry):
                for g in range(0, _D, 16):
                    au = lax.shift_right_logical(
                        bf16_round(fu[b, i, pl.ds(g, 16)]), 16)
                    ai = bf16_round(fi[b, i, pl.ds(g, 16)]) & jnp.int32(
                        -65536)
                    pk[0, i, pl.ds(g, 16)] = au | ai
                return carry
            lax.fori_loop(0, ch, body, 0)

        gcp = {}

        def start_gather(q):
            b = q % 2
            cu = pltpu.make_async_copy(
                uemb_hbm.at[idxu_v.at[pl.ds(q * ch, ch)]], fu.at[b],
                sem_gu[b])
            ci = pltpu.make_async_copy(
                iemb_hbm.at[idxg_v.at[pl.ds(q * ch, ch)]], fi.at[b],
                sem_gi[b])
            cu.start()
            ci.start()
            gcp[q] = (cu, ci)

        start_gather(0)
        wbs = {}
        for q in range(nq):
            b = q % 2
            for c in gcp.pop(q):
                c.wait()
            if q + 1 < nq:
                start_gather(q + 1)
            if q >= 1:
                wbs.pop(q - 1).wait()
            convert(b)
            w = pltpu.make_async_copy(
                pk.at[0], pk_out.at[pl.ds(base + q * ch, ch)], sem_w)
            w.start()
            wbs[q] = w
        wbs.pop(nq - 1).wait()

    return gather_k


_sc_gather = _build_sc_gather(_B)

_BLK = 8192


def _tc_mlp_dot(pk_rows, W1, b1, W2, b2):
    n = pk_rows.shape[0]
    nblk = n // _BLK

    def body(pk_ref, w1_ref, b1_ref, w2_ref, b2_ref, out_ref):
        w = pk_ref[...]
        u = lax.bitcast_convert_type(lax.shift_left(w, 16), jnp.float32)
        it = lax.bitcast_convert_type(w & jnp.int32(-65536), jnp.float32)
        h = jnp.dot(it, w1_ref[...], preferred_element_type=jnp.float32)
        h = jnp.maximum(h + b1_ref[...], 0.0)
        h = jnp.dot(h, w2_ref[...], preferred_element_type=jnp.float32)
        h = h + b2_ref[...]
        p = u * h
        out_ref[...] = jnp.sum(p.T, axis=0)[None, None, :]

    out = pl.pallas_call(
        body,
        grid=(nblk,),
        in_specs=[
            pl.BlockSpec((_BLK, _D), lambda i: (i, 0)),
            pl.BlockSpec((_D, _D), lambda i: (0, 0)),
            pl.BlockSpec((1, _D), lambda i: (0, 0)),
            pl.BlockSpec((_D, _D), lambda i: (0, 0)),
            pl.BlockSpec((1, _D), lambda i: (0, 0)),
        ],
        out_specs=pl.BlockSpec((1, 1, _BLK), lambda i: (i, 0, 0)),
        out_shape=jax.ShapeDtypeStruct((nblk, 1, _BLK), jnp.float32),
    )(pk_rows, W1, b1.reshape(1, _D), W2, b2.reshape(1, _D))
    return out.reshape(n)


def kernel(uids, gids, user_emb, item_emb, W1, b1, W2, b2):
    uids = uids.astype(jnp.int32)
    gids = gids.astype(jnp.int32)
    pk_rows = _sc_gather(uids, gids, user_emb, item_emb)
    return _tc_mlp_dot(pk_rows, W1, b1, W2, b2)

# --- scband reference (transcript-rebuilt; emitter-appended) ---
"""Pipeline reference for scband-target-model-72679436583485 (READ-ONLY COPY).

The authoritative reference and input builder live on the scoring server;
editing this copy changes nothing except your own understanding.
"""

import jax, jax.numpy as jnp
import numpy as np

USER_NUM = 100000
ITEM_NUM = 100000
EMB_DIM = 128
BATCH = 16384


def setup_inputs(seed: int = 0) -> dict:
    key = jax.random.key(seed)
    k_u, k_i, k_ue, k_ie, k_w1, k_b1, k_w2, k_b2 = jax.random.split(key, 8)
    uids = jax.random.randint(k_u, (BATCH,), 0, USER_NUM, dtype=jnp.int64) if jax.config.jax_enable_x64 else jax.random.randint(k_u, (BATCH,), 0, USER_NUM).astype(jnp.int32)
    gids = jax.random.randint(k_i, (BATCH,), 0, ITEM_NUM).astype(uids.dtype)
    # xavier-normal-ish init for embedding tables
    std_emb = float(np.sqrt(2.0 / (USER_NUM + 1 + EMB_DIM)))
    user_emb = jax.random.normal(k_ue, (USER_NUM + 1, EMB_DIM), dtype=jnp.float32) * std_emb
    item_emb = jax.random.normal(k_ie, (ITEM_NUM + 1, EMB_DIM), dtype=jnp.float32) * std_emb
    # linear layers (kaiming-uniform-ish like torch defaults)
    bound = float(1.0 / np.sqrt(EMB_DIM))
    W1 = jax.random.uniform(k_w1, (EMB_DIM, EMB_DIM), jnp.float32, -bound, bound)
    b1 = jax.random.uniform(k_b1, (EMB_DIM,), jnp.float32, -bound, bound)
    W2 = jax.random.uniform(k_w2, (EMB_DIM, EMB_DIM), jnp.float32, -bound, bound)
    b2 = jax.random.uniform(k_b2, (EMB_DIM,), jnp.float32, -bound, bound)
    return {"uids": uids, "gids": gids, "user_emb": user_emb, "item_emb": item_emb,
            "W1": W1, "b1": b1, "W2": W2, "b2": b2}


def reference(uids, gids, user_emb, item_emb, W1, b1, W2, b2):
    u = jnp.take(user_emb, uids, axis=0)                 # gather [B, D]
    it = jnp.take(item_emb, gids, axis=0)                # gather [B, D]
    it_det = jax.lax.stop_gradient(it)                   # .detach()
    h = jnp.maximum(it_det @ W1 + b1, 0.0)               # Linear + ReLU
    h = h @ W2 + b2                                      # Linear
    out = jnp.sum(u * h, axis=1)                         # [B]
    return out

if __name__ == "__main__":
    import jax
    _d = setup_inputs()
    print(jax.jit(kernel)(*tuple(_d.values())))

</pallas_src>

<mosaic_0001>
#map = affine_map<(d0, d1) -> (0)>
#map1 = affine_map<(d0, d1) -> (0, 0)>
module attributes {stable_mosaic.version = 14 : i64} {
  func.func @gather_k(%arg0: i32, %arg1: i32, %arg2: memref<16384xi32, #tpu.memory_space<hbm>>, %arg3: memref<16384xi32, #tpu.memory_space<hbm>>, %arg4: memref<100001x128xf32, #tpu.memory_space<hbm>>, %arg5: memref<100001x128xf32, #tpu.memory_space<hbm>>, %arg6: memref<16384x128xi32, #tpu.memory_space<hbm>>, %arg7: memref<512xi32, #tpu.memory_space<vmem>>, %arg8: memref<512xi32, #tpu.memory_space<vmem>>, %arg9: memref<2x64x128xf32, #tpu.memory_space<vmem>>, %arg10: memref<2x64x128xf32, #tpu.memory_space<vmem>>, %arg11: memref<1x64x128xi32, #tpu.memory_space<vmem>>, %arg12: memref<!tpu.dma_semaphore, #tpu.memory_space<semaphore_mem>>, %arg13: memref<!tpu.dma_semaphore, #tpu.memory_space<semaphore_mem>>, %arg14: memref<!tpu.dma_semaphore, #tpu.memory_space<semaphore_mem>>, %arg15: memref<!tpu.dma_semaphore, #tpu.memory_space<semaphore_mem>>, %arg16: memref<!tpu.dma_semaphore, #tpu.memory_space<semaphore_mem>>) attributes {dimension_semantics = [#tpu.dimension_semantics<core_parallel>, #tpu.dimension_semantics<subcore_parallel>], iteration_bounds = array<i64: 2, 16>, scalar_prefetch = 0 : i64, scratch_operands = 10 : i64, tpu.core_type = #tpu.core_type<sc_vector_subcore>, window_params = [{transform_indices = #map}, {transform_indices = #map}, {transform_indices = #map1}, {transform_indices = #map1}, {transform_indices = #map1}]} {
    %mul3A = arith.constant 2 : i32
    %mul3A_0 = arith.muli %arg1, %mul3A : i32
    %add3A = arith.addi %mul3A_0, %arg0 : i32
    %mul3A_1 = arith.constant 512 : i32
    %mul3A_2 = arith.muli %add3A, %mul3A_1 : i32
    %dma_start3A = tpu.memref_slice %arg2[%mul3A_2] : memref<16384xi32, #tpu.memory_space<hbm>> -> memref<512xi32, #tpu.memory_space<hbm>>
    %dma_start3A_3 = tpu.memref_slice %arg2[%mul3A_2] : memref<16384xi32, #tpu.memory_space<hbm>> -> memref<512xi32, #tpu.memory_space<hbm>>
    tpu.enqueue_dma source(%dma_start3A_3 : memref<512xi32, #tpu.memory_space<hbm>>) target(%arg7 : memref<512xi32, #tpu.memory_space<vmem>>) target_semaphore(%arg16 : memref<!tpu.dma_semaphore, #tpu.memory_space<semaphore_mem>>)
    %dma_start3A_4 = tpu.memref_slice %arg3[%mul3A_2] : memref<16384xi32, #tpu.memory_space<hbm>> -> memref<512xi32, #tpu.memory_space<hbm>>
    %dma_start3A_5 = tpu.memref_slice %arg3[%mul3A_2] : memref<16384xi32, #tpu.memory_space<hbm>> -> memref<512xi32, #tpu.memory_space<hbm>>
    tpu.enqueue_dma source(%dma_start3A_5 : memref<512xi32, #tpu.memory_space<hbm>>) target(%arg8 : memref<512xi32, #tpu.memory_space<vmem>>) target_semaphore(%arg16 : memref<!tpu.dma_semaphore, #tpu.memory_space<semaphore_mem>>)
    %dma_wait3A = tpu.memref_slice %arg2[%mul3A_2] : memref<16384xi32, #tpu.memory_space<hbm>> -> memref<512xi32, #tpu.memory_space<hbm>>
    %dma_wait3A_6 = tpu.memref_slice %arg2[%mul3A_2] : memref<16384xi32, #tpu.memory_space<hbm>> -> memref<512xi32, #tpu.memory_space<hbm>>
    tpu.wait_dma2 semaphore(%arg16 : memref<!tpu.dma_semaphore, #tpu.memory_space<semaphore_mem>>) src(%dma_wait3A_6 : memref<512xi32, #tpu.memory_space<hbm>>) dst(%arg7 : memref<512xi32, #tpu.memory_space<vmem>>)
    %dma_wait3A_7 = tpu.memref_slice %arg3[%mul3A_2] : memref<16384xi32, #tpu.memory_space<hbm>> -> memref<512xi32, #tpu.memory_space<hbm>>
    %dma_wait3A_8 = tpu.memref_slice %arg3[%mul3A_2] : memref<16384xi32, #tpu.memory_space<hbm>> -> memref<512xi32, #tpu.memory_space<hbm>>
    tpu.wait_dma2 semaphore(%arg16 : memref<!tpu.dma_semaphore, #tpu.memory_space<semaphore_mem>>) src(%dma_wait3A_8 : memref<512xi32, #tpu.memory_space<hbm>>) dst(%arg8 : memref<512xi32, #tpu.memory_space<vmem>>)
    %dma_start3A_9 = arith.constant 0 : i32
    %dma_start3A_10 = arith.constant 0 : i32
    %dma_start3A_11 = arith.constant 0 : i32
    %dma_start3A_12 = tpu.memref_slice %arg9[%dma_start3A_9, %dma_start3A_10, %dma_start3A_11] : memref<2x64x128xf32, #tpu.memory_space<vmem>> -> memref<1x64x128xf32, #tpu.memory_space<vmem>>
    %dma_start3A_13 = tpu.memref_squeeze %dma_start3A_12 : memref<1x64x128xf32, #tpu.memory_space<vmem>> -> memref<64x128xf32, #tpu.memory_space<vmem>>
    %dma_start3A_14 = arith.constant 0 : i32
    %dma_start3A_15 = tpu.memref_slice %arg7[%dma_start3A_14] : memref<512xi32, #tpu.memory_space<vmem>> -> memref<64xi32, #tpu.memory_space<vmem>>
    %dma_start3A_16 = arith.constant 0 : i32
    %dma_start3A_17 = arith.constant 0 : i32
    %dma_start3A_18 = tpu.memref_slice %arg4[%dma_start3A_16, %dma_start3A_17] : memref<100001x128xf32, #tpu.memory_space<hbm>> -> memref<100001x128xf32, #tpu.memory_space<hbm>>
    tpu.enqueue_indirect_dma source(%dma_start3A_18 : memref<100001x128xf32, #tpu.memory_space<hbm>>) target(%dma_start3A_13 : memref<64x128xf32, #tpu.memory_space<vmem>>) offsets(%dma_start3A_15 : memref<64xi32, #tpu.memory_space<vmem>>) semaphore(%arg12 : memref<!tpu.dma_semaphore, #tpu.memory_space<semaphore_mem>>)
    %dma_start3A_19 = arith.constant 0 : i32
    %dma_start3A_20 = arith.constant 0 : i32
    %dma_start3A_21 = arith.constant 0 : i32
    %dma_start3A_22 = tpu.memref_slice %arg10[%dma_start3A_19, %dma_start3A_20, %dma_start3A_21] : memref<2x64x128xf32, #tpu.memory_space<vmem>> -> memref<1x64x128xf32, #tpu.memory_space<vmem>>
    %dma_start3A_23 = tpu.memref_squeeze %dma_start3A_22 : memref<1x64x128xf32, #tpu.memory_space<vmem>> -> memref<64x128xf32, #tpu.memory_space<vmem>>
    %dma_start3A_24 = arith.constant 0 : i32
    %dma_start3A_25 = tpu.memref_slice %arg8[%dma_start3A_24] : memref<512xi32, #tpu.memory_space<vmem>> -> memref<64xi32, #tpu.memory_space<vmem>>
    %dma_start3A_26 = arith.constant 0 : i32
    %dma_start3A_27 = arith.constant 0 : i32
    %dma_start3A_28 = tpu.memref_slice %arg5[%dma_start3A_26, %dma_start3A_27] : memref<100001x128xf32, #tpu.memory_space<hbm>> -> memref<100001x128xf32, #tpu.memory_space<hbm>>
    tpu.enqueue_indirect_dma source(%dma_start3A_28 : memref<100001x128xf32, #tpu.memory_space<hbm>>) target(%dma_start3A_23 : memref<64x128xf32, #tpu.memory_space<vmem>>) offsets(%dma_start3A_25 : memref<64xi32, #tpu.memory_space<vmem>>) semaphore(%arg14 : memref<!tpu.dma_semaphore, #tpu.memory_space<semaphore_mem>>)
    %dma_wait3A_29 = arith.constant 0 : i32
    %dma_wait3A_30 = arith.constant 0 : i32
    %dma_wait3A_31 = arith.constant 0 : i32
    %dma_wait3A_32 = tpu.memref_slice %arg9[%dma_wait3A_29, %dma_wait3A_30, %dma_wait3A_31] : memref<2x64x128xf32, #tpu.memory_space<vmem>> -> memref<1x64x128xf32, #tpu.memory_space<vmem>>
    %dma_wait3A_33 = tpu.memref_squeeze %dma_wait3A_32 : memref<1x64x128xf32, #tpu.memory_space<vmem>> -> memref<64x128xf32, #tpu.memory_space<vmem>>
    %dma_wait3A_34 = arith.constant 0 : i32
    %dma_wait3A_35 = tpu.memref_slice %arg7[%dma_wait3A_34] : memref<512xi32, #tpu.memory_space<vmem>> -> memref<64xi32, #tpu.memory_space<vmem>>
    %dma_wait3A_36 = arith.constant 0 : i32
    %dma_wait3A_37 = arith.constant 0 : i32
    %dma_wait3A_38 = tpu.memref_slice %arg4[%dma_wait3A_36, %dma_wait3A_37] : memref<100001x128xf32, #tpu.memory_space<hbm>> -> memref<100001x128xf32, #tpu.memory_space<hbm>>
    tpu.wait_indirect_dma semaphore(%arg12 : memref<!tpu.dma_semaphore, #tpu.memory_space<semaphore_mem>>) src(%dma_wait3A_38 : memref<100001x128xf32, #tpu.memory_space<hbm>>) dst(%dma_wait3A_33 : memref<64x128xf32, #tpu.memory_space<vmem>>)
    %dma_wait3A_39 = arith.constant 0 : i32
    %dma_wait3A_40 = arith.constant 0 : i32
    %dma_wait3A_41 = arith.constant 0 : i32
    %dma_wait3A_42 = tpu.memref_slice %arg10[%dma_wait3A_39, %dma_wait3A_40, %dma_wait3A_41] : memref<2x64x128xf32, #tpu.memory_space<vmem>> -> memref<1x64x128xf32, #tpu.memory_space<vmem>>
    %dma_wait3A_43 = tpu.memref_squeeze %dma_wait3A_42 : memref<1x64x128xf32, #tpu.memory_space<vmem>> -> memref<64x128xf32, #tpu.memory_space<vmem>>
    %dma_wait3A_44 = arith.constant 0 : i32
    %dma_wait3A_45 = tpu.memref_slice %arg8[%dma_wait3A_44] : memref<512xi32, #tpu.memory_space<vmem>> -> memref<64xi32, #tpu.memory_space<vmem>>
    %dma_wait3A_46 = arith.constant 0 : i32
    %dma_wait3A_47 = arith.constant 0 : i32
    %dma_wait3A_48 = tpu.memref_slice %arg5[%dma_wait3A_46, %dma_wait3A_47] : memref<100001x128xf32, #tpu.memory_space<hbm>> -> memref<100001x128xf32, #tpu.memory_space<hbm>>
    tpu.wait_indirect_dma semaphore(%arg14 : memref<!tpu.dma_semaphore, #tpu.memory_space<semaphore_mem>>) src(%dma_wait3A_48 : memref<100001x128xf32, #tpu.memory_space<hbm>>) dst(%dma_wait3A_43 : memref<64x128xf32, #tpu.memory_space<vmem>>)
    %dma_start3A_49 = arith.constant 1 : i32
    %dma_start3A_50 = arith.constant 0 : i32
    %dma_start3A_51 = arith.constant 0 : i32
    %dma_start3A_52 = tpu.memref_slice %arg9[%dma_start3A_49, %dma_start3A_50, %dma_start3A_51] : memref<2x64x128xf32, #tpu.memory_space<vmem>> -> memref<1x64x128xf32, #tpu.memory_space<vmem>>
    %dma_start3A_53 = tpu.memref_squeeze %dma_start3A_52 : memref<1x64x128xf32, #tpu.memory_space<vmem>> -> memref<64x128xf32, #tpu.memory_space<vmem>>
    %dma_start3A_54 = arith.constant 64 : i32
    %dma_start3A_55 = tpu.memref_slice %arg7[%dma_start3A_54] : memref<512xi32, #tpu.memory_space<vmem>> -> memref<64xi32, #tpu.memory_space<vmem>>
    %dma_start3A_56 = arith.constant 0 : i32
    %dma_start3A_57 = arith.constant 0 : i32
    %dma_start3A_58 = tpu.memref_slice %arg4[%dma_start3A_56, %dma_start3A_57] : memref<100001x128xf32, #tpu.memory_space<hbm>> -> memref<100001x128xf32, #tpu.memory_space<hbm>>
    tpu.enqueue_indirect_dma source(%dma_start3A_58 : memref<100001x128xf32, #tpu.memory_space<hbm>>) target(%dma_start3A_53 : memref<64x128xf32, #tpu.memory_space<vmem>>) offsets(%dma_start3A_55 : memref<64xi32, #tpu.memory_space<vmem>>) semaphore(%arg13 : memref<!tpu.dma_semaphore, #tpu.memory_space<semaphore_mem>>)
    %dma_start3A_59 = arith.constant 1 : i32
    %dma_start3A_60 = arith.constant 0 : i32
    %dma_start3A_61 = arith.constant 0 : i32
    %dma_start3A_62 = tpu.memref_slice %arg10[%dma_start3A_59, %dma_start3A_60, %dma_start3A_61] : memref<2x64x128xf32, #tpu.memory_space<vmem>> -> memref<1x64x128xf32, #tpu.memory_space<vmem>>
    %dma_start3A_63 = tpu.memref_squeeze %dma_start3A_62 : memref<1x64x128xf32, #tpu.memory_space<vmem>> -> memref<64x128xf32, #tpu.memory_space<vmem>>
    %dma_start3A_64 = arith.constant 64 : i32
    %dma_start3A_65 = tpu.memref_slice %arg8[%dma_start3A_64] : memref<512xi32, #tpu.memory_space<vmem>> -> memref<64xi32, #tpu.memory_space<vmem>>
    %dma_start3A_66 = arith.constant 0 : i32
    %dma_start3A_67 = arith.constant 0 : i32
    %dma_start3A_68 = tpu.memref_slice %arg5[%dma_start3A_66, %dma_start3A_67] : memref<100001x128xf32, #tpu.memory_space<hbm>> -> memref<100001x128xf32, #tpu.memory_space<hbm>>
    tpu.enqueue_indirect_dma source(%dma_start3A_68 : memref<100001x128xf32, #tpu.memory_space<hbm>>) target(%dma_start3A_63 : memref<64x128xf32, #tpu.memory_space<vmem>>) offsets(%dma_start3A_65 : memref<64xi32, #tpu.memory_space<vmem>>) semaphore(%arg15 : memref<!tpu.dma_semaphore, #tpu.memory_space<semaphore_mem>>)
    %scan3A = arith.constant 0 : i32
    %scan3A_69 = arith.constant 0 : i32
    %scan3A_70 = arith.constant 64 : i32
    %scan3A_71 = arith.addi %scan3A_69, %scan3A_70 : i32
    %scan3A_72 = arith.constant 1 : i32
    scf.for %scan3A_600 = %scan3A_69 to %scan3A_71 step %scan3A_72  : i32 {
      %get3A = arith.constant 0 : i32
      %get3A_601 = arith.index_cast %get3A : i32 to index
      %get3A_602 = arith.index_cast %scan3A_600 : i32 to index
      %get3A_603 = arith.constant 0 : index
      %get3A_604 = tpu.vector_load %arg9[%get3A_601, %get3A_602, %get3A_603] {strides = array<i32>} : memref<2x64x128xf32, #tpu.memory_space<vmem>>, vector<1x1x16xf32>,
      %get3A_605 = vector.shape_cast %get3A_604 : vector<1x1x16xf32> to vector<16xf32>
      %bitcast_convert_type3A = tpu.bitcast %get3A_605 : vector<16xf32> -> vector<16xi32>
      %add3A_606 = arith.constant 32768 : i32
      %add3A_607 = vector.broadcast %add3A_606 : i32 to vector<16xi32>
      %add3A_608 = arith.addi %bitcast_convert_type3A, %add3A_607 : vector<16xi32>
      %shift_right_logical3A = arith.constant 16 : i32
      %shift_right_logical3A_609 = vector.broadcast %shift_right_logical3A : i32 to vector<16xi32>
      %shift_right_logical3A_610 = arith.shrui %add3A_608, %shift_right_logical3A_609 : vector<16xi32>
      %get3A_611 = arith.constant 0 : i32
      %get3A_612 = arith.index_cast %get3A_611 : i32 to index
      %get3A_613 = arith.index_cast %scan3A_600 : i32 to index
      %get3A_614 = arith.constant 0 : index
      %get3A_615 = tpu.vector_load %arg10[%get3A_612, %get3A_613, %get3A_614] {strides = array<i32>} : memref<2x64x128xf32, #tpu.memory_space<vmem>>, vector<1x1x16xf32>,
      %get3A_616 = vector.shape_cast %get3A_615 : vector<1x1x16xf32> to vector<16xf32>
      %bitcast_convert_type3A_617 = tpu.bitcast %get3A_616 : vector<16xf32> -> vector<16xi32>
      %add3A_618 = arith.constant 32768 : i32
      %add3A_619 = vector.broadcast %add3A_618 : i32 to vector<16xi32>
      %add3A_620 = arith.addi %bitcast_convert_type3A_617, %add3A_619 : vector<16xi32>
      %and3A = arith.constant -65536 : i32
      %and3A_621 = vector.broadcast %and3A : i32 to vector<16xi32>
      %and3A_622 = arith.andi %add3A_620, %and3A_621 : vector<16xi32>
      %or3A = arith.ori %shift_right_logical3A_610, %and3A_622 : vector<16xi32>
      %swap3A = arith.constant 0 : i32
      %swap3A_623 = arith.index_cast %swap3A : i32 to index
      %swap3A_624 = arith.index_cast %scan3A_600 : i32 to index
      %swap3A_625 = arith.constant 0 : index
      %swap3A_626 = tpu.vector_load %arg11[%swap3A_623, %swap3A_624, %swap3A_625] {strides = array<i32>} : memref<1x64x128xi32, #tpu.memory_space<vmem>>, vector<1x1x16xi32>,
      %swap3A_627 = vector.shape_cast %swap3A_626 : vector<1x1x16xi32> to vector<16xi32>
      %swap3A_628 = vector.shape_cast %or3A : vector<16xi32> to vector<1x1x16xi32>
      tpu.vector_store %arg11[%swap3A_623, %swap3A_624, %swap3A_625], %swap3A_628 {strides = array<i32>} : memref<1x64x128xi32, #tpu.memory_space<vmem>>, vector<1x1x16xi32>,
      %get3A_629 = arith.constant 0 : i32
      %get3A_630 = arith.index_cast %get3A_629 : i32 to index
      %get3A_631 = arith.index_cast %scan3A_600 : i32 to index
      %get3A_632 = arith.constant 16 : index
      %get3A_633 = tpu.vector_load %arg9[%get3A_630, %get3A_631, %get3A_632] {strides = array<i32>} : memref<2x64x128xf32, #tpu.memory_space<vmem>>, vector<1x1x16xf32>,
      %get3A_634 = vector.shape_cast %get3A_633 : vector<1x1x16xf32> to vector<16xf32>
      %bitcast_convert_type3A_635 = tpu.bitcast %get3A_634 : vector<16xf32> -> vector<16xi32>
      %add3A_636 = arith.constant 32768 : i32
      %add3A_637 = vector.broadcast %add3A_636 : i32 to vector<16xi32>
      %add3A_638 = arith.addi %bitcast_convert_type3A_635, %add3A_637 : vector<16xi32>
      %shift_right_logical3A_639 = arith.constant 16 : i32
      %shift_right_logical3A_640 = vector.broadcast %shift_right_logical3A_639 : i32 to vector<16xi32>
      %shift_right_logical3A_641 = arith.shrui %add3A_638, %shift_right_logical3A_640 : vector<16xi32>
      %get3A_642 = arith.constant 0 : i32
      %get3A_643 = arith.index_cast %get3A_642 : i32 to index
      %get3A_644 = arith.index_cast %scan3A_600 : i32 to index
      %get3A_645 = arith.constant 16 : index
      %get3A_646 = tpu.vector_load %arg10[%get3A_643, %get3A_644, %get3A_645] {strides = array<i32>} : memref<2x64x128xf32, #tpu.memory_space<vmem>>, vector<1x1x16xf32>,
      %get3A_647 = vector.shape_cast %get3A_646 : vector<1x1x16xf32> to vector<16xf32>
      %bitcast_convert_type3A_648 = tpu.bitcast %get3A_647 : vector<16xf32> -> vector<16xi32>
      %add3A_649 = arith.constant 32768 : i32
      %add3A_650 = vector.broadcast %add3A_649 : i32 to vector<16xi32>
      %add3A_651 = arith.addi %bitcast_convert_type3A_648, %add3A_650 : vector<16xi32>
      %and3A_652 = arith.constant -65536 : i32
      %and3A_653 = vector.broadcast %and3A_652 : i32 to vector<16xi32>
      %and3A_654 = arith.andi %add3A_651, %and3A_653 : vector<16xi32>
      %or3A_655 = arith.ori %shift_right_logical3A_641, %and3A_654 : vector<16xi32>
      %swap3A_656 = arith.constant 0 : i32
      %swap3A_657 = arith.index_cast %swap3A_656 : i32 to index
      %swap3A_658 = arith.index_cast %scan3A_600 : i32 to index
      %swap3A_659 = arith.constant 16 : index
      %swap3A_660 = tpu.vector_load %arg11[%swap3A_657, %swap3A_658, %swap3A_659] {strides = array<i32>} : memref<1x64x128xi32, #tpu.memory_space<vmem>>, vector<1x1x16xi32>,
      %swap3A_661 = vector.shape_cast %swap3A_660 : vector<1x1x16xi32> to vector<16xi32>
      %swap3A_662 = vector.shape_cast %or3A_655 : vector<16xi32> to vector<1x1x16xi32>
      tpu.vector_store %arg11[%swap3A_657, %swap3A_658, %swap3A_659], %swap3A_662 {strides = array<i32>} : memref<1x64x128xi32, #tpu.memory_space<vmem>>, vector<1x1x16xi32>,
      %get3A_663 = arith.constant 0 : i32
      %get3A_664 = arith.index_cast %get3A_663 : i32 to index
      %get3A_665 = arith.index_cast %scan3A_600 : i32 to index
      %get3A_666 = arith.constant 32 : index
      %get3A_667 = tpu.vector_load %arg9[%get3A_664, %get3A_665, %get3A_666] {strides = array<i32>} : memref<2x64x128xf32, #tpu.memory_space<vmem>>, vector<1x1x16xf32>,
      %get3A_668 = vector.shape_cast %get3A_667 : vector<1x1x16xf32> to vector<16xf32>
      %bitcast_convert_type3A_669 = tpu.bitcast %get3A_668 : vector<16xf32> -> vector<16xi32>
      %add3A_670 = arith.constant 32768 : i32
      %add3A_671 = vector.broadcast %add3A_670 : i32 to vector<16xi32>
      %add3A_672 = arith.addi %bitcast_convert_type3A_669, %add3A_671 : vector<16xi32>
      %shift_right_logical3A_673 = arith.constant 16 : i32
      %shift_right_logical3A_674 = vector.broadcast %shift_right_logical3A_673 : i32 to vector<16xi32>
      %shift_right_logical3A_675 = arith.shrui %add3A_672, %shift_right_logical3A_674 : vector<16xi32>
      %get3A_676 = arith.constant 0 : i32
      %get3A_677 = arith.index_cast %get3A_676 : i32 to index
      %get3A_678 = arith.index_cast %scan3A_600 : i32 to index
      %get3A_679 = arith.constant 32 : index
      %get3A_680 = tpu.vector_load %arg10[%get3A_677, %get3A_678, %get3A_679] {strides = array<i32>} : memref<2x64x128xf32, #tpu.memory_space<vmem>>, vector<1x1x16xf32>,
      %get3A_681 = vector.shape_cast %get3A_680 : vector<1x1x16xf32> to vector<16xf32>
      %bitcast_convert_type3A_682 = tpu.bitcast %get3A_681 : vector<16xf32> -> vector<16xi32>
      %add3A_683 = arith.constant 32768 : i32
      %add3A_684 = vector.broadcast %add3A_683 : i32 to vector<16xi32>
      %add3A_685 = arith.addi %bitcast_convert_type3A_682, %add3A_684 : vector<16xi32>
      %and3A_686 = arith.constant -65536 : i32
      %and3A_687 = vector.broadcast %and3A_686 : i32 to vector<16xi32>
      %and3A_688 = arith.andi %add3A_685, %and3A_687 : vector<16xi32>
      %or3A_689 = arith.ori %shift_right_logical3A_675, %and3A_688 : vector<16xi32>
      %swap3A_690 = arith.constant 0 : i32
      %swap3A_691 = arith.index_cast %swap3A_690 : i32 to index
      %swap3A_692 = arith.index_cast %scan3A_600 : i32 to index
      %swap3A_693 = arith.constant 32 : index
      %swap3A_694 = tpu.vector_load %arg11[%swap3A_691, %swap3A_692, %swap3A_693] {strides = array<i32>} : memref<1x64x128xi32, #tpu.memory_space<vmem>>, vector<1x1x16xi32>,
      %swap3A_695 = vector.shape_cast %swap3A_694 : vector<1x1x16xi32> to vector<16xi32>
      %swap3A_696 = vector.shape_cast %or3A_689 : vector<16xi32> to vector<1x1x16xi32>
      tpu.vector_store %arg11[%swap3A_691, %swap3A_692, %swap3A_693], %swap3A_696 {strides = array<i32>} : memref<1x64x128xi32, #tpu.memory_space<vmem>>, vector<1x1x16xi32>,
      %get3A_697 = arith.constant 0 : i32
      %get3A_698 = arith.index_cast %get3A_697 : i32 to index
      %get3A_699 = arith.index_cast %scan3A_600 : i32 to index
      %get3A_700 = arith.constant 48 : index
      %get3A_701 = tpu.vector_load %arg9[%get3A_698, %get3A_699, %get3A_700] {strides = array<i32>} : memref<2x64x128xf32, #tpu.memory_space<vmem>>, vector<1x1x16xf32>,
      %get3A_702 = vector.shape_cast %get3A_701 : vector<1x1x16xf32> to vector<16xf32>
      %bitcast_convert_type3A_703 = tpu.bitcast %get3A_702 : vector<16xf32> -> vector<16xi32>
      %add3A_704 = arith.constant 32768 : i32
      %add3A_705 = vector.broadcast %add3A_704 : i32 to vector<16xi32>
      %add3A_706 = arith.addi %bitcast_convert_type3A_703, %add3A_705 : vector<16xi32>
      %shift_right_logical3A_707 = arith.constant 16 : i32
      %shift_right_logical3A_708 = vector.broadcast %shift_right_logical3A_707 : i32 to vector<16xi32>
      %shift_right_logical3A_709 = arith.shrui %add3A_706, %shift_right_logical3A_708 : vector<16xi32>
      %get3A_710 = arith.constant 0 : i32
      %get3A_711 = arith.index_cast %get3A_710 : i32 to index
      %get3A_712 = arith.index_cast %scan3A_600 : i32 to index
      %get3A_713 = arith.constant 48 : index
      %get3A_714 = tpu.vector_load %arg10[%get3A_711, %get3A_712, %get3A_713] {strides = array<i32>} : memref<2x64x128xf32, #tpu.memory_space<vmem>>, vector<1x1x16xf32>,
      %get3A_715 = vector.shape_cast %get3A_714 : vector<1x1x16xf32> to vector<16xf32>
      %bitcast_convert_type3A_716 = tpu.bitcast %get3A_715 : vector<16xf32> -> vector<16xi32>
      %add3A_717 = arith.constant 32768 : i32
      %add3A_718 = vector.broadcast %add3A_717 : i32 to vector<16xi32>
      %add3A_719 = arith.addi %bitcast_convert_type3A_716, %add3A_718 : vector<16xi32>
      %and3A_720 = arith.constant -65536 : i32
      %and3A_721 = vector.broadcast %and3A_720 : i32 to vector<16xi32>
      %and3A_722 = arith.andi %add3A_719, %and3A_721 : vector<16xi32>
      %or3A_723 = arith.ori %shift_right_logical3A_709, %and3A_722 : vector<16xi32>
      %swap3A_724 = arith.constant 0 : i32
      %swap3A_725 = arith.index_cast %swap3A_724 : i32 to index
      %swap3A_726 = arith.index_cast %scan3A_600 : i32 to index
      %swap3A_727 = arith.constant 48 : index
      %swap3A_728 = tpu.vector_load %arg11[%swap3A_725, %swap3A_726, %swap3A_727] {strides = array<i32>} : memref<1x64x128xi32, #tpu.memory_space<vmem>>, vector<1x1x16xi32>,
      %swap3A_729 = vector.shape_cast %swap3A_728 : vector<1x1x16xi32> to vector<16xi32>
      %swap3A_730 = vector.shape_cast %or3A_723 : vector<16xi32> to vector<1x1x16xi32>
      tpu.vector_store %arg11[%swap3A_725, %swap3A_726, %swap3A_727], %swap3A_730 {strides = array<i32>} : memref<1x64x128xi32, #tpu.memory_space<vmem>>, vector<1x1x16xi32>,
      %get3A_731 = arith.constant 0 : i32
      %get3A_732 = arith.index_cast %get3A_731 : i32 to index
      %get3A_733 = arith.index_cast %scan3A_600 : i32 to index
      %get3A_734 = arith.constant 64 : index
      %get3A_735 = tpu.vector_load %arg9[%get3A_732, %get3A_733, %get3A_734] {strides = array<i32>} : memref<2x64x128xf32, #tpu.memory_space<vmem>>, vector<1x1x16xf32>,
      %get3A_736 = vector.shape_cast %get3A_735 : vector<1x1x16xf32> to vector<16xf32>
      %bitcast_convert_type3A_737 = tpu.bitcast %get3A_736 : vector<16xf32> -> vector<16xi32>
      %add3A_738 = arith.constant 32768 : i32
      %add3A_739 = vector.broadcast %add3A_738 : i32 to vector<16xi32>
      %add3A_740 = arith.addi %bitcast_convert_type3A_737, %add3A_739 : vector<16xi32>
      %shift_right_logical3A_741 = arith.constant 16 : i32
      %shift_right_logical3A_742 = vector.broadcast %shift_right_logical3A_741 : i32 to vector<16xi32>
      %shift_right_logical3A_743 = arith.shrui %add3A_740, %shift_right_logical3A_742 : vector<16xi32>
      %get3A_744 = arith.constant 0 : i32
      %get3A_745 = arith.index_cast %get3A_744 : i32 to index
      %get3A_746 = arith.index_cast %scan3A_600 : i32 to index
      %get3A_747 = arith.constant 64 : index
      %get3A_748 = tpu.vector_load %arg10[%get3A_745, %get3A_746, %get3A_747] {strides = array<i32>} : memref<2x64x128xf32, #tpu.memory_space<vmem>>, vector<1x1x16xf32>,
      %get3A_749 = vector.shape_cast %get3A_748 : vector<1x1x16xf32> to vector<16xf32>
      %bitcast_convert_type3A_750 = tpu.bitcast %get3A_749 : vector<16xf32> -> vector<16xi32>
      %add3A_751 = arith.constant 32768 : i32
      %add3A_752 = vector.broadcast %add3A_751 : i32 to vector<16xi32>
      %add3A_753 = arith.addi %bitcast_convert_type3A_750, %add3A_752 : vector<16xi32>
      %and3A_754 = arith.constant -65536 : i32
      %and3A_755 = vector.broadcast %and3A_754 : i32 to vector<16xi32>
      %and3A_756 = arith.andi %add3A_753, %and3A_755 : vector<16xi32>
      %or3A_757 = arith.ori %shift_right_logical3A_743, %and3A_756 : vector<16xi32>
      %swap3A_758 = arith.constant 0 : i32
      %swap3A_759 = arith.index_cast %swap3A_758 : i32 to index
      %swap3A_760 = arith.index_cast %scan3A_600 : i32 to index
      %swap3A_761 = arith.constant 64 : index
      %swap3A_762 = tpu.vector_load %arg11[%swap3A_759, %swap3A_760, %swap3A_761] {strides = array<i32>} : memref<1x64x128xi32, #tpu.memory_space<vmem>>, vector<1x1x16xi32>,
      %swap3A_763 = vector.shape_cast %swap3A_762 : vector<1x1x16xi32> to vector<16xi32>
      %swap3A_764 = vector.shape_cast %or3A_757 : vector<16xi32> to vector<1x1x16xi32>
      tpu.vector_store %arg11[%swap3A_759, %swap3A_760, %swap3A_761], %swap3A_764 {strides = array<i32>} : memref<1x64x128xi32, #tpu.memory_space<vmem>>, vector<1x1x16xi32>,
      %get3A_765 = arith.constant 0 : i32
      %get3A_766 = arith.index_cast %get3A_765 : i32 to index
      %get3A_767 = arith.index_cast %scan3A_600 : i32 to index
      %get3A_768 = arith.constant 80 : index
      %get3A_769 = tpu.vector_load %arg9[%get3A_766, %get3A_767, %get3A_768] {strides = array<i32>} : memref<2x64x128xf32, #tpu.memory_space<vmem>>, vector<1x1x16xf32>,
      %get3A_770 = vector.shape_cast %get3A_769 : vector<1x1x16xf32> to vector<16xf32>
      %bitcast_convert_type3A_771 = tpu.bitcast %get3A_770 : vector<16xf32> -> vector<16xi32>
      %add3A_772 = arith.constant 32768 : i32
      %add3A_773 = vector.broadcast %add3A_772 : i32 to vector<16xi32>
      %add3A_774 = arith.addi %bitcast_convert_type3A_771, %add3A_773 : vector<16xi32>
      %shift_right_logical3A_775 = arith.constant 16 : i32
      %shift_right_logical3A_776 = vector.broadcast %shift_right_logical3A_775 : i32 to vector<16xi32>
      %shift_right_logical3A_777 = arith.shrui %add3A_774, %shift_right_logical3A_776 : vector<16xi32>
      %get3A_778 = arith.constant 0 : i32
      %get3A_779 = arith.index_cast %get3A_778 : i32 to index
      %get3A_780 = arith.index_cast %scan3A_600 : i32 to index
      %get3A_781 = arith.constant 80 : index
      %get3A_782 = tpu.vector_load %arg10[%get3A_779, %get3A_780, %get3A_781] {strides = array<i32>} : memref<2x64x128xf32, #tpu.memory_space<vmem>>, vector<1x1x16xf32>,
      %get3A_783 = vector.shape_cast %get3A_782 : vector<1x1x16xf32> to vector<16xf32>
      %bitcast_convert_type3A_784 = tpu.bitcast %get3A_783 : vector<16xf32> -> vector<16xi32>
      %add3A_785 = arith.constant 32768 : i32
      %add3A_786 = vector.broadcast %add3A_785 : i32 to vector<16xi32>
      %add3A_787 = arith.addi %bitcast_convert_type3A_784, %add3A_786 : vector<16xi32>
      %and3A_788 = arith.constant -65536 : i32
      %and3A_789 = vector.broadcast %and3A_788 : i32 to vector<16xi32>
      %and3A_790 = arith.andi %add3A_787, %and3A_789 : vector<16xi32>
      %or3A_791 = arith.ori %shift_right_logical3A_777, %and3A_790 : vector<16xi32>
      %swap3A_792 = arith.constant 0 : i32
      %swap3A_793 = arith.index_cast %swap3A_792 : i32 to index
      %swap3A_794 = arith.index_cast %scan3A_600 : i32 to index
      %swap3A_795 = arith.constant 80 : index
      %swap3A_796 = tpu.vector_load %arg11[%swap3A_793, %swap3A_794, %swap3A_795] {strides = array<i32>} : memref<1x64x128xi32, #tpu.memory_space<vmem>>, vector<1x1x16xi32>,
      %swap3A_797 = vector.shape_cast %swap3A_796 : vector<1x1x16xi32> to vector<16xi32>
      %swap3A_798 = vector.shape_cast %or3A_791 : vector<16xi32> to vector<1x1x16xi32>
      tpu.vector_store %arg11[%swap3A_793, %swap3A_794, %swap3A_795], %swap3A_798 {strides = array<i32>} : memref<1x64x128xi32, #tpu.memory_space<vmem>>, vector<1x1x16xi32>,
      %get3A_799 = arith.constant 0 : i32
      %get3A_800 = arith.index_cast %get3A_799 : i32 to index
      %get3A_801 = arith.index_cast %scan3A_600 : i32 to index
      %get3A_802 = arith.constant 96 : index
      %get3A_803 = tpu.vector_load %arg9[%get3A_800, %get3A_801, %get3A_802] {strides = array<i32>} : memref<2x64x128xf32, #tpu.memory_space<vmem>>, vector<1x1x16xf32>,
      %get3A_804 = vector.shape_cast %get3A_803 : vector<1x1x16xf32> to vector<16xf32>
      %bitcast_convert_type3A_805 = tpu.bitcast %get3A_804 : vector<16xf32> -> vector<16xi32>
      %add3A_806 = arith.constant 32768 : i32
      %add3A_807 = vector.broadcast %add3A_806 : i32 to vector<16xi32>
      %add3A_808 = arith.addi %bitcast_convert_type3A_805, %add3A_807 : vector<16xi32>
      %shift_right_logical3A_809 = arith.constant 16 : i32
      %shift_right_logical3A_810 = vector.broadcast %shift_right_logical3A_809 : i32 to vector<16xi32>
      %shift_right_logical3A_811 = arith.shrui %add3A_808, %shift_right_logical3A_810 : vector<16xi32>
      %get3A_812 = arith.constant 0 : i32
      %get3A_813 = arith.index_cast %get3A_812 : i32 to index
      %get3A_814 = arith.index_cast %scan3A_600 : i32 to index
      %get3A_815 = arith.constant 96 : index
      %get3A_816 = tpu.vector_load %arg10[%get3A_813, %get3A_814, %get3A_815] {strides = array<i32>} : memref<2x64x128xf32, #tpu.memory_space<vmem>>, vector<1x1x16xf32>,
      %get3A_817 = vector.shape_cast %get3A_816 : vector<1x1x16xf32> to vector<16xf32>
      %bitcast_convert_type3A_818 = tpu.bitcast %get3A_817 : vector<16xf32> -> vector<16xi32>
      %add3A_819 = arith.constant 32768 : i32
      %add3A_820 = vector.broadcast %add3A_819 : i32 to vector<16xi32>
      %add3A_821 = arith.addi %bitcast_convert_type3A_818, %add3A_820 : vector<16xi32>
      %and3A_822 = arith.constant -65536 : i32
      %and3A_823 = vector.broadcast %and3A_822 : i32 to vector<16xi32>
      %and3A_824 = arith.andi %add3A_821, %and3A_823 : vector<16xi32>
      %or3A_825 = arith.ori %shift_right_logical3A_811, %and3A_824 : vector<16xi32>
      %swap3A_826 = arith.constant 0 : i32
      %swap3A_827 = arith.index_cast %swap3A_826 : i32 to index
      %swap3A_828 = arith.index_cast %scan3A_600 : i32 to index
      %swap3A_829 = arith.constant 96 : index
      %swap3A_830 = tpu.vector_load %arg11[%swap3A_827, %swap3A_828, %swap3A_829] {strides = array<i32>} : memref<1x64x128xi32, #tpu.memory_space<vmem>>, vector<1x1x16xi32>,
      %swap3A_831 = vector.shape_cast %swap3A_830 : vector<1x1x16xi32> to vector<16xi32>
      %swap3A_832 = vector.shape_cast %or3A_825 : vector<16xi32> to vector<1x1x16xi32>
      tpu.vector_store %arg11[%swap3A_827, %swap3A_828, %swap3A_829], %swap3A_832 {strides = array<i32>} : memref<1x64x128xi32, #tpu.memory_space<vmem>>, vector<1x1x16xi32>,
      %get3A_833 = arith.constant 0 : i32
      %get3A_834 = arith.index_cast %get3A_833 : i32 to index
      %get3A_835 = arith.index_cast %scan3A_600 : i32 to index
      %get3A_836 = arith.constant 112 : index
      %get3A_837 = tpu.vector_load %arg9[%get3A_834, %get3A_835, %get3A_836] {strides = array<i32>} : memref<2x64x128xf32, #tpu.memory_space<vmem>>, vector<1x1x16xf32>,
      %get3A_838 = vector.shape_cast %get3A_837 : vector<1x1x16xf32> to vector<16xf32>
      %bitcast_convert_type3A_839 = tpu.bitcast %get3A_838 : vector<16xf32> -> vector<16xi32>
      %add3A_840 = arith.constant 32768 : i32
      %add3A_841 = vector.broadcast %add3A_840 : i32 to vector<16xi32>
      %add3A_842 = arith.addi %bitcast_convert_type3A_839, %add3A_841 : vector<16xi32>
      %shift_right_logical3A_843 = arith.constant 16 : i32
      %shift_right_logical3A_844 = vector.broadcast %shift_right_logical3A_843 : i32 to vector<16xi32>
      %shift_right_logical3A_845 = arith.shrui %add3A_842, %shift_right_logical3A_844 : vector<16xi32>
      %get3A_846 = arith.constant 0 : i32
      %get3A_847 = arith.index_cast %get3A_846 : i32 to index
      %get3A_848 = arith.index_cast %scan3A_600 : i32 to index
      %get3A_849 = arith.constant 112 : index
      %get3A_850 = tpu.vector_load %arg10[%get3A_847, %get3A_848, %get3A_849] {strides = array<i32>} : memref<2x64x128xf32, #tpu.memory_space<vmem>>, vector<1x1x16xf32>,
      %get3A_851 = vector.shape_cast %get3A_850 : vector<1x1x16xf32> to vector<16xf32>
      %bitcast_convert_type3A_852 = tpu.bitcast %get3A_851 : vector<16xf32> -> vector<16xi32>
      %add3A_853 = arith.constant 32768 : i32
      %add3A_854 = vector.broadcast %add3A_853 : i32 to vector<16xi32>
      %add3A_855 = arith.addi %bitcast_convert_type3A_852, %add3A_854 : vector<16xi32>
      %and3A_856 = arith.constant -65536 : i32
      %and3A_857 = vector.broadcast %and3A_856 : i32 to vector<16xi32>
      %and3A_858 = arith.andi %add3A_855, %and3A_857 : vector<16xi32>
      %or3A_859 = arith.ori %shift_right_logical3A_845, %and3A_858 : vector<16xi32>
      %swap3A_860 = arith.constant 0 : i32
      %swap3A_861 = arith.index_cast %swap3A_860 : i32 to index
      %swap3A_862 = arith.index_cast %scan3A_600 : i32 to index
      %swap3A_863 = arith.constant 112 : index
      %swap3A_864 = tpu.vector_load %arg11[%swap3A_861, %swap3A_862, %swap3A_863] {strides = array<i32>} : memref<1x64x128xi32, #tpu.memory_space<vmem>>, vector<1x1x16xi32>,
      %swap3A_865 = vector.shape_cast %swap3A_864 : vector<1x1x16xi32> to vector<16xi32>
      %swap3A_866 = vector.shape_cast %or3A_859 : vector<16xi32> to vector<1x1x16xi32>
      tpu.vector_store %arg11[%swap3A_861, %swap3A_862, %swap3A_863], %swap3A_866 {strides = array<i32>} : memref<1x64x128xi32, #tpu.memory_space<vmem>>, vector<1x1x16xi32>,
    }
    %scan3A_73 = arith.constant 64 : i32
    %add3A_74 = arith.constant 0 : i32
    %add3A_75 = arith.addi %mul3A_2, %add3A_74 : i32
    %dma_start3A_76 = arith.constant 0 : i32
    %dma_start3A_77 = arith.constant 0 : i32
    %dma_start3A_78 = arith.constant 0 : i32
    %dma_start3A_79 = tpu.memref_slice %arg11[%dma_start3A_76, %dma_start3A_77, %dma_start3A_78] : memref<1x64x128xi32, #tpu.memory_space<vmem>> -> memref<1x64x128xi32, #tpu.memory_space<vmem>>
    %dma_start3A_80 = tpu.memref_squeeze %dma_start3A_79 : memref<1x64x128xi32, #tpu.memory_space<vmem>> -> memref<64x128xi32, #tpu.memory_space<vmem>>
    %dma_start3A_81 = arith.constant 0 : i32
    %dma_start3A_82 = tpu.memref_slice %arg6[%add3A_75, %dma_start3A_81] : memref<16384x128xi32, #tpu.memory_space<hbm>> -> memref<64x128xi32, #tpu.memory_space<hbm>>
    %dma_start3A_83 = arith.constant 0 : i32
    %dma_start3A_84 = tpu.memref_slice %arg6[%add3A_75, %dma_start3A_83] : memref<16384x128xi32, #tpu.memory_space<hbm>> -> memref<64x128xi32, #tpu.memory_space<hbm>>
    %dma_start3A_85 = arith.constant 0 : i32
    %dma_start3A_86 = arith.constant 0 : i32
    %dma_start3A_87 = tpu.memref_slice %arg11[%dma_start3A_76, %dma_start3A_85, %dma_start3A_86] : memref<1x64x128xi32, #tpu.memory_space<vmem>> -> memref<1x64x128xi32, #tpu.memory_space<vmem>>
    %dma_start3A_88 = tpu.memref_squeeze %dma_start3A_87 : memref<1x64x128xi32, #tpu.memory_space<vmem>> -> memref<64x128xi32, #tpu.memory_space<vmem>>
    tpu.enqueue_dma source(%dma_start3A_88 : memref<64x128xi32, #tpu.memory_space<vmem>>) target(%dma_start3A_84 : memref<64x128xi32, #tpu.memory_space<hbm>>) target_semaphore(%arg16 : memref<!tpu.dma_semaphore, #tpu.memory_space<semaphore_mem>>)
    %dma_wait3A_89 = arith.constant 1 : i32
    %dma_wait3A_90 = arith.constant 0 : i32
    %dma_wait3A_91 = arith.constant 0 : i32
    %dma_wait3A_92 = tpu.memref_slice %arg9[%dma_wait3A_89, %dma_wait3A_90, %dma_wait3A_91] : memref<2x64x128xf32, #tpu.memory_space<vmem>> -> memref<1x64x128xf32, #tpu.memory_space<vmem>>
    %dma_wait3A_93 = tpu.memref_squeeze %dma_wait3A_92 : memref<1x64x128xf32, #tpu.memory_space<vmem>> -> memref<64x128xf32, #tpu.memory_space<vmem>>
    %dma_wait3A_94 = arith.constant 64 : i32
    %dma_wait3A_95 = tpu.memref_slice %arg7[%dma_wait3A_94] : memref<512xi32, #tpu.memory_space<vmem>> -> memref<64xi32, #tpu.memory_space<vmem>>
    %dma_wait3A_96 = arith.constant 0 : i32
    %dma_wait3A_97 = arith.constant 0 : i32
    %dma_wait3A_98 = tpu.memref_slice %arg4[%dma_wait3A_96, %dma_wait3A_97] : memref<100001x128xf32, #tpu.memory_space<hbm>> -> memref<100001x128xf32, #tpu.memory_space<hbm>>
    tpu.wait_indirect_dma semaphore(%arg13 : memref<!tpu.dma_semaphore, #tpu.memory_space<semaphore_mem>>) src(%dma_wait3A_98 : memref<100001x128xf32, #tpu.memory_space<hbm>>) dst(%dma_wait3A_93 : memref<64x128xf32, #tpu.memory_space<vmem>>)
    %dma_wait3A_99 = arith.constant 1 : i32
    %dma_wait3A_100 = arith.constant 0 : i32
    %dma_wait3A_101 = arith.constant 0 : i32
    %dma_wait3A_102 = tpu.memref_slice %arg10[%dma_wait3A_99, %dma_wait3A_100, %dma_wait3A_101] : memref<2x64x128xf32, #tpu.memory_space<vmem>> -> memref<1x64x128xf32, #tpu.memory_space<vmem>>
    %dma_wait3A_103 = tpu.memref_squeeze %dma_wait3A_102 : memref<1x64x128xf32, #tpu.memory_space<vmem>> -> memref<64x128xf32, #tpu.memory_space<vmem>>
    %dma_wait3A_104 = arith.constant 64 : i32
    %dma_wait3A_105 = tpu.memref_slice %arg8[%dma_wait3A_104] : memref<512xi32, #tpu.memory_space<vmem>> -> memref<64xi32, #tpu.memory_space<vmem>>
    %dma_wait3A_106 = arith.constant 0 : i32
    %dma_wait3A_107 = arith.constant 0 : i32
    %dma_wait3A_108 = tpu.memref_slice %arg5[%dma_wait3A_106, %dma_wait3A_107] : memref<100001x128xf32, #tpu.memory_space<hbm>> -> memref<100001x128xf32, #tpu.memory_space<hbm>>
    tpu.wait_indirect_dma semaphore(%arg15 : memref<!tpu.dma_semaphore, #tpu.memory_space<semaphore_mem>>) src(%dma_wait3A_108 : memref<100001x128xf32, #tpu.memory_space<hbm>>) dst(%dma_wait3A_103 : memref<64x128xf32, #tpu.memory_space<vmem>>)
    %dma_start3A_109 = arith.constant 0 : i32
    %dma_start3A_110 = arith.constant 0 : i32
    %dma_start3A_111 = arith.constant 0 : i32
    %dma_start3A_112 = tpu.memref_slice %arg9[%dma_start3A_109, %dma_start3A_110, %dma_start3A_111] : memref<2x64x128xf32, #tpu.memory_space<vmem>> -> memref<1x64x128xf32, #tpu.memory_space<vmem>>
    %dma_start3A_113 = tpu.memref_squeeze %dma_start3A_112 : memref<1x64x128xf32, #tpu.memory_space<vmem>> -> memref<64x128xf32, #tpu.memory_space<vmem>>
    %dma_start3A_114 = arith.constant 128 : i32
    %dma_start3A_115 = tpu.memref_slice %arg7[%dma_start3A_114] : memref<512xi32, #tpu.memory_space<vmem>> -> memref<64xi32, #tpu.memory_space<vmem>>
    %dma_start3A_116 = arith.constant 0 : i32
    %dma_start3A_117 = arith.constant 0 : i32
    %dma_start3A_118 = tpu.memref_slice %arg4[%dma_start3A_116, %dma_start3A_117] : memref<100001x128xf32, #tpu.memory_space<hbm>> -> memref<100001x128xf32, #tpu.memory_space<hbm>>
    tpu.enqueue_indirect_dma source(%dma_start3A_118 : memref<100001x128xf32, #tpu.memory_space<hbm>>) target(%dma_start3A_113 : memref<64x128xf32, #tpu.memory_space<vmem>>) offsets(%dma_start3A_115 : memref<64xi32, #tpu.memory_space<vmem>>) semaphore(%arg12 : memref<!tpu.dma_semaphore, #tpu.memory_space<semaphore_mem>>)
    %dma_start3A_119 = arith.constant 0 : i32
    %dma_start3A_120 = arith.constant 0 : i32
    %dma_start3A_121 = arith.constant 0 : i32
    %dma_start3A_122 = tpu.memref_slice %arg10[%dma_start3A_119, %dma_start3A_120, %dma_start3A_121] : memref<2x64x128xf32, #tpu.memory_space<vmem>> -> memref<1x64x128xf32, #tpu.memory_space<vmem>>
    %dma_start3A_123 = tpu.memref_squeeze %dma_start3A_122 : memref<1x64x128xf32, #tpu.memory_space<vmem>> -> memref<64x128xf32, #tpu.memory_space<vmem>>
    %dma_start3A_124 = arith.constant 128 : i32
    %dma_start3A_125 = tpu.memref_slice %arg8[%dma_start3A_124] : memref<512xi32, #tpu.memory_space<vmem>> -> memref<64xi32, #tpu.memory_space<vmem>>
    %dma_start3A_126 = arith.constant 0 : i32
    %dma_start3A_127 = arith.constant 0 : i32
    %dma_start3A_128 = tpu.memref_slice %arg5[%dma_start3A_126, %dma_start3A_127] : memref<100001x128xf32, #tpu.memory_space<hbm>> -> memref<100001x128xf32, #tpu.memory_space<hbm>>
    tpu.enqueue_indirect_dma source(%dma_start3A_128 : memref<100001x128xf32, #tpu.memory_space<hbm>>) target(%dma_start3A_123 : memref<64x128xf32, #tpu.memory_space<vmem>>) offsets(%dma_start3A_125 : memref<64xi32, #tpu.memory_space<vmem>>) semaphore(%arg14 : memref<!tpu.dma_semaphore, #tpu.memory_space<semaphore_mem>>)
    %dma_wait3A_129 = arith.constant 0 : i32
    %dma_wait3A_130 = arith.constant 0 : i32
    %dma_wait3A_131 = arith.constant 0 : i32
    %dma_wait3A_132 = tpu.memref_slice %arg11[%dma_wait3A_129, %dma_wait3A_130, %dma_wait3A_131] : memref<1x64x128xi32, #tpu.memory_space<vmem>> -> memref<1x64x128xi32, #tpu.memory_space<vmem>>
    %dma_wait3A_133 = tpu.memref_squeeze %dma_wait3A_132 : memref<1x64x128xi32, #tpu.memory_space<vmem>> -> memref<64x128xi32, #tpu.memory_space<vmem>>
    %dma_wait3A_134 = arith.constant 0 : i32
    %dma_wait3A_135 = tpu.memref_slice %arg6[%add3A_75, %dma_wait3A_134] : memref<16384x128xi32, #tpu.memory_space<hbm>> -> memref<64x128xi32, #tpu.memory_space<hbm>>
    %dma_wait3A_136 = arith.constant 0 : i32
    %dma_wait3A_137 = tpu.memref_slice %arg6[%add3A_75, %dma_wait3A_136] : memref<16384x128xi32, #tpu.memory_space<hbm>> -> memref<64x128xi32, #tpu.memory_space<hbm>>
    %dma_wait3A_138 = arith.constant 0 : i32
    %dma_wait3A_139 = arith.constant 0 : i32
    %dma_wait3A_140 = tpu.memref_slice %arg11[%dma_wait3A_129, %dma_wait3A_138, %dma_wait3A_139] : memref<1x64x128xi32, #tpu.memory_space<vmem>> -> memref<1x64x128xi32, #tpu.memory_space<vmem>>
    %dma_wait3A_141 = tpu.memref_squeeze %dma_wait3A_140 : memref<1x64x128xi32, #tpu.memory_space<vmem>> -> memref<64x128xi32, #tpu.memory_space<vmem>>
    tpu.wait_dma2 semaphore(%arg16 : memref<!tpu.dma_semaphore, #tpu.memory_space<semaphore_mem>>) src(%dma_wait3A_141 : memref<64x128xi32, #tpu.memory_space<vmem>>) dst(%dma_wait3A_137 : memref<64x128xi32, #tpu.memory_space<hbm>>)
    %scan3A_142 = arith.constant 0 : i32
    %scan3A_143 = arith.constant 0 : i32
    %scan3A_144 = arith.constant 64 : i32
    %scan3A_145 = arith.addi %scan3A_143, %scan3A_144 : i32
    %scan3A_146 = arith.constant 1 : i32
    scf.for %scan3A_600 = %scan3A_143 to %scan3A_145 step %scan3A_146  : i32 {
      %get3A = arith.constant 1 : i32
      %get3A_601 = arith.index_cast %get3A : i32 to index
      %get3A_602 = arith.index_cast %scan3A_600 : i32 to index
      %get3A_603 = arith.constant 0 : index
      %get3A_604 = tpu.vector_load %arg9[%get3A_601, %get3A_602, %get3A_603] {strides = array<i32>} : memref<2x64x128xf32, #tpu.memory_space<vmem>>, vector<1x1x16xf32>,
      %get3A_605 = vector.shape_cast %get3A_604 : vector<1x1x16xf32> to vector<16xf32>
      %bitcast_convert_type3A = tpu.bitcast %get3A_605 : vector<16xf32> -> vector<16xi32>
      %add3A_606 = arith.constant 32768 : i32
      %add3A_607 = vector.broadcast %add3A_606 : i32 to vector<16xi32>
      %add3A_608 = arith.addi %bitcast_convert_type3A, %add3A_607 : vector<16xi32>
      %shift_right_logical3A = arith.constant 16 : i32
      %shift_right_logical3A_609 = vector.broadcast %shift_right_logical3A : i32 to vector<16xi32>
      %shift_right_logical3A_610 = arith.shrui %add3A_608, %shift_right_logical3A_609 : vector<16xi32>
      %get3A_611 = arith.constant 1 : i32
      %get3A_612 = arith.index_cast %get3A_611 : i32 to index
      %get3A_613 = arith.index_cast %scan3A_600 : i32 to index
      %get3A_614 = arith.constant 0 : index
      %get3A_615 = tpu.vector_load %arg10[%get3A_612, %get3A_613, %get3A_614] {strides = array<i32>} : memref<2x64x128xf32, #tpu.memory_space<vmem>>, vector<1x1x16xf32>,
      %get3A_616 = vector.shape_cast %get3A_615 : vector<1x1x16xf32> to vector<16xf32>
      %bitcast_convert_type3A_617 = tpu.bitcast %get3A_616 : vector<16xf32> -> vector<16xi32>
      %add3A_618 = arith.constant 32768 : i32
      %add3A_619 = vector.broadcast %add3A_618 : i32 to vector<16xi32>
      %add3A_620 = arith.addi %bitcast_convert_type3A_617, %add3A_619 : vector<16xi32>
      %and3A = arith.constant -65536 : i32
      %and3A_621 = vector.broadcast %and3A : i32 to vector<16xi32>
      %and3A_622 = arith.andi %add3A_620, %and3A_621 : vector<16xi32>
      %or3A = arith.ori %shift_right_logical3A_610, %and3A_622 : vector<16xi32>
      %swap3A = arith.constant 0 : i32
      %swap3A_623 = arith.index_cast %swap3A : i32 to index
      %swap3A_624 = arith.index_cast %scan3A_600 : i32 to index
      %swap3A_625 = arith.constant 0 : index
      %swap3A_626 = tpu.vector_load %arg11[%swap3A_623, %swap3A_624, %swap3A_625] {strides = array<i32>} : memref<1x64x128xi32, #tpu.memory_space<vmem>>, vector<1x1x16xi32>,
      %swap3A_627 = vector.shape_cast %swap3A_626 : vector<1x1x16xi32> to vector<16xi32>
      %swap3A_628 = vector.shape_cast %or3A : vector<16xi32> to vector<1x1x16xi32>
      tpu.vector_store %arg11[%swap3A_623, %swap3A_624, %swap3A_625], %swap3A_628 {strides = array<i32>} : memref<1x64x128xi32, #tpu.memory_space<vmem>>, vector<1x1x16xi32>,
      %get3A_629 = arith.constant 1 : i32
      %get3A_630 = arith.index_cast %get3A_629 : i32 to index
      %get3A_631 = arith.index_cast %scan3A_600 : i32 to index
      %get3A_632 = arith.constant 16 : index
      %get3A_633 = tpu.vector_load %arg9[%get3A_630, %get3A_631, %get3A_632] {strides = array<i32>} : memref<2x64x128xf32, #tpu.memory_space<vmem>>, vector<1x1x16xf32>,
      %get3A_634 = vector.shape_cast %get3A_633 : vector<1x1x16xf32> to vector<16xf32>
      %bitcast_convert_type3A_635 = tpu.bitcast %get3A_634 : vector<16xf32> -> vector<16xi32>
      %add3A_636 = arith.constant 32768 : i32
      %add3A_637 = vector.broadcast %add3A_636 : i32 to vector<16xi32>
      %add3A_638 = arith.addi %bitcast_convert_type3A_635, %add3A_637 : vector<16xi32>
      %shift_right_logical3A_639 = arith.constant 16 : i32
      %shift_right_logical3A_640 = vector.broadcast %shift_right_logical3A_639 : i32 to vector<16xi32>
      %shift_right_logical3A_641 = arith.shrui %add3A_638, %shift_right_logical3A_640 : vector<16xi32>
      %get3A_642 = arith.constant 1 : i32
      %get3A_643 = arith.index_cast %get3A_642 : i32 to index
      %get3A_644 = arith.index_cast %scan3A_600 : i32 to index
      %get3A_645 = arith.constant 16 : index
      %get3A_646 = tpu.vector_load %arg10[%get3A_643, %get3A_644, %get3A_645] {strides = array<i32>} : memref<2x64x128xf32, #tpu.memory_space<vmem>>, vector<1x1x16xf32>,
      %get3A_647 = vector.shape_cast %get3A_646 : vector<1x1x16xf32> to vector<16xf32>
      %bitcast_convert_type3A_648 = tpu.bitcast %get3A_647 : vector<16xf32> -> vector<16xi32>
      %add3A_649 = arith.constant 32768 : i32
      %add3A_650 = vector.broadcast %add3A_649 : i32 to vector<16xi32>
      %add3A_651 = arith.addi %bitcast_convert_type3A_648, %add3A_650 : vector<16xi32>
      %and3A_652 = arith.constant -65536 : i32
      %and3A_653 = vector.broadcast %and3A_652 : i32 to vector<16xi32>
      %and3A_654 = arith.andi %add3A_651, %and3A_653 : vector<16xi32>
      %or3A_655 = arith.ori %shift_right_logical3A_641, %and3A_654 : vector<16xi32>
      %swap3A_656 = arith.constant 0 : i32
      %swap3A_657 = arith.index_cast %swap3A_656 : i32 to index
      %swap3A_658 = arith.index_cast %scan3A_600 : i32 to index
      %swap3A_659 = arith.constant 16 : index
      %swap3A_660 = tpu.vector_load %arg11[%swap3A_657, %swap3A_658, %swap3A_659] {strides = array<i32>} : memref<1x64x128xi32, #tpu.memory_space<vmem>>, vector<1x1x16xi32>,
      %swap3A_661 = vector.shape_cast %swap3A_660 : vector<1x1x16xi32> to vector<16xi32>
      %swap3A_662 = vector.shape_cast %or3A_655 : vector<16xi32> to vector<1x1x16xi32>
      tpu.vector_store %arg11[%swap3A_657, %swap3A_658, %swap3A_659], %swap3A_662 {strides = array<i32>} : memref<1x64x128xi32, #tpu.memory_space<vmem>>, vector<1x1x16xi32>,
      %get3A_663 = arith.constant 1 : i32
      %get3A_664 = arith.index_cast %get3A_663 : i32 to index
      %get3A_665 = arith.index_cast %scan3A_600 : i32 to index
      %get3A_666 = arith.constant 32 : index
      %get3A_667 = tpu.vector_load %arg9[%get3A_664, %get3A_665, %get3A_666] {strides = array<i32>} : memref<2x64x128xf32, #tpu.memory_space<vmem>>, vector<1x1x16xf32>,
      %get3A_668 = vector.shape_cast %get3A_667 : vector<1x1x16xf32> to vector<16xf32>
      %bitcast_convert_type3A_669 = tpu.bitcast %get3A_668 : vector<16xf32> -> vector<16xi32>
      %add3A_670 = arith.constant 32768 : i32
      %add3A_671 = vector.broadcast %add3A_670 : i32 to vector<16xi32>
      %add3A_672 = arith.addi %bitcast_convert_type3A_669, %add3A_671 : vector<16xi32>
      %shift_right_logical3A_673 = arith.constant 16 : i32
      %shift_right_logical3A_674 = vector.broadcast %shift_right_logical3A_673 : i32 to vector<16xi32>
      %shift_right_logical3A_675 = arith.shrui %add3A_672, %shift_right_logical3A_674 : vector<16xi32>
      %get3A_676 = arith.constant 1 : i32
      %get3A_677 = arith.index_cast %get3A_676 : i32 to index
      %get3A_678 = arith.index_cast %scan3A_600 : i32 to index
      %get3A_679 = arith.constant 32 : index
      %get3A_680 = tpu.vector_load %arg10[%get3A_677, %get3A_678, %get3A_679] {strides = array<i32>} : memref<2x64x128xf32, #tpu.memory_space<vmem>>, vector<1x1x16xf32>,
      %get3A_681 = vector.shape_cast %get3A_680 : vector<1x1x16xf32> to vector<16xf32>
      %bitcast_convert_type3A_682 = tpu.bitcast %get3A_681 : vector<16xf32> -> vector<16xi32>
      %add3A_683 = arith.constant 32768 : i32
      %add3A_684 = vector.broadcast %add3A_683 : i32 to vector<16xi32>
      %add3A_685 = arith.addi %bitcast_convert_type3A_682, %add3A_684 : vector<16xi32>
      %and3A_686 = arith.constant -65536 : i32
      %and3A_687 = vector.broadcast %and3A_686 : i32 to vector<16xi32>
      %and3A_688 = arith.andi %add3A_685, %and3A_687 : vector<16xi32>
      %or3A_689 = arith.ori %shift_right_logical3A_675, %and3A_688 : vector<16xi32>
      %swap3A_690 = arith.constant 0 : i32
      %swap3A_691 = arith.index_cast %swap3A_690 : i32 to index
      %swap3A_692 = arith.index_cast %scan3A_600 : i32 to index
      %swap3A_693 = arith.constant 32 : index
      %swap3A_694 = tpu.vector_load %arg11[%swap3A_691, %swap3A_692, %swap3A_693] {strides = array<i32>} : memref<1x64x128xi32, #tpu.memory_space<vmem>>, vector<1x1x16xi32>,
      %swap3A_695 = vector.shape_cast %swap3A_694 : vector<1x1x16xi32> to vector<16xi32>
      %swap3A_696 = vector.shape_cast %or3A_689 : vector<16xi32> to vector<1x1x16xi32>
      tpu.vector_store %arg11[%swap3A_691, %swap3A_692, %swap3A_693], %swap3A_696 {strides = array<i32>} : memref<1x64x128xi32, #tpu.memory_space<vmem>>, vector<1x1x16xi32>,
      %get3A_697 = arith.constant 1 : i32
      %get3A_698 = arith.index_cast %get3A_697 : i32 to index
      %get3A_699 = arith.index_cast %scan3A_600 : i32 to index
      %get3A_700 = arith.constant 48 : index
      %get3A_701 = tpu.vector_load %arg9[%get3A_698, %get3A_699, %get3A_700] {strides = array<i32>} : memref<2x64x128xf32, #tpu.memory_space<vmem>>, vector<1x1x16xf32>,
      %get3A_702 = vector.shape_cast %get3A_701 : vector<1x1x16xf32> to vector<16xf32>
      %bitcast_convert_type3A_703 = tpu.bitcast %get3A_702 : vector<16xf32> -> vector<16xi32>
      %add3A_704 = arith.constant 32768 : i32
      %add3A_705 = vector.broadcast %add3A_704 : i32 to vector<16xi32>
      %add3A_706 = arith.addi %bitcast_convert_type3A_703, %add3A_705 : vector<16xi32>
      %shift_right_logical3A_707 = arith.constant 16 : i32
      %shift_right_logical3A_708 = vector.broadcast %shift_right_logical3A_707 : i32 to vector<16xi32>
      %shift_right_logical3A_709 = arith.shrui %add3A_706, %shift_right_logical3A_708 : vector<16xi32>
      %get3A_710 = arith.constant 1 : i32
      %get3A_711 = arith.index_cast %get3A_710 : i32 to index
      %get3A_712 = arith.index_cast %scan3A_600 : i32 to index
      %get3A_713 = arith.constant 48 : index
      %get3A_714 = tpu.vector_load %arg10[%get3A_711, %get3A_712, %get3A_713] {strides = array<i32>} : memref<2x64x128xf32, #tpu.memory_space<vmem>>, vector<1x1x16xf32>,
      %get3A_715 = vector.shape_cast %get3A_714 : vector<1x1x16xf32> to vector<16xf32>
      %bitcast_convert_type3A_716 = tpu.bitcast %get3A_715 : vector<16xf32> -> vector<16xi32>
      %add3A_717 = arith.constant 32768 : i32
      %add3A_718 = vector.broadcast %add3A_717 : i32 to vector<16xi32>
      %add3A_719 = arith.addi %bitcast_convert_type3A_716, %add3A_718 : vector<16xi32>
      %and3A_720 = arith.constant -65536 : i32
      %and3A_721 = vector.broadcast %and3A_720 : i32 to vector<16xi32>
      %and3A_722 = arith.andi %add3A_719, %and3A_721 : vector<16xi32>
      %or3A_723 = arith.ori %shift_right_logical3A_709, %and3A_722 : vector<16xi32>
      %swap3A_724 = arith.constant 0 : i32
      %swap3A_725 = arith.index_cast %swap3A_724 : i32 to index
      %swap3A_726 = arith.index_cast %scan3A_600 : i32 to index
      %swap3A_727 = arith.constant 48 : index
      %swap3A_728 = tpu.vector_load %arg11[%swap3A_725, %swap3A_726, %swap3A_727] {strides = array<i32>} : memref<1x64x128xi32, #tpu.memory_space<vmem>>, vector<1x1x16xi32>,
      %swap3A_729 = vector.shape_cast %swap3A_728 : vector<1x1x16xi32> to vector<16xi32>
      %swap3A_730 = vector.shape_cast %or3A_723 : vector<16xi32> to vector<1x1x16xi32>
      tpu.vector_store %arg11[%swap3A_725, %swap3A_726, %swap3A_727], %swap3A_730 {strides = array<i32>} : memref<1x64x128xi32, #tpu.memory_space<vmem>>, vector<1x1x16xi32>,
      %get3A_731 = arith.constant 1 : i32
      %get3A_732 = arith.index_cast %get3A_731 : i32 to index
      %get3A_733 = arith.index_cast %scan3A_600 : i32 to index
      %get3A_734 = arith.constant 64 : index
      %get3A_735 = tpu.vector_load %arg9[%get3A_732, %get3A_733, %get3A_734] {strides = array<i32>} : memref<2x64x128xf32, #tpu.memory_space<vmem>>, vector<1x1x16xf32>,
      %get3A_736 = vector.shape_cast %get3A_735 : vector<1x1x16xf32> to vector<16xf32>
      %bitcast_convert_type3A_737 = tpu.bitcast %get3A_736 : vector<16xf32> -> vector<16xi32>
      %add3A_738 = arith.constant 32768 : i32
      %add3A_739 = vector.broadcast %add3A_738 : i32 to vector<16xi32>
      %add3A_740 = arith.addi %bitcast_convert_type3A_737, %add3A_739 : vector<16xi32>
      %shift_right_logical3A_741 = arith.constant 16 : i32
      %shift_right_logical3A_742 = vector.broadcast %shift_right_logical3A_741 : i32 to vector<16xi32>
      %shift_right_logical3A_743 = arith.shrui %add3A_740, %shift_right_logical3A_742 : vector<16xi32>
      %get3A_744 = arith.constant 1 : i32
      %get3A_745 = arith.index_cast %get3A_744 : i32 to index
      %get3A_746 = arith.index_cast %scan3A_600 : i32 to index
      %get3A_747 = arith.constant 64 : index
      %get3A_748 = tpu.vector_load %arg10[%get3A_745, %get3A_746, %get3A_747] {strides = array<i32>} : memref<2x64x128xf32, #tpu.memory_space<vmem>>, vector<1x1x16xf32>,
      %get3A_749 = vector.shape_cast %get3A_748 : vector<1x1x16xf32> to vector<16xf32>
      %bitcast_convert_type3A_750 = tpu.bitcast %get3A_749 : vector<16xf32> -> vector<16xi32>
      %add3A_751 = arith.constant 32768 : i32
      %add3A_752 = vector.broadcast %add3A_751 : i32 to vector<16xi32>
      %add3A_753 = arith.addi %bitcast_convert_type3A_750, %add3A_752 : vector<16xi32>
      %and3A_754 = arith.constant -65536 : i32
      %and3A_755 = vector.broadcast %and3A_754 : i32 to vector<16xi32>
      %and3A_756 = arith.andi %add3A_753, %and3A_755 : vector<16xi32>
      %or3A_757 = arith.ori %shift_right_logical3A_743, %and3A_756 : vector<16xi32>
      %swap3A_758 = arith.constant 0 : i32
      %swap3A_759 = arith.index_cast %swap3A_758 : i32 to index
      %swap3A_760 = arith.index_cast %scan3A_600 : i32 to index
      %swap3A_761 = arith.constant 64 : index
      %swap3A_762 = tpu.vector_load %arg11[%swap3A_759, %swap3A_760, %swap3A_761] {strides = array<i32>} : memref<1x64x128xi32, #tpu.memory_space<vmem>>, vector<1x1x16xi32>,
      %swap3A_763 = vector.shape_cast %swap3A_762 : vector<1x1x16xi32> to vector<16xi32>
      %swap3A_764 = vector.shape_cast %or3A_757 : vector<16xi32> to vector<1x1x16xi32>
      tpu.vector_store %arg11[%swap3A_759, %swap3A_760, %swap3A_761], %swap3A_764 {strides = array<i32>} : memref<1x64x128xi32, #tpu.memory_space<vmem>>, vector<1x1x16xi32>,
      %get3A_765 = arith.constant 1 : i32
      %get3A_766 = arith.index_cast %get3A_765 : i32 to index
      %get3A_767 = arith.index_cast %scan3A_600 : i32 to index
      %get3A_768 = arith.constant 80 : index
      %get3A_769 = tpu.vector_load %arg9[%get3A_766, %get3A_767, %get3A_768] {strides = array<i32>} : memref<2x64x128xf32, #tpu.memory_space<vmem>>, vector<1x1x16xf32>,
      %get3A_770 = vector.shape_cast %get3A_769 : vector<1x1x16xf32> to vector<16xf32>
      %bitcast_convert_type3A_771 = tpu.bitcast %get3A_770 : vector<16xf32> -> vector<16xi32>
      %add3A_772 = arith.constant 32768 : i32
      %add3A_773 = vector.broadcast %add3A_772 : i32 to vector<16xi32>
      %add3A_774 = arith.addi %bitcast_convert_type3A_771, %add3A_773 : vector<16xi32>
      %shift_right_logical3A_775 = arith.constant 16 : i32
      %shift_right_logical3A_776 = vector.broadcast %shift_right_logical3A_775 : i32 to vector<16xi32>
      %shift_right_logical3A_777 = arith.shrui %add3A_774, %shift_right_logical3A_776 : vector<16xi32>
      %get3A_778 = arith.constant 1 : i32
      %get3A_779 = arith.index_cast %get3A_778 : i32 to index
      %get3A_780 = arith.index_cast %scan3A_600 : i32 to index
      %get3A_781 = arith.constant 80 : index
      %get3A_782 = tpu.vector_load %arg10[%get3A_779, %get3A_780, %get3A_781] {strides = array<i32>} : memref<2x64x128xf32, #tpu.memory_space<vmem>>, vector<1x1x16xf32>,
      %get3A_783 = vector.shape_cast %get3A_782 : vector<1x1x16xf32> to vector<16xf32>
      %bitcast_convert_type3A_784 = tpu.bitcast %get3A_783 : vector<16xf32> -> vector<16xi32>
      %add3A_785 = arith.constant 32768 : i32
      %add3A_786 = vector.broadcast %add3A_785 : i32 to vector<16xi32>
      %add3A_787 = arith.addi %bitcast_convert_type3A_784, %add3A_786 : vector<16xi32>
      %and3A_788 = arith.constant -65536 : i32
      %and3A_789 = vector.broadcast %and3A_788 : i32 to vector<16xi32>
      %and3A_790 = arith.andi %add3A_787, %and3A_789 : vector<16xi32>
      %or3A_791 = arith.ori %shift_right_logical3A_777, %and3A_790 : vector<16xi32>
      %swap3A_792 = arith.constant 0 : i32
      %swap3A_793 = arith.index_cast %swap3A_792 : i32 to index
      %swap3A_794 = arith.index_cast %scan3A_600 : i32 to index
      %swap3A_795 = arith.constant 80 : index
      %swap3A_796 = tpu.vector_load %arg11[%swap3A_793, %swap3A_794, %swap3A_795] {strides = array<i32>} : memref<1x64x128xi32, #tpu.memory_space<vmem>>, vector<1x1x16xi32>,
      %swap3A_797 = vector.shape_cast %swap3A_796 : vector<1x1x16xi32> to vector<16xi32>
      %swap3A_798 = vector.shape_cast %or3A_791 : vector<16xi32> to vector<1x1x16xi32>
      tpu.vector_store %arg11[%swap3A_793, %swap3A_794, %swap3A_795], %swap3A_798 {strides = array<i32>} : memref<1x64x128xi32, #tpu.memory_space<vmem>>, vector<1x1x16xi32>,
      %get3A_799 = arith.constant 1 : i32
      %get3A_800 = arith.index_cast %get3A_799 : i32 to index
      %get3A_801 = arith.index_cast %scan3A_600 : i32 to index
      %get3A_802 = arith.constant 96 : index
      %get3A_803 = tpu.vector_load %arg9[%get3A_800, %get3A_801, %get3A_802] {strides = array<i32>} : memref<2x64x128xf32, #tpu.memory_space<vmem>>, vector<1x1x16xf32>,
      %get3A_804 = vector.shape_cast %get3A_803 : vector<1x1x16xf32> to vector<16xf32>
      %bitcast_convert_type3A_805 = tpu.bitcast %get3A_804 : vector<16xf32> -> vector<16xi32>
      %add3A_806 = arith.constant 32768 : i32
      %add3A_807 = vector.broadcast %add3A_806 : i32 to vector<16xi32>
      %add3A_808 = arith.addi %bitcast_convert_type3A_805, %add3A_807 : vector<16xi32>
      %shift_right_logical3A_809 = arith.constant 16 : i32
      %shift_right_logical3A_810 = vector.broadcast %shift_right_logical3A_809 : i32 to vector<16xi32>
      %shift_right_logical3A_811 = arith.shrui %add3A_808, %shift_right_logical3A_810 : vector<16xi32>
      %get3A_812 = arith.constant 1 : i32
      %get3A_813 = arith.index_cast %get3A_812 : i32 to index
      %get3A_814 = arith.index_cast %scan3A_600 : i32 to index
      %get3A_815 = arith.constant 96 : index
      %get3A_816 = tpu.vector_load %arg10[%get3A_813, %get3A_814, %get3A_815] {strides = array<i32>} : memref<2x64x128xf32, #tpu.memory_space<vmem>>, vector<1x1x16xf32>,
      %get3A_817 = vector.shape_cast %get3A_816 : vector<1x1x16xf32> to vector<16xf32>
      %bitcast_convert_type3A_818 = tpu.bitcast %get3A_817 : vector<16xf32> -> vector<16xi32>
      %add3A_819 = arith.constant 32768 : i32
      %add3A_820 = vector.broadcast %add3A_819 : i32 to vector<16xi32>
      %add3A_821 = arith.addi %bitcast_convert_type3A_818, %add3A_820 : vector<16xi32>
      %and3A_822 = arith.constant -65536 : i32
      %and3A_823 = vector.broadcast %and3A_822 : i32 to vector<16xi32>
      %and3A_824 = arith.andi %add3A_821, %and3A_823 : vector<16xi32>
      %or3A_825 = arith.ori %shift_right_logical3A_811, %and3A_824 : vector<16xi32>
      %swap3A_826 = arith.constant 0 : i32
      %swap3A_827 = arith.index_cast %swap3A_826 : i32 to index
      %swap3A_828 = arith.index_cast %scan3A_600 : i32 to index
      %swap3A_829 = arith.constant 96 : index
      %swap3A_830 = tpu.vector_load %arg11[%swap3A_827, %swap3A_828, %swap3A_829] {strides = array<i32>} : memref<1x64x128xi32, #tpu.memory_space<vmem>>, vector<1x1x16xi32>,
      %swap3A_831 = vector.shape_cast %swap3A_830 : vector<1x1x16xi32> to vector<16xi32>
      %swap3A_832 = vector.shape_cast %or3A_825 : vector<16xi32> to vector<1x1x16xi32>
      tpu.vector_store %arg11[%swap3A_827, %swap3A_828, %swap3A_829], %swap3A_832 {strides = array<i32>} : memref<1x64x128xi32, #tpu.memory_space<vmem>>, vector<1x1x16xi32>,
      %get3A_833 = arith.constant 1 : i32
      %get3A_834 = arith.index_cast %get3A_833 : i32 to index
      %get3A_835 = arith.index_cast %scan3A_600 : i32 to index
      %get3A_836 = arith.constant 112 : index
      %get3A_837 = tpu.vector_load %arg9[%get3A_834, %get3A_835, %get3A_836] {strides = array<i32>} : memref<2x64x128xf32, #tpu.memory_space<vmem>>, vector<1x1x16xf32>,
      %get3A_838 = vector.shape_cast %get3A_837 : vector<1x1x16xf32> to vector<16xf32>
      %bitcast_convert_type3A_839 = tpu.bitcast %get3A_838 : vector<16xf32> -> vector<16xi32>
      %add3A_840 = arith.constant 32768 : i32
      %add3A_841 = vector.broadcast %add3A_840 : i32 to vector<16xi32>
      %add3A_842 = arith.addi %bitcast_convert_type3A_839, %add3A_841 : vector<16xi32>
      %shift_right_logical3A_843 = arith.constant 16 : i32
      %shift_right_logical3A_844 = vector.broadcast %shift_right_logical3A_843 : i32 to vector<16xi32>
      %shift_right_logical3A_845 = arith.shrui %add3A_842, %shift_right_logical3A_844 : vector<16xi32>
      %get3A_846 = arith.constant 1 : i32
      %get3A_847 = arith.index_cast %get3A_846 : i32 to index
      %get3A_848 = arith.index_cast %scan3A_600 : i32 to index
      %get3A_849 = arith.constant 112 : index
      %get3A_850 = tpu.vector_load %arg10[%get3A_847, %get3A_848, %get3A_849] {strides = array<i32>} : memref<2x64x128xf32, #tpu.memory_space<vmem>>, vector<1x1x16xf32>,
      %get3A_851 = vector.shape_cast %get3A_850 : vector<1x1x16xf32> to vector<16xf32>
      %bitcast_convert_type3A_852 = tpu.bitcast %get3A_851 : vector<16xf32> -> vector<16xi32>
      %add3A_853 = arith.constant 32768 : i32
      %add3A_854 = vector.broadcast %add3A_853 : i32 to vector<16xi32>
      %add3A_855 = arith.addi %bitcast_convert_type3A_852, %add3A_854 : vector<16xi32>
      %and3A_856 = arith.constant -65536 : i32
      %and3A_857 = vector.broadcast %and3A_856 : i32 to vector<16xi32>
      %and3A_858 = arith.andi %add3A_855, %and3A_857 : vector<16xi32>
      %or3A_859 = arith.ori %shift_right_logical3A_845, %and3A_858 : vector<16xi32>
      %swap3A_860 = arith.constant 0 : i32
      %swap3A_861 = arith.index_cast %swap3A_860 : i32 to index
      %swap3A_862 = arith.index_cast %scan3A_600 : i32 to index
      %swap3A_863 = arith.constant 112 : index
      %swap3A_864 = tpu.vector_load %arg11[%swap3A_861, %swap3A_862, %swap3A_863] {strides = array<i32>} : memref<1x64x128xi32, #tpu.memory_space<vmem>>, vector<1x1x16xi32>,
      %swap3A_865 = vector.shape_cast %swap3A_864 : vector<1x1x16xi32> to vector<16xi32>
      %swap3A_866 = vector.shape_cast %or3A_859 : vector<16xi32> to vector<1x1x16xi32>
      tpu.vector_store %arg11[%swap3A_861, %swap3A_862, %swap3A_863], %swap3A_866 {strides = array<i32>} : memref<1x64x128xi32, #tpu.memory_space<vmem>>, vector<1x1x16xi32>,
    }
    %scan3A_147 = arith.constant 64 : i32
    %add3A_148 = arith.constant 64 : i32
    %add3A_149 = arith.addi %mul3A_2, %add3A_148 : i32
    %dma_start3A_150 = arith.constant 0 : i32
    %dma_start3A_151 = arith.constant 0 : i32
    %dma_start3A_152 = arith.constant 0 : i32
    %dma_start3A_153 = tpu.memref_slice %arg11[%dma_start3A_150, %dma_start3A_151, %dma_start3A_152] : memref<1x64x128xi32, #tpu.memory_space<vmem>> -> memref<1x64x128xi32, #tpu.memory_space<vmem>>
    %dma_start3A_154 = tpu.memref_squeeze %dma_start3A_153 : memref<1x64x128xi32, #tpu.memory_space<vmem>> -> memref<64x128xi32, #tpu.memory_space<vmem>>
    %dma_start3A_155 = arith.constant 0 : i32
    %dma_start3A_156 = tpu.memref_slice %arg6[%add3A_149, %dma_start3A_155] : memref<16384x128xi32, #tpu.memory_space<hbm>> -> memref<64x128xi32, #tpu.memory_space<hbm>>
    %dma_start3A_157 = arith.constant 0 : i32
    %dma_start3A_158 = tpu.memref_slice %arg6[%add3A_149, %dma_start3A_157] : memref<16384x128xi32, #tpu.memory_space<hbm>> -> memref<64x128xi32, #tpu.memory_space<hbm>>
    %dma_start3A_159 = arith.constant 0 : i32
    %dma_start3A_160 = arith.constant 0 : i32
    %dma_start3A_161 = tpu.memref_slice %arg11[%dma_start3A_150, %dma_start3A_159, %dma_start3A_160] : memref<1x64x128xi32, #tpu.memory_space<vmem>> -> memref<1x64x128xi32, #tpu.memory_space<vmem>>
    %dma_start3A_162 = tpu.memref_squeeze %dma_start3A_161 : memref<1x64x128xi32, #tpu.memory_space<vmem>> -> memref<64x128xi32, #tpu.memory_space<vmem>>
    tpu.enqueue_dma source(%dma_start3A_162 : memref<64x128xi32, #tpu.memory_space<vmem>>) target(%dma_start3A_158 : memref<64x128xi32, #tpu.memory_space<hbm>>) target_semaphore(%arg16 : memref<!tpu.dma_semaphore, #tpu.memory_space<semaphore_mem>>)
    %dma_wait3A_163 = arith.constant 0 : i32
    %dma_wait3A_164 = arith.constant 0 : i32
    %dma_wait3A_165 = arith.constant 0 : i32
    %dma_wait3A_166 = tpu.memref_slice %arg9[%dma_wait3A_163, %dma_wait3A_164, %dma_wait3A_165] : memref<2x64x128xf32, #tpu.memory_space<vmem>> -> memref<1x64x128xf32, #tpu.memory_space<vmem>>
    %dma_wait3A_167 = tpu.memref_squeeze %dma_wait3A_166 : memref<1x64x128xf32, #tpu.memory_space<vmem>> -> memref<64x128xf32, #tpu.memory_space<vmem>>
    %dma_wait3A_168 = arith.constant 128 : i32
    %dma_wait3A_169 = tpu.memref_slice %arg7[%dma_wait3A_168] : memref<512xi32, #tpu.memory_space<vmem>> -> memref<64xi32, #tpu.memory_space<vmem>>
    %dma_wait3A_170 = arith.constant 0 : i32
    %dma_wait3A_171 = arith.constant 0 : i32
    %dma_wait3A_172 = tpu.memref_slice %arg4[%dma_wait3A_170, %dma_wait3A_171] : memref<100001x128xf32, #tpu.memory_space<hbm>> -> memref<100001x128xf32, #tpu.memory_space<hbm>>
    tpu.wait_indirect_dma semaphore(%arg12 : memref<!tpu.dma_semaphore, #tpu.memory_space<semaphore_mem>>) src(%dma_wait3A_172 : memref<100001x128xf32, #tpu.memory_space<hbm>>) dst(%dma_wait3A_167 : memref<64x128xf32, #tpu.memory_space<vmem>>)
    %dma_wait3A_173 = arith.constant 0 : i32
    %dma_wait3A_174 = arith.constant 0 : i32
    %dma_wait3A_175 = arith.constant 0 : i32
    %dma_wait3A_176 = tpu.memref_slice %arg10[%dma_wait3A_173, %dma_wait3A_174, %dma_wait3A_175] : memref<2x64x128xf32, #tpu.memory_space<vmem>> -> memref<1x64x128xf32, #tpu.memory_space<vmem>>
    %dma_wait3A_177 = tpu.memref_squeeze %dma_wait3A_176 : memref<1x64x128xf32, #tpu.memory_space<vmem>> -> memref<64x128xf32, #tpu.memory_space<vmem>>
    %dma_wait3A_178 = arith.constant 128 : i32
    %dma_wait3A_179 = tpu.memref_slice %arg8[%dma_wait3A_178] : memref<512xi32, #tpu.memory_space<vmem>> -> memref<64xi32, #tpu.memory_space<vmem>>
    %dma_wait3A_180 = arith.constant 0 : i32
    %dma_wait3A_181 = arith.constant 0 : i32
    %dma_wait3A_182 = tpu.memref_slice %arg5[%dma_wait3A_180, %dma_wait3A_181] : memref<100001x128xf32, #tpu.memory_space<hbm>> -> memref<100001x128xf32, #tpu.memory_space<hbm>>
    tpu.wait_indirect_dma semaphore(%arg14 : memref<!tpu.dma_semaphore, #tpu.memory_space<semaphore_mem>>) src(%dma_wait3A_182 : memref<100001x128xf32, #tpu.memory_space<hbm>>) dst(%dma_wait3A_177 : memref<64x128xf32, #tpu.memory_space<vmem>>)
    %dma_start3A_183 = arith.constant 1 : i32
    %dma_start3A_184 = arith.constant 0 : i32
    %dma_start3A_185 = arith.constant 0 : i32
    %dma_start3A_186 = tpu.memref_slice %arg9[%dma_start3A_183, %dma_start3A_184, %dma_start3A_185] : memref<2x64x128xf32, #tpu.memory_space<vmem>> -> memref<1x64x128xf32, #tpu.memory_space<vmem>>
    %dma_start3A_187 = tpu.memref_squeeze %dma_start3A_186 : memref<1x64x128xf32, #tpu.memory_space<vmem>> -> memref<64x128xf32, #tpu.memory_space<vmem>>
    %dma_start3A_188 = arith.constant 192 : i32
    %dma_start3A_189 = tpu.memref_slice %arg7[%dma_start3A_188] : memref<512xi32, #tpu.memory_space<vmem>> -> memref<64xi32, #tpu.memory_space<vmem>>
    %dma_start3A_190 = arith.constant 0 : i32
    %dma_start3A_191 = arith.constant 0 : i32
    %dma_start3A_192 = tpu.memref_slice %arg4[%dma_start3A_190, %dma_start3A_191] : memref<100001x128xf32, #tpu.memory_space<hbm>> -> memref<100001x128xf32, #tpu.memory_space<hbm>>
    tpu.enqueue_indirect_dma source(%dma_start3A_192 : memref<100001x128xf32, #tpu.memory_space<hbm>>) target(%dma_start3A_187 : memref<64x128xf32, #tpu.memory_space<vmem>>) offsets(%dma_start3A_189 : memref<64xi32, #tpu.memory_space<vmem>>) semaphore(%arg13 : memref<!tpu.dma_semaphore, #tpu.memory_space<semaphore_mem>>)
    %dma_start3A_193 = arith.constant 1 : i32
    %dma_start3A_194 = arith.constant 0 : i32
    %dma_start3A_195 = arith.constant 0 : i32
    %dma_start3A_196 = tpu.memref_slice %arg10[%dma_start3A_193, %dma_start3A_194, %dma_start3A_195] : memref<2x64x128xf32, #tpu.memory_space<vmem>> -> memref<1x64x128xf32, #tpu.memory_space<vmem>>
    %dma_start3A_197 = tpu.memref_squeeze %dma_start3A_196 : memref<1x64x128xf32, #tpu.memory_space<vmem>> -> memref<64x128xf32, #tpu.memory_space<vmem>>
    %dma_start3A_198 = arith.constant 192 : i32
    %dma_start3A_199 = tpu.memref_slice %arg8[%dma_start3A_198] : memref<512xi32, #tpu.memory_space<vmem>> -> memref<64xi32, #tpu.memory_space<vmem>>
    %dma_start3A_200 = arith.constant 0 : i32
    %dma_start3A_201 = arith.constant 0 : i32
    %dma_start3A_202 = tpu.memref_slice %arg5[%dma_start3A_200, %dma_start3A_201] : memref<100001x128xf32, #tpu.memory_space<hbm>> -> memref<100001x128xf32, #tpu.memory_space<hbm>>
    tpu.enqueue_indirect_dma source(%dma_start3A_202 : memref<100001x128xf32, #tpu.memory_space<hbm>>) target(%dma_start3A_197 : memref<64x128xf32, #tpu.memory_space<vmem>>) offsets(%dma_start3A_199 : memref<64xi32, #tpu.memory_space<vmem>>) semaphore(%arg15 : memref<!tpu.dma_semaphore, #tpu.memory_space<semaphore_mem>>)
    %dma_wait3A_203 = arith.constant 0 : i32
    %dma_wait3A_204 = arith.constant 0 : i32
    %dma_wait3A_205 = arith.constant 0 : i32
    %dma_wait3A_206 = tpu.memref_slice %arg11[%dma_wait3A_203, %dma_wait3A_204, %dma_wait3A_205] : memref<1x64x128xi32, #tpu.memory_space<vmem>> -> memref<1x64x128xi32, #tpu.memory_space<vmem>>
    %dma_wait3A_207 = tpu.memref_squeeze %dma_wait3A_206 : memref<1x64x128xi32, #tpu.memory_space<vmem>> -> memref<64x128xi32, #tpu.memory_space<vmem>>
    %dma_wait3A_208 = arith.constant 0 : i32
    %dma_wait3A_209 = tpu.memref_slice %arg6[%add3A_149, %dma_wait3A_208] : memref<16384x128xi32, #tpu.memory_space<hbm>> -> memref<64x128xi32, #tpu.memory_space<hbm>>
    %dma_wait3A_210 = arith.constant 0 : i32
    %dma_wait3A_211 = tpu.memref_slice %arg6[%add3A_149, %dma_wait3A_210] : memref<16384x128xi32, #tpu.memory_space<hbm>> -> memref<64x128xi32, #tpu.memory_space<hbm>>
    %dma_wait3A_212 = arith.constant 0 : i32
    %dma_wait3A_213 = arith.constant 0 : i32
    %dma_wait3A_214 = tpu.memref_slice %arg11[%dma_wait3A_203, %dma_wait3A_212, %dma_wait3A_213] : memref<1x64x128xi32, #tpu.memory_space<vmem>> -> memref<1x64x128xi32, #tpu.memory_space<vmem>>
    %dma_wait3A_215 = tpu.memref_squeeze %dma_wait3A_214 : memref<1x64x128xi32, #tpu.memory_space<vmem>> -> memref<64x128xi32, #tpu.memory_space<vmem>>
    tpu.wait_dma2 semaphore(%arg16 : memref<!tpu.dma_semaphore, #tpu.memory_space<semaphore_mem>>) src(%dma_wait3A_215 : memref<64x128xi32, #tpu.memory_space<vmem>>) dst(%dma_wait3A_211 : memref<64x128xi32, #tpu.memory_space<hbm>>)
    %scan3A_216 = arith.constant 0 : i32
    %scan3A_217 = arith.constant 0 : i32
    %scan3A_218 = arith.constant 64 : i32
    %scan3A_219 = arith.addi %scan3A_217, %scan3A_218 : i32
    %scan3A_220 = arith.constant 1 : i32
    scf.for %scan3A_600 = %scan3A_217 to %scan3A_219 step %scan3A_220  : i32 {
      %get3A = arith.constant 0 : i32
      %get3A_601 = arith.index_cast %get3A : i32 to index
      %get3A_602 = arith.index_cast %scan3A_600 : i32 to index
      %get3A_603 = arith.constant 0 : index
      %get3A_604 = tpu.vector_load %arg9[%get3A_601, %get3A_602, %get3A_603] {strides = array<i32>} : memref<2x64x128xf32, #tpu.memory_space<vmem>>, vector<1x1x16xf32>,
      %get3A_605 = vector.shape_cast %get3A_604 : vector<1x1x16xf32> to vector<16xf32>
      %bitcast_convert_type3A = tpu.bitcast %get3A_605 : vector<16xf32> -> vector<16xi32>
      %add3A_606 = arith.constant 32768 : i32
      %add3A_607 = vector.broadcast %add3A_606 : i32 to vector<16xi32>
      %add3A_608 = arith.addi %bitcast_convert_type3A, %add3A_607 : vector<16xi32>
      %shift_right_logical3A = arith.constant 16 : i32
      %shift_right_logical3A_609 = vector.broadcast %shift_right_logical3A : i32 to vector<16xi32>
      %shift_right_logical3A_610 = arith.shrui %add3A_608, %shift_right_logical3A_609 : vector<16xi32>
      %get3A_611 = arith.constant 0 : i32
      %get3A_612 = arith.index_cast %get3A_611 : i32 to index
      %get3A_613 = arith.index_cast %scan3A_600 : i32 to index
      %get3A_614 = arith.constant 0 : index
      %get3A_615 = tpu.vector_load %arg10[%get3A_612, %get3A_613, %get3A_614] {strides = array<i32>} : memref<2x64x128xf32, #tpu.memory_space<vmem>>, vector<1x1x16xf32>,
      %get3A_616 = vector.shape_cast %get3A_615 : vector<1x1x16xf32> to vector<16xf32>
      %bitcast_convert_type3A_617 = tpu.bitcast %get3A_616 : vector<16xf32> -> vector<16xi32>
      %add3A_618 = arith.constant 32768 : i32
      %add3A_619 = vector.broadcast %add3A_618 : i32 to vector<16xi32>
      %add3A_620 = arith.addi %bitcast_convert_type3A_617, %add3A_619 : vector<16xi32>
      %and3A = arith.constant -65536 : i32
      %and3A_621 = vector.broadcast %and3A : i32 to vector<16xi32>
      %and3A_622 = arith.andi %add3A_620, %and3A_621 : vector<16xi32>
      %or3A = arith.ori %shift_right_logical3A_610, %and3A_622 : vector<16xi32>
      %swap3A = arith.constant 0 : i32
      %swap3A_623 = arith.index_cast %swap3A : i32 to index
      %swap3A_624 = arith.index_cast %scan3A_600 : i32 to index
      %swap3A_625 = arith.constant 0 : index
      %swap3A_626 = tpu.vector_load %arg11[%swap3A_623, %swap3A_624, %swap3A_625] {strides = array<i32>} : memref<1x64x128xi32, #tpu.memory_space<vmem>>, vector<1x1x16xi32>,
      %swap3A_627 = vector.shape_cast %swap3A_626 : vector<1x1x16xi32> to vector<16xi32>
      %swap3A_628 = vector.shape_cast %or3A : vector<16xi32> to vector<1x1x16xi32>
      tpu.vector_store %arg11[%swap3A_623, %swap3A_624, %swap3A_625], %swap3A_628 {strides = array<i32>} : memref<1x64x128xi32, #tpu.memory_space<vmem>>, vector<1x1x16xi32>,
      %get3A_629 = arith.constant 0 : i32
      %get3A_630 = arith.index_cast %get3A_629 : i32 to index
      %get3A_631 = arith.index_cast %scan3A_600 : i32 to index
      %get3A_632 = arith.constant 16 : index
      %get3A_633 = tpu.vector_load %arg9[%get3A_630, %get3A_631, %get3A_632] {strides = array<i32>} : memref<2x64x128xf32, #tpu.memory_space<vmem>>, vector<1x1x16xf32>,
      %get3A_634 = vector.shape_cast %get3A_633 : vector<1x1x16xf32> to vector<16xf32>
      %bitcast_convert_type3A_635 = tpu.bitcast %get3A_634 : vector<16xf32> -> vector<16xi32>
      %add3A_636 = arith.constant 32768 : i32
      %add3A_637 = vector.broadcast %add3A_636 : i32 to vector<16xi32>
      %add3A_638 = arith.addi %bitcast_convert_type3A_635, %add3A_637 : vector<16xi32>
      %shift_right_logical3A_639 = arith.constant 16 : i32
      %shift_right_logical3A_640 = vector.broadcast %shift_right_logical3A_639 : i32 to vector<16xi32>
      %shift_right_logical3A_641 = arith.shrui %add3A_638, %shift_right_logical3A_640 : vector<16xi32>
      %get3A_642 = arith.constant 0 : i32
      %get3A_643 = arith.index_cast %get3A_642 : i32 to index
      %get3A_644 = arith.index_cast %scan3A_600 : i32 to index
      %get3A_645 = arith.constant 16 : index
      %get3A_646 = tpu.vector_load %arg10[%get3A_643, %get3A_644, %get3A_645] {strides = array<i32>} : memref<2x64x128xf32, #tpu.memory_space<vmem>>, vector<1x1x16xf32>,
      %get3A_647 = vector.shape_cast %get3A_646 : vector<1x1x16xf32> to vector<16xf32>
      %bitcast_convert_type3A_648 = tpu.bitcast %get3A_647 : vector<16xf32> -> vector<16xi32>
      %add3A_649 = arith.constant 32768 : i32
      %add3A_650 = vector.broadcast %add3A_649 : i32 to vector<16xi32>
      %add3A_651 = arith.addi %bitcast_convert_type3A_648, %add3A_650 : vector<16xi32>
      %and3A_652 = arith.constant -65536 : i32
      %and3A_653 = vector.broadcast %and3A_652 : i32 to vector<16xi32>
      %and3A_654 = arith.andi %add3A_651, %and3A_653 : vector<16xi32>
      %or3A_655 = arith.ori %shift_right_logical3A_641, %and3A_654 : vector<16xi32>
      %swap3A_656 = arith.constant 0 : i32
      %swap3A_657 = arith.index_cast %swap3A_656 : i32 to index
      %swap3A_658 = arith.index_cast %scan3A_600 : i32 to index
      %swap3A_659 = arith.constant 16 : index
      %swap3A_660 = tpu.vector_load %arg11[%swap3A_657, %swap3A_658, %swap3A_659] {strides = array<i32>} : memref<1x64x128xi32, #tpu.memory_space<vmem>>, vector<1x1x16xi32>,
      %swap3A_661 = vector.shape_cast %swap3A_660 : vector<1x1x16xi32> to vector<16xi32>
      %swap3A_662 = vector.shape_cast %or3A_655 : vector<16xi32> to vector<1x1x16xi32>
      tpu.vector_store %arg11[%swap3A_657, %swap3A_658, %swap3A_659], %swap3A_662 {strides = array<i32>} : memref<1x64x128xi32, #tpu.memory_space<vmem>>, vector<1x1x16xi32>,
      %get3A_663 = arith.constant 0 : i32
      %get3A_664 = arith.index_cast %get3A_663 : i32 to index
      %get3A_665 = arith.index_cast %scan3A_600 : i32 to index
      %get3A_666 = arith.constant 32 : index
      %get3A_667 = tpu.vector_load %arg9[%get3A_664, %get3A_665, %get3A_666] {strides = array<i32>} : memref<2x64x128xf32, #tpu.memory_space<vmem>>, vector<1x1x16xf32>,
      %get3A_668 = vector.shape_cast %get3A_667 : vector<1x1x16xf32> to vector<16xf32>
      %bitcast_convert_type3A_669 = tpu.bitcast %get3A_668 : vector<16xf32> -> vector<16xi32>
      %add3A_670 = arith.constant 32768 : i32
      %add3A_671 = vector.broadcast %add3A_670 : i32 to vector<16xi32>
      %add3A_672 = arith.addi %bitcast_convert_type3A_669, %add3A_671 : vector<16xi32>
      %shift_right_logical3A_673 = arith.constant 16 : i32
      %shift_right_logical3A_674 = vector.broadcast %shift_right_logical3A_673 : i32 to vector<16xi32>
      %shift_right_logical3A_675 = arith.shrui %add3A_672, %shift_right_logical3A_674 : vector<16xi32>
      %get3A_676 = arith.constant 0 : i32
      %get3A_677 = arith.index_cast %get3A_676 : i32 to index
      %get3A_678 = arith.index_cast %scan3A_600 : i32 to index
      %get3A_679 = arith.constant 32 : index
      %get3A_680 = tpu.vector_load %arg10[%get3A_677, %get3A_678, %get3A_679] {strides = array<i32>} : memref<2x64x128xf32, #tpu.memory_space<vmem>>, vector<1x1x16xf32>,
      %get3A_681 = vector.shape_cast %get3A_680 : vector<1x1x16xf32> to vector<16xf32>
      %bitcast_convert_type3A_682 = tpu.bitcast %get3A_681 : vector<16xf32> -> vector<16xi32>
      %add3A_683 = arith.constant 32768 : i32
      %add3A_684 = vector.broadcast %add3A_683 : i32 to vector<16xi32>
      %add3A_685 = arith.addi %bitcast_convert_type3A_682, %add3A_684 : vector<16xi32>
      %and3A_686 = arith.constant -65536 : i32
      %and3A_687 = vector.broadcast %and3A_686 : i32 to vector<16xi32>
      %and3A_688 = arith.andi %add3A_685, %and3A_687 : vector<16xi32>
      %or3A_689 = arith.ori %shift_right_logical3A_675, %and3A_688 : vector<16xi32>
      %swap3A_690 = arith.constant 0 : i32
      %swap3A_691 = arith.index_cast %swap3A_690 : i32 to index
      %swap3A_692 = arith.index_cast %scan3A_600 : i32 to index
      %swap3A_693 = arith.constant 32 : index
      %swap3A_694 = tpu.vector_load %arg11[%swap3A_691, %swap3A_692, %swap3A_693] {strides = array<i32>} : memref<1x64x128xi32, #tpu.memory_space<vmem>>, vector<1x1x16xi32>,
      %swap3A_695 = vector.shape_cast %swap3A_694 : vector<1x1x16xi32> to vector<16xi32>
      %swap3A_696 = vector.shape_cast %or3A_689 : vector<16xi32> to vector<1x1x16xi32>
      tpu.vector_store %arg11[%swap3A_691, %swap3A_692, %swap3A_693], %swap3A_696 {strides = array<i32>} : memref<1x64x128xi32, #tpu.memory_space<vmem>>, vector<1x1x16xi32>,
      %get3A_697 = arith.constant 0 : i32
      %get3A_698 = arith.index_cast %get3A_697 : i32 to index
      %get3A_699 = arith.index_cast %scan3A_600 : i32 to index
      %get3A_700 = arith.constant 48 : index
      %get3A_701 = tpu.vector_load %arg9[%get3A_698, %get3A_699, %get3A_700] {strides = array<i32>} : memref<2x64x128xf32, #tpu.memory_space<vmem>>, vector<1x1x16xf32>,
      %get3A_702 = vector.shape_cast %get3A_701 : vector<1x1x16xf32> to vector<16xf32>
      %bitcast_convert_type3A_703 = tpu.bitcast %get3A_702 : vector<16xf32> -> vector<16xi32>
      %add3A_704 = arith.constant 32768 : i32
      %add3A_705 = vector.broadcast %add3A_704 : i32 to vector<16xi32>
      %add3A_706 = arith.addi %bitcast_convert_type3A_703, %add3A_705 : vector<16xi32>
      %shift_right_logical3A_707 = arith.constant 16 : i32
      %shift_right_logical3A_708 = vector.broadcast %shift_right_logical3A_707 : i32 to vector<16xi32>
      %shift_right_logical3A_709 = arith.shrui %add3A_706, %shift_right_logical3A_708 : vector<16xi32>
      %get3A_710 = arith.constant 0 : i32
      %get3A_711 = arith.index_cast %get3A_710 : i32 to index
      %get3A_712 = arith.index_cast %scan3A_600 : i32 to index
      %get3A_713 = arith.constant 48 : index
      %get3A_714 = tpu.vector_load %arg10[%get3A_711, %get3A_712, %get3A_713] {strides = array<i32>} : memref<2x64x128xf32, #tpu.memory_space<vmem>>, vector<1x1x16xf32>,
      %get3A_715 = vector.shape_cast %get3A_714 : vector<1x1x16xf32> to vector<16xf32>
      %bitcast_convert_type3A_716 = tpu.bitcast %get3A_715 : vector<16xf32> -> vector<16xi32>
      %add3A_717 = arith.constant 32768 : i32
      %add3A_718 = vector.broadcast %add3A_717 : i32 to vector<16xi32>
      %add3A_719 = arith.addi %bitcast_convert_type3A_716, %add3A_718 : vector<16xi32>
      %and3A_720 = arith.constant -65536 : i32
      %and3A_721 = vector.broadcast %and3A_720 : i32 to vector<16xi32>
      %and3A_722 = arith.andi %add3A_719, %and3A_721 : vector<16xi32>
      %or3A_723 = arith.ori %shift_right_logical3A_709, %and3A_722 : vector<16xi32>
      %swap3A_724 = arith.constant 0 : i32
      %swap3A_725 = arith.index_cast %swap3A_724 : i32 to index
      %swap3A_726 = arith.index_cast %scan3A_600 : i32 to index
      %swap3A_727 = arith.constant 48 : index
      %swap3A_728 = tpu.vector_load %arg11[%swap3A_725, %swap3A_726, %swap3A_727] {strides = array<i32>} : memref<1x64x128xi32, #tpu.memory_space<vmem>>, vector<1x1x16xi32>,
      %swap3A_729 = vector.shape_cast %swap3A_728 : vector<1x1x16xi32> to vector<16xi32>
      %swap3A_730 = vector.shape_cast %or3A_723 : vector<16xi32> to vector<1x1x16xi32>
      tpu.vector_store %arg11[%swap3A_725, %swap3A_726, %swap3A_727], %swap3A_730 {strides = array<i32>} : memref<1x64x128xi32, #tpu.memory_space<vmem>>, vector<1x1x16xi32>,
      %get3A_731 = arith.constant 0 : i32
      %get3A_732 = arith.index_cast %get3A_731 : i32 to index
      %get3A_733 = arith.index_cast %scan3A_600 : i32 to index
      %get3A_734 = arith.constant 64 : index
      %get3A_735 = tpu.vector_load %arg9[%get3A_732, %get3A_733, %get3A_734] {strides = array<i32>} : memref<2x64x128xf32, #tpu.memory_space<vmem>>, vector<1x1x16xf32>,
      %get3A_736 = vector.shape_cast %get3A_735 : vector<1x1x16xf32> to vector<16xf32>
      %bitcast_convert_type3A_737 = tpu.bitcast %get3A_736 : vector<16xf32> -> vector<16xi32>
      %add3A_738 = arith.constant 32768 : i32
      %add3A_739 = vector.broadcast %add3A_738 : i32 to vector<16xi32>
      %add3A_740 = arith.addi %bitcast_convert_type3A_737, %add3A_739 : vector<16xi32>
      %shift_right_logical3A_741 = arith.constant 16 : i32
      %shift_right_logical3A_742 = vector.broadcast %shift_right_logical3A_741 : i32 to vector<16xi32>
      %shift_right_logical3A_743 = arith.shrui %add3A_740, %shift_right_logical3A_742 : vector<16xi32>
      %get3A_744 = arith.constant 0 : i32
      %get3A_745 = arith.index_cast %get3A_744 : i32 to index
      %get3A_746 = arith.index_cast %scan3A_600 : i32 to index
      %get3A_747 = arith.constant 64 : index
      %get3A_748 = tpu.vector_load %arg10[%get3A_745, %get3A_746, %get3A_747] {strides = array<i32>} : memref<2x64x128xf32, #tpu.memory_space<vmem>>, vector<1x1x16xf32>,
      %get3A_749 = vector.shape_cast %get3A_748 : vector<1x1x16xf32> to vector<16xf32>
      %bitcast_convert_type3A_750 = tpu.bitcast %get3A_749 : vector<16xf32> -> vector<16xi32>
      %add3A_751 = arith.constant 32768 : i32
      %add3A_752 = vector.broadcast %add3A_751 : i32 to vector<16xi32>
      %add3A_753 = arith.addi %bitcast_convert_type3A_750, %add3A_752 : vector<16xi32>
      %and3A_754 = arith.constant -65536 : i32
      %and3A_755 = vector.broadcast %and3A_754 : i32 to vector<16xi32>
      %and3A_756 = arith.andi %add3A_753, %and3A_755 : vector<16xi32>
      %or3A_757 = arith.ori %shift_right_logical3A_743, %and3A_756 : vector<16xi32>
      %swap3A_758 = arith.constant 0 : i32
      %swap3A_759 = arith.index_cast %swap3A_758 : i32 to index
      %swap3A_760 = arith.index_cast %scan3A_600 : i32 to index
      %swap3A_761 = arith.constant 64 : index
      %swap3A_762 = tpu.vector_load %arg11[%swap3A_759, %swap3A_760, %swap3A_761] {strides = array<i32>} : memref<1x64x128xi32, #tpu.memory_space<vmem>>, vector<1x1x16xi32>,
      %swap3A_763 = vector.shape_cast %swap3A_762 : vector<1x1x16xi32> to vector<16xi32>
      %swap3A_764 = vector.shape_cast %or3A_757 : vector<16xi32> to vector<1x1x16xi32>
      tpu.vector_store %arg11[%swap3A_759, %swap3A_760, %swap3A_761], %swap3A_764 {strides = array<i32>} : memref<1x64x128xi32, #tpu.memory_space<vmem>>, vector<1x1x16xi32>,
      %get3A_765 = arith.constant 0 : i32
      %get3A_766 = arith.index_cast %get3A_765 : i32 to index
      %get3A_767 = arith.index_cast %scan3A_600 : i32 to index
      %get3A_768 = arith.constant 80 : index
      %get3A_769 = tpu.vector_load %arg9[%get3A_766, %get3A_767, %get3A_768] {strides = array<i32>} : memref<2x64x128xf32, #tpu.memory_space<vmem>>, vector<1x1x16xf32>,
      %get3A_770 = vector.shape_cast %get3A_769 : vector<1x1x16xf32> to vector<16xf32>
      %bitcast_convert_type3A_771 = tpu.bitcast %get3A_770 : vector<16xf32> -> vector<16xi32>
      %add3A_772 = arith.constant 32768 : i32
      %add3A_773 = vector.broadcast %add3A_772 : i32 to vector<16xi32>
      %add3A_774 = arith.addi %bitcast_convert_type3A_771, %add3A_773 : vector<16xi32>
      %shift_right_logical3A_775 = arith.constant 16 : i32
      %shift_right_logical3A_776 = vector.broadcast %shift_right_logical3A_775 : i32 to vector<16xi32>
      %shift_right_logical3A_777 = arith.shrui %add3A_774, %shift_right_logical3A_776 : vector<16xi32>
      %get3A_778 = arith.constant 0 : i32
      %get3A_779 = arith.index_cast %get3A_778 : i32 to index
      %get3A_780 = arith.index_cast %scan3A_600 : i32 to index
      %get3A_781 = arith.constant 80 : index
      %get3A_782 = tpu.vector_load %arg10[%get3A_779, %get3A_780, %get3A_781] {strides = array<i32>} : memref<2x64x128xf32, #tpu.memory_space<vmem>>, vector<1x1x16xf32>,
      %get3A_783 = vector.shape_cast %get3A_782 : vector<1x1x16xf32> to vector<16xf32>
      %bitcast_convert_type3A_784 = tpu.bitcast %get3A_783 : vector<16xf32> -> vector<16xi32>
      %add3A_785 = arith.constant 32768 : i32
      %add3A_786 = vector.broadcast %add3A_785 : i32 to vector<16xi32>
      %add3A_787 = arith.addi %bitcast_convert_type3A_784, %add3A_786 : vector<16xi32>
      %and3A_788 = arith.constant -65536 : i32
      %and3A_789 = vector.broadcast %and3A_788 : i32 to vector<16xi32>
      %and3A_790 = arith.andi %add3A_787, %and3A_789 : vector<16xi32>
      %or3A_791 = arith.ori %shift_right_logical3A_777, %and3A_790 : vector<16xi32>
      %swap3A_792 = arith.constant 0 : i32
      %swap3A_793 = arith.index_cast %swap3A_792 : i32 to index
      %swap3A_794 = arith.index_cast %scan3A_600 : i32 to index
      %swap3A_795 = arith.constant 80 : index
      %swap3A_796 = tpu.vector_load %arg11[%swap3A_793, %swap3A_794, %swap3A_795] {strides = array<i32>} : memref<1x64x128xi32, #tpu.memory_space<vmem>>, vector<1x1x16xi32>,
      %swap3A_797 = vector.shape_cast %swap3A_796 : vector<1x1x16xi32> to vector<16xi32>
      %swap3A_798 = vector.shape_cast %or3A_791 : vector<16xi32> to vector<1x1x16xi32>
      tpu.vector_store %arg11[%swap3A_793, %swap3A_794, %swap3A_795], %swap3A_798 {strides = array<i32>} : memref<1x64x128xi32, #tpu.memory_space<vmem>>, vector<1x1x16xi32>,
      %get3A_799 = arith.constant 0 : i32
      %get3A_800 = arith.index_cast %get3A_799 : i32 to index
      %get3A_801 = arith.index_cast %scan3A_600 : i32 to index
      %get3A_802 = arith.constant 96 : index
      %get3A_803 = tpu.vector_load %arg9[%get3A_800, %get3A_801, %get3A_802] {strides = array<i32>} : memref<2x64x128xf32, #tpu.memory_space<vmem>>, vector<1x1x16xf32>,
      %get3A_804 = vector.shape_cast %get3A_803 : vector<1x1x16xf32> to vector<16xf32>
      %bitcast_convert_type3A_805 = tpu.bitcast %get3A_804 : vector<16xf32> -> vector<16xi32>
      %add3A_806 = arith.constant 32768 : i32
      %add3A_807 = vector.broadcast %add3A_806 : i32 to vector<16xi32>
      %add3A_808 = arith.addi %bitcast_convert_type3A_805, %add3A_807 : vector<16xi32>
      %shift_right_logical3A_809 = arith.constant 16 : i32
      %shift_right_logical3A_810 = vector.broadcast %shift_right_logical3A_809 : i32 to vector<16xi32>
      %shift_right_logical3A_811 = arith.shrui %add3A_808, %shift_right_logical3A_810 : vector<16xi32>
      %get3A_812 = arith.constant 0 : i32
      %get3A_813 = arith.index_cast %get3A_812 : i32 to index
      %get3A_814 = arith.index_cast %scan3A_600 : i32 to index
      %get3A_815 = arith.constant 96 : index
      %get3A_816 = tpu.vector_load %arg10[%get3A_813, %get3A_814, %get3A_815] {strides = array<i32>} : memref<2x64x128xf32, #tpu.memory_space<vmem>>, vector<1x1x16xf32>,
      %get3A_817 = vector.shape_cast %get3A_816 : vector<1x1x16xf32> to vector<16xf32>
      %bitcast_convert_type3A_818 = tpu.bitcast %get3A_817 : vector<16xf32> -> vector<16xi32>
      %add3A_819 = arith.constant 32768 : i32
      %add3A_820 = vector.broadcast %add3A_819 : i32 to vector<16xi32>
      %add3A_821 = arith.addi %bitcast_convert_type3A_818, %add3A_820 : vector<16xi32>
      %and3A_822 = arith.constant -65536 : i32
      %and3A_823 = vector.broadcast %and3A_822 : i32 to vector<16xi32>
      %and3A_824 = arith.andi %add3A_821, %and3A_823 : vector<16xi32>
      %or3A_825 = arith.ori %shift_right_logical3A_811, %and3A_824 : vector<16xi32>
      %swap3A_826 = arith.constant 0 : i32
      %swap3A_827 = arith.index_cast %swap3A_826 : i32 to index
      %swap3A_828 = arith.index_cast %scan3A_600 : i32 to index
      %swap3A_829 = arith.constant 96 : index
      %swap3A_830 = tpu.vector_load %arg11[%swap3A_827, %swap3A_828, %swap3A_829] {strides = array<i32>} : memref<1x64x128xi32, #tpu.memory_space<vmem>>, vector<1x1x16xi32>,
      %swap3A_831 = vector.shape_cast %swap3A_830 : vector<1x1x16xi32> to vector<16xi32>
      %swap3A_832 = vector.shape_cast %or3A_825 : vector<16xi32> to vector<1x1x16xi32>
      tpu.vector_store %arg11[%swap3A_827, %swap3A_828, %swap3A_829], %swap3A_832 {strides = array<i32>} : memref<1x64x128xi32, #tpu.memory_space<vmem>>, vector<1x1x16xi32>,
      %get3A_833 = arith.constant 0 : i32
      %get3A_834 = arith.index_cast %get3A_833 : i32 to index
      %get3A_835 = arith.index_cast %scan3A_600 : i32 to index
      %get3A_836 = arith.constant 112 : index
      %get3A_837 = tpu.vector_load %arg9[%get3A_834, %get3A_835, %get3A_836] {strides = array<i32>} : memref<2x64x128xf32, #tpu.memory_space<vmem>>, vector<1x1x16xf32>,
      %get3A_838 = vector.shape_cast %get3A_837 : vector<1x1x16xf32> to vector<16xf32>
      %bitcast_convert_type3A_839 = tpu.bitcast %get3A_838 : vector<16xf32> -> vector<16xi32>
      %add3A_840 = arith.constant 32768 : i32
      %add3A_841 = vector.broadcast %add3A_840 : i32 to vector<16xi32>
      %add3A_842 = arith.addi %bitcast_convert_type3A_839, %add3A_841 : vector<16xi32>
      %shift_right_logical3A_843 = arith.constant 16 : i32
      %shift_right_logical3A_844 = vector.broadcast %shift_right_logical3A_843 : i32 to vector<16xi32>
      %shift_right_logical3A_845 = arith.shrui %add3A_842, %shift_right_logical3A_844 : vector<16xi32>
      %get3A_846 = arith.constant 0 : i32
      %get3A_847 = arith.index_cast %get3A_846 : i32 to index
      %get3A_848 = arith.index_cast %scan3A_600 : i32 to index
      %get3A_849 = arith.constant 112 : index
      %get3A_850 = tpu.vector_load %arg10[%get3A_847, %get3A_848, %get3A_849] {strides = array<i32>} : memref<2x64x128xf32, #tpu.memory_space<vmem>>, vector<1x1x16xf32>,
      %get3A_851 = vector.shape_cast %get3A_850 : vector<1x1x16xf32> to vector<16xf32>
      %bitcast_convert_type3A_852 = tpu.bitcast %get3A_851 : vector<16xf32> -> vector<16xi32>
      %add3A_853 = arith.constant 32768 : i32
      %add3A_854 = vector.broadcast %add3A_853 : i32 to vector<16xi32>
      %add3A_855 = arith.addi %bitcast_convert_type3A_852, %add3A_854 : vector<16xi32>
      %and3A_856 = arith.constant -65536 : i32
      %and3A_857 = vector.broadcast %and3A_856 : i32 to vector<16xi32>
      %and3A_858 = arith.andi %add3A_855, %and3A_857 : vector<16xi32>
      %or3A_859 = arith.ori %shift_right_logical3A_845, %and3A_858 : vector<16xi32>
      %swap3A_860 = arith.constant 0 : i32
      %swap3A_861 = arith.index_cast %swap3A_860 : i32 to index
      %swap3A_862 = arith.index_cast %scan3A_600 : i32 to index
      %swap3A_863 = arith.constant 112 : index
      %swap3A_864 = tpu.vector_load %arg11[%swap3A_861, %swap3A_862, %swap3A_863] {strides = array<i32>} : memref<1x64x128xi32, #tpu.memory_space<vmem>>, vector<1x1x16xi32>,
      %swap3A_865 = vector.shape_cast %swap3A_864 : vector<1x1x16xi32> to vector<16xi32>
      %swap3A_866 = vector.shape_cast %or3A_859 : vector<16xi32> to vector<1x1x16xi32>
      tpu.vector_store %arg11[%swap3A_861, %swap3A_862, %swap3A_863], %swap3A_866 {strides = array<i32>} : memref<1x64x128xi32, #tpu.memory_space<vmem>>, vector<1x1x16xi32>,
    }
    %scan3A_221 = arith.constant 64 : i32
    %add3A_222 = arith.constant 128 : i32
    %add3A_223 = arith.addi %mul3A_2, %add3A_222 : i32
    %dma_start3A_224 = arith.constant 0 : i32
    %dma_start3A_225 = arith.constant 0 : i32
    %dma_start3A_226 = arith.constant 0 : i32
    %dma_start3A_227 = tpu.memref_slice %arg11[%dma_start3A_224, %dma_start3A_225, %dma_start3A_226] : memref<1x64x128xi32, #tpu.memory_space<vmem>> -> memref<1x64x128xi32, #tpu.memory_space<vmem>>
    %dma_start3A_228 = tpu.memref_squeeze %dma_start3A_227 : memref<1x64x128xi32, #tpu.memory_space<vmem>> -> memref<64x128xi32, #tpu.memory_space<vmem>>
    %dma_start3A_229 = arith.constant 0 : i32
    %dma_start3A_230 = tpu.memref_slice %arg6[%add3A_223, %dma_start3A_229] : memref<16384x128xi32, #tpu.memory_space<hbm>> -> memref<64x128xi32, #tpu.memory_space<hbm>>
    %dma_start3A_231 = arith.constant 0 : i32
    %dma_start3A_232 = tpu.memref_slice %arg6[%add3A_223, %dma_start3A_231] : memref<16384x128xi32, #tpu.memory_space<hbm>> -> memref<64x128xi32, #tpu.memory_space<hbm>>
    %dma_start3A_233 = arith.constant 0 : i32
    %dma_start3A_234 = arith.constant 0 : i32
    %dma_start3A_235 = tpu.memref_slice %arg11[%dma_start3A_224, %dma_start3A_233, %dma_start3A_234] : memref<1x64x128xi32, #tpu.memory_space<vmem>> -> memref<1x64x128xi32, #tpu.memory_space<vmem>>
    %dma_start3A_236 = tpu.memref_squeeze %dma_start3A_235 : memref<1x64x128xi32, #tpu.memory_space<vmem>> -> memref<64x128xi32, #tpu.memory_space<vmem>>
    tpu.enqueue_dma source(%dma_start3A_236 : memref<64x128xi32, #tpu.memory_space<vmem>>) target(%dma_start3A_232 : memref<64x128xi32, #tpu.memory_space<hbm>>) target_semaphore(%arg16 : memref<!tpu.dma_semaphore, #tpu.memory_space<semaphore_mem>>)
    %dma_wait3A_237 = arith.constant 1 : i32
    %dma_wait3A_238 = arith.constant 0 : i32
    %dma_wait3A_239 = arith.constant 0 : i32
    %dma_wait3A_240 = tpu.memref_slice %arg9[%dma_wait3A_237, %dma_wait3A_238, %dma_wait3A_239] : memref<2x64x128xf32, #tpu.memory_space<vmem>> -> memref<1x64x128xf32, #tpu.memory_space<vmem>>
    %dma_wait3A_241 = tpu.memref_squeeze %dma_wait3A_240 : memref<1x64x128xf32, #tpu.memory_space<vmem>> -> memref<64x128xf32, #tpu.memory_space<vmem>>
    %dma_wait3A_242 = arith.constant 192 : i32
    %dma_wait3A_243 = tpu.memref_slice %arg7[%dma_wait3A_242] : memref<512xi32, #tpu.memory_space<vmem>> -> memref<64xi32, #tpu.memory_space<vmem>>
    %dma_wait3A_244 = arith.constant 0 : i32
    %dma_wait3A_245 = arith.constant 0 : i32
    %dma_wait3A_246 = tpu.memref_slice %arg4[%dma_wait3A_244, %dma_wait3A_245] : memref<100001x128xf32, #tpu.memory_space<hbm>> -> memref<100001x128xf32, #tpu.memory_space<hbm>>
    tpu.wait_indirect_dma semaphore(%arg13 : memref<!tpu.dma_semaphore, #tpu.memory_space<semaphore_mem>>) src(%dma_wait3A_246 : memref<100001x128xf32, #tpu.memory_space<hbm>>) dst(%dma_wait3A_241 : memref<64x128xf32, #tpu.memory_space<vmem>>)
    %dma_wait3A_247 = arith.constant 1 : i32
    %dma_wait3A_248 = arith.constant 0 : i32
    %dma_wait3A_249 = arith.constant 0 : i32
    %dma_wait3A_250 = tpu.memref_slice %arg10[%dma_wait3A_247, %dma_wait3A_248, %dma_wait3A_249] : memref<2x64x128xf32, #tpu.memory_space<vmem>> -> memref<1x64x128xf32, #tpu.memory_space<vmem>>
    %dma_wait3A_251 = tpu.memref_squeeze %dma_wait3A_250 : memref<1x64x128xf32, #tpu.memory_space<vmem>> -> memref<64x128xf32, #tpu.memory_space<vmem>>
    %dma_wait3A_252 = arith.constant 192 : i32
    %dma_wait3A_253 = tpu.memref_slice %arg8[%dma_wait3A_252] : memref<512xi32, #tpu.memory_space<vmem>> -> memref<64xi32, #tpu.memory_space<vmem>>
    %dma_wait3A_254 = arith.constant 0 : i32
    %dma_wait3A_255 = arith.constant 0 : i32
    %dma_wait3A_256 = tpu.memref_slice %arg5[%dma_wait3A_254, %dma_wait3A_255] : memref<100001x128xf32, #tpu.memory_space<hbm>> -> memref<100001x128xf32, #tpu.memory_space<hbm>>
    tpu.wait_indirect_dma semaphore(%arg15 : memref<!tpu.dma_semaphore, #tpu.memory_space<semaphore_mem>>) src(%dma_wait3A_256 : memref<100001x128xf32, #tpu.memory_space<hbm>>) dst(%dma_wait3A_251 : memref<64x128xf32, #tpu.memory_space<vmem>>)
    %dma_start3A_257 = arith.constant 0 : i32
    %dma_start3A_258 = arith.constant 0 : i32
    %dma_start3A_259 = arith.constant 0 : i32
    %dma_start3A_260 = tpu.memref_slice %arg9[%dma_start3A_257, %dma_start3A_258, %dma_start3A_259] : memref<2x64x128xf32, #tpu.memory_space<vmem>> -> memref<1x64x128xf32, #tpu.memory_space<vmem>>
    %dma_start3A_261 = tpu.memref_squeeze %dma_start3A_260 : memref<1x64x128xf32, #tpu.memory_space<vmem>> -> memref<64x128xf32, #tpu.memory_space<vmem>>
    %dma_start3A_262 = arith.constant 256 : i32
    %dma_start3A_263 = tpu.memref_slice %arg7[%dma_start3A_262] : memref<512xi32, #tpu.memory_space<vmem>> -> memref<64xi32, #tpu.memory_space<vmem>>
    %dma_start3A_264 = arith.constant 0 : i32
    %dma_start3A_265 = arith.constant 0 : i32
    %dma_start3A_266 = tpu.memref_slice %arg4[%dma_start3A_264, %dma_start3A_265] : memref<100001x128xf32, #tpu.memory_space<hbm>> -> memref<100001x128xf32, #tpu.memory_space<hbm>>
    tpu.enqueue_indirect_dma source(%dma_start3A_266 : memref<100001x128xf32, #tpu.memory_space<hbm>>) target(%dma_start3A_261 : memref<64x128xf32, #tpu.memory_space<vmem>>) offsets(%dma_start3A_263 : memref<64xi32, #tpu.memory_space<vmem>>) semaphore(%arg12 : memref<!tpu.dma_semaphore, #tpu.memory_space<semaphore_mem>>)
    %dma_start3A_267 = arith.constant 0 : i32
    %dma_start3A_268 = arith.constant 0 : i32
    %dma_start3A_269 = arith.constant 0 : i32
    %dma_start3A_270 = tpu.memref_slice %arg10[%dma_start3A_267, %dma_start3A_268, %dma_start3A_269] : memref<2x64x128xf32, #tpu.memory_space<vmem>> -> memref<1x64x128xf32, #tpu.memory_space<vmem>>
    %dma_start3A_271 = tpu.memref_squeeze %dma_start3A_270 : memref<1x64x128xf32, #tpu.memory_space<vmem>> -> memref<64x128xf32, #tpu.memory_space<vmem>>
    %dma_start3A_272 = arith.constant 256 : i32
    %dma_start3A_273 = tpu.memref_slice %arg8[%dma_start3A_272] : memref<512xi32, #tpu.memory_space<vmem>> -> memref<64xi32, #tpu.memory_space<vmem>>
    %dma_start3A_274 = arith.constant 0 : i32
    %dma_start3A_275 = arith.constant 0 : i32
    %dma_start3A_276 = tpu.memref_slice %arg5[%dma_start3A_274, %dma_start3A_275] : memref<100001x128xf32, #tpu.memory_space<hbm>> -> memref<100001x128xf32, #tpu.memory_space<hbm>>
    tpu.enqueue_indirect_dma source(%dma_start3A_276 : memref<100001x128xf32, #tpu.memory_space<hbm>>) target(%dma_start3A_271 : memref<64x128xf32, #tpu.memory_space<vmem>>) offsets(%dma_start3A_273 : memref<64xi32, #tpu.memory_space<vmem>>) semaphore(%arg14 : memref<!tpu.dma_semaphore, #tpu.memory_space<semaphore_mem>>)
    %dma_wait3A_277 = arith.constant 0 : i32
    %dma_wait3A_278 = arith.constant 0 : i32
    %dma_wait3A_279 = arith.constant 0 : i32
    %dma_wait3A_280 = tpu.memref_slice %arg11[%dma_wait3A_277, %dma_wait3A_278, %dma_wait3A_279] : memref<1x64x128xi32, #tpu.memory_space<vmem>> -> memref<1x64x128xi32, #tpu.memory_space<vmem>>
    %dma_wait3A_281 = tpu.memref_squeeze %dma_wait3A_280 : memref<1x64x128xi32, #tpu.memory_space<vmem>> -> memref<64x128xi32, #tpu.memory_space<vmem>>
    %dma_wait3A_282 = arith.constant 0 : i32
    %dma_wait3A_283 = tpu.memref_slice %arg6[%add3A_223, %dma_wait3A_282] : memref<16384x128xi32, #tpu.memory_space<hbm>> -> memref<64x128xi32, #tpu.memory_space<hbm>>
    %dma_wait3A_284 = arith.constant 0 : i32
    %dma_wait3A_285 = tpu.memref_slice %arg6[%add3A_223, %dma_wait3A_284] : memref<16384x128xi32, #tpu.memory_space<hbm>> -> memref<64x128xi32, #tpu.memory_space<hbm>>
    %dma_wait3A_286 = arith.constant 0 : i32
    %dma_wait3A_287 = arith.constant 0 : i32
    %dma_wait3A_288 = tpu.memref_slice %arg11[%dma_wait3A_277, %dma_wait3A_286, %dma_wait3A_287] : memref<1x64x128xi32, #tpu.memory_space<vmem>> -> memref<1x64x128xi32, #tpu.memory_space<vmem>>
    %dma_wait3A_289 = tpu.memref_squeeze %dma_wait3A_288 : memref<1x64x128xi32, #tpu.memory_space<vmem>> -> memref<64x128xi32, #tpu.memory_space<vmem>>
    tpu.wait_dma2 semaphore(%arg16 : memref<!tpu.dma_semaphore, #tpu.memory_space<semaphore_mem>>) src(%dma_wait3A_289 : memref<64x128xi32, #tpu.memory_space<vmem>>) dst(%dma_wait3A_285 : memref<64x128xi32, #tpu.memory_space<hbm>>)
    %scan3A_290 = arith.constant 0 : i32
    %scan3A_291 = arith.constant 0 : i32
    %scan3A_292 = arith.constant 64 : i32
    %scan3A_293 = arith.addi %scan3A_291, %scan3A_292 : i32
    %scan3A_294 = arith.constant 1 : i32
    scf.for %scan3A_600 = %scan3A_291 to %scan3A_293 step %scan3A_294  : i32 {
      %get3A = arith.constant 1 : i32
      %get3A_601 = arith.index_cast %get3A : i32 to index
      %get3A_602 = arith.index_cast %scan3A_600 : i32 to index
      %get3A_603 = arith.constant 0 : index
      %get3A_604 = tpu.vector_load %arg9[%get3A_601, %get3A_602, %get3A_603] {strides = array<i32>} : memref<2x64x128xf32, #tpu.memory_space<vmem>>, vector<1x1x16xf32>,
      %get3A_605 = vector.shape_cast %get3A_604 : vector<1x1x16xf32> to vector<16xf32>
      %bitcast_convert_type3A = tpu.bitcast %get3A_605 : vector<16xf32> -> vector<16xi32>
      %add3A_606 = arith.constant 32768 : i32
      %add3A_607 = vector.broadcast %add3A_606 : i32 to vector<16xi32>
      %add3A_608 = arith.addi %bitcast_convert_type3A, %add3A_607 : vector<16xi32>
      %shift_right_logical3A = arith.constant 16 : i32
      %shift_right_logical3A_609 = vector.broadcast %shift_right_logical3A : i32 to vector<16xi32>
      %shift_right_logical3A_610 = arith.shrui %add3A_608, %shift_right_logical3A_609 : vector<16xi32>
      %get3A_611 = arith.constant 1 : i32
      %get3A_612 = arith.index_cast %get3A_611 : i32 to index
      %get3A_613 = arith.index_cast %scan3A_600 : i32 to index
      %get3A_614 = arith.constant 0 : index
      %get3A_615 = tpu.vector_load %arg10[%get3A_612, %get3A_613, %get3A_614] {strides = array<i32>} : memref<2x64x128xf32, #tpu.memory_space<vmem>>, vector<1x1x16xf32>,
      %get3A_616 = vector.shape_cast %get3A_615 : vector<1x1x16xf32> to vector<16xf32>
      %bitcast_convert_type3A_617 = tpu.bitcast %get3A_616 : vector<16xf32> -> vector<16xi32>
      %add3A_618 = arith.constant 32768 : i32
      %add3A_619 = vector.broadcast %add3A_618 : i32 to vector<16xi32>
      %add3A_620 = arith.addi %bitcast_convert_type3A_617, %add3A_619 : vector<16xi32>
      %and3A = arith.constant -65536 : i32
      %and3A_621 = vector.broadcast %and3A : i32 to vector<16xi32>
      %and3A_622 = arith.andi %add3A_620, %and3A_621 : vector<16xi32>
      %or3A = arith.ori %shift_right_logical3A_610, %and3A_622 : vector<16xi32>
      %swap3A = arith.constant 0 : i32
      %swap3A_623 = arith.index_cast %swap3A : i32 to index
      %swap3A_624 = arith.index_cast %scan3A_600 : i32 to index
      %swap3A_625 = arith.constant 0 : index
      %swap3A_626 = tpu.vector_load %arg11[%swap3A_623, %swap3A_624, %swap3A_625] {strides = array<i32>} : memref<1x64x128xi32, #tpu.memory_space<vmem>>, vector<1x1x16xi32>,
      %swap3A_627 = vector.shape_cast %swap3A_626 : vector<1x1x16xi32> to vector<16xi32>
      %swap3A_628 = vector.shape_cast %or3A : vector<16xi32> to vector<1x1x16xi32>
      tpu.vector_store %arg11[%swap3A_623, %swap3A_624, %swap3A_625], %swap3A_628 {strides = array<i32>} : memref<1x64x128xi32, #tpu.memory_space<vmem>>, vector<1x1x16xi32>,
      %get3A_629 = arith.constant 1 : i32
      %get3A_630 = arith.index_cast %get3A_629 : i32 to index
      %get3A_631 = arith.index_cast %scan3A_600 : i32 to index
      %get3A_632 = arith.constant 16 : index
      %get3A_633 = tpu.vector_load %arg9[%get3A_630, %get3A_631, %get3A_632] {strides = array<i32>} : memref<2x64x128xf32, #tpu.memory_space<vmem>>, vector<1x1x16xf32>,
      %get3A_634 = vector.shape_cast %get3A_633 : vector<1x1x16xf32> to vector<16xf32>
      %bitcast_convert_type3A_635 = tpu.bitcast %get3A_634 : vector<16xf32> -> vector<16xi32>
      %add3A_636 = arith.constant 32768 : i32
      %add3A_637 = vector.broadcast %add3A_636 : i32 to vector<16xi32>
      %add3A_638 = arith.addi %bitcast_convert_type3A_635, %add3A_637 : vector<16xi32>
      %shift_right_logical3A_639 = arith.constant 16 : i32
      %shift_right_logical3A_640 = vector.broadcast %shift_right_logical3A_639 : i32 to vector<16xi32>
      %shift_right_logical3A_641 = arith.shrui %add3A_638, %shift_right_logical3A_640 : vector<16xi32>
      %get3A_642 = arith.constant 1 : i32
      %get3A_643 = arith.index_cast %get3A_642 : i32 to index
      %get3A_644 = arith.index_cast %scan3A_600 : i32 to index
      %get3A_645 = arith.constant 16 : index
      %get3A_646 = tpu.vector_load %arg10[%get3A_643, %get3A_644, %get3A_645] {strides = array<i32>} : memref<2x64x128xf32, #tpu.memory_space<vmem>>, vector<1x1x16xf32>,
      %get3A_647 = vector.shape_cast %get3A_646 : vector<1x1x16xf32> to vector<16xf32>
      %bitcast_convert_type3A_648 = tpu.bitcast %get3A_647 : vector<16xf32> -> vector<16xi32>
      %add3A_649 = arith.constant 32768 : i32
      %add3A_650 = vector.broadcast %add3A_649 : i32 to vector<16xi32>
      %add3A_651 = arith.addi %bitcast_convert_type3A_648, %add3A_650 : vector<16xi32>
      %and3A_652 = arith.constant -65536 : i32
      %and3A_653 = vector.broadcast %and3A_652 : i32 to vector<16xi32>
      %and3A_654 = arith.andi %add3A_651, %and3A_653 : vector<16xi32>
      %or3A_655 = arith.ori %shift_right_logical3A_641, %and3A_654 : vector<16xi32>
      %swap3A_656 = arith.constant 0 : i32
      %swap3A_657 = arith.index_cast %swap3A_656 : i32 to index
      %swap3A_658 = arith.index_cast %scan3A_600 : i32 to index
      %swap3A_659 = arith.constant 16 : index
      %swap3A_660 = tpu.vector_load %arg11[%swap3A_657, %swap3A_658, %swap3A_659] {strides = array<i32>} : memref<1x64x128xi32, #tpu.memory_space<vmem>>, vector<1x1x16xi32>,
      %swap3A_661 = vector.shape_cast %swap3A_660 : vector<1x1x16xi32> to vector<16xi32>
      %swap3A_662 = vector.shape_cast %or3A_655 : vector<16xi32> to vector<1x1x16xi32>
      tpu.vector_store %arg11[%swap3A_657, %swap3A_658, %swap3A_659], %swap3A_662 {strides = array<i32>} : memref<1x64x128xi32, #tpu.memory_space<vmem>>, vector<1x1x16xi32>,
      %get3A_663 = arith.constant 1 : i32
      %get3A_664 = arith.index_cast %get3A_663 : i32 to index
      %get3A_665 = arith.index_cast %scan3A_600 : i32 to index
      %get3A_666 = arith.constant 32 : index
      %get3A_667 = tpu.vector_load %arg9[%get3A_664, %get3A_665, %get3A_666] {strides = array<i32>} : memref<2x64x128xf32, #tpu.memory_space<vmem>>, vector<1x1x16xf32>,
      %get3A_668 = vector.shape_cast %get3A_667 : vector<1x1x16xf32> to vector<16xf32>
      %bitcast_convert_type3A_669 = tpu.bitcast %get3A_668 : vector<16xf32> -> vector<16xi32>
      %add3A_670 = arith.constant 32768 : i32
      %add3A_671 = vector.broadcast %add3A_670 : i32 to vector<16xi32>
      %add3A_672 = arith.addi %bitcast_convert_type3A_669, %add3A_671 : vector<16xi32>
      %shift_right_logical3A_673 = arith.constant 16 : i32
      %shift_right_logical3A_674 = vector.broadcast %shift_right_logical3A_673 : i32 to vector<16xi32>
      %shift_right_logical3A_675 = arith.shrui %add3A_672, %shift_right_logical3A_674 : vector<16xi32>
      %get3A_676 = arith.constant 1 : i32
      %get3A_677 = arith.index_cast %get3A_676 : i32 to index
      %get3A_678 = arith.index_cast %scan3A_600 : i32 to index
      %get3A_679 = arith.constant 32 : index
      %get3A_680 = tpu.vector_load %arg10[%get3A_677, %get3A_678, %get3A_679] {strides = array<i32>} : memref<2x64x128xf32, #tpu.memory_space<vmem>>, vector<1x1x16xf32>,
      %get3A_681 = vector.shape_cast %get3A_680 : vector<1x1x16xf32> to vector<16xf32>
      %bitcast_convert_type3A_682 = tpu.bitcast %get3A_681 : vector<16xf32> -> vector<16xi32>
      %add3A_683 = arith.constant 32768 : i32
      %add3A_684 = vector.broadcast %add3A_683 : i32 to vector<16xi32>
      %add3A_685 = arith.addi %bitcast_convert_type3A_682, %add3A_684 : vector<16xi32>
      %and3A_686 = arith.constant -65536 : i32
      %and3A_687 = vector.broadcast %and3A_686 : i32 to vector<16xi32>
      %and3A_688 = arith.andi %add3A_685, %and3A_687 : vector<16xi32>
      %or3A_689 = arith.ori %shift_right_logical3A_675, %and3A_688 : vector<16xi32>
      %swap3A_690 = arith.constant 0 : i32
      %swap3A_691 = arith.index_cast %swap3A_690 : i32 to index
      %swap3A_692 = arith.index_cast %scan3A_600 : i32 to index
      %swap3A_693 = arith.constant 32 : index
      %swap3A_694 = tpu.vector_load %arg11[%swap3A_691, %swap3A_692, %swap3A_693] {strides = array<i32>} : memref<1x64x128xi32, #tpu.memory_space<vmem>>, vector<1x1x16xi32>,
      %swap3A_695 = vector.shape_cast %swap3A_694 : vector<1x1x16xi32> to vector<16xi32>
      %swap3A_696 = vector.shape_cast %or3A_689 : vector<16xi32> to vector<1x1x16xi32>
      tpu.vector_store %arg11[%swap3A_691, %swap3A_692, %swap3A_693], %swap3A_696 {strides = array<i32>} : memref<1x64x128xi32, #tpu.memory_space<vmem>>, vector<1x1x16xi32>,
      %get3A_697 = arith.constant 1 : i32
      %get3A_698 = arith.index_cast %get3A_697 : i32 to index
      %get3A_699 = arith.index_cast %scan3A_600 : i32 to index
      %get3A_700 = arith.constant 48 : index
      %get3A_701 = tpu.vector_load %arg9[%get3A_698, %get3A_699, %get3A_700] {strides = array<i32>} : memref<2x64x128xf32, #tpu.memory_space<vmem>>, vector<1x1x16xf32>,
      %get3A_702 = vector.shape_cast %get3A_701 : vector<1x1x16xf32> to vector<16xf32>
      %bitcast_convert_type3A_703 = tpu.bitcast %get3A_702 : vector<16xf32> -> vector<16xi32>
      %add3A_704 = arith.constant 32768 : i32
      %add3A_705 = vector.broadcast %add3A_704 : i32 to vector<16xi32>
      %add3A_706 = arith.addi %bitcast_convert_type3A_703, %add3A_705 : vector<16xi32>
      %shift_right_logical3A_707 = arith.constant 16 : i32
      %shift_right_logical3A_708 = vector.broadcast %shift_right_logical3A_707 : i32 to vector<16xi32>
      %shift_right_logical3A_709 = arith.shrui %add3A_706, %shift_right_logical3A_708 : vector<16xi32>
      %get3A_710 = arith.constant 1 : i32
      %get3A_711 = arith.index_cast %get3A_710 : i32 to index
      %get3A_712 = arith.index_cast %scan3A_600 : i32 to index
      %get3A_713 = arith.constant 48 : index
      %get3A_714 = tpu.vector_load %arg10[%get3A_711, %get3A_712, %get3A_713] {strides = array<i32>} : memref<2x64x128xf32, #tpu.memory_space<vmem>>, vector<1x1x16xf32>,
      %get3A_715 = vector.shape_cast %get3A_714 : vector<1x1x16xf32> to vector<16xf32>
      %bitcast_convert_type3A_716 = tpu.bitcast %get3A_715 : vector<16xf32> -> vector<16xi32>
      %add3A_717 = arith.constant 32768 : i32
      %add3A_718 = vector.broadcast %add3A_717 : i32 to vector<16xi32>
      %add3A_719 = arith.addi %bitcast_convert_type3A_716, %add3A_718 : vector<16xi32>
      %and3A_720 = arith.constant -65536 : i32
      %and3A_721 = vector.broadcast %and3A_720 : i32 to vector<16xi32>
      %and3A_722 = arith.andi %add3A_719, %and3A_721 : vector<16xi32>
      %or3A_723 = arith.ori %shift_right_logical3A_709, %and3A_722 : vector<16xi32>
      %swap3A_724 = arith.constant 0 : i32
      %swap3A_725 = arith.index_cast %swap3A_724 : i32 to index
      %swap3A_726 = arith.index_cast %scan3A_600 : i32 to index
      %swap3A_727 = arith.constant 48 : index
      %swap3A_728 = tpu.vector_load %arg11[%swap3A_725, %swap3A_726, %swap3A_727] {strides = array<i32>} : memref<1x64x128xi32, #tpu.memory_space<vmem>>, vector<1x1x16xi32>,
      %swap3A_729 = vector.shape_cast %swap3A_728 : vector<1x1x16xi32> to vector<16xi32>
      %swap3A_730 = vector.shape_cast %or3A_723 : vector<16xi32> to vector<1x1x16xi32>
      tpu.vector_store %arg11[%swap3A_725, %swap3A_726, %swap3A_727], %swap3A_730 {strides = array<i32>} : memref<1x64x128xi32, #tpu.memory_space<vmem>>, vector<1x1x16xi32>,
      %get3A_731 = arith.constant 1 : i32
      %get3A_732 = arith.index_cast %get3A_731 : i32 to index
      %get3A_733 = arith.index_cast %scan3A_600 : i32 to index
      %get3A_734 = arith.constant 64 : index
      %get3A_735 = tpu.vector_load %arg9[%get3A_732, %get3A_733, %get3A_734] {strides = array<i32>} : memref<2x64x128xf32, #tpu.memory_space<vmem>>, vector<1x1x16xf32>,
      %get3A_736 = vector.shape_cast %get3A_735 : vector<1x1x16xf32> to vector<16xf32>
      %bitcast_convert_type3A_737 = tpu.bitcast %get3A_736 : vector<16xf32> -> vector<16xi32>
      %add3A_738 = arith.constant 32768 : i32
      %add3A_739 = vector.broadcast %add3A_738 : i32 to vector<16xi32>
      %add3A_740 = arith.addi %bitcast_convert_type3A_737, %add3A_739 : vector<16xi32>
      %shift_right_logical3A_741 = arith.constant 16 : i32
      %shift_right_logical3A_742 = vector.broadcast %shift_right_logical3A_741 : i32 to vector<16xi32>
      %shift_right_logical3A_743 = arith.shrui %add3A_740, %shift_right_logical3A_742 : vector<16xi32>
      %get3A_744 = arith.constant 1 : i32
      %get3A_745 = arith.index_cast %get3A_744 : i32 to index
      %get3A_746 = arith.index_cast %scan3A_600 : i32 to index
      %get3A_747 = arith.constant 64 : index
      %get3A_748 = tpu.vector_load %arg10[%get3A_745, %get3A_746, %get3A_747] {strides = array<i32>} : memref<2x64x128xf32, #tpu.memory_space<vmem>>, vector<1x1x16xf32>,
      %get3A_749 = vector.shape_cast %get3A_748 : vector<1x1x16xf32> to vector<16xf32>
      %bitcast_convert_type3A_750 = tpu.bitcast %get3A_749 : vector<16xf32> -> vector<16xi32>
      %add3A_751 = arith.constant 32768 : i32
      %add3A_752 = vector.broadcast %add3A_751 : i32 to vector<16xi32>
      %add3A_753 = arith.addi %bitcast_convert_type3A_750, %add3A_752 : vector<16xi32>
      %and3A_754 = arith.constant -65536 : i32
      %and3A_755 = vector.broadcast %and3A_754 : i32 to vector<16xi32>
      %and3A_756 = arith.andi %add3A_753, %and3A_755 : vector<16xi32>
      %or3A_757 = arith.ori %shift_right_logical3A_743, %and3A_756 : vector<16xi32>
      %swap3A_758 = arith.constant 0 : i32
      %swap3A_759 = arith.index_cast %swap3A_758 : i32 to index
      %swap3A_760 = arith.index_cast %scan3A_600 : i32 to index
      %swap3A_761 = arith.constant 64 : index
      %swap3A_762 = tpu.vector_load %arg11[%swap3A_759, %swap3A_760, %swap3A_761] {strides = array<i32>} : memref<1x64x128xi32, #tpu.memory_space<vmem>>, vector<1x1x16xi32>,
      %swap3A_763 = vector.shape_cast %swap3A_762 : vector<1x1x16xi32> to vector<16xi32>
      %swap3A_764 = vector.shape_cast %or3A_757 : vector<16xi32> to vector<1x1x16xi32>
      tpu.vector_store %arg11[%swap3A_759, %swap3A_760, %swap3A_761], %swap3A_764 {strides = array<i32>} : memref<1x64x128xi32, #tpu.memory_space<vmem>>, vector<1x1x16xi32>,
      %get3A_765 = arith.constant 1 : i32
      %get3A_766 = arith.index_cast %get3A_765 : i32 to index
      %get3A_767 = arith.index_cast %scan3A_600 : i32 to index
      %get3A_768 = arith.constant 80 : index
      %get3A_769 = tpu.vector_load %arg9[%get3A_766, %get3A_767, %get3A_768] {strides = array<i32>} : memref<2x64x128xf32, #tpu.memory_space<vmem>>, vector<1x1x16xf32>,
      %get3A_770 = vector.shape_cast %get3A_769 : vector<1x1x16xf32> to vector<16xf32>
      %bitcast_convert_type3A_771 = tpu.bitcast %get3A_770 : vector<16xf32> -> vector<16xi32>
      %add3A_772 = arith.constant 32768 : i32
      %add3A_773 = vector.broadcast %add3A_772 : i32 to vector<16xi32>
      %add3A_774 = arith.addi %bitcast_convert_type3A_771, %add3A_773 : vector<16xi32>
      %shift_right_logical3A_775 = arith.constant 16 : i32
      %shift_right_logical3A_776 = vector.broadcast %shift_right_logical3A_775 : i32 to vector<16xi32>
      %shift_right_logical3A_777 = arith.shrui %add3A_774, %shift_right_logical3A_776 : vector<16xi32>
      %get3A_778 = arith.constant 1 : i32
      %get3A_779 = arith.index_cast %get3A_778 : i32 to index
      %get3A_780 = arith.index_cast %scan3A_600 : i32 to index
      %get3A_781 = arith.constant 80 : index
      %get3A_782 = tpu.vector_load %arg10[%get3A_779, %get3A_780, %get3A_781] {strides = array<i32>} : memref<2x64x128xf32, #tpu.memory_space<vmem>>, vector<1x1x16xf32>,
      %get3A_783 = vector.shape_cast %get3A_782 : vector<1x1x16xf32> to vector<16xf32>
      %bitcast_convert_type3A_784 = tpu.bitcast %get3A_783 : vector<16xf32> -> vector<16xi32>
      %add3A_785 = arith.constant 32768 : i32
      %add3A_786 = vector.broadcast %add3A_785 : i32 to vector<16xi32>
      %add3A_787 = arith.addi %bitcast_convert_type3A_784, %add3A_786 : vector<16xi32>
      %and3A_788 = arith.constant -65536 : i32
      %and3A_789 = vector.broadcast %and3A_788 : i32 to vector<16xi32>
      %and3A_790 = arith.andi %add3A_787, %and3A_789 : vector<16xi32>
      %or3A_791 = arith.ori %shift_right_logical3A_777, %and3A_790 : vector<16xi32>
      %swap3A_792 = arith.constant 0 : i32
      %swap3A_793 = arith.index_cast %swap3A_792 : i32 to index
      %swap3A_794 = arith.index_cast %scan3A_600 : i32 to index
      %swap3A_795 = arith.constant 80 : index
      %swap3A_796 = tpu.vector_load %arg11[%swap3A_793, %swap3A_794, %swap3A_795] {strides = array<i32>} : memref<1x64x128xi32, #tpu.memory_space<vmem>>, vector<1x1x16xi32>,
      %swap3A_797 = vector.shape_cast %swap3A_796 : vector<1x1x16xi32> to vector<16xi32>
      %swap3A_798 = vector.shape_cast %or3A_791 : vector<16xi32> to vector<1x1x16xi32>
      tpu.vector_store %arg11[%swap3A_793, %swap3A_794, %swap3A_795], %swap3A_798 {strides = array<i32>} : memref<1x64x128xi32, #tpu.memory_space<vmem>>, vector<1x1x16xi32>,
      %get3A_799 = arith.constant 1 : i32
      %get3A_800 = arith.index_cast %get3A_799 : i32 to index
      %get3A_801 = arith.index_cast %scan3A_600 : i32 to index
      %get3A_802 = arith.constant 96 : index
      %get3A_803 = tpu.vector_load %arg9[%get3A_800, %get3A_801, %get3A_802] {strides = array<i32>} : memref<2x64x128xf32, #tpu.memory_space<vmem>>, vector<1x1x16xf32>,
      %get3A_804 = vector.shape_cast %get3A_803 : vector<1x1x16xf32> to vector<16xf32>
      %bitcast_convert_type3A_805 = tpu.bitcast %get3A_804 : vector<16xf32> -> vector<16xi32>
      %add3A_806 = arith.constant 32768 : i32
      %add3A_807 = vector.broadcast %add3A_806 : i32 to vector<16xi32>
      %add3A_808 = arith.addi %bitcast_convert_type3A_805, %add3A_807 : vector<16xi32>
      %shift_right_logical3A_809 = arith.constant 16 : i32
      %shift_right_logical3A_810 = vector.broadcast %shift_right_logical3A_809 : i32 to vector<16xi32>
      %shift_right_logical3A_811 = arith.shrui %add3A_808, %shift_right_logical3A_810 : vector<16xi32>
      %get3A_812 = arith.constant 1 : i32
      %get3A_813 = arith.index_cast %get3A_812 : i32 to index
      %get3A_814 = arith.index_cast %scan3A_600 : i32 to index
      %get3A_815 = arith.constant 96 : index
      %get3A_816 = tpu.vector_load %arg10[%get3A_813, %get3A_814, %get3A_815] {strides = array<i32>} : memref<2x64x128xf32, #tpu.memory_space<vmem>>, vector<1x1x16xf32>,
      %get3A_817 = vector.shape_cast %get3A_816 : vector<1x1x16xf32> to vector<16xf32>
      %bitcast_convert_type3A_818 = tpu.bitcast %get3A_817 : vector<16xf32> -> vector<16xi32>
      %add3A_819 = arith.constant 32768 : i32
      %add3A_820 = vector.broadcast %add3A_819 : i32 to vector<16xi32>
      %add3A_821 = arith.addi %bitcast_convert_type3A_818, %add3A_820 : vector<16xi32>
      %and3A_822 = arith.constant -65536 : i32
      %and3A_823 = vector.broadcast %and3A_822 : i32 to vector<16xi32>
      %and3A_824 = arith.andi %add3A_821, %and3A_823 : vector<16xi32>
      %or3A_825 = arith.ori %shift_right_logical3A_811, %and3A_824 : vector<16xi32>
      %swap3A_826 = arith.constant 0 : i32
      %swap3A_827 = arith.index_cast %swap3A_826 : i32 to index
      %swap3A_828 = arith.index_cast %scan3A_600 : i32 to index
      %swap3A_829 = arith.constant 96 : index
      %swap3A_830 = tpu.vector_load %arg11[%swap3A_827, %swap3A_828, %swap3A_829] {strides = array<i32>} : memref<1x64x128xi32, #tpu.memory_space<vmem>>, vector<1x1x16xi32>,
      %swap3A_831 = vector.shape_cast %swap3A_830 : vector<1x1x16xi32> to vector<16xi32>
      %swap3A_832 = vector.shape_cast %or3A_825 : vector<16xi32> to vector<1x1x16xi32>
      tpu.vector_store %arg11[%swap3A_827, %swap3A_828, %swap3A_829], %swap3A_832 {strides = array<i32>} : memref<1x64x128xi32, #tpu.memory_space<vmem>>, vector<1x1x16xi32>,
      %get3A_833 = arith.constant 1 : i32
      %get3A_834 = arith.index_cast %get3A_833 : i32 to index
      %get3A_835 = arith.index_cast %scan3A_600 : i32 to index
      %get3A_836 = arith.constant 112 : index
      %get3A_837 = tpu.vector_load %arg9[%get3A_834, %get3A_835, %get3A_836] {strides = array<i32>} : memref<2x64x128xf32, #tpu.memory_space<vmem>>, vector<1x1x16xf32>,
      %get3A_838 = vector.shape_cast %get3A_837 : vector<1x1x16xf32> to vector<16xf32>
      %bitcast_convert_type3A_839 = tpu.bitcast %get3A_838 : vector<16xf32> -> vector<16xi32>
      %add3A_840 = arith.constant 32768 : i32
      %add3A_841 = vector.broadcast %add3A_840 : i32 to vector<16xi32>
      %add3A_842 = arith.addi %bitcast_convert_type3A_839, %add3A_841 : vector<16xi32>
      %shift_right_logical3A_843 = arith.constant 16 : i32
      %shift_right_logical3A_844 = vector.broadcast %shift_right_logical3A_843 : i32 to vector<16xi32>
      %shift_right_logical3A_845 = arith.shrui %add3A_842, %shift_right_logical3A_844 : vector<16xi32>
      %get3A_846 = arith.constant 1 : i32
      %get3A_847 = arith.index_cast %get3A_846 : i32 to index
      %get3A_848 = arith.index_cast %scan3A_600 : i32 to index
      %get3A_849 = arith.constant 112 : index
      %get3A_850 = tpu.vector_load %arg10[%get3A_847, %get3A_848, %get3A_849] {strides = array<i32>} : memref<2x64x128xf32, #tpu.memory_space<vmem>>, vector<1x1x16xf32>,
      %get3A_851 = vector.shape_cast %get3A_850 : vector<1x1x16xf32> to vector<16xf32>
      %bitcast_convert_type3A_852 = tpu.bitcast %get3A_851 : vector<16xf32> -> vector<16xi32>
      %add3A_853 = arith.constant 32768 : i32
      %add3A_854 = vector.broadcast %add3A_853 : i32 to vector<16xi32>
      %add3A_855 = arith.addi %bitcast_convert_type3A_852, %add3A_854 : vector<16xi32>
      %and3A_856 = arith.constant -65536 : i32
      %and3A_857 = vector.broadcast %and3A_856 : i32 to vector<16xi32>
      %and3A_858 = arith.andi %add3A_855, %and3A_857 : vector<16xi32>
      %or3A_859 = arith.ori %shift_right_logical3A_845, %and3A_858 : vector<16xi32>
      %swap3A_860 = arith.constant 0 : i32
      %swap3A_861 = arith.index_cast %swap3A_860 : i32 to index
      %swap3A_862 = arith.index_cast %scan3A_600 : i32 to index
      %swap3A_863 = arith.constant 112 : index
      %swap3A_864 = tpu.vector_load %arg11[%swap3A_861, %swap3A_862, %swap3A_863] {strides = array<i32>} : memref<1x64x128xi32, #tpu.memory_space<vmem>>, vector<1x1x16xi32>,
      %swap3A_865 = vector.shape_cast %swap3A_864 : vector<1x1x16xi32> to vector<16xi32>
      %swap3A_866 = vector.shape_cast %or3A_859 : vector<16xi32> to vector<1x1x16xi32>
      tpu.vector_store %arg11[%swap3A_861, %swap3A_862, %swap3A_863], %swap3A_866 {strides = array<i32>} : memref<1x64x128xi32, #tpu.memory_space<vmem>>, vector<1x1x16xi32>,
    }
    %scan3A_295 = arith.constant 64 : i32
    %add3A_296 = arith.constant 192 : i32
    %add3A_297 = arith.addi %mul3A_2, %add3A_296 : i32
    %dma_start3A_298 = arith.constant 0 : i32
    %dma_start3A_299 = arith.constant 0 : i32
    %dma_start3A_300 = arith.constant 0 : i32
    %dma_start3A_301 = tpu.memref_slice %arg11[%dma_start3A_298, %dma_start3A_299, %dma_start3A_300] : memref<1x64x128xi32, #tpu.memory_space<vmem>> -> memref<1x64x128xi32, #tpu.memory_space<vmem>>
    %dma_start3A_302 = tpu.memref_squeeze %dma_start3A_301 : memref<1x64x128xi32, #tpu.memory_space<vmem>> -> memref<64x128xi32, #tpu.memory_space<vmem>>
    %dma_start3A_303 = arith.constant 0 : i32
    %dma_start3A_304 = tpu.memref_slice %arg6[%add3A_297, %dma_start3A_303] : memref<16384x128xi32, #tpu.memory_space<hbm>> -> memref<64x128xi32, #tpu.memory_space<hbm>>
    %dma_start3A_305 = arith.constant 0 : i32
    %dma_start3A_306 = tpu.memref_slice %arg6[%add3A_297, %dma_start3A_305] : memref<16384x128xi32, #tpu.memory_space<hbm>> -> memref<64x128xi32, #tpu.memory_space<hbm>>
    %dma_start3A_307 = arith.constant 0 : i32
    %dma_start3A_308 = arith.constant 0 : i32
    %dma_start3A_309 = tpu.memref_slice %arg11[%dma_start3A_298, %dma_start3A_307, %dma_start3A_308] : memref<1x64x128xi32, #tpu.memory_space<vmem>> -> memref<1x64x128xi32, #tpu.memory_space<vmem>>
    %dma_start3A_310 = tpu.memref_squeeze %dma_start3A_309 : memref<1x64x128xi32, #tpu.memory_space<vmem>> -> memref<64x128xi32, #tpu.memory_space<vmem>>
    tpu.enqueue_dma source(%dma_start3A_310 : memref<64x128xi32, #tpu.memory_space<vmem>>) target(%dma_start3A_306 : memref<64x128xi32, #tpu.memory_space<hbm>>) target_semaphore(%arg16 : memref<!tpu.dma_semaphore, #tpu.memory_space<semaphore_mem>>)
    %dma_wait3A_311 = arith.constant 0 : i32
    %dma_wait3A_312 = arith.constant 0 : i32
    %dma_wait3A_313 = arith.constant 0 : i32
    %dma_wait3A_314 = tpu.memref_slice %arg9[%dma_wait3A_311, %dma_wait3A_312, %dma_wait3A_313] : memref<2x64x128xf32, #tpu.memory_space<vmem>> -> memref<1x64x128xf32, #tpu.memory_space<vmem>>
    %dma_wait3A_315 = tpu.memref_squeeze %dma_wait3A_314 : memref<1x64x128xf32, #tpu.memory_space<vmem>> -> memref<64x128xf32, #tpu.memory_space<vmem>>
    %dma_wait3A_316 = arith.constant 256 : i32
    %dma_wait3A_317 = tpu.memref_slice %arg7[%dma_wait3A_316] : memref<512xi32, #tpu.memory_space<vmem>> -> memref<64xi32, #tpu.memory_space<vmem>>
    %dma_wait3A_318 = arith.constant 0 : i32
    %dma_wait3A_319 = arith.constant 0 : i32
    %dma_wait3A_320 = tpu.memref_slice %arg4[%dma_wait3A_318, %dma_wait3A_319] : memref<100001x128xf32, #tpu.memory_space<hbm>> -> memref<100001x128xf32, #tpu.memory_space<hbm>>
    tpu.wait_indirect_dma semaphore(%arg12 : memref<!tpu.dma_semaphore, #tpu.memory_space<semaphore_mem>>) src(%dma_wait3A_320 : memref<100001x128xf32, #tpu.memory_space<hbm>>) dst(%dma_wait3A_315 : memref<64x128xf32, #tpu.memory_space<vmem>>)
    %dma_wait3A_321 = arith.constant 0 : i32
    %dma_wait3A_322 = arith.constant 0 : i32
    %dma_wait3A_323 = arith.constant 0 : i32
    %dma_wait3A_324 = tpu.memref_slice %arg10[%dma_wait3A_321, %dma_wait3A_322, %dma_wait3A_323] : memref<2x64x128xf32, #tpu.memory_space<vmem>> -> memref<1x64x128xf32, #tpu.memory_space<vmem>>
    %dma_wait3A_325 = tpu.memref_squeeze %dma_wait3A_324 : memref<1x64x128xf32, #tpu.memory_space<vmem>> -> memref<64x128xf32, #tpu.memory_space<vmem>>
    %dma_wait3A_326 = arith.constant 256 : i32
    %dma_wait3A_327 = tpu.memref_slice %arg8[%dma_wait3A_326] : memref<512xi32, #tpu.memory_space<vmem>> -> memref<64xi32, #tpu.memory_space<vmem>>
    %dma_wait3A_328 = arith.constant 0 : i32
    %dma_wait3A_329 = arith.constant 0 : i32
    %dma_wait3A_330 = tpu.memref_slice %arg5[%dma_wait3A_328, %dma_wait3A_329] : memref<100001x128xf32, #tpu.memory_space<hbm>> -> memref<100001x128xf32, #tpu.memory_space<hbm>>
    tpu.wait_indirect_dma semaphore(%arg14 : memref<!tpu.dma_semaphore, #tpu.memory_space<semaphore_mem>>) src(%dma_wait3A_330 : memref<100001x128xf32, #tpu.memory_space<hbm>>) dst(%dma_wait3A_325 : memref<64x128xf32, #tpu.memory_space<vmem>>)
    %dma_start3A_331 = arith.constant 1 : i32
    %dma_start3A_332 = arith.constant 0 : i32
    %dma_start3A_333 = arith.constant 0 : i32
    %dma_start3A_334 = tpu.memref_slice %arg9[%dma_start3A_331, %dma_start3A_332, %dma_start3A_333] : memref<2x64x128xf32, #tpu.memory_space<vmem>> -> memref<1x64x128xf32, #tpu.memory_space<vmem>>
    %dma_start3A_335 = tpu.memref_squeeze %dma_start3A_334 : memref<1x64x128xf32, #tpu.memory_space<vmem>> -> memref<64x128xf32, #tpu.memory_space<vmem>>
    %dma_start3A_336 = arith.constant 320 : i32
    %dma_start3A_337 = tpu.memref_slice %arg7[%dma_start3A_336] : memref<512xi32, #tpu.memory_space<vmem>> -> memref<64xi32, #tpu.memory_space<vmem>>
    %dma_start3A_338 = arith.constant 0 : i32
    %dma_start3A_339 = arith.constant 0 : i32
    %dma_start3A_340 = tpu.memref_slice %arg4[%dma_start3A_338, %dma_start3A_339] : memref<100001x128xf32, #tpu.memory_space<hbm>> -> memref<100001x128xf32, #tpu.memory_space<hbm>>
    tpu.enqueue_indirect_dma source(%dma_start3A_340 : memref<100001x128xf32, #tpu.memory_space<hbm>>) target(%dma_start3A_335 : memref<64x128xf32, #tpu.memory_space<vmem>>) offsets(%dma_start3A_337 : memref<64xi32, #tpu.memory_space<vmem>>) semaphore(%arg13 : memref<!tpu.dma_semaphore, #tpu.memory_space<semaphore_mem>>)
    %dma_start3A_341 = arith.constant 1 : i32
    %dma_start3A_342 = arith.constant 0 : i32
    %dma_start3A_343 = arith.constant 0 : i32
    %dma_start3A_344 = tpu.memref_slice %arg10[%dma_start3A_341, %dma_start3A_342, %dma_start3A_343] : memref<2x64x128xf32, #tpu.memory_space<vmem>> -> memref<1x64x128xf32, #tpu.memory_space<vmem>>
    %dma_start3A_345 = tpu.memref_squeeze %dma_start3A_344 : memref<1x64x128xf32, #tpu.memory_space<vmem>> -> memref<64x128xf32, #tpu.memory_space<vmem>>
    %dma_start3A_346 = arith.constant 320 : i32
    %dma_start3A_347 = tpu.memref_slice %arg8[%dma_start3A_346] : memref<512xi32, #tpu.memory_space<vmem>> -> memref<64xi32, #tpu.memory_space<vmem>>
    %dma_start3A_348 = arith.constant 0 : i32
    %dma_start3A_349 = arith.constant 0 : i32
    %dma_start3A_350 = tpu.memref_slice %arg5[%dma_start3A_348, %dma_start3A_349] : memref<100001x128xf32, #tpu.memory_space<hbm>> -> memref<100001x128xf32, #tpu.memory_space<hbm>>
    tpu.enqueue_indirect_dma source(%dma_start3A_350 : memref<100001x128xf32, #tpu.memory_space<hbm>>) target(%dma_start3A_345 : memref<64x128xf32, #tpu.memory_space<vmem>>) offsets(%dma_start3A_347 : memref<64xi32, #tpu.memory_space<vmem>>) semaphore(%arg15 : memref<!tpu.dma_semaphore, #tpu.memory_space<semaphore_mem>>)
    %dma_wait3A_351 = arith.constant 0 : i32
    %dma_wait3A_352 = arith.constant 0 : i32
    %dma_wait3A_353 = arith.constant 0 : i32
    %dma_wait3A_354 = tpu.memref_slice %arg11[%dma_wait3A_351, %dma_wait3A_352, %dma_wait3A_353] : memref<1x64x128xi32, #tpu.memory_space<vmem>> -> memref<1x64x128xi32, #tpu.memory_space<vmem>>
    %dma_wait3A_355 = tpu.memref_squeeze %dma_wait3A_354 : memref<1x64x128xi32, #tpu.memory_space<vmem>> -> memref<64x128xi32, #tpu.memory_space<vmem>>
    %dma_wait3A_356 = arith.constant 0 : i32
    %dma_wait3A_357 = tpu.memref_slice %arg6[%add3A_297, %dma_wait3A_356] : memref<16384x128xi32, #tpu.memory_space<hbm>> -> memref<64x128xi32, #tpu.memory_space<hbm>>
    %dma_wait3A_358 = arith.constant 0 : i32
    %dma_wait3A_359 = tpu.memref_slice %arg6[%add3A_297, %dma_wait3A_358] : memref<16384x128xi32, #tpu.memory_space<hbm>> -> memref<64x128xi32, #tpu.memory_space<hbm>>
    %dma_wait3A_360 = arith.constant 0 : i32
    %dma_wait3A_361 = arith.constant 0 : i32
    %dma_wait3A_362 = tpu.memref_slice %arg11[%dma_wait3A_351, %dma_wait3A_360, %dma_wait3A_361] : memref<1x64x128xi32, #tpu.memory_space<vmem>> -> memref<1x64x128xi32, #tpu.memory_space<vmem>>
    %dma_wait3A_363 = tpu.memref_squeeze %dma_wait3A_362 : memref<1x64x128xi32, #tpu.memory_space<vmem>> -> memref<64x128xi32, #tpu.memory_space<vmem>>
    tpu.wait_dma2 semaphore(%arg16 : memref<!tpu.dma_semaphore, #tpu.memory_space<semaphore_mem>>) src(%dma_wait3A_363 : memref<64x128xi32, #tpu.memory_space<vmem>>) dst(%dma_wait3A_359 : memref<64x128xi32, #tpu.memory_space<hbm>>)
    %scan3A_364 = arith.constant 0 : i32
    %scan3A_365 = arith.constant 0 : i32
    %scan3A_366 = arith.constant 64 : i32
    %scan3A_367 = arith.addi %scan3A_365, %scan3A_366 : i32
    %scan3A_368 = arith.constant 1 : i32
    scf.for %scan3A_600 = %scan3A_365 to %scan3A_367 step %scan3A_368  : i32 {
      %get3A = arith.constant 0 : i32
      %get3A_601 = arith.index_cast %get3A : i32 to index
      %get3A_602 = arith.index_cast %scan3A_600 : i32 to index
      %get3A_603 = arith.constant 0 : index
      %get3A_604 = tpu.vector_load %arg9[%get3A_601, %get3A_602, %get3A_603] {strides = array<i32>} : memref<2x64x128xf32, #tpu.memory_space<vmem>>, vector<1x1x16xf32>,
      %get3A_605 = vector.shape_cast %get3A_604 : vector<1x1x16xf32> to vector<16xf32>
      %bitcast_convert_type3A = tpu.bitcast %get3A_605 : vector<16xf32> -> vector<16xi32>
      %add3A_606 = arith.constant 32768 : i32
      %add3A_607 = vector.broadcast %add3A_606 : i32 to vector<16xi32>
      %add3A_608 = arith.addi %bitcast_convert_type3A, %add3A_607 : vector<16xi32>
      %shift_right_logical3A = arith.constant 16 : i32
      %shift_right_logical3A_609 = vector.broadcast %shift_right_logical3A : i32 to vector<16xi32>
      %shift_right_logical3A_610 = arith.shrui %add3A_608, %shift_right_logical3A_609 : vector<16xi32>
      %get3A_611 = arith.constant 0 : i32
      %get3A_612 = arith.index_cast %get3A_611 : i32 to index
      %get3A_613 = arith.index_cast %scan3A_600 : i32 to index
      %get3A_614 = arith.constant 0 : index
      %get3A_615 = tpu.vector_load %arg10[%get3A_612, %get3A_613, %get3A_614] {strides = array<i32>} : memref<2x64x128xf32, #tpu.memory_space<vmem>>, vector<1x1x16xf32>,
      %get3A_616 = vector.shape_cast %get3A_615 : vector<1x1x16xf32> to vector<16xf32>
      %bitcast_convert_type3A_617 = tpu.bitcast %get3A_616 : vector<16xf32> -> vector<16xi32>
      %add3A_618 = arith.constant 32768 : i32
      %add3A_619 = vector.broadcast %add3A_618 : i32 to vector<16xi32>
      %add3A_620 = arith.addi %bitcast_convert_type3A_617, %add3A_619 : vector<16xi32>
      %and3A = arith.constant -65536 : i32
      %and3A_621 = vector.broadcast %and3A : i32 to vector<16xi32>
      %and3A_622 = arith.andi %add3A_620, %and3A_621 : vector<16xi32>
      %or3A = arith.ori %shift_right_logical3A_610, %and3A_622 : vector<16xi32>
      %swap3A = arith.constant 0 : i32
      %swap3A_623 = arith.index_cast %swap3A : i32 to index
      %swap3A_624 = arith.index_cast %scan3A_600 : i32 to index
      %swap3A_625 = arith.constant 0 : index
      %swap3A_626 = tpu.vector_load %arg11[%swap3A_623, %swap3A_624, %swap3A_625] {strides = array<i32>} : memref<1x64x128xi32, #tpu.memory_space<vmem>>, vector<1x1x16xi32>,
      %swap3A_627 = vector.shape_cast %swap3A_626 : vector<1x1x16xi32> to vector<16xi32>
      %swap3A_628 = vector.shape_cast %or3A : vector<16xi32> to vector<1x1x16xi32>
      tpu.vector_store %arg11[%swap3A_623, %swap3A_624, %swap3A_625], %swap3A_628 {strides = array<i32>} : memref<1x64x128xi32, #tpu.memory_space<vmem>>, vector<1x1x16xi32>,
      %get3A_629 = arith.constant 0 : i32
      %get3A_630 = arith.index_cast %get3A_629 : i32 to index
      %get3A_631 = arith.index_cast %scan3A_600 : i32 to index
      %get3A_632 = arith.constant 16 : index
      %get3A_633 = tpu.vector_load %arg9[%get3A_630, %get3A_631, %get3A_632] {strides = array<i32>} : memref<2x64x128xf32, #tpu.memory_space<vmem>>, vector<1x1x16xf32>,
      %get3A_634 = vector.shape_cast %get3A_633 : vector<1x1x16xf32> to vector<16xf32>
      %bitcast_convert_type3A_635 = tpu.bitcast %get3A_634 : vector<16xf32> -> vector<16xi32>
      %add3A_636 = arith.constant 32768 : i32
      %add3A_637 = vector.broadcast %add3A_636 : i32 to vector<16xi32>
      %add3A_638 = arith.addi %bitcast_convert_type3A_635, %add3A_637 : vector<16xi32>
      %shift_right_logical3A_639 = arith.constant 16 : i32
      %shift_right_logical3A_640 = vector.broadcast %shift_right_logical3A_639 : i32 to vector<16xi32>
      %shift_right_logical3A_641 = arith.shrui %add3A_638, %shift_right_logical3A_640 : vector<16xi32>
      %get3A_642 = arith.constant 0 : i32
      %get3A_643 = arith.index_cast %get3A_642 : i32 to index
      %get3A_644 = arith.index_cast %scan3A_600 : i32 to index
      %get3A_645 = arith.constant 16 : index
      %get3A_646 = tpu.vector_load %arg10[%get3A_643, %get3A_644, %get3A_645] {strides = array<i32>} : memref<2x64x128xf32, #tpu.memory_space<vmem>>, vector<1x1x16xf32>,
      %get3A_647 = vector.shape_cast %get3A_646 : vector<1x1x16xf32> to vector<16xf32>
      %bitcast_convert_type3A_648 = tpu.bitcast %get3A_647 : vector<16xf32> -> vector<16xi32>
      %add3A_649 = arith.constant 32768 : i32
      %add3A_650 = vector.broadcast %add3A_649 : i32 to vector<16xi32>
      %add3A_651 = arith.addi %bitcast_convert_type3A_648, %add3A_650 : vector<16xi32>
      %and3A_652 = arith.constant -65536 : i32
      %and3A_653 = vector.broadcast %and3A_652 : i32 to vector<16xi32>
      %and3A_654 = arith.andi %add3A_651, %and3A_653 : vector<16xi32>
      %or3A_655 = arith.ori %shift_right_logical3A_641, %and3A_654 : vector<16xi32>
      %swap3A_656 = arith.constant 0 : i32
      %swap3A_657 = arith.index_cast %swap3A_656 : i32 to index
      %swap3A_658 = arith.index_cast %scan3A_600 : i32 to index
      %swap3A_659 = arith.constant 16 : index
      %swap3A_660 = tpu.vector_load %arg11[%swap3A_657, %swap3A_658, %swap3A_659] {strides = array<i32>} : memref<1x64x128xi32, #tpu.memory_space<vmem>>, vector<1x1x16xi32>,
      %swap3A_661 = vector.shape_cast %swap3A_660 : vector<1x1x16xi32> to vector<16xi32>
      %swap3A_662 = vector.shape_cast %or3A_655 : vector<16xi32> to vector<1x1x16xi32>
      tpu.vector_store %arg11[%swap3A_657, %swap3A_658, %swap3A_659], %swap3A_662 {strides = array<i32>} : memref<1x64x128xi32, #tpu.memory_space<vmem>>, vector<1x1x16xi32>,
      %get3A_663 = arith.constant 0 : i32
      %get3A_664 = arith.index_cast %get3A_663 : i32 to index
      %get3A_665 = arith.index_cast %scan3A_600 : i32 to index
      %get3A_666 = arith.constant 32 : index
      %get3A_667 = tpu.vector_load %arg9[%get3A_664, %get3A_665, %get3A_666] {strides = array<i32>} : memref<2x64x128xf32, #tpu.memory_space<vmem>>, vector<1x1x16xf32>,
      %get3A_668 = vector.shape_cast %get3A_667 : vector<1x1x16xf32> to vector<16xf32>
      %bitcast_convert_type3A_669 = tpu.bitcast %get3A_668 : vector<16xf32> -> vector<16xi32>
      %add3A_670 = arith.constant 32768 : i32
      %add3A_671 = vector.broadcast %add3A_670 : i32 to vector<16xi32>
      %add3A_672 = arith.addi %bitcast_convert_type3A_669, %add3A_671 : vector<16xi32>
      %shift_right_logical3A_673 = arith.constant 16 : i32
      %shift_right_logical3A_674 = vector.broadcast %shift_right_logical3A_673 : i32 to vector<16xi32>
      %shift_right_logical3A_675 = arith.shrui %add3A_672, %shift_right_logical3A_674 : vector<16xi32>
      %get3A_676 = arith.constant 0 : i32
      %get3A_677 = arith.index_cast %get3A_676 : i32 to index
      %get3A_678 = arith.index_cast %scan3A_600 : i32 to index
      %get3A_679 = arith.constant 32 : index
      %get3A_680 = tpu.vector_load %arg10[%get3A_677, %get3A_678, %get3A_679] {strides = array<i32>} : memref<2x64x128xf32, #tpu.memory_space<vmem>>, vector<1x1x16xf32>,
      %get3A_681 = vector.shape_cast %get3A_680 : vector<1x1x16xf32> to vector<16xf32>
      %bitcast_convert_type3A_682 = tpu.bitcast %get3A_681 : vector<16xf32> -> vector<16xi32>
      %add3A_683 = arith.constant 32768 : i32
      %add3A_684 = vector.broadcast %add3A_683 : i32 to vector<16xi32>
      %add3A_685 = arith.addi %bitcast_convert_type3A_682, %add3A_684 : vector<16xi32>
      %and3A_686 = arith.constant -65536 : i32
      %and3A_687 = vector.broadcast %and3A_686 : i32 to vector<16xi32>
      %and3A_688 = arith.andi %add3A_685, %and3A_687 : vector<16xi32>
      %or3A_689 = arith.ori %shift_right_logical3A_675, %and3A_688 : vector<16xi32>
      %swap3A_690 = arith.constant 0 : i32
      %swap3A_691 = arith.index_cast %swap3A_690 : i32 to index
      %swap3A_692 = arith.index_cast %scan3A_600 : i32 to index
      %swap3A_693 = arith.constant 32 : index
      %swap3A_694 = tpu.vector_load %arg11[%swap3A_691, %swap3A_692, %swap3A_693] {strides = array<i32>} : memref<1x64x128xi32, #tpu.memory_space<vmem>>, vector<1x1x16xi32>,
      %swap3A_695 = vector.shape_cast %swap3A_694 : vector<1x1x16xi32> to vector<16xi32>
      %swap3A_696 = vector.shape_cast %or3A_689 : vector<16xi32> to vector<1x1x16xi32>
      tpu.vector_store %arg11[%swap3A_691, %swap3A_692, %swap3A_693], %swap3A_696 {strides = array<i32>} : memref<1x64x128xi32, #tpu.memory_space<vmem>>, vector<1x1x16xi32>,
      %get3A_697 = arith.constant 0 : i32
      %get3A_698 = arith.index_cast %get3A_697 : i32 to index
      %get3A_699 = arith.index_cast %scan3A_600 : i32 to index
      %get3A_700 = arith.constant 48 : index
      %get3A_701 = tpu.vector_load %arg9[%get3A_698, %get3A_699, %get3A_700] {strides = array<i32>} : memref<2x64x128xf32, #tpu.memory_space<vmem>>, vector<1x1x16xf32>,
      %get3A_702 = vector.shape_cast %get3A_701 : vector<1x1x16xf32> to vector<16xf32>
      %bitcast_convert_type3A_703 = tpu.bitcast %get3A_702 : vector<16xf32> -> vector<16xi32>
      %add3A_704 = arith.constant 32768 : i32
      %add3A_705 = vector.broadcast %add3A_704 : i32 to vector<16xi32>
      %add3A_706 = arith.addi %bitcast_convert_type3A_703, %add3A_705 : vector<16xi32>
      %shift_right_logical3A_707 = arith.constant 16 : i32
      %shift_right_logical3A_708 = vector.broadcast %shift_right_logical3A_707 : i32 to vector<16xi32>
      %shift_right_logical3A_709 = arith.shrui %add3A_706, %shift_right_logical3A_708 : vector<16xi32>
      %get3A_710 = arith.constant 0 : i32
      %get3A_711 = arith.index_cast %get3A_710 : i32 to index
      %get3A_712 = arith.index_cast %scan3A_600 : i32 to index
      %get3A_713 = arith.constant 48 : index
      %get3A_714 = tpu.vector_load %arg10[%get3A_711, %get3A_712, %get3A_713] {strides = array<i32>} : memref<2x64x128xf32, #tpu.memory_space<vmem>>, vector<1x1x16xf32>,
      %get3A_715 = vector.shape_cast %get3A_714 : vector<1x1x16xf32> to vector<16xf32>
      %bitcast_convert_type3A_716 = tpu.bitcast %get3A_715 : vector<16xf32> -> vector<16xi32>
      %add3A_717 = arith.constant 32768 : i32
      %add3A_718 = vector.broadcast %add3A_717 : i32 to vector<16xi32>
      %add3A_719 = arith.addi %bitcast_convert_type3A_716, %add3A_718 : vector<16xi32>
      %and3A_720 = arith.constant -65536 : i32
      %and3A_721 = vector.broadcast %and3A_720 : i32 to vector<16xi32>
      %and3A_722 = arith.andi %add3A_719, %and3A_721 : vector<16xi32>
      %or3A_723 = arith.ori %shift_right_logical3A_709, %and3A_722 : vector<16xi32>
      %swap3A_724 = arith.constant 0 : i32
      %swap3A_725 = arith.index_cast %swap3A_724 : i32 to index
      %swap3A_726 = arith.index_cast %scan3A_600 : i32 to index
      %swap3A_727 = arith.constant 48 : index
      %swap3A_728 = tpu.vector_load %arg11[%swap3A_725, %swap3A_726, %swap3A_727] {strides = array<i32>} : memref<1x64x128xi32, #tpu.memory_space<vmem>>, vector<1x1x16xi32>,
      %swap3A_729 = vector.shape_cast %swap3A_728 : vector<1x1x16xi32> to vector<16xi32>
      %swap3A_730 = vector.shape_cast %or3A_723 : vector<16xi32> to vector<1x1x16xi32>
      tpu.vector_store %arg11[%swap3A_725, %swap3A_726, %swap3A_727], %swap3A_730 {strides = array<i32>} : memref<1x64x128xi32, #tpu.memory_space<vmem>>, vector<1x1x16xi32>,
      %get3A_731 = arith.constant 0 : i32
      %get3A_732 = arith.index_cast %get3A_731 : i32 to index
      %get3A_733 = arith.index_cast %scan3A_600 : i32 to index
      %get3A_734 = arith.constant 64 : index
      %get3A_735 = tpu.vector_load %arg9[%get3A_732, %get3A_733, %get3A_734] {strides = array<i32>} : memref<2x64x128xf32, #tpu.memory_space<vmem>>, vector<1x1x16xf32>,
      %get3A_736 = vector.shape_cast %get3A_735 : vector<1x1x16xf32> to vector<16xf32>
      %bitcast_convert_type3A_737 = tpu.bitcast %get3A_736 : vector<16xf32> -> vector<16xi32>
      %add3A_738 = arith.constant 32768 : i32
      %add3A_739 = vector.broadcast %add3A_738 : i32 to vector<16xi32>
      %add3A_740 = arith.addi %bitcast_convert_type3A_737, %add3A_739 : vector<16xi32>
      %shift_right_logical3A_741 = arith.constant 16 : i32
      %shift_right_logical3A_742 = vector.broadcast %shift_right_logical3A_741 : i32 to vector<16xi32>
      %shift_right_logical3A_743 = arith.shrui %add3A_740, %shift_right_logical3A_742 : vector<16xi32>
      %get3A_744 = arith.constant 0 : i32
      %get3A_745 = arith.index_cast %get3A_744 : i32 to index
      %get3A_746 = arith.index_cast %scan3A_600 : i32 to index
      %get3A_747 = arith.constant 64 : index
      %get3A_748 = tpu.vector_load %arg10[%get3A_745, %get3A_746, %get3A_747] {strides = array<i32>} : memref<2x64x128xf32, #tpu.memory_space<vmem>>, vector<1x1x16xf32>,
      %get3A_749 = vector.shape_cast %get3A_748 : vector<1x1x16xf32> to vector<16xf32>
      %bitcast_convert_type3A_750 = tpu.bitcast %get3A_749 : vector<16xf32> -> vector<16xi32>
      %add3A_751 = arith.constant 32768 : i32
      %add3A_752 = vector.broadcast %add3A_751 : i32 to vector<16xi32>
      %add3A_753 = arith.addi %bitcast_convert_type3A_750, %add3A_752 : vector<16xi32>
      %and3A_754 = arith.constant -65536 : i32
      %and3A_755 = vector.broadcast %and3A_754 : i32 to vector<16xi32>
      %and3A_756 = arith.andi %add3A_753, %and3A_755 : vector<16xi32>
      %or3A_757 = arith.ori %shift_right_logical3A_743, %and3A_756 : vector<16xi32>
      %swap3A_758 = arith.constant 0 : i32
      %swap3A_759 = arith.index_cast %swap3A_758 : i32 to index
      %swap3A_760 = arith.index_cast %scan3A_600 : i32 to index
      %swap3A_761 = arith.constant 64 : index
      %swap3A_762 = tpu.vector_load %arg11[%swap3A_759, %swap3A_760, %swap3A_761] {strides = array<i32>} : memref<1x64x128xi32, #tpu.memory_space<vmem>>, vector<1x1x16xi32>,
      %swap3A_763 = vector.shape_cast %swap3A_762 : vector<1x1x16xi32> to vector<16xi32>
      %swap3A_764 = vector.shape_cast %or3A_757 : vector<16xi32> to vector<1x1x16xi32>
      tpu.vector_store %arg11[%swap3A_759, %swap3A_760, %swap3A_761], %swap3A_764 {strides = array<i32>} : memref<1x64x128xi32, #tpu.memory_space<vmem>>, vector<1x1x16xi32>,
      %get3A_765 = arith.constant 0 : i32
      %get3A_766 = arith.index_cast %get3A_765 : i32 to index
      %get3A_767 = arith.index_cast %scan3A_600 : i32 to index
      %get3A_768 = arith.constant 80 : index
      %get3A_769 = tpu.vector_load %arg9[%get3A_766, %get3A_767, %get3A_768] {strides = array<i32>} : memref<2x64x128xf32, #tpu.memory_space<vmem>>, vector<1x1x16xf32>,
      %get3A_770 = vector.shape_cast %get3A_769 : vector<1x1x16xf32> to vector<16xf32>
      %bitcast_convert_type3A_771 = tpu.bitcast %get3A_770 : vector<16xf32> -> vector<16xi32>
      %add3A_772 = arith.constant 32768 : i32
      %add3A_773 = vector.broadcast %add3A_772 : i32 to vector<16xi32>
      %add3A_774 = arith.addi %bitcast_convert_type3A_771, %add3A_773 : vector<16xi32>
      %shift_right_logical3A_775 = arith.constant 16 : i32
      %shift_right_logical3A_776 = vector.broadcast %shift_right_logical3A_775 : i32 to vector<16xi32>
      %shift_right_logical3A_777 = arith.shrui %add3A_774, %shift_right_logical3A_776 : vector<16xi32>
      %get3A_778 = arith.constant 0 : i32
      %get3A_779 = arith.index_cast %get3A_778 : i32 to index
      %get3A_780 = arith.index_cast %scan3A_600 : i32 to index
      %get3A_781 = arith.constant 80 : index
      %get3A_782 = tpu.vector_load %arg10[%get3A_779, %get3A_780, %get3A_781] {strides = array<i32>} : memref<2x64x128xf32, #tpu.memory_space<vmem>>, vector<1x1x16xf32>,
      %get3A_783 = vector.shape_cast %get3A_782 : vector<1x1x16xf32> to vector<16xf32>
      %bitcast_convert_type3A_784 = tpu.bitcast %get3A_783 : vector<16xf32> -> vector<16xi32>
      %add3A_785 = arith.constant 32768 : i32
      %add3A_786 = vector.broadcast %add3A_785 : i32 to vector<16xi32>
      %add3A_787 = arith.addi %bitcast_convert_type3A_784, %add3A_786 : vector<16xi32>
      %and3A_788 = arith.constant -65536 : i32
      %and3A_789 = vector.broadcast %and3A_788 : i32 to vector<16xi32>
      %and3A_790 = arith.andi %add3A_787, %and3A_789 : vector<16xi32>
      %or3A_791 = arith.ori %shift_right_logical3A_777, %and3A_790 : vector<16xi32>
      %swap3A_792 = arith.constant 0 : i32
      %swap3A_793 = arith.index_cast %swap3A_792 : i32 to index
      %swap3A_794 = arith.index_cast %scan3A_600 : i32 to index
      %swap3A_795 = arith.constant 80 : index
      %swap3A_796 = tpu.vector_load %arg11[%swap3A_793, %swap3A_794, %swap3A_795] {strides = array<i32>} : memref<1x64x128xi32, #tpu.memory_space<vmem>>, vector<1x1x16xi32>,
      %swap3A_797 = vector.shape_cast %swap3A_796 : vector<1x1x16xi32> to vector<16xi32>
      %swap3A_798 = vector.shape_cast %or3A_791 : vector<16xi32> to vector<1x1x16xi32>
      tpu.vector_store %arg11[%swap3A_793, %swap3A_794, %swap3A_795], %swap3A_798 {strides = array<i32>} : memref<1x64x128xi32, #tpu.memory_space<vmem>>, vector<1x1x16xi32>,
      %get3A_799 = arith.constant 0 : i32
      %get3A_800 = arith.index_cast %get3A_799 : i32 to index
      %get3A_801 = arith.index_cast %scan3A_600 : i32 to index
      %get3A_802 = arith.constant 96 : index
      %get3A_803 = tpu.vector_load %arg9[%get3A_800, %get3A_801, %get3A_802] {strides = array<i32>} : memref<2x64x128xf32, #tpu.memory_space<vmem>>, vector<1x1x16xf32>,
      %get3A_804 = vector.shape_cast %get3A_803 : vector<1x1x16xf32> to vector<16xf32>
      %bitcast_convert_type3A_805 = tpu.bitcast %get3A_804 : vector<16xf32> -> vector<16xi32>
      %add3A_806 = arith.constant 32768 : i32
      %add3A_807 = vector.broadcast %add3A_806 : i32 to vector<16xi32>
      %add3A_808 = arith.addi %bitcast_convert_type3A_805, %add3A_807 : vector<16xi32>
      %shift_right_logical3A_809 = arith.constant 16 : i32
      %shift_right_logical3A_810 = vector.broadcast %shift_right_logical3A_809 : i32 to vector<16xi32>
      %shift_right_logical3A_811 = arith.shrui %add3A_808, %shift_right_logical3A_810 : vector<16xi32>
      %get3A_812 = arith.constant 0 : i32
      %get3A_813 = arith.index_cast %get3A_812 : i32 to index
      %get3A_814 = arith.index_cast %scan3A_600 : i32 to index
      %get3A_815 = arith.constant 96 : index
      %get3A_816 = tpu.vector_load %arg10[%get3A_813, %get3A_814, %get3A_815] {strides = array<i32>} : memref<2x64x128xf32, #tpu.memory_space<vmem>>, vector<1x1x16xf32>,
      %get3A_817 = vector.shape_cast %get3A_816 : vector<1x1x16xf32> to vector<16xf32>
      %bitcast_convert_type3A_818 = tpu.bitcast %get3A_817 : vector<16xf32> -> vector<16xi32>
      %add3A_819 = arith.constant 32768 : i32
      %add3A_820 = vector.broadcast %add3A_819 : i32 to vector<16xi32>
      %add3A_821 = arith.addi %bitcast_convert_type3A_818, %add3A_820 : vector<16xi32>
      %and3A_822 = arith.constant -65536 : i32
      %and3A_823 = vector.broadcast %and3A_822 : i32 to vector<16xi32>
      %and3A_824 = arith.andi %add3A_821, %and3A_823 : vector<16xi32>
      %or3A_825 = arith.ori %shift_right_logical3A_811, %and3A_824 : vector<16xi32>
      %swap3A_826 = arith.constant 0 : i32
      %swap3A_827 = arith.index_cast %swap3A_826 : i32 to index
      %swap3A_828 = arith.index_cast %scan3A_600 : i32 to index
      %swap3A_829 = arith.constant 96 : index
      %swap3A_830 = tpu.vector_load %arg11[%swap3A_827, %swap3A_828, %swap3A_829] {strides = array<i32>} : memref<1x64x128xi32, #tpu.memory_space<vmem>>, vector<1x1x16xi32>,
      %swap3A_831 = vector.shape_cast %swap3A_830 : vector<1x1x16xi32> to vector<16xi32>
      %swap3A_832 = vector.shape_cast %or3A_825 : vector<16xi32> to vector<1x1x16xi32>
      tpu.vector_store %arg11[%swap3A_827, %swap3A_828, %swap3A_829], %swap3A_832 {strides = array<i32>} : memref<1x64x128xi32, #tpu.memory_space<vmem>>, vector<1x1x16xi32>,
      %get3A_833 = arith.constant 0 : i32
      %get3A_834 = arith.index_cast %get3A_833 : i32 to index
      %get3A_835 = arith.index_cast %scan3A_600 : i32 to index
      %get3A_836 = arith.constant 112 : index
      %get3A_837 = tpu.vector_load %arg9[%get3A_834, %get3A_835, %get3A_836] {strides = array<i32>} : memref<2x64x128xf32, #tpu.memory_space<vmem>>, vector<1x1x16xf32>,
      %get3A_838 = vector.shape_cast %get3A_837 : vector<1x1x16xf32> to vector<16xf32>
      %bitcast_convert_type3A_839 = tpu.bitcast %get3A_838 : vector<16xf32> -> vector<16xi32>
      %add3A_840 = arith.constant 32768 : i32
      %add3A_841 = vector.broadcast %add3A_840 : i32 to vector<16xi32>
      %add3A_842 = arith.addi %bitcast_convert_type3A_839, %add3A_841 : vector<16xi32>
      %shift_right_logical3A_843 = arith.constant 16 : i32
      %shift_right_logical3A_844 = vector.broadcast %shift_right_logical3A_843 : i32 to vector<16xi32>
      %shift_right_logical3A_845 = arith.shrui %add3A_842, %shift_right_logical3A_844 : vector<16xi32>
      %get3A_846 = arith.constant 0 : i32
      %get3A_847 = arith.index_cast %get3A_846 : i32 to index
      %get3A_848 = arith.index_cast %scan3A_600 : i32 to index
      %get3A_849 = arith.constant 112 : index
      %get3A_850 = tpu.vector_load %arg10[%get3A_847, %get3A_848, %get3A_849] {strides = array<i32>} : memref<2x64x128xf32, #tpu.memory_space<vmem>>, vector<1x1x16xf32>,
      %get3A_851 = vector.shape_cast %get3A_850 : vector<1x1x16xf32> to vector<16xf32>
      %bitcast_convert_type3A_852 = tpu.bitcast %get3A_851 : vector<16xf32> -> vector<16xi32>
      %add3A_853 = arith.constant 32768 : i32
      %add3A_854 = vector.broadcast %add3A_853 : i32 to vector<16xi32>
      %add3A_855 = arith.addi %bitcast_convert_type3A_852, %add3A_854 : vector<16xi32>
      %and3A_856 = arith.constant -65536 : i32
      %and3A_857 = vector.broadcast %and3A_856 : i32 to vector<16xi32>
      %and3A_858 = arith.andi %add3A_855, %and3A_857 : vector<16xi32>
      %or3A_859 = arith.ori %shift_right_logical3A_845, %and3A_858 : vector<16xi32>
      %swap3A_860 = arith.constant 0 : i32
      %swap3A_861 = arith.index_cast %swap3A_860 : i32 to index
      %swap3A_862 = arith.index_cast %scan3A_600 : i32 to index
      %swap3A_863 = arith.constant 112 : index
      %swap3A_864 = tpu.vector_load %arg11[%swap3A_861, %swap3A_862, %swap3A_863] {strides = array<i32>} : memref<1x64x128xi32, #tpu.memory_space<vmem>>, vector<1x1x16xi32>,
      %swap3A_865 = vector.shape_cast %swap3A_864 : vector<1x1x16xi32> to vector<16xi32>
      %swap3A_866 = vector.shape_cast %or3A_859 : vector<16xi32> to vector<1x1x16xi32>
      tpu.vector_store %arg11[%swap3A_861, %swap3A_862, %swap3A_863], %swap3A_866 {strides = array<i32>} : memref<1x64x128xi32, #tpu.memory_space<vmem>>, vector<1x1x16xi32>,
    }
    %scan3A_369 = arith.constant 64 : i32
    %add3A_370 = arith.constant 256 : i32
    %add3A_371 = arith.addi %mul3A_2, %add3A_370 : i32
    %dma_start3A_372 = arith.constant 0 : i32
    %dma_start3A_373 = arith.constant 0 : i32
    %dma_start3A_374 = arith.constant 0 : i32
    %dma_start3A_375 = tpu.memref_slice %arg11[%dma_start3A_372, %dma_start3A_373, %dma_start3A_374] : memref<1x64x128xi32, #tpu.memory_space<vmem>> -> memref<1x64x128xi32, #tpu.memory_space<vmem>>
    %dma_start3A_376 = tpu.memref_squeeze %dma_start3A_375 : memref<1x64x128xi32, #tpu.memory_space<vmem>> -> memref<64x128xi32, #tpu.memory_space<vmem>>
    %dma_start3A_377 = arith.constant 0 : i32
    %dma_start3A_378 = tpu.memref_slice %arg6[%add3A_371, %dma_start3A_377] : memref<16384x128xi32, #tpu.memory_space<hbm>> -> memref<64x128xi32, #tpu.memory_space<hbm>>
    %dma_start3A_379 = arith.constant 0 : i32
    %dma_start3A_380 = tpu.memref_slice %arg6[%add3A_371, %dma_start3A_379] : memref<16384x128xi32, #tpu.memory_space<hbm>> -> memref<64x128xi32, #tpu.memory_space<hbm>>
    %dma_start3A_381 = arith.constant 0 : i32
    %dma_start3A_382 = arith.constant 0 : i32
    %dma_start3A_383 = tpu.memref_slice %arg11[%dma_start3A_372, %dma_start3A_381, %dma_start3A_382] : memref<1x64x128xi32, #tpu.memory_space<vmem>> -> memref<1x64x128xi32, #tpu.memory_space<vmem>>
    %dma_start3A_384 = tpu.memref_squeeze %dma_start3A_383 : memref<1x64x128xi32, #tpu.memory_space<vmem>> -> memref<64x128xi32, #tpu.memory_space<vmem>>
    tpu.enqueue_dma source(%dma_start3A_384 : memref<64x128xi32, #tpu.memory_space<vmem>>) target(%dma_start3A_380 : memref<64x128xi32, #tpu.memory_space<hbm>>) target_semaphore(%arg16 : memref<!tpu.dma_semaphore, #tpu.memory_space<semaphore_mem>>)
    %dma_wait3A_385 = arith.constant 1 : i32
    %dma_wait3A_386 = arith.constant 0 : i32
    %dma_wait3A_387 = arith.constant 0 : i32
    %dma_wait3A_388 = tpu.memref_slice %arg9[%dma_wait3A_385, %dma_wait3A_386, %dma_wait3A_387] : memref<2x64x128xf32, #tpu.memory_space<vmem>> -> memref<1x64x128xf32, #tpu.memory_space<vmem>>
    %dma_wait3A_389 = tpu.memref_squeeze %dma_wait3A_388 : memref<1x64x128xf32, #tpu.memory_space<vmem>> -> memref<64x128xf32, #tpu.memory_space<vmem>>
    %dma_wait3A_390 = arith.constant 320 : i32
    %dma_wait3A_391 = tpu.memref_slice %arg7[%dma_wait3A_390] : memref<512xi32, #tpu.memory_space<vmem>> -> memref<64xi32, #tpu.memory_space<vmem>>
    %dma_wait3A_392 = arith.constant 0 : i32
    %dma_wait3A_393 = arith.constant 0 : i32
    %dma_wait3A_394 = tpu.memref_slice %arg4[%dma_wait3A_392, %dma_wait3A_393] : memref<100001x128xf32, #tpu.memory_space<hbm>> -> memref<100001x128xf32, #tpu.memory_space<hbm>>
    tpu.wait_indirect_dma semaphore(%arg13 : memref<!tpu.dma_semaphore, #tpu.memory_space<semaphore_mem>>) src(%dma_wait3A_394 : memref<100001x128xf32, #tpu.memory_space<hbm>>) dst(%dma_wait3A_389 : memref<64x128xf32, #tpu.memory_space<vmem>>)
    %dma_wait3A_395 = arith.constant 1 : i32
    %dma_wait3A_396 = arith.constant 0 : i32
    %dma_wait3A_397 = arith.constant 0 : i32
    %dma_wait3A_398 = tpu.memref_slice %arg10[%dma_wait3A_395, %dma_wait3A_396, %dma_wait3A_397] : memref<2x64x128xf32, #tpu.memory_space<vmem>> -> memref<1x64x128xf32, #tpu.memory_space<vmem>>
    %dma_wait3A_399 = tpu.memref_squeeze %dma_wait3A_398 : memref<1x64x128xf32, #tpu.memory_space<vmem>> -> memref<64x128xf32, #tpu.memory_space<vmem>>
    %dma_wait3A_400 = arith.constant 320 : i32
    %dma_wait3A_401 = tpu.memref_slice %arg8[%dma_wait3A_400] : memref<512xi32, #tpu.memory_space<vmem>> -> memref<64xi32, #tpu.memory_space<vmem>>
    %dma_wait3A_402 = arith.constant 0 : i32
    %dma_wait3A_403 = arith.constant 0 : i32
    %dma_wait3A_404 = tpu.memref_slice %arg5[%dma_wait3A_402, %dma_wait3A_403] : memref<100001x128xf32, #tpu.memory_space<hbm>> -> memref<100001x128xf32, #tpu.memory_space<hbm>>
    tpu.wait_indirect_dma semaphore(%arg15 : memref<!tpu.dma_semaphore, #tpu.memory_space<semaphore_mem>>) src(%dma_wait3A_404 : memref<100001x128xf32, #tpu.memory_space<hbm>>) dst(%dma_wait3A_399 : memref<64x128xf32, #tpu.memory_space<vmem>>)
    %dma_start3A_405 = arith.constant 0 : i32
    %dma_start3A_406 = arith.constant 0 : i32
    %dma_start3A_407 = arith.constant 0 : i32
    %dma_start3A_408 = tpu.memref_slice %arg9[%dma_start3A_405, %dma_start3A_406, %dma_start3A_407] : memref<2x64x128xf32, #tpu.memory_space<vmem>> -> memref<1x64x128xf32, #tpu.memory_space<vmem>>
    %dma_start3A_409 = tpu.memref_squeeze %dma_start3A_408 : memref<1x64x128xf32, #tpu.memory_space<vmem>> -> memref<64x128xf32, #tpu.memory_space<vmem>>
    %dma_start3A_410 = arith.constant 384 : i32
    %dma_start3A_411 = tpu.memref_slice %arg7[%dma_start3A_410] : memref<512xi32, #tpu.memory_space<vmem>> -> memref<64xi32, #tpu.memory_space<vmem>>
    %dma_start3A_412 = arith.constant 0 : i32
    %dma_start3A_413 = arith.constant 0 : i32
    %dma_start3A_414 = tpu.memref_slice %arg4[%dma_start3A_412, %dma_start3A_413] : memref<100001x128xf32, #tpu.memory_space<hbm>> -> memref<100001x128xf32, #tpu.memory_space<hbm>>
    tpu.enqueue_indirect_dma source(%dma_start3A_414 : memref<100001x128xf32, #tpu.memory_space<hbm>>) target(%dma_start3A_409 : memref<64x128xf32, #tpu.memory_space<vmem>>) offsets(%dma_start3A_411 : memref<64xi32, #tpu.memory_space<vmem>>) semaphore(%arg12 : memref<!tpu.dma_semaphore, #tpu.memory_space<semaphore_mem>>)
    %dma_start3A_415 = arith.constant 0 : i32
    %dma_start3A_416 = arith.constant 0 : i32
    %dma_start3A_417 = arith.constant 0 : i32
    %dma_start3A_418 = tpu.memref_slice %arg10[%dma_start3A_415, %dma_start3A_416, %dma_start3A_417] : memref<2x64x128xf32, #tpu.memory_space<vmem>> -> memref<1x64x128xf32, #tpu.memory_space<vmem>>
    %dma_start3A_419 = tpu.memref_squeeze %dma_start3A_418 : memref<1x64x128xf32, #tpu.memory_space<vmem>> -> memref<64x128xf32, #tpu.memory_space<vmem>>
    %dma_start3A_420 = arith.constant 384 : i32
    %dma_start3A_421 = tpu.memref_slice %arg8[%dma_start3A_420] : memref<512xi32, #tpu.memory_space<vmem>> -> memref<64xi32, #tpu.memory_space<vmem>>
    %dma_start3A_422 = arith.constant 0 : i32
    %dma_start3A_423 = arith.constant 0 : i32
    %dma_start3A_424 = tpu.memref_slice %arg5[%dma_start3A_422, %dma_start3A_423] : memref<100001x128xf32, #tpu.memory_space<hbm>> -> memref<100001x128xf32, #tpu.memory_space<hbm>>
    tpu.enqueue_indirect_dma source(%dma_start3A_424 : memref<100001x128xf32, #tpu.memory_space<hbm>>) target(%dma_start3A_419 : memref<64x128xf32, #tpu.memory_space<vmem>>) offsets(%dma_start3A_421 : memref<64xi32, #tpu.memory_space<vmem>>) semaphore(%arg14 : memref<!tpu.dma_semaphore, #tpu.memory_space<semaphore_mem>>)
    %dma_wait3A_425 = arith.constant 0 : i32
    %dma_wait3A_426 = arith.constant 0 : i32
    %dma_wait3A_427 = arith.constant 0 : i32
    %dma_wait3A_428 = tpu.memref_slice %arg11[%dma_wait3A_425, %dma_wait3A_426, %dma_wait3A_427] : memref<1x64x128xi32, #tpu.memory_space<vmem>> -> memref<1x64x128xi32, #tpu.memory_space<vmem>>
    %dma_wait3A_429 = tpu.memref_squeeze %dma_wait3A_428 : memref<1x64x128xi32, #tpu.memory_space<vmem>> -> memref<64x128xi32, #tpu.memory_space<vmem>>
    %dma_wait3A_430 = arith.constant 0 : i32
    %dma_wait3A_431 = tpu.memref_slice %arg6[%add3A_371, %dma_wait3A_430] : memref<16384x128xi32, #tpu.memory_space<hbm>> -> memref<64x128xi32, #tpu.memory_space<hbm>>
    %dma_wait3A_432 = arith.constant 0 : i32
    %dma_wait3A_433 = tpu.memref_slice %arg6[%add3A_371, %dma_wait3A_432] : memref<16384x128xi32, #tpu.memory_space<hbm>> -> memref<64x128xi32, #tpu.memory_space<hbm>>
    %dma_wait3A_434 = arith.constant 0 : i32
    %dma_wait3A_435 = arith.constant 0 : i32
    %dma_wait3A_436 = tpu.memref_slice %arg11[%dma_wait3A_425, %dma_wait3A_434, %dma_wait3A_435] : memref<1x64x128xi32, #tpu.memory_space<vmem>> -> memref<1x64x128xi32, #tpu.memory_space<vmem>>
    %dma_wait3A_437 = tpu.memref_squeeze %dma_wait3A_436 : memref<1x64x128xi32, #tpu.memory_space<vmem>> -> memref<64x128xi32, #tpu.memory_space<vmem>>
    tpu.wait_dma2 semaphore(%arg16 : memref<!tpu.dma_semaphore, #tpu.memory_space<semaphore_mem>>) src(%dma_wait3A_437 : memref<64x128xi32, #tpu.memory_space<vmem>>) dst(%dma_wait3A_433 : memref<64x128xi32, #tpu.memory_space<hbm>>)
    %scan3A_438 = arith.constant 0 : i32
    %scan3A_439 = arith.constant 0 : i32
    %scan3A_440 = arith.constant 64 : i32
    %scan3A_441 = arith.addi %scan3A_439, %scan3A_440 : i32
    %scan3A_442 = arith.constant 1 : i32
    scf.for %scan3A_600 = %scan3A_439 to %scan3A_441 step %scan3A_442  : i32 {
      %get3A = arith.constant 1 : i32
      %get3A_601 = arith.index_cast %get3A : i32 to index
      %get3A_602 = arith.index_cast %scan3A_600 : i32 to index
      %get3A_603 = arith.constant 0 : index
      %get3A_604 = tpu.vector_load %arg9[%get3A_601, %get3A_602, %get3A_603] {strides = array<i32>} : memref<2x64x128xf32, #tpu.memory_space<vmem>>, vector<1x1x16xf32>,
      %get3A_605 = vector.shape_cast %get3A_604 : vector<1x1x16xf32> to vector<16xf32>
      %bitcast_convert_type3A = tpu.bitcast %get3A_605 : vector<16xf32> -> vector<16xi32>
      %add3A_606 = arith.constant 32768 : i32
      %add3A_607 = vector.broadcast %add3A_606 : i32 to vector<16xi32>
      %add3A_608 = arith.addi %bitcast_convert_type3A, %add3A_607 : vector<16xi32>
      %shift_right_logical3A = arith.constant 16 : i32
      %shift_right_logical3A_609 = vector.broadcast %shift_right_logical3A : i32 to vector<16xi32>
      %shift_right_logical3A_610 = arith.shrui %add3A_608, %shift_right_logical3A_609 : vector<16xi32>
      %get3A_611 = arith.constant 1 : i32
      %get3A_612 = arith.index_cast %get3A_611 : i32 to index
      %get3A_613 = arith.index_cast %scan3A_600 : i32 to index
      %get3A_614 = arith.constant 0 : index
      %get3A_615 = tpu.vector_load %arg10[%get3A_612, %get3A_613, %get3A_614] {strides = array<i32>} : memref<2x64x128xf32, #tpu.memory_space<vmem>>, vector<1x1x16xf32>,
      %get3A_616 = vector.shape_cast %get3A_615 : vector<1x1x16xf32> to vector<16xf32>
      %bitcast_convert_type3A_617 = tpu.bitcast %get3A_616 : vector<16xf32> -> vector<16xi32>
      %add3A_618 = arith.constant 32768 : i32
      %add3A_619 = vector.broadcast %add3A_618 : i32 to vector<16xi32>
      %add3A_620 = arith.addi %bitcast_convert_type3A_617, %add3A_619 : vector<16xi32>
      %and3A = arith.constant -65536 : i32
      %and3A_621 = vector.broadcast %and3A : i32 to vector<16xi32>
      %and3A_622 = arith.andi %add3A_620, %and3A_621 : vector<16xi32>
      %or3A = arith.ori %shift_right_logical3A_610, %and3A_622 : vector<16xi32>
      %swap3A = arith.constant 0 : i32
      %swap3A_623 = arith.index_cast %swap3A : i32 to index
      %swap3A_624 = arith.index_cast %scan3A_600 : i32 to index
      %swap3A_625 = arith.constant 0 : index
      %swap3A_626 = tpu.vector_load %arg11[%swap3A_623, %swap3A_624, %swap3A_625] {strides = array<i32>} : memref<1x64x128xi32, #tpu.memory_space<vmem>>, vector<1x1x16xi32>,
      %swap3A_627 = vector.shape_cast %swap3A_626 : vector<1x1x16xi32> to vector<16xi32>
      %swap3A_628 = vector.shape_cast %or3A : vector<16xi32> to vector<1x1x16xi32>
      tpu.vector_store %arg11[%swap3A_623, %swap3A_624, %swap3A_625], %swap3A_628 {strides = array<i32>} : memref<1x64x128xi32, #tpu.memory_space<vmem>>, vector<1x1x16xi32>,
      %get3A_629 = arith.constant 1 : i32
      %get3A_630 = arith.index_cast %get3A_629 : i32 to index
      %get3A_631 = arith.index_cast %scan3A_600 : i32 to index
      %get3A_632 = arith.constant 16 : index
      %get3A_633 = tpu.vector_load %arg9[%get3A_630, %get3A_631, %get3A_632] {strides = array<i32>} : memref<2x64x128xf32, #tpu.memory_space<vmem>>, vector<1x1x16xf32>,
      %get3A_634 = vector.shape_cast %get3A_633 : vector<1x1x16xf32> to vector<16xf32>
      %bitcast_convert_type3A_635 = tpu.bitcast %get3A_634 : vector<16xf32> -> vector<16xi32>
      %add3A_636 = arith.constant 32768 : i32
      %add3A_637 = vector.broadcast %add3A_636 : i32 to vector<16xi32>
      %add3A_638 = arith.addi %bitcast_convert_type3A_635, %add3A_637 : vector<16xi32>
      %shift_right_logical3A_639 = arith.constant 16 : i32
      %shift_right_logical3A_640 = vector.broadcast %shift_right_logical3A_639 : i32 to vector<16xi32>
      %shift_right_logical3A_641 = arith.shrui %add3A_638, %shift_right_logical3A_640 : vector<16xi32>
      %get3A_642 = arith.constant 1 : i32
      %get3A_643 = arith.index_cast %get3A_642 : i32 to index
      %get3A_644 = arith.index_cast %scan3A_600 : i32 to index
      %get3A_645 = arith.constant 16 : index
      %get3A_646 = tpu.vector_load %arg10[%get3A_643, %get3A_644, %get3A_645] {strides = array<i32>} : memref<2x64x128xf32, #tpu.memory_space<vmem>>, vector<1x1x16xf32>,
      %get3A_647 = vector.shape_cast %get3A_646 : vector<1x1x16xf32> to vector<16xf32>
      %bitcast_convert_type3A_648 = tpu.bitcast %get3A_647 : vector<16xf32> -> vector<16xi32>
      %add3A_649 = arith.constant 32768 : i32
      %add3A_650 = vector.broadcast %add3A_649 : i32 to vector<16xi32>
      %add3A_651 = arith.addi %bitcast_convert_type3A_648, %add3A_650 : vector<16xi32>
      %and3A_652 = arith.constant -65536 : i32
      %and3A_653 = vector.broadcast %and3A_652 : i32 to vector<16xi32>
      %and3A_654 = arith.andi %add3A_651, %and3A_653 : vector<16xi32>
      %or3A_655 = arith.ori %shift_right_logical3A_641, %and3A_654 : vector<16xi32>
      %swap3A_656 = arith.constant 0 : i32
      %swap3A_657 = arith.index_cast %swap3A_656 : i32 to index
      %swap3A_658 = arith.index_cast %scan3A_600 : i32 to index
      %swap3A_659 = arith.constant 16 : index
      %swap3A_660 = tpu.vector_load %arg11[%swap3A_657, %swap3A_658, %swap3A_659] {strides = array<i32>} : memref<1x64x128xi32, #tpu.memory_space<vmem>>, vector<1x1x16xi32>,
      %swap3A_661 = vector.shape_cast %swap3A_660 : vector<1x1x16xi32> to vector<16xi32>
      %swap3A_662 = vector.shape_cast %or3A_655 : vector<16xi32> to vector<1x1x16xi32>
      tpu.vector_store %arg11[%swap3A_657, %swap3A_658, %swap3A_659], %swap3A_662 {strides = array<i32>} : memref<1x64x128xi32, #tpu.memory_space<vmem>>, vector<1x1x16xi32>,
      %get3A_663 = arith.constant 1 : i32
      %get3A_664 = arith.index_cast %get3A_663 : i32 to index
      %get3A_665 = arith.index_cast %scan3A_600 : i32 to index
      %get3A_666 = arith.constant 32 : index
      %get3A_667 = tpu.vector_load %arg9[%get3A_664, %get3A_665, %get3A_666] {strides = array<i32>} : memref<2x64x128xf32, #tpu.memory_space<vmem>>, vector<1x1x16xf32>,
      %get3A_668 = vector.shape_cast %get3A_667 : vector<1x1x16xf32> to vector<16xf32>
      %bitcast_convert_type3A_669 = tpu.bitcast %get3A_668 : vector<16xf32> -> vector<16xi32>
      %add3A_670 = arith.constant 32768 : i32
      %add3A_671 = vector.broadcast %add3A_670 : i32 to vector<16xi32>
      %add3A_672 = arith.addi %bitcast_convert_type3A_669, %add3A_671 : vector<16xi32>
      %shift_right_logical3A_673 = arith.constant 16 : i32
      %shift_right_logical3A_674 = vector.broadcast %shift_right_logical3A_673 : i32 to vector<16xi32>
      %shift_right_logical3A_675 = arith.shrui %add3A_672, %shift_right_logical3A_674 : vector<16xi32>
      %get3A_676 = arith.constant 1 : i32
      %get3A_677 = arith.index_cast %get3A_676 : i32 to index
      %get3A_678 = arith.index_cast %scan3A_600 : i32 to index
      %get3A_679 = arith.constant 32 : index
      %get3A_680 = tpu.vector_load %arg10[%get3A_677, %get3A_678, %get3A_679] {strides = array<i32>} : memref<2x64x128xf32, #tpu.memory_space<vmem>>, vector<1x1x16xf32>,
      %get3A_681 = vector.shape_cast %get3A_680 : vector<1x1x16xf32> to vector<16xf32>
      %bitcast_convert_type3A_682 = tpu.bitcast %get3A_681 : vector<16xf32> -> vector<16xi32>
      %add3A_683 = arith.constant 32768 : i32
      %add3A_684 = vector.broadcast %add3A_683 : i32 to vector<16xi32>
      %add3A_685 = arith.addi %bitcast_convert_type3A_682, %add3A_684 : vector<16xi32>
      %and3A_686 = arith.constant -65536 : i32
      %and3A_687 = vector.broadcast %and3A_686 : i32 to vector<16xi32>
      %and3A_688 = arith.andi %add3A_685, %and3A_687 : vector<16xi32>
      %or3A_689 = arith.ori %shift_right_logical3A_675, %and3A_688 : vector<16xi32>
      %swap3A_690 = arith.constant 0 : i32
      %swap3A_691 = arith.index_cast %swap3A_690 : i32 to index
      %swap3A_692 = arith.index_cast %scan3A_600 : i32 to index
      %swap3A_693 = arith.constant 32 : index
      %swap3A_694 = tpu.vector_load %arg11[%swap3A_691, %swap3A_692, %swap3A_693] {strides = array<i32>} : memref<1x64x128xi32, #tpu.memory_space<vmem>>, vector<1x1x16xi32>,
      %swap3A_695 = vector.shape_cast %swap3A_694 : vector<1x1x16xi32> to vector<16xi32>
      %swap3A_696 = vector.shape_cast %or3A_689 : vector<16xi32> to vector<1x1x16xi32>
      tpu.vector_store %arg11[%swap3A_691, %swap3A_692, %swap3A_693], %swap3A_696 {strides = array<i32>} : memref<1x64x128xi32, #tpu.memory_space<vmem>>, vector<1x1x16xi32>,
      %get3A_697 = arith.constant 1 : i32
      %get3A_698 = arith.index_cast %get3A_697 : i32 to index
      %get3A_699 = arith.index_cast %scan3A_600 : i32 to index
      %get3A_700 = arith.constant 48 : index
      %get3A_701 = tpu.vector_load %arg9[%get3A_698, %get3A_699, %get3A_700] {strides = array<i32>} : memref<2x64x128xf32, #tpu.memory_space<vmem>>, vector<1x1x16xf32>,
      %get3A_702 = vector.shape_cast %get3A_701 : vector<1x1x16xf32> to vector<16xf32>
      %bitcast_convert_type3A_703 = tpu.bitcast %get3A_702 : vector<16xf32> -> vector<16xi32>
      %add3A_704 = arith.constant 32768 : i32
      %add3A_705 = vector.broadcast %add3A_704 : i32 to vector<16xi32>
      %add3A_706 = arith.addi %bitcast_convert_type3A_703, %add3A_705 : vector<16xi32>
      %shift_right_logical3A_707 = arith.constant 16 : i32
      %shift_right_logical3A_708 = vector.broadcast %shift_right_logical3A_707 : i32 to vector<16xi32>
      %shift_right_logical3A_709 = arith.shrui %add3A_706, %shift_right_logical3A_708 : vector<16xi32>
      %get3A_710 = arith.constant 1 : i32
      %get3A_711 = arith.index_cast %get3A_710 : i32 to index
      %get3A_712 = arith.index_cast %scan3A_600 : i32 to index
      %get3A_713 = arith.constant 48 : index
      %get3A_714 = tpu.vector_load %arg10[%get3A_711, %get3A_712, %get3A_713] {strides = array<i32>} : memref<2x64x128xf32, #tpu.memory_space<vmem>>, vector<1x1x16xf32>,
      %get3A_715 = vector.shape_cast %get3A_714 : vector<1x1x16xf32> to vector<16xf32>
      %bitcast_convert_type3A_716 = tpu.bitcast %get3A_715 : vector<16xf32> -> vector<16xi32>
      %add3A_717 = arith.constant 32768 : i32
      %add3A_718 = vector.broadcast %add3A_717 : i32 to vector<16xi32>
      %add3A_719 = arith.addi %bitcast_convert_type3A_716, %add3A_718 : vector<16xi32>
      %and3A_720 = arith.constant -65536 : i32
      %and3A_721 = vector.broadcast %and3A_720 : i32 to vector<16xi32>
      %and3A_722 = arith.andi %add3A_719, %and3A_721 : vector<16xi32>
      %or3A_723 = arith.ori %shift_right_logical3A_709, %and3A_722 : vector<16xi32>
      %swap3A_724 = arith.constant 0 : i32
      %swap3A_725 = arith.index_cast %swap3A_724 : i32 to index
      %swap3A_726 = arith.index_cast %scan3A_600 : i32 to index
      %swap3A_727 = arith.constant 48 : index
      %swap3A_728 = tpu.vector_load %arg11[%swap3A_725, %swap3A_726, %swap3A_727] {strides = array<i32>} : memref<1x64x128xi32, #tpu.memory_space<vmem>>, vector<1x1x16xi32>,
      %swap3A_729 = vector.shape_cast %swap3A_728 : vector<1x1x16xi32> to vector<16xi32>
      %swap3A_730 = vector.shape_cast %or3A_723 : vector<16xi32> to vector<1x1x16xi32>
      tpu.vector_store %arg11[%swap3A_725, %swap3A_726, %swap3A_727], %swap3A_730 {strides = array<i32>} : memref<1x64x128xi32, #tpu.memory_space<vmem>>, vector<1x1x16xi32>,
      %get3A_731 = arith.constant 1 : i32
      %get3A_732 = arith.index_cast %get3A_731 : i32 to index
      %get3A_733 = arith.index_cast %scan3A_600 : i32 to index
      %get3A_734 = arith.constant 64 : index
      %get3A_735 = tpu.vector_load %arg9[%get3A_732, %get3A_733, %get3A_734] {strides = array<i32>} : memref<2x64x128xf32, #tpu.memory_space<vmem>>, vector<1x1x16xf32>,
      %get3A_736 = vector.shape_cast %get3A_735 : vector<1x1x16xf32> to vector<16xf32>
      %bitcast_convert_type3A_737 = tpu.bitcast %get3A_736 : vector<16xf32> -> vector<16xi32>
      %add3A_738 = arith.constant 32768 : i32
      %add3A_739 = vector.broadcast %add3A_738 : i32 to vector<16xi32>
      %add3A_740 = arith.addi %bitcast_convert_type3A_737, %add3A_739 : vector<16xi32>
      %shift_right_logical3A_741 = arith.constant 16 : i32
      %shift_right_logical3A_742 = vector.broadcast %shift_right_logical3A_741 : i32 to vector<16xi32>
      %shift_right_logical3A_743 = arith.shrui %add3A_740, %shift_right_logical3A_742 : vector<16xi32>
      %get3A_744 = arith.constant 1 : i32
      %get3A_745 = arith.index_cast %get3A_744 : i32 to index
      %get3A_746 = arith.index_cast %scan3A_600 : i32 to index
      %get3A_747 = arith.constant 64 : index
      %get3A_748 = tpu.vector_load %arg10[%get3A_745, %get3A_746, %get3A_747] {strides = array<i32>} : memref<2x64x128xf32, #tpu.memory_space<vmem>>, vector<1x1x16xf32>,
      %get3A_749 = vector.shape_cast %get3A_748 : vector<1x1x16xf32> to vector<16xf32>
      %bitcast_convert_type3A_750 = tpu.bitcast %get3A_749 : vector<16xf32> -> vector<16xi32>
      %add3A_751 = arith.constant 32768 : i32
      %add3A_752 = vector.broadcast %add3A_751 : i32 to vector<16xi32>
      %add3A_753 = arith.addi %bitcast_convert_type3A_750, %add3A_752 : vector<16xi32>
      %and3A_754 = arith.constant -65536 : i32
      %and3A_755 = vector.broadcast %and3A_754 : i32 to vector<16xi32>
      %and3A_756 = arith.andi %add3A_753, %and3A_755 : vector<16xi32>
      %or3A_757 = arith.ori %shift_right_logical3A_743, %and3A_756 : vector<16xi32>
      %swap3A_758 = arith.constant 0 : i32
      %swap3A_759 = arith.index_cast %swap3A_758 : i32 to index
      %swap3A_760 = arith.index_cast %scan3A_600 : i32 to index
      %swap3A_761 = arith.constant 64 : index
      %swap3A_762 = tpu.vector_load %arg11[%swap3A_759, %swap3A_760, %swap3A_761] {strides = array<i32>} : memref<1x64x128xi32, #tpu.memory_space<vmem>>, vector<1x1x16xi32>,
      %swap3A_763 = vector.shape_cast %swap3A_762 : vector<1x1x16xi32> to vector<16xi32>
      %swap3A_764 = vector.shape_cast %or3A_757 : vector<16xi32> to vector<1x1x16xi32>
      tpu.vector_store %arg11[%swap3A_759, %swap3A_760, %swap3A_761], %swap3A_764 {strides = array<i32>} : memref<1x64x128xi32, #tpu.memory_space<vmem>>, vector<1x1x16xi32>,
      %get3A_765 = arith.constant 1 : i32
      %get3A_766 = arith.index_cast %get3A_765 : i32 to index
      %get3A_767 = arith.index_cast %scan3A_600 : i32 to index
      %get3A_768 = arith.constant 80 : index
      %get3A_769 = tpu.vector_load %arg9[%get3A_766, %get3A_767, %get3A_768] {strides = array<i32>} : memref<2x64x128xf32, #tpu.memory_space<vmem>>, vector<1x1x16xf32>,
      %get3A_770 = vector.shape_cast %get3A_769 : vector<1x1x16xf32> to vector<16xf32>
      %bitcast_convert_type3A_771 = tpu.bitcast %get3A_770 : vector<16xf32> -> vector<16xi32>
      %add3A_772 = arith.constant 32768 : i32
      %add3A_773 = vector.broadcast %add3A_772 : i32 to vector<16xi32>
      %add3A_774 = arith.addi %bitcast_convert_type3A_771, %add3A_773 : vector<16xi32>
      %shift_right_logical3A_775 = arith.constant 16 : i32
      %shift_right_logical3A_776 = vector.broadcast %shift_right_logical3A_775 : i32 to vector<16xi32>
      %shift_right_logical3A_777 = arith.shrui %add3A_774, %shift_right_logical3A_776 : vector<16xi32>
      %get3A_778 = arith.constant 1 : i32
      %get3A_779 = arith.index_cast %get3A_778 : i32 to index
      %get3A_780 = arith.index_cast %scan3A_600 : i32 to index
      %get3A_781 = arith.constant 80 : index
      %get3A_782 = tpu.vector_load %arg10[%get3A_779, %get3A_780, %get3A_781] {strides = array<i32>} : memref<2x64x128xf32, #tpu.memory_space<vmem>>, vector<1x1x16xf32>,
      %get3A_783 = vector.shape_cast %get3A_782 : vector<1x1x16xf32> to vector<16xf32>
      %bitcast_convert_type3A_784 = tpu.bitcast %get3A_783 : vector<16xf32> -> vector<16xi32>
      %add3A_785 = arith.constant 32768 : i32
      %add3A_786 = vector.broadcast %add3A_785 : i32 to vector<16xi32>
      %add3A_787 = arith.addi %bitcast_convert_type3A_784, %add3A_786 : vector<16xi32>
      %and3A_788 = arith.constant -65536 : i32
      %and3A_789 = vector.broadcast %and3A_788 : i32 to vector<16xi32>
      %and3A_790 = arith.andi %add3A_787, %and3A_789 : vector<16xi32>
      %or3A_791 = arith.ori %shift_right_logical3A_777, %and3A_790 : vector<16xi32>
      %swap3A_792 = arith.constant 0 : i32
      %swap3A_793 = arith.index_cast %swap3A_792 : i32 to index
      %swap3A_794 = arith.index_cast %scan3A_600 : i32 to index
      %swap3A_795 = arith.constant 80 : index
      %swap3A_796 = tpu.vector_load %arg11[%swap3A_793, %swap3A_794, %swap3A_795] {strides = array<i32>} : memref<1x64x128xi32, #tpu.memory_space<vmem>>, vector<1x1x16xi32>,
      %swap3A_797 = vector.shape_cast %swap3A_796 : vector<1x1x16xi32> to vector<16xi32>
      %swap3A_798 = vector.shape_cast %or3A_791 : vector<16xi32> to vector<1x1x16xi32>
      tpu.vector_store %arg11[%swap3A_793, %swap3A_794, %swap3A_795], %swap3A_798 {strides = array<i32>} : memref<1x64x128xi32, #tpu.memory_space<vmem>>, vector<1x1x16xi32>,
      %get3A_799 = arith.constant 1 : i32
      %get3A_800 = arith.index_cast %get3A_799 : i32 to index
      %get3A_801 = arith.index_cast %scan3A_600 : i32 to index
      %get3A_802 = arith.constant 96 : index
      %get3A_803 = tpu.vector_load %arg9[%get3A_800, %get3A_801, %get3A_802] {strides = array<i32>} : memref<2x64x128xf32, #tpu.memory_space<vmem>>, vector<1x1x16xf32>,
      %get3A_804 = vector.shape_cast %get3A_803 : vector<1x1x16xf32> to vector<16xf32>
      %bitcast_convert_type3A_805 = tpu.bitcast %get3A_804 : vector<16xf32> -> vector<16xi32>
      %add3A_806 = arith.constant 32768 : i32
      %add3A_807 = vector.broadcast %add3A_806 : i32 to vector<16xi32>
      %add3A_808 = arith.addi %bitcast_convert_type3A_805, %add3A_807 : vector<16xi32>
      %shift_right_logical3A_809 = arith.constant 16 : i32
      %shift_right_logical3A_810 = vector.broadcast %shift_right_logical3A_809 : i32 to vector<16xi32>
      %shift_right_logical3A_811 = arith.shrui %add3A_808, %shift_right_logical3A_810 : vector<16xi32>
      %get3A_812 = arith.constant 1 : i32
      %get3A_813 = arith.index_cast %get3A_812 : i32 to index
      %get3A_814 = arith.index_cast %scan3A_600 : i32 to index
      %get3A_815 = arith.constant 96 : index
      %get3A_816 = tpu.vector_load %arg10[%get3A_813, %get3A_814, %get3A_815] {strides = array<i32>} : memref<2x64x128xf32, #tpu.memory_space<vmem>>, vector<1x1x16xf32>,
      %get3A_817 = vector.shape_cast %get3A_816 : vector<1x1x16xf32> to vector<16xf32>
      %bitcast_convert_type3A_818 = tpu.bitcast %get3A_817 : vector<16xf32> -> vector<16xi32>
      %add3A_819 = arith.constant 32768 : i32
      %add3A_820 = vector.broadcast %add3A_819 : i32 to vector<16xi32>
      %add3A_821 = arith.addi %bitcast_convert_type3A_818, %add3A_820 : vector<16xi32>
      %and3A_822 = arith.constant -65536 : i32
      %and3A_823 = vector.broadcast %and3A_822 : i32 to vector<16xi32>
      %and3A_824 = arith.andi %add3A_821, %and3A_823 : vector<16xi32>
      %or3A_825 = arith.ori %shift_right_logical3A_811, %and3A_824 : vector<16xi32>
      %swap3A_826 = arith.constant 0 : i32
      %swap3A_827 = arith.index_cast %swap3A_826 : i32 to index
      %swap3A_828 = arith.index_cast %scan3A_600 : i32 to index
      %swap3A_829 = arith.constant 96 : index
      %swap3A_830 = tpu.vector_load %arg11[%swap3A_827, %swap3A_828, %swap3A_829] {strides = array<i32>} : memref<1x64x128xi32, #tpu.memory_space<vmem>>, vector<1x1x16xi32>,
      %swap3A_831 = vector.shape_cast %swap3A_830 : vector<1x1x16xi32> to vector<16xi32>
      %swap3A_832 = vector.shape_cast %or3A_825 : vector<16xi32> to vector<1x1x16xi32>
      tpu.vector_store %arg11[%swap3A_827, %swap3A_828, %swap3A_829], %swap3A_832 {strides = array<i32>} : memref<1x64x128xi32, #tpu.memory_space<vmem>>, vector<1x1x16xi32>,
      %get3A_833 = arith.constant 1 : i32
      %get3A_834 = arith.index_cast %get3A_833 : i32 to index
      %get3A_835 = arith.index_cast %scan3A_600 : i32 to index
      %get3A_836 = arith.constant 112 : index
      %get3A_837 = tpu.vector_load %arg9[%get3A_834, %get3A_835, %get3A_836] {strides = array<i32>} : memref<2x64x128xf32, #tpu.memory_space<vmem>>, vector<1x1x16xf32>,
      %get3A_838 = vector.shape_cast %get3A_837 : vector<1x1x16xf32> to vector<16xf32>
      %bitcast_convert_type3A_839 = tpu.bitcast %get3A_838 : vector<16xf32> -> vector<16xi32>
      %add3A_840 = arith.constant 32768 : i32
      %add3A_841 = vector.broadcast %add3A_840 : i32 to vector<16xi32>
      %add3A_842 = arith.addi %bitcast_convert_type3A_839, %add3A_841 : vector<16xi32>
      %shift_right_logical3A_843 = arith.constant 16 : i32
      %shift_right_logical3A_844 = vector.broadcast %shift_right_logical3A_843 : i32 to vector<16xi32>
      %shift_right_logical3A_845 = arith.shrui %add3A_842, %shift_right_logical3A_844 : vector<16xi32>
      %get3A_846 = arith.constant 1 : i32
      %get3A_847 = arith.index_cast %get3A_846 : i32 to index
      %get3A_848 = arith.index_cast %scan3A_600 : i32 to index
      %get3A_849 = arith.constant 112 : index
      %get3A_850 = tpu.vector_load %arg10[%get3A_847, %get3A_848, %get3A_849] {strides = array<i32>} : memref<2x64x128xf32, #tpu.memory_space<vmem>>, vector<1x1x16xf32>,
      %get3A_851 = vector.shape_cast %get3A_850 : vector<1x1x16xf32> to vector<16xf32>
      %bitcast_convert_type3A_852 = tpu.bitcast %get3A_851 : vector<16xf32> -> vector<16xi32>
      %add3A_853 = arith.constant 32768 : i32
      %add3A_854 = vector.broadcast %add3A_853 : i32 to vector<16xi32>
      %add3A_855 = arith.addi %bitcast_convert_type3A_852, %add3A_854 : vector<16xi32>
      %and3A_856 = arith.constant -65536 : i32
      %and3A_857 = vector.broadcast %and3A_856 : i32 to vector<16xi32>
      %and3A_858 = arith.andi %add3A_855, %and3A_857 : vector<16xi32>
      %or3A_859 = arith.ori %shift_right_logical3A_845, %and3A_858 : vector<16xi32>
      %swap3A_860 = arith.constant 0 : i32
      %swap3A_861 = arith.index_cast %swap3A_860 : i32 to index
      %swap3A_862 = arith.index_cast %scan3A_600 : i32 to index
      %swap3A_863 = arith.constant 112 : index
      %swap3A_864 = tpu.vector_load %arg11[%swap3A_861, %swap3A_862, %swap3A_863] {strides = array<i32>} : memref<1x64x128xi32, #tpu.memory_space<vmem>>, vector<1x1x16xi32>,
      %swap3A_865 = vector.shape_cast %swap3A_864 : vector<1x1x16xi32> to vector<16xi32>
      %swap3A_866 = vector.shape_cast %or3A_859 : vector<16xi32> to vector<1x1x16xi32>
      tpu.vector_store %arg11[%swap3A_861, %swap3A_862, %swap3A_863], %swap3A_866 {strides = array<i32>} : memref<1x64x128xi32, #tpu.memory_space<vmem>>, vector<1x1x16xi32>,
    }
    %scan3A_443 = arith.constant 64 : i32
    %add3A_444 = arith.constant 320 : i32
    %add3A_445 = arith.addi %mul3A_2, %add3A_444 : i32
    %dma_start3A_446 = arith.constant 0 : i32
    %dma_start3A_447 = arith.constant 0 : i32
    %dma_start3A_448 = arith.constant 0 : i32
    %dma_start3A_449 = tpu.memref_slice %arg11[%dma_start3A_446, %dma_start3A_447, %dma_start3A_448] : memref<1x64x128xi32, #tpu.memory_space<vmem>> -> memref<1x64x128xi32, #tpu.memory_space<vmem>>
    %dma_start3A_450 = tpu.memref_squeeze %dma_start3A_449 : memref<1x64x128xi32, #tpu.memory_space<vmem>> -> memref<64x128xi32, #tpu.memory_space<vmem>>
    %dma_start3A_451 = arith.constant 0 : i32
    %dma_start3A_452 = tpu.memref_slice %arg6[%add3A_445, %dma_start3A_451] : memref<16384x128xi32, #tpu.memory_space<hbm>> -> memref<64x128xi32, #tpu.memory_space<hbm>>
    %dma_start3A_453 = arith.constant 0 : i32
    %dma_start3A_454 = tpu.memref_slice %arg6[%add3A_445, %dma_start3A_453] : memref<16384x128xi32, #tpu.memory_space<hbm>> -> memref<64x128xi32, #tpu.memory_space<hbm>>
    %dma_start3A_455 = arith.constant 0 : i32
    %dma_start3A_456 = arith.constant 0 : i32
    %dma_start3A_457 = tpu.memref_slice %arg11[%dma_start3A_446, %dma_start3A_455, %dma_start3A_456] : memref<1x64x128xi32, #tpu.memory_space<vmem>> -> memref<1x64x128xi32, #tpu.memory_space<vmem>>
    %dma_start3A_458 = tpu.memref_squeeze %dma_start3A_457 : memref<1x64x128xi32, #tpu.memory_space<vmem>> -> memref<64x128xi32, #tpu.memory_space<vmem>>
    tpu.enqueue_dma source(%dma_start3A_458 : memref<64x128xi32, #tpu.memory_space<vmem>>) target(%dma_start3A_454 : memref<64x128xi32, #tpu.memory_space<hbm>>) target_semaphore(%arg16 : memref<!tpu.dma_semaphore, #tpu.memory_space<semaphore_mem>>)
    %dma_wait3A_459 = arith.constant 0 : i32
    %dma_wait3A_460 = arith.constant 0 : i32
    %dma_wait3A_461 = arith.constant 0 : i32
    %dma_wait3A_462 = tpu.memref_slice %arg9[%dma_wait3A_459, %dma_wait3A_460, %dma_wait3A_461] : memref<2x64x128xf32, #tpu.memory_space<vmem>> -> memref<1x64x128xf32, #tpu.memory_space<vmem>>
    %dma_wait3A_463 = tpu.memref_squeeze %dma_wait3A_462 : memref<1x64x128xf32, #tpu.memory_space<vmem>> -> memref<64x128xf32, #tpu.memory_space<vmem>>
    %dma_wait3A_464 = arith.constant 384 : i32
    %dma_wait3A_465 = tpu.memref_slice %arg7[%dma_wait3A_464] : memref<512xi32, #tpu.memory_space<vmem>> -> memref<64xi32, #tpu.memory_space<vmem>>
    %dma_wait3A_466 = arith.constant 0 : i32
    %dma_wait3A_467 = arith.constant 0 : i32
    %dma_wait3A_468 = tpu.memref_slice %arg4[%dma_wait3A_466, %dma_wait3A_467] : memref<100001x128xf32, #tpu.memory_space<hbm>> -> memref<100001x128xf32, #tpu.memory_space<hbm>>
    tpu.wait_indirect_dma semaphore(%arg12 : memref<!tpu.dma_semaphore, #tpu.memory_space<semaphore_mem>>) src(%dma_wait3A_468 : memref<100001x128xf32, #tpu.memory_space<hbm>>) dst(%dma_wait3A_463 : memref<64x128xf32, #tpu.memory_space<vmem>>)
    %dma_wait3A_469 = arith.constant 0 : i32
    %dma_wait3A_470 = arith.constant 0 : i32
    %dma_wait3A_471 = arith.constant 0 : i32
    %dma_wait3A_472 = tpu.memref_slice %arg10[%dma_wait3A_469, %dma_wait3A_470, %dma_wait3A_471] : memref<2x64x128xf32, #tpu.memory_space<vmem>> -> memref<1x64x128xf32, #tpu.memory_space<vmem>>
    %dma_wait3A_473 = tpu.memref_squeeze %dma_wait3A_472 : memref<1x64x128xf32, #tpu.memory_space<vmem>> -> memref<64x128xf32, #tpu.memory_space<vmem>>
    %dma_wait3A_474 = arith.constant 384 : i32
    %dma_wait3A_475 = tpu.memref_slice %arg8[%dma_wait3A_474] : memref<512xi32, #tpu.memory_space<vmem>> -> memref<64xi32, #tpu.memory_space<vmem>>
    %dma_wait3A_476 = arith.constant 0 : i32
    %dma_wait3A_477 = arith.constant 0 : i32
    %dma_wait3A_478 = tpu.memref_slice %arg5[%dma_wait3A_476, %dma_wait3A_477] : memref<100001x128xf32, #tpu.memory_space<hbm>> -> memref<100001x128xf32, #tpu.memory_space<hbm>>
    tpu.wait_indirect_dma semaphore(%arg14 : memref<!tpu.dma_semaphore, #tpu.memory_space<semaphore_mem>>) src(%dma_wait3A_478 : memref<100001x128xf32, #tpu.memory_space<hbm>>) dst(%dma_wait3A_473 : memref<64x128xf32, #tpu.memory_space<vmem>>)
    %dma_start3A_479 = arith.constant 1 : i32
    %dma_start3A_480 = arith.constant 0 : i32
    %dma_start3A_481 = arith.constant 0 : i32
    %dma_start3A_482 = tpu.memref_slice %arg9[%dma_start3A_479, %dma_start3A_480, %dma_start3A_481] : memref<2x64x128xf32, #tpu.memory_space<vmem>> -> memref<1x64x128xf32, #tpu.memory_space<vmem>>
    %dma_start3A_483 = tpu.memref_squeeze %dma_start3A_482 : memref<1x64x128xf32, #tpu.memory_space<vmem>> -> memref<64x128xf32, #tpu.memory_space<vmem>>
    %dma_start3A_484 = arith.constant 448 : i32
    %dma_start3A_485 = tpu.memref_slice %arg7[%dma_start3A_484] : memref<512xi32, #tpu.memory_space<vmem>> -> memref<64xi32, #tpu.memory_space<vmem>>
    %dma_start3A_486 = arith.constant 0 : i32
    %dma_start3A_487 = arith.constant 0 : i32
    %dma_start3A_488 = tpu.memref_slice %arg4[%dma_start3A_486, %dma_start3A_487] : memref<100001x128xf32, #tpu.memory_space<hbm>> -> memref<100001x128xf32, #tpu.memory_space<hbm>>
    tpu.enqueue_indirect_dma source(%dma_start3A_488 : memref<100001x128xf32, #tpu.memory_space<hbm>>) target(%dma_start3A_483 : memref<64x128xf32, #tpu.memory_space<vmem>>) offsets(%dma_start3A_485 : memref<64xi32, #tpu.memory_space<vmem>>) semaphore(%arg13 : memref<!tpu.dma_semaphore, #tpu.memory_space<semaphore_mem>>)
    %dma_start3A_489 = arith.constant 1 : i32
    %dma_start3A_490 = arith.constant 0 : i32
    %dma_start3A_491 = arith.constant 0 : i32
    %dma_start3A_492 = tpu.memref_slice %arg10[%dma_start3A_489, %dma_start3A_490, %dma_start3A_491] : memref<2x64x128xf32, #tpu.memory_space<vmem>> -> memref<1x64x128xf32, #tpu.memory_space<vmem>>
    %dma_start3A_493 = tpu.memref_squeeze %dma_start3A_492 : memref<1x64x128xf32, #tpu.memory_space<vmem>> -> memref<64x128xf32, #tpu.memory_space<vmem>>
    %dma_start3A_494 = arith.constant 448 : i32
    %dma_start3A_495 = tpu.memref_slice %arg8[%dma_start3A_494] : memref<512xi32, #tpu.memory_space<vmem>> -> memref<64xi32, #tpu.memory_space<vmem>>
    %dma_start3A_496 = arith.constant 0 : i32
    %dma_start3A_497 = arith.constant 0 : i32
    %dma_start3A_498 = tpu.memref_slice %arg5[%dma_start3A_496, %dma_start3A_497] : memref<100001x128xf32, #tpu.memory_space<hbm>> -> memref<100001x128xf32, #tpu.memory_space<hbm>>
    tpu.enqueue_indirect_dma source(%dma_start3A_498 : memref<100001x128xf32, #tpu.memory_space<hbm>>) target(%dma_start3A_493 : memref<64x128xf32, #tpu.memory_space<vmem>>) offsets(%dma_start3A_495 : memref<64xi32, #tpu.memory_space<vmem>>) semaphore(%arg15 : memref<!tpu.dma_semaphore, #tpu.memory_space<semaphore_mem>>)
    %dma_wait3A_499 = arith.constant 0 : i32
    %dma_wait3A_500 = arith.constant 0 : i32
    %dma_wait3A_501 = arith.constant 0 : i32
    %dma_wait3A_502 = tpu.memref_slice %arg11[%dma_wait3A_499, %dma_wait3A_500, %dma_wait3A_501] : memref<1x64x128xi32, #tpu.memory_space<vmem>> -> memref<1x64x128xi32, #tpu.memory_space<vmem>>
    %dma_wait3A_503 = tpu.memref_squeeze %dma_wait3A_502 : memref<1x64x128xi32, #tpu.memory_space<vmem>> -> memref<64x128xi32, #tpu.memory_space<vmem>>
    %dma_wait3A_504 = arith.constant 0 : i32
    %dma_wait3A_505 = tpu.memref_slice %arg6[%add3A_445, %dma_wait3A_504] : memref<16384x128xi32, #tpu.memory_space<hbm>> -> memref<64x128xi32, #tpu.memory_space<hbm>>
    %dma_wait3A_506 = arith.constant 0 : i32
    %dma_wait3A_507 = tpu.memref_slice %arg6[%add3A_445, %dma_wait3A_506] : memref<16384x128xi32, #tpu.memory_space<hbm>> -> memref<64x128xi32, #tpu.memory_space<hbm>>
    %dma_wait3A_508 = arith.constant 0 : i32
    %dma_wait3A_509 = arith.constant 0 : i32
    %dma_wait3A_510 = tpu.memref_slice %arg11[%dma_wait3A_499, %dma_wait3A_508, %dma_wait3A_509] : memref<1x64x128xi32, #tpu.memory_space<vmem>> -> memref<1x64x128xi32, #tpu.memory_space<vmem>>
    %dma_wait3A_511 = tpu.memref_squeeze %dma_wait3A_510 : memref<1x64x128xi32, #tpu.memory_space<vmem>> -> memref<64x128xi32, #tpu.memory_space<vmem>>
    tpu.wait_dma2 semaphore(%arg16 : memref<!tpu.dma_semaphore, #tpu.memory_space<semaphore_mem>>) src(%dma_wait3A_511 : memref<64x128xi32, #tpu.memory_space<vmem>>) dst(%dma_wait3A_507 : memref<64x128xi32, #tpu.memory_space<hbm>>)
    %scan3A_512 = arith.constant 0 : i32
    %scan3A_513 = arith.constant 0 : i32
    %scan3A_514 = arith.constant 64 : i32
    %scan3A_515 = arith.addi %scan3A_513, %scan3A_514 : i32
    %scan3A_516 = arith.constant 1 : i32
    scf.for %scan3A_600 = %scan3A_513 to %scan3A_515 step %scan3A_516  : i32 {
      %get3A = arith.constant 0 : i32
      %get3A_601 = arith.index_cast %get3A : i32 to index
      %get3A_602 = arith.index_cast %scan3A_600 : i32 to index
      %get3A_603 = arith.constant 0 : index
      %get3A_604 = tpu.vector_load %arg9[%get3A_601, %get3A_602, %get3A_603] {strides = array<i32>} : memref<2x64x128xf32, #tpu.memory_space<vmem>>, vector<1x1x16xf32>,
      %get3A_605 = vector.shape_cast %get3A_604 : vector<1x1x16xf32> to vector<16xf32>
      %bitcast_convert_type3A = tpu.bitcast %get3A_605 : vector<16xf32> -> vector<16xi32>
      %add3A_606 = arith.constant 32768 : i32
      %add3A_607 = vector.broadcast %add3A_606 : i32 to vector<16xi32>
      %add3A_608 = arith.addi %bitcast_convert_type3A, %add3A_607 : vector<16xi32>
      %shift_right_logical3A = arith.constant 16 : i32
      %shift_right_logical3A_609 = vector.broadcast %shift_right_logical3A : i32 to vector<16xi32>
      %shift_right_logical3A_610 = arith.shrui %add3A_608, %shift_right_logical3A_609 : vector<16xi32>
      %get3A_611 = arith.constant 0 : i32
      %get3A_612 = arith.index_cast %get3A_611 : i32 to index
      %get3A_613 = arith.index_cast %scan3A_600 : i32 to index
      %get3A_614 = arith.constant 0 : index
      %get3A_615 = tpu.vector_load %arg10[%get3A_612, %get3A_613, %get3A_614] {strides = array<i32>} : memref<2x64x128xf32, #tpu.memory_space<vmem>>, vector<1x1x16xf32>,
      %get3A_616 = vector.shape_cast %get3A_615 : vector<1x1x16xf32> to vector<16xf32>
      %bitcast_convert_type3A_617 = tpu.bitcast %get3A_616 : vector<16xf32> -> vector<16xi32>
      %add3A_618 = arith.constant 32768 : i32
      %add3A_619 = vector.broadcast %add3A_618 : i32 to vector<16xi32>
      %add3A_620 = arith.addi %bitcast_convert_type3A_617, %add3A_619 : vector<16xi32>
      %and3A = arith.constant -65536 : i32
      %and3A_621 = vector.broadcast %and3A : i32 to vector<16xi32>
      %and3A_622 = arith.andi %add3A_620, %and3A_621 : vector<16xi32>
      %or3A = arith.ori %shift_right_logical3A_610, %and3A_622 : vector<16xi32>
      %swap3A = arith.constant 0 : i32
      %swap3A_623 = arith.index_cast %swap3A : i32 to index
      %swap3A_624 = arith.index_cast %scan3A_600 : i32 to index
      %swap3A_625 = arith.constant 0 : index
      %swap3A_626 = tpu.vector_load %arg11[%swap3A_623, %swap3A_624, %swap3A_625] {strides = array<i32>} : memref<1x64x128xi32, #tpu.memory_space<vmem>>, vector<1x1x16xi32>,
      %swap3A_627 = vector.shape_cast %swap3A_626 : vector<1x1x16xi32> to vector<16xi32>
      %swap3A_628 = vector.shape_cast %or3A : vector<16xi32> to vector<1x1x16xi32>
      tpu.vector_store %arg11[%swap3A_623, %swap3A_624, %swap3A_625], %swap3A_628 {strides = array<i32>} : memref<1x64x128xi32, #tpu.memory_space<vmem>>, vector<1x1x16xi32>,
      %get3A_629 = arith.constant 0 : i32
      %get3A_630 = arith.index_cast %get3A_629 : i32 to index
      %get3A_631 = arith.index_cast %scan3A_600 : i32 to index
      %get3A_632 = arith.constant 16 : index
      %get3A_633 = tpu.vector_load %arg9[%get3A_630, %get3A_631, %get3A_632] {strides = array<i32>} : memref<2x64x128xf32, #tpu.memory_space<vmem>>, vector<1x1x16xf32>,
      %get3A_634 = vector.shape_cast %get3A_633 : vector<1x1x16xf32> to vector<16xf32>
      %bitcast_convert_type3A_635 = tpu.bitcast %get3A_634 : vector<16xf32> -> vector<16xi32>
      %add3A_636 = arith.constant 32768 : i32
      %add3A_637 = vector.broadcast %add3A_636 : i32 to vector<16xi32>
      %add3A_638 = arith.addi %bitcast_convert_type3A_635, %add3A_637 : vector<16xi32>
      %shift_right_logical3A_639 = arith.constant 16 : i32
      %shift_right_logical3A_640 = vector.broadcast %shift_right_logical3A_639 : i32 to vector<16xi32>
      %shift_right_logical3A_641 = arith.shrui %add3A_638, %shift_right_logical3A_640 : vector<16xi32>
      %get3A_642 = arith.constant 0 : i32
      %get3A_643 = arith.index_cast %get3A_642 : i32 to index
      %get3A_644 = arith.index_cast %scan3A_600 : i32 to index
      %get3A_645 = arith.constant 16 : index
      %get3A_646 = tpu.vector_load %arg10[%get3A_643, %get3A_644, %get3A_645] {strides = array<i32>} : memref<2x64x128xf32, #tpu.memory_space<vmem>>, vector<1x1x16xf32>,
      %get3A_647 = vector.shape_cast %get3A_646 : vector<1x1x16xf32> to vector<16xf32>
      %bitcast_convert_type3A_648 = tpu.bitcast %get3A_647 : vector<16xf32> -> vector<16xi32>
      %add3A_649 = arith.constant 32768 : i32
      %add3A_650 = vector.broadcast %add3A_649 : i32 to vector<16xi32>
      %add3A_651 = arith.addi %bitcast_convert_type3A_648, %add3A_650 : vector<16xi32>
      %and3A_652 = arith.constant -65536 : i32
      %and3A_653 = vector.broadcast %and3A_652 : i32 to vector<16xi32>
      %and3A_654 = arith.andi %add3A_651, %and3A_653 : vector<16xi32>
      %or3A_655 = arith.ori %shift_right_logical3A_641, %and3A_654 : vector<16xi32>
      %swap3A_656 = arith.constant 0 : i32
      %swap3A_657 = arith.index_cast %swap3A_656 : i32 to index
      %swap3A_658 = arith.index_cast %scan3A_600 : i32 to index
      %swap3A_659 = arith.constant 16 : index
      %swap3A_660 = tpu.vector_load %arg11[%swap3A_657, %swap3A_658, %swap3A_659] {strides = array<i32>} : memref<1x64x128xi32, #tpu.memory_space<vmem>>, vector<1x1x16xi32>,
      %swap3A_661 = vector.shape_cast %swap3A_660 : vector<1x1x16xi32> to vector<16xi32>
      %swap3A_662 = vector.shape_cast %or3A_655 : vector<16xi32> to vector<1x1x16xi32>
      tpu.vector_store %arg11[%swap3A_657, %swap3A_658, %swap3A_659], %swap3A_662 {strides = array<i32>} : memref<1x64x128xi32, #tpu.memory_space<vmem>>, vector<1x1x16xi32>,
      %get3A_663 = arith.constant 0 : i32
      %get3A_664 = arith.index_cast %get3A_663 : i32 to index
      %get3A_665 = arith.index_cast %scan3A_600 : i32 to index
      %get3A_666 = arith.constant 32 : index
      %get3A_667 = tpu.vector_load %arg9[%get3A_664, %get3A_665, %get3A_666] {strides = array<i32>} : memref<2x64x128xf32, #tpu.memory_space<vmem>>, vector<1x1x16xf32>,
      %get3A_668 = vector.shape_cast %get3A_667 : vector<1x1x16xf32> to vector<16xf32>
      %bitcast_convert_type3A_669 = tpu.bitcast %get3A_668 : vector<16xf32> -> vector<16xi32>
      %add3A_670 = arith.constant 32768 : i32
      %add3A_671 = vector.broadcast %add3A_670 : i32 to vector<16xi32>
      %add3A_672 = arith.addi %bitcast_convert_type3A_669, %add3A_671 : vector<16xi32>
      %shift_right_logical3A_673 = arith.constant 16 : i32
      %shift_right_logical3A_674 = vector.broadcast %shift_right_logical3A_673 : i32 to vector<16xi32>
      %shift_right_logical3A_675 = arith.shrui %add3A_672, %shift_right_logical3A_674 : vector<16xi32>
      %get3A_676 = arith.constant 0 : i32
      %get3A_677 = arith.index_cast %get3A_676 : i32 to index
      %get3A_678 = arith.index_cast %scan3A_600 : i32 to index
      %get3A_679 = arith.constant 32 : index
      %get3A_680 = tpu.vector_load %arg10[%get3A_677, %get3A_678, %get3A_679] {strides = array<i32>} : memref<2x64x128xf32, #tpu.memory_space<vmem>>, vector<1x1x16xf32>,
      %get3A_681 = vector.shape_cast %get3A_680 : vector<1x1x16xf32> to vector<16xf32>
      %bitcast_convert_type3A_682 = tpu.bitcast %get3A_681 : vector<16xf32> -> vector<16xi32>
      %add3A_683 = arith.constant 32768 : i32
      %add3A_684 = vector.broadcast %add3A_683 : i32 to vector<16xi32>
      %add3A_685 = arith.addi %bitcast_convert_type3A_682, %add3A_684 : vector<16xi32>
      %and3A_686 = arith.constant -65536 : i32
      %and3A_687 = vector.broadcast %and3A_686 : i32 to vector<16xi32>
      %and3A_688 = arith.andi %add3A_685, %and3A_687 : vector<16xi32>
      %or3A_689 = arith.ori %shift_right_logical3A_675, %and3A_688 : vector<16xi32>
      %swap3A_690 = arith.constant 0 : i32
      %swap3A_691 = arith.index_cast %swap3A_690 : i32 to index
      %swap3A_692 = arith.index_cast %scan3A_600 : i32 to index
      %swap3A_693 = arith.constant 32 : index
      %swap3A_694 = tpu.vector_load %arg11[%swap3A_691, %swap3A_692, %swap3A_693] {strides = array<i32>} : memref<1x64x128xi32, #tpu.memory_space<vmem>>, vector<1x1x16xi32>,
      %swap3A_695 = vector.shape_cast %swap3A_694 : vector<1x1x16xi32> to vector<16xi32>
      %swap3A_696 = vector.shape_cast %or3A_689 : vector<16xi32> to vector<1x1x16xi32>
      tpu.vector_store %arg11[%swap3A_691, %swap3A_692, %swap3A_693], %swap3A_696 {strides = array<i32>} : memref<1x64x128xi32, #tpu.memory_space<vmem>>, vector<1x1x16xi32>,
      %get3A_697 = arith.constant 0 : i32
      %get3A_698 = arith.index_cast %get3A_697 : i32 to index
      %get3A_699 = arith.index_cast %scan3A_600 : i32 to index
      %get3A_700 = arith.constant 48 : index
      %get3A_701 = tpu.vector_load %arg9[%get3A_698, %get3A_699, %get3A_700] {strides = array<i32>} : memref<2x64x128xf32, #tpu.memory_space<vmem>>, vector<1x1x16xf32>,
      %get3A_702 = vector.shape_cast %get3A_701 : vector<1x1x16xf32> to vector<16xf32>
      %bitcast_convert_type3A_703 = tpu.bitcast %get3A_702 : vector<16xf32> -> vector<16xi32>
      %add3A_704 = arith.constant 32768 : i32
      %add3A_705 = vector.broadcast %add3A_704 : i32 to vector<16xi32>
      %add3A_706 = arith.addi %bitcast_convert_type3A_703, %add3A_705 : vector<16xi32>
      %shift_right_logical3A_707 = arith.constant 16 : i32
      %shift_right_logical3A_708 = vector.broadcast %shift_right_logical3A_707 : i32 to vector<16xi32>
      %shift_right_logical3A_709 = arith.shrui %add3A_706, %shift_right_logical3A_708 : vector<16xi32>
      %get3A_710 = arith.constant 0 : i32
      %get3A_711 = arith.index_cast %get3A_710 : i32 to index
      %get3A_712 = arith.index_cast %scan3A_600 : i32 to index
      %get3A_713 = arith.constant 48 : index
      %get3A_714 = tpu.vector_load %arg10[%get3A_711, %get3A_712, %get3A_713] {strides = array<i32>} : memref<2x64x128xf32, #tpu.memory_space<vmem>>, vector<1x1x16xf32>,
      %get3A_715 = vector.shape_cast %get3A_714 : vector<1x1x16xf32> to vector<16xf32>
      %bitcast_convert_type3A_716 = tpu.bitcast %get3A_715 : vector<16xf32> -> vector<16xi32>
      %add3A_717 = arith.constant 32768 : i32
      %add3A_718 = vector.broadcast %add3A_717 : i32 to vector<16xi32>
      %add3A_719 = arith.addi %bitcast_convert_type3A_716, %add3A_718 : vector<16xi32>
      %and3A_720 = arith.constant -65536 : i32
      %and3A_721 = vector.broadcast %and3A_720 : i32 to vector<16xi32>
      %and3A_722 = arith.andi %add3A_719, %and3A_721 : vector<16xi32>
      %or3A_723 = arith.ori %shift_right_logical3A_709, %and3A_722 : vector<16xi32>
      %swap3A_724 = arith.constant 0 : i32
      %swap3A_725 = arith.index_cast %swap3A_724 : i32 to index
      %swap3A_726 = arith.index_cast %scan3A_600 : i32 to index
      %swap3A_727 = arith.constant 48 : index
      %swap3A_728 = tpu.vector_load %arg11[%swap3A_725, %swap3A_726, %swap3A_727] {strides = array<i32>} : memref<1x64x128xi32, #tpu.memory_space<vmem>>, vector<1x1x16xi32>,
      %swap3A_729 = vector.shape_cast %swap3A_728 : vector<1x1x16xi32> to vector<16xi32>
      %swap3A_730 = vector.shape_cast %or3A_723 : vector<16xi32> to vector<1x1x16xi32>
      tpu.vector_store %arg11[%swap3A_725, %swap3A_726, %swap3A_727], %swap3A_730 {strides = array<i32>} : memref<1x64x128xi32, #tpu.memory_space<vmem>>, vector<1x1x16xi32>,
      %get3A_731 = arith.constant 0 : i32
      %get3A_732 = arith.index_cast %get3A_731 : i32 to index
      %get3A_733 = arith.index_cast %scan3A_600 : i32 to index
      %get3A_734 = arith.constant 64 : index
      %get3A_735 = tpu.vector_load %arg9[%get3A_732, %get3A_733, %get3A_734] {strides = array<i32>} : memref<2x64x128xf32, #tpu.memory_space<vmem>>, vector<1x1x16xf32>,
      %get3A_736 = vector.shape_cast %get3A_735 : vector<1x1x16xf32> to vector<16xf32>
      %bitcast_convert_type3A_737 = tpu.bitcast %get3A_736 : vector<16xf32> -> vector<16xi32>
      %add3A_738 = arith.constant 32768 : i32
      %add3A_739 = vector.broadcast %add3A_738 : i32 to vector<16xi32>
      %add3A_740 = arith.addi %bitcast_convert_type3A_737, %add3A_739 : vector<16xi32>
      %shift_right_logical3A_741 = arith.constant 16 : i32
      %shift_right_logical3A_742 = vector.broadcast %shift_right_logical3A_741 : i32 to vector<16xi32>
      %shift_right_logical3A_743 = arith.shrui %add3A_740, %shift_right_logical3A_742 : vector<16xi32>
      %get3A_744 = arith.constant 0 : i32
      %get3A_745 = arith.index_cast %get3A_744 : i32 to index
      %get3A_746 = arith.index_cast %scan3A_600 : i32 to index
      %get3A_747 = arith.constant 64 : index
      %get3A_748 = tpu.vector_load %arg10[%get3A_745, %get3A_746, %get3A_747] {strides = array<i32>} : memref<2x64x128xf32, #tpu.memory_space<vmem>>, vector<1x1x16xf32>,
      %get3A_749 = vector.shape_cast %get3A_748 : vector<1x1x16xf32> to vector<16xf32>
      %bitcast_convert_type3A_750 = tpu.bitcast %get3A_749 : vector<16xf32> -> vector<16xi32>
      %add3A_751 = arith.constant 32768 : i32
      %add3A_752 = vector.broadcast %add3A_751 : i32 to vector<16xi32>
      %add3A_753 = arith.addi %bitcast_convert_type3A_750, %add3A_752 : vector<16xi32>
      %and3A_754 = arith.constant -65536 : i32
      %and3A_755 = vector.broadcast %and3A_754 : i32 to vector<16xi32>
      %and3A_756 = arith.andi %add3A_753, %and3A_755 : vector<16xi32>
      %or3A_757 = arith.ori %shift_right_logical3A_743, %and3A_756 : vector<16xi32>
      %swap3A_758 = arith.constant 0 : i32
      %swap3A_759 = arith.index_cast %swap3A_758 : i32 to index
      %swap3A_760 = arith.index_cast %scan3A_600 : i32 to index
      %swap3A_761 = arith.constant 64 : index
      %swap3A_762 = tpu.vector_load %arg11[%swap3A_759, %swap3A_760, %swap3A_761] {strides = array<i32>} : memref<1x64x128xi32, #tpu.memory_space<vmem>>, vector<1x1x16xi32>,
      %swap3A_763 = vector.shape_cast %swap3A_762 : vector<1x1x16xi32> to vector<16xi32>
      %swap3A_764 = vector.shape_cast %or3A_757 : vector<16xi32> to vector<1x1x16xi32>
      tpu.vector_store %arg11[%swap3A_759, %swap3A_760, %swap3A_761], %swap3A_764 {strides = array<i32>} : memref<1x64x128xi32, #tpu.memory_space<vmem>>, vector<1x1x16xi32>,
      %get3A_765 = arith.constant 0 : i32
      %get3A_766 = arith.index_cast %get3A_765 : i32 to index
      %get3A_767 = arith.index_cast %scan3A_600 : i32 to index
      %get3A_768 = arith.constant 80 : index
      %get3A_769 = tpu.vector_load %arg9[%get3A_766, %get3A_767, %get3A_768] {strides = array<i32>} : memref<2x64x128xf32, #tpu.memory_space<vmem>>, vector<1x1x16xf32>,
      %get3A_770 = vector.shape_cast %get3A_769 : vector<1x1x16xf32> to vector<16xf32>
      %bitcast_convert_type3A_771 = tpu.bitcast %get3A_770 : vector<16xf32> -> vector<16xi32>
      %add3A_772 = arith.constant 32768 : i32
      %add3A_773 = vector.broadcast %add3A_772 : i32 to vector<16xi32>
      %add3A_774 = arith.addi %bitcast_convert_type3A_771, %add3A_773 : vector<16xi32>
      %shift_right_logical3A_775 = arith.constant 16 : i32
      %shift_right_logical3A_776 = vector.broadcast %shift_right_logical3A_775 : i32 to vector<16xi32>
      %shift_right_logical3A_777 = arith.shrui %add3A_774, %shift_right_logical3A_776 : vector<16xi32>
      %get3A_778 = arith.constant 0 : i32
      %get3A_779 = arith.index_cast %get3A_778 : i32 to index
      %get3A_780 = arith.index_cast %scan3A_600 : i32 to index
      %get3A_781 = arith.constant 80 : index
      %get3A_782 = tpu.vector_load %arg10[%get3A_779, %get3A_780, %get3A_781] {strides = array<i32>} : memref<2x64x128xf32, #tpu.memory_space<vmem>>, vector<1x1x16xf32>,
      %get3A_783 = vector.shape_cast %get3A_782 : vector<1x1x16xf32> to vector<16xf32>
      %bitcast_convert_type3A_784 = tpu.bitcast %get3A_783 : vector<16xf32> -> vector<16xi32>
      %add3A_785 = arith.constant 32768 : i32
      %add3A_786 = vector.broadcast %add3A_785 : i32 to vector<16xi32>
      %add3A_787 = arith.addi %bitcast_convert_type3A_784, %add3A_786 : vector<16xi32>
      %and3A_788 = arith.constant -65536 : i32
      %and3A_789 = vector.broadcast %and3A_788 : i32 to vector<16xi32>
      %and3A_790 = arith.andi %add3A_787, %and3A_789 : vector<16xi32>
      %or3A_791 = arith.ori %shift_right_logical3A_777, %and3A_790 : vector<16xi32>
      %swap3A_792 = arith.constant 0 : i32
      %swap3A_793 = arith.index_cast %swap3A_792 : i32 to index
      %swap3A_794 = arith.index_cast %scan3A_600 : i32 to index
      %swap3A_795 = arith.constant 80 : index
      %swap3A_796 = tpu.vector_load %arg11[%swap3A_793, %swap3A_794, %swap3A_795] {strides = array<i32>} : memref<1x64x128xi32, #tpu.memory_space<vmem>>, vector<1x1x16xi32>,
      %swap3A_797 = vector.shape_cast %swap3A_796 : vector<1x1x16xi32> to vector<16xi32>
      %swap3A_798 = vector.shape_cast %or3A_791 : vector<16xi32> to vector<1x1x16xi32>
      tpu.vector_store %arg11[%swap3A_793, %swap3A_794, %swap3A_795], %swap3A_798 {strides = array<i32>} : memref<1x64x128xi32, #tpu.memory_space<vmem>>, vector<1x1x16xi32>,
      %get3A_799 = arith.constant 0 : i32
      %get3A_800 = arith.index_cast %get3A_799 : i32 to index
      %get3A_801 = arith.index_cast %scan3A_600 : i32 to index
      %get3A_802 = arith.constant 96 : index
      %get3A_803 = tpu.vector_load %arg9[%get3A_800, %get3A_801, %get3A_802] {strides = array<i32>} : memref<2x64x128xf32, #tpu.memory_space<vmem>>, vector<1x1x16xf32>,
      %get3A_804 = vector.shape_cast %get3A_803 : vector<1x1x16xf32> to vector<16xf32>
      %bitcast_convert_type3A_805 = tpu.bitcast %get3A_804 : vector<16xf32> -> vector<16xi32>
      %add3A_806 = arith.constant 32768 : i32
      %add3A_807 = vector.broadcast %add3A_806 : i32 to vector<16xi32>
      %add3A_808 = arith.addi %bitcast_convert_type3A_805, %add3A_807 : vector<16xi32>
      %shift_right_logical3A_809 = arith.constant 16 : i32
      %shift_right_logical3A_810 = vector.broadcast %shift_right_logical3A_809 : i32 to vector<16xi32>
      %shift_right_logical3A_811 = arith.shrui %add3A_808, %shift_right_logical3A_810 : vector<16xi32>
      %get3A_812 = arith.constant 0 : i32
      %get3A_813 = arith.index_cast %get3A_812 : i32 to index
      %get3A_814 = arith.index_cast %scan3A_600 : i32 to index
      %get3A_815 = arith.constant 96 : index
      %get3A_816 = tpu.vector_load %arg10[%get3A_813, %get3A_814, %get3A_815] {strides = array<i32>} : memref<2x64x128xf32, #tpu.memory_space<vmem>>, vector<1x1x16xf32>,
      %get3A_817 = vector.shape_cast %get3A_816 : vector<1x1x16xf32> to vector<16xf32>
      %bitcast_convert_type3A_818 = tpu.bitcast %get3A_817 : vector<16xf32> -> vector<16xi32>
      %add3A_819 = arith.constant 32768 : i32
      %add3A_820 = vector.broadcast %add3A_819 : i32 to vector<16xi32>
      %add3A_821 = arith.addi %bitcast_convert_type3A_818, %add3A_820 : vector<16xi32>
      %and3A_822 = arith.constant -65536 : i32
      %and3A_823 = vector.broadcast %and3A_822 : i32 to vector<16xi32>
      %and3A_824 = arith.andi %add3A_821, %and3A_823 : vector<16xi32>
      %or3A_825 = arith.ori %shift_right_logical3A_811, %and3A_824 : vector<16xi32>
      %swap3A_826 = arith.constant 0 : i32
      %swap3A_827 = arith.index_cast %swap3A_826 : i32 to index
      %swap3A_828 = arith.index_cast %scan3A_600 : i32 to index
      %swap3A_829 = arith.constant 96 : index
      %swap3A_830 = tpu.vector_load %arg11[%swap3A_827, %swap3A_828, %swap3A_829] {strides = array<i32>} : memref<1x64x128xi32, #tpu.memory_space<vmem>>, vector<1x1x16xi32>,
      %swap3A_831 = vector.shape_cast %swap3A_830 : vector<1x1x16xi32> to vector<16xi32>
      %swap3A_832 = vector.shape_cast %or3A_825 : vector<16xi32> to vector<1x1x16xi32>
      tpu.vector_store %arg11[%swap3A_827, %swap3A_828, %swap3A_829], %swap3A_832 {strides = array<i32>} : memref<1x64x128xi32, #tpu.memory_space<vmem>>, vector<1x1x16xi32>,
      %get3A_833 = arith.constant 0 : i32
      %get3A_834 = arith.index_cast %get3A_833 : i32 to index
      %get3A_835 = arith.index_cast %scan3A_600 : i32 to index
      %get3A_836 = arith.constant 112 : index
      %get3A_837 = tpu.vector_load %arg9[%get3A_834, %get3A_835, %get3A_836] {strides = array<i32>} : memref<2x64x128xf32, #tpu.memory_space<vmem>>, vector<1x1x16xf32>,
      %get3A_838 = vector.shape_cast %get3A_837 : vector<1x1x16xf32> to vector<16xf32>
      %bitcast_convert_type3A_839 = tpu.bitcast %get3A_838 : vector<16xf32> -> vector<16xi32>
      %add3A_840 = arith.constant 32768 : i32
      %add3A_841 = vector.broadcast %add3A_840 : i32 to vector<16xi32>
      %add3A_842 = arith.addi %bitcast_convert_type3A_839, %add3A_841 : vector<16xi32>
      %shift_right_logical3A_843 = arith.constant 16 : i32
      %shift_right_logical3A_844 = vector.broadcast %shift_right_logical3A_843 : i32 to vector<16xi32>
      %shift_right_logical3A_845 = arith.shrui %add3A_842, %shift_right_logical3A_844 : vector<16xi32>
      %get3A_846 = arith.constant 0 : i32
      %get3A_847 = arith.index_cast %get3A_846 : i32 to index
      %get3A_848 = arith.index_cast %scan3A_600 : i32 to index
      %get3A_849 = arith.constant 112 : index
      %get3A_850 = tpu.vector_load %arg10[%get3A_847, %get3A_848, %get3A_849] {strides = array<i32>} : memref<2x64x128xf32, #tpu.memory_space<vmem>>, vector<1x1x16xf32>,
      %get3A_851 = vector.shape_cast %get3A_850 : vector<1x1x16xf32> to vector<16xf32>
      %bitcast_convert_type3A_852 = tpu.bitcast %get3A_851 : vector<16xf32> -> vector<16xi32>
      %add3A_853 = arith.constant 32768 : i32
      %add3A_854 = vector.broadcast %add3A_853 : i32 to vector<16xi32>
      %add3A_855 = arith.addi %bitcast_convert_type3A_852, %add3A_854 : vector<16xi32>
      %and3A_856 = arith.constant -65536 : i32
      %and3A_857 = vector.broadcast %and3A_856 : i32 to vector<16xi32>
      %and3A_858 = arith.andi %add3A_855, %and3A_857 : vector<16xi32>
      %or3A_859 = arith.ori %shift_right_logical3A_845, %and3A_858 : vector<16xi32>
      %swap3A_860 = arith.constant 0 : i32
      %swap3A_861 = arith.index_cast %swap3A_860 : i32 to index
      %swap3A_862 = arith.index_cast %scan3A_600 : i32 to index
      %swap3A_863 = arith.constant 112 : index
      %swap3A_864 = tpu.vector_load %arg11[%swap3A_861, %swap3A_862, %swap3A_863] {strides = array<i32>} : memref<1x64x128xi32, #tpu.memory_space<vmem>>, vector<1x1x16xi32>,
      %swap3A_865 = vector.shape_cast %swap3A_864 : vector<1x1x16xi32> to vector<16xi32>
      %swap3A_866 = vector.shape_cast %or3A_859 : vector<16xi32> to vector<1x1x16xi32>
      tpu.vector_store %arg11[%swap3A_861, %swap3A_862, %swap3A_863], %swap3A_866 {strides = array<i32>} : memref<1x64x128xi32, #tpu.memory_space<vmem>>, vector<1x1x16xi32>,
    }
    %scan3A_517 = arith.constant 64 : i32
    %add3A_518 = arith.constant 384 : i32
    %add3A_519 = arith.addi %mul3A_2, %add3A_518 : i32
    %dma_start3A_520 = arith.constant 0 : i32
    %dma_start3A_521 = arith.constant 0 : i32
    %dma_start3A_522 = arith.constant 0 : i32
    %dma_start3A_523 = tpu.memref_slice %arg11[%dma_start3A_520, %dma_start3A_521, %dma_start3A_522] : memref<1x64x128xi32, #tpu.memory_space<vmem>> -> memref<1x64x128xi32, #tpu.memory_space<vmem>>
    %dma_start3A_524 = tpu.memref_squeeze %dma_start3A_523 : memref<1x64x128xi32, #tpu.memory_space<vmem>> -> memref<64x128xi32, #tpu.memory_space<vmem>>
    %dma_start3A_525 = arith.constant 0 : i32
    %dma_start3A_526 = tpu.memref_slice %arg6[%add3A_519, %dma_start3A_525] : memref<16384x128xi32, #tpu.memory_space<hbm>> -> memref<64x128xi32, #tpu.memory_space<hbm>>
    %dma_start3A_527 = arith.constant 0 : i32
    %dma_start3A_528 = tpu.memref_slice %arg6[%add3A_519, %dma_start3A_527] : memref<16384x128xi32, #tpu.memory_space<hbm>> -> memref<64x128xi32, #tpu.memory_space<hbm>>
    %dma_start3A_529 = arith.constant 0 : i32
    %dma_start3A_530 = arith.constant 0 : i32
    %dma_start3A_531 = tpu.memref_slice %arg11[%dma_start3A_520, %dma_start3A_529, %dma_start3A_530] : memref<1x64x128xi32, #tpu.memory_space<vmem>> -> memref<1x64x128xi32, #tpu.memory_space<vmem>>
    %dma_start3A_532 = tpu.memref_squeeze %dma_start3A_531 : memref<1x64x128xi32, #tpu.memory_space<vmem>> -> memref<64x128xi32, #tpu.memory_space<vmem>>
    tpu.enqueue_dma source(%dma_start3A_532 : memref<64x128xi32, #tpu.memory_space<vmem>>) target(%dma_start3A_528 : memref<64x128xi32, #tpu.memory_space<hbm>>) target_semaphore(%arg16 : memref<!tpu.dma_semaphore, #tpu.memory_space<semaphore_mem>>)
    %dma_wait3A_533 = arith.constant 1 : i32
    %dma_wait3A_534 = arith.constant 0 : i32
    %dma_wait3A_535 = arith.constant 0 : i32
    %dma_wait3A_536 = tpu.memref_slice %arg9[%dma_wait3A_533, %dma_wait3A_534, %dma_wait3A_535] : memref<2x64x128xf32, #tpu.memory_space<vmem>> -> memref<1x64x128xf32, #tpu.memory_space<vmem>>
    %dma_wait3A_537 = tpu.memref_squeeze %dma_wait3A_536 : memref<1x64x128xf32, #tpu.memory_space<vmem>> -> memref<64x128xf32, #tpu.memory_space<vmem>>
    %dma_wait3A_538 = arith.constant 448 : i32
    %dma_wait3A_539 = tpu.memref_slice %arg7[%dma_wait3A_538] : memref<512xi32, #tpu.memory_space<vmem>> -> memref<64xi32, #tpu.memory_space<vmem>>
    %dma_wait3A_540 = arith.constant 0 : i32
    %dma_wait3A_541 = arith.constant 0 : i32
    %dma_wait3A_542 = tpu.memref_slice %arg4[%dma_wait3A_540, %dma_wait3A_541] : memref<100001x128xf32, #tpu.memory_space<hbm>> -> memref<100001x128xf32, #tpu.memory_space<hbm>>
    tpu.wait_indirect_dma semaphore(%arg13 : memref<!tpu.dma_semaphore, #tpu.memory_space<semaphore_mem>>) src(%dma_wait3A_542 : memref<100001x128xf32, #tpu.memory_space<hbm>>) dst(%dma_wait3A_537 : memref<64x128xf32, #tpu.memory_space<vmem>>)
    %dma_wait3A_543 = arith.constant 1 : i32
    %dma_wait3A_544 = arith.constant 0 : i32
    %dma_wait3A_545 = arith.constant 0 : i32
    %dma_wait3A_546 = tpu.memref_slice %arg10[%dma_wait3A_543, %dma_wait3A_544, %dma_wait3A_545] : memref<2x64x128xf32, #tpu.memory_space<vmem>> -> memref<1x64x128xf32, #tpu.memory_space<vmem>>
    %dma_wait3A_547 = tpu.memref_squeeze %dma_wait3A_546 : memref<1x64x128xf32, #tpu.memory_space<vmem>> -> memref<64x128xf32, #tpu.memory_space<vmem>>
    %dma_wait3A_548 = arith.constant 448 : i32
    %dma_wait3A_549 = tpu.memref_slice %arg8[%dma_wait3A_548] : memref<512xi32, #tpu.memory_space<vmem>> -> memref<64xi32, #tpu.memory_space<vmem>>
    %dma_wait3A_550 = arith.constant 0 : i32
    %dma_wait3A_551 = arith.constant 0 : i32
    %dma_wait3A_552 = tpu.memref_slice %arg5[%dma_wait3A_550, %dma_wait3A_551] : memref<100001x128xf32, #tpu.memory_space<hbm>> -> memref<100001x128xf32, #tpu.memory_space<hbm>>
    tpu.wait_indirect_dma semaphore(%arg15 : memref<!tpu.dma_semaphore, #tpu.memory_space<semaphore_mem>>) src(%dma_wait3A_552 : memref<100001x128xf32, #tpu.memory_space<hbm>>) dst(%dma_wait3A_547 : memref<64x128xf32, #tpu.memory_space<vmem>>)
    %dma_wait3A_553 = arith.constant 0 : i32
    %dma_wait3A_554 = arith.constant 0 : i32
    %dma_wait3A_555 = arith.constant 0 : i32
    %dma_wait3A_556 = tpu.memref_slice %arg11[%dma_wait3A_553, %dma_wait3A_554, %dma_wait3A_555] : memref<1x64x128xi32, #tpu.memory_space<vmem>> -> memref<1x64x128xi32, #tpu.memory_space<vmem>>
    %dma_wait3A_557 = tpu.memref_squeeze %dma_wait3A_556 : memref<1x64x128xi32, #tpu.memory_space<vmem>> -> memref<64x128xi32, #tpu.memory_space<vmem>>
    %dma_wait3A_558 = arith.constant 0 : i32
    %dma_wait3A_559 = tpu.memref_slice %arg6[%add3A_519, %dma_wait3A_558] : memref<16384x128xi32, #tpu.memory_space<hbm>> -> memref<64x128xi32, #tpu.memory_space<hbm>>
    %dma_wait3A_560 = arith.constant 0 : i32
    %dma_wait3A_561 = tpu.memref_slice %arg6[%add3A_519, %dma_wait3A_560] : memref<16384x128xi32, #tpu.memory_space<hbm>> -> memref<64x128xi32, #tpu.memory_space<hbm>>
    %dma_wait3A_562 = arith.constant 0 : i32
    %dma_wait3A_563 = arith.constant 0 : i32
    %dma_wait3A_564 = tpu.memref_slice %arg11[%dma_wait3A_553, %dma_wait3A_562, %dma_wait3A_563] : memref<1x64x128xi32, #tpu.memory_space<vmem>> -> memref<1x64x128xi32, #tpu.memory_space<vmem>>
    %dma_wait3A_565 = tpu.memref_squeeze %dma_wait3A_564 : memref<1x64x128xi32, #tpu.memory_space<vmem>> -> memref<64x128xi32, #tpu.memory_space<vmem>>
    tpu.wait_dma2 semaphore(%arg16 : memref<!tpu.dma_semaphore, #tpu.memory_space<semaphore_mem>>) src(%dma_wait3A_565 : memref<64x128xi32, #tpu.memory_space<vmem>>) dst(%dma_wait3A_561 : memref<64x128xi32, #tpu.memory_space<hbm>>)
    %scan3A_566 = arith.constant 0 : i32
    %scan3A_567 = arith.constant 0 : i32
    %scan3A_568 = arith.constant 64 : i32
    %scan3A_569 = arith.addi %scan3A_567, %scan3A_568 : i32
    %scan3A_570 = arith.constant 1 : i32
    scf.for %scan3A_600 = %scan3A_567 to %scan3A_569 step %scan3A_570  : i32 {
      %get3A = arith.constant 1 : i32
      %get3A_601 = arith.index_cast %get3A : i32 to index
      %get3A_602 = arith.index_cast %scan3A_600 : i32 to index
      %get3A_603 = arith.constant 0 : index
      %get3A_604 = tpu.vector_load %arg9[%get3A_601, %get3A_602, %get3A_603] {strides = array<i32>} : memref<2x64x128xf32, #tpu.memory_space<vmem>>, vector<1x1x16xf32>,
      %get3A_605 = vector.shape_cast %get3A_604 : vector<1x1x16xf32> to vector<16xf32>
      %bitcast_convert_type3A = tpu.bitcast %get3A_605 : vector<16xf32> -> vector<16xi32>
      %add3A_606 = arith.constant 32768 : i32
      %add3A_607 = vector.broadcast %add3A_606 : i32 to vector<16xi32>
      %add3A_608 = arith.addi %bitcast_convert_type3A, %add3A_607 : vector<16xi32>
      %shift_right_logical3A = arith.constant 16 : i32
      %shift_right_logical3A_609 = vector.broadcast %shift_right_logical3A : i32 to vector<16xi32>
      %shift_right_logical3A_610 = arith.shrui %add3A_608, %shift_right_logical3A_609 : vector<16xi32>
      %get3A_611 = arith.constant 1 : i32
      %get3A_612 = arith.index_cast %get3A_611 : i32 to index
      %get3A_613 = arith.index_cast %scan3A_600 : i32 to index
      %get3A_614 = arith.constant 0 : index
      %get3A_615 = tpu.vector_load %arg10[%get3A_612, %get3A_613, %get3A_614] {strides = array<i32>} : memref<2x64x128xf32, #tpu.memory_space<vmem>>, vector<1x1x16xf32>,
      %get3A_616 = vector.shape_cast %get3A_615 : vector<1x1x16xf32> to vector<16xf32>
      %bitcast_convert_type3A_617 = tpu.bitcast %get3A_616 : vector<16xf32> -> vector<16xi32>
      %add3A_618 = arith.constant 32768 : i32
      %add3A_619 = vector.broadcast %add3A_618 : i32 to vector<16xi32>
      %add3A_620 = arith.addi %bitcast_convert_type3A_617, %add3A_619 : vector<16xi32>
      %and3A = arith.constant -65536 : i32
      %and3A_621 = vector.broadcast %and3A : i32 to vector<16xi32>
      %and3A_622 = arith.andi %add3A_620, %and3A_621 : vector<16xi32>
      %or3A = arith.ori %shift_right_logical3A_610, %and3A_622 : vector<16xi32>
      %swap3A = arith.constant 0 : i32
      %swap3A_623 = arith.index_cast %swap3A : i32 to index
      %swap3A_624 = arith.index_cast %scan3A_600 : i32 to index
      %swap3A_625 = arith.constant 0 : index
      %swap3A_626 = tpu.vector_load %arg11[%swap3A_623, %swap3A_624, %swap3A_625] {strides = array<i32>} : memref<1x64x128xi32, #tpu.memory_space<vmem>>, vector<1x1x16xi32>,
      %swap3A_627 = vector.shape_cast %swap3A_626 : vector<1x1x16xi32> to vector<16xi32>
      %swap3A_628 = vector.shape_cast %or3A : vector<16xi32> to vector<1x1x16xi32>
      tpu.vector_store %arg11[%swap3A_623, %swap3A_624, %swap3A_625], %swap3A_628 {strides = array<i32>} : memref<1x64x128xi32, #tpu.memory_space<vmem>>, vector<1x1x16xi32>,
      %get3A_629 = arith.constant 1 : i32
      %get3A_630 = arith.index_cast %get3A_629 : i32 to index
      %get3A_631 = arith.index_cast %scan3A_600 : i32 to index
      %get3A_632 = arith.constant 16 : index
      %get3A_633 = tpu.vector_load %arg9[%get3A_630, %get3A_631, %get3A_632] {strides = array<i32>} : memref<2x64x128xf32, #tpu.memory_space<vmem>>, vector<1x1x16xf32>,
      %get3A_634 = vector.shape_cast %get3A_633 : vector<1x1x16xf32> to vector<16xf32>
      %bitcast_convert_type3A_635 = tpu.bitcast %get3A_634 : vector<16xf32> -> vector<16xi32>
      %add3A_636 = arith.constant 32768 : i32
      %add3A_637 = vector.broadcast %add3A_636 : i32 to vector<16xi32>
      %add3A_638 = arith.addi %bitcast_convert_type3A_635, %add3A_637 : vector<16xi32>
      %shift_right_logical3A_639 = arith.constant 16 : i32
      %shift_right_logical3A_640 = vector.broadcast %shift_right_logical3A_639 : i32 to vector<16xi32>
      %shift_right_logical3A_641 = arith.shrui %add3A_638, %shift_right_logical3A_640 : vector<16xi32>
      %get3A_642 = arith.constant 1 : i32
      %get3A_643 = arith.index_cast %get3A_642 : i32 to index
      %get3A_644 = arith.index_cast %scan3A_600 : i32 to index
      %get3A_645 = arith.constant 16 : index
      %get3A_646 = tpu.vector_load %arg10[%get3A_643, %get3A_644, %get3A_645] {strides = array<i32>} : memref<2x64x128xf32, #tpu.memory_space<vmem>>, vector<1x1x16xf32>,
      %get3A_647 = vector.shape_cast %get3A_646 : vector<1x1x16xf32> to vector<16xf32>
      %bitcast_convert_type3A_648 = tpu.bitcast %get3A_647 : vector<16xf32> -> vector<16xi32>
      %add3A_649 = arith.constant 32768 : i32
      %add3A_650 = vector.broadcast %add3A_649 : i32 to vector<16xi32>
      %add3A_651 = arith.addi %bitcast_convert_type3A_648, %add3A_650 : vector<16xi32>
      %and3A_652 = arith.constant -65536 : i32
      %and3A_653 = vector.broadcast %and3A_652 : i32 to vector<16xi32>
      %and3A_654 = arith.andi %add3A_651, %and3A_653 : vector<16xi32>
      %or3A_655 = arith.ori %shift_right_logical3A_641, %and3A_654 : vector<16xi32>
      %swap3A_656 = arith.constant 0 : i32
      %swap3A_657 = arith.index_cast %swap3A_656 : i32 to index
      %swap3A_658 = arith.index_cast %scan3A_600 : i32 to index
      %swap3A_659 = arith.constant 16 : index
      %swap3A_660 = tpu.vector_load %arg11[%swap3A_657, %swap3A_658, %swap3A_659] {strides = array<i32>} : memref<1x64x128xi32, #tpu.memory_space<vmem>>, vector<1x1x16xi32>,
      %swap3A_661 = vector.shape_cast %swap3A_660 : vector<1x1x16xi32> to vector<16xi32>
      %swap3A_662 = vector.shape_cast %or3A_655 : vector<16xi32> to vector<1x1x16xi32>
      tpu.vector_store %arg11[%swap3A_657, %swap3A_658, %swap3A_659], %swap3A_662 {strides = array<i32>} : memref<1x64x128xi32, #tpu.memory_space<vmem>>, vector<1x1x16xi32>,
      %get3A_663 = arith.constant 1 : i32
      %get3A_664 = arith.index_cast %get3A_663 : i32 to index
      %get3A_665 = arith.index_cast %scan3A_600 : i32 to index
      %get3A_666 = arith.constant 32 : index
      %get3A_667 = tpu.vector_load %arg9[%get3A_664, %get3A_665, %get3A_666] {strides = array<i32>} : memref<2x64x128xf32, #tpu.memory_space<vmem>>, vector<1x1x16xf32>,
      %get3A_668 = vector.shape_cast %get3A_667 : vector<1x1x16xf32> to vector<16xf32>
      %bitcast_convert_type3A_669 = tpu.bitcast %get3A_668 : vector<16xf32> -> vector<16xi32>
      %add3A_670 = arith.constant 32768 : i32
      %add3A_671 = vector.broadcast %add3A_670 : i32 to vector<16xi32>
      %add3A_672 = arith.addi %bitcast_convert_type3A_669, %add3A_671 : vector<16xi32>
      %shift_right_logical3A_673 = arith.constant 16 : i32
      %shift_right_logical3A_674 = vector.broadcast %shift_right_logical3A_673 : i32 to vector<16xi32>
      %shift_right_logical3A_675 = arith.shrui %add3A_672, %shift_right_logical3A_674 : vector<16xi32>
      %get3A_676 = arith.constant 1 : i32
      %get3A_677 = arith.index_cast %get3A_676 : i32 to index
      %get3A_678 = arith.index_cast %scan3A_600 : i32 to index
      %get3A_679 = arith.constant 32 : index
      %get3A_680 = tpu.vector_load %arg10[%get3A_677, %get3A_678, %get3A_679] {strides = array<i32>} : memref<2x64x128xf32, #tpu.memory_space<vmem>>, vector<1x1x16xf32>,
      %get3A_681 = vector.shape_cast %get3A_680 : vector<1x1x16xf32> to vector<16xf32>
      %bitcast_convert_type3A_682 = tpu.bitcast %get3A_681 : vector<16xf32> -> vector<16xi32>
      %add3A_683 = arith.constant 32768 : i32
      %add3A_684 = vector.broadcast %add3A_683 : i32 to vector<16xi32>
      %add3A_685 = arith.addi %bitcast_convert_type3A_682, %add3A_684 : vector<16xi32>
      %and3A_686 = arith.constant -65536 : i32
      %and3A_687 = vector.broadcast %and3A_686 : i32 to vector<16xi32>
      %and3A_688 = arith.andi %add3A_685, %and3A_687 : vector<16xi32>
      %or3A_689 = arith.ori %shift_right_logical3A_675, %and3A_688 : vector<16xi32>
      %swap3A_690 = arith.constant 0 : i32
      %swap3A_691 = arith.index_cast %swap3A_690 : i32 to index
      %swap3A_692 = arith.index_cast %scan3A_600 : i32 to index
      %swap3A_693 = arith.constant 32 : index
      %swap3A_694 = tpu.vector_load %arg11[%swap3A_691, %swap3A_692, %swap3A_693] {strides = array<i32>} : memref<1x64x128xi32, #tpu.memory_space<vmem>>, vector<1x1x16xi32>,
      %swap3A_695 = vector.shape_cast %swap3A_694 : vector<1x1x16xi32> to vector<16xi32>
      %swap3A_696 = vector.shape_cast %or3A_689 : vector<16xi32> to vector<1x1x16xi32>
      tpu.vector_store %arg11[%swap3A_691, %swap3A_692, %swap3A_693], %swap3A_696 {strides = array<i32>} : memref<1x64x128xi32, #tpu.memory_space<vmem>>, vector<1x1x16xi32>,
      %get3A_697 = arith.constant 1 : i32
      %get3A_698 = arith.index_cast %get3A_697 : i32 to index
      %get3A_699 = arith.index_cast %scan3A_600 : i32 to index
      %get3A_700 = arith.constant 48 : index
      %get3A_701 = tpu.vector_load %arg9[%get3A_698, %get3A_699, %get3A_700] {strides = array<i32>} : memref<2x64x128xf32, #tpu.memory_space<vmem>>, vector<1x1x16xf32>,
      %get3A_702 = vector.shape_cast %get3A_701 : vector<1x1x16xf32> to vector<16xf32>
      %bitcast_convert_type3A_703 = tpu.bitcast %get3A_702 : vector<16xf32> -> vector<16xi32>
      %add3A_704 = arith.constant 32768 : i32
      %add3A_705 = vector.broadcast %add3A_704 : i32 to vector<16xi32>
      %add3A_706 = arith.addi %bitcast_convert_type3A_703, %add3A_705 : vector<16xi32>
      %shift_right_logical3A_707 = arith.constant 16 : i32
      %shift_right_logical3A_708 = vector.broadcast %shift_right_logical3A_707 : i32 to vector<16xi32>
      %shift_right_logical3A_709 = arith.shrui %add3A_706, %shift_right_logical3A_708 : vector<16xi32>
      %get3A_710 = arith.constant 1 : i32
      %get3A_711 = arith.index_cast %get3A_710 : i32 to index
      %get3A_712 = arith.index_cast %scan3A_600 : i32 to index
      %get3A_713 = arith.constant 48 : index
      %get3A_714 = tpu.vector_load %arg10[%get3A_711, %get3A_712, %get3A_713] {strides = array<i32>} : memref<2x64x128xf32, #tpu.memory_space<vmem>>, vector<1x1x16xf32>,
      %get3A_715 = vector.shape_cast %get3A_714 : vector<1x1x16xf32> to vector<16xf32>
      %bitcast_convert_type3A_716 = tpu.bitcast %get3A_715 : vector<16xf32> -> vector<16xi32>
      %add3A_717 = arith.constant 32768 : i32
      %add3A_718 = vector.broadcast %add3A_717 : i32 to vector<16xi32>
      %add3A_719 = arith.addi %bitcast_convert_type3A_716, %add3A_718 : vector<16xi32>
      %and3A_720 = arith.constant -65536 : i32
      %and3A_721 = vector.broadcast %and3A_720 : i32 to vector<16xi32>
      %and3A_722 = arith.andi %add3A_719, %and3A_721 : vector<16xi32>
      %or3A_723 = arith.ori %shift_right_logical3A_709, %and3A_722 : vector<16xi32>
      %swap3A_724 = arith.constant 0 : i32
      %swap3A_725 = arith.index_cast %swap3A_724 : i32 to index
      %swap3A_726 = arith.index_cast %scan3A_600 : i32 to index
      %swap3A_727 = arith.constant 48 : index
      %swap3A_728 = tpu.vector_load %arg11[%swap3A_725, %swap3A_726, %swap3A_727] {strides = array<i32>} : memref<1x64x128xi32, #tpu.memory_space<vmem>>, vector<1x1x16xi32>,
      %swap3A_729 = vector.shape_cast %swap3A_728 : vector<1x1x16xi32> to vector<16xi32>
      %swap3A_730 = vector.shape_cast %or3A_723 : vector<16xi32> to vector<1x1x16xi32>
      tpu.vector_store %arg11[%swap3A_725, %swap3A_726, %swap3A_727], %swap3A_730 {strides = array<i32>} : memref<1x64x128xi32, #tpu.memory_space<vmem>>, vector<1x1x16xi32>,
      %get3A_731 = arith.constant 1 : i32
      %get3A_732 = arith.index_cast %get3A_731 : i32 to index
      %get3A_733 = arith.index_cast %scan3A_600 : i32 to index
      %get3A_734 = arith.constant 64 : index
      %get3A_735 = tpu.vector_load %arg9[%get3A_732, %get3A_733, %get3A_734] {strides = array<i32>} : memref<2x64x128xf32, #tpu.memory_space<vmem>>, vector<1x1x16xf32>,
      %get3A_736 = vector.shape_cast %get3A_735 : vector<1x1x16xf32> to vector<16xf32>
      %bitcast_convert_type3A_737 = tpu.bitcast %get3A_736 : vector<16xf32> -> vector<16xi32>
      %add3A_738 = arith.constant 32768 : i32
      %add3A_739 = vector.broadcast %add3A_738 : i32 to vector<16xi32>
      %add3A_740 = arith.addi %bitcast_convert_type3A_737, %add3A_739 : vector<16xi32>
      %shift_right_logical3A_741 = arith.constant 16 : i32
      %shift_right_logical3A_742 = vector.broadcast %shift_right_logical3A_741 : i32 to vector<16xi32>
      %shift_right_logical3A_743 = arith.shrui %add3A_740, %shift_right_logical3A_742 : vector<16xi32>
      %get3A_744 = arith.constant 1 : i32
      %get3A_745 = arith.index_cast %get3A_744 : i32 to index
      %get3A_746 = arith.index_cast %scan3A_600 : i32 to index
      %get3A_747 = arith.constant 64 : index
      %get3A_748 = tpu.vector_load %arg10[%get3A_745, %get3A_746, %get3A_747] {strides = array<i32>} : memref<2x64x128xf32, #tpu.memory_space<vmem>>, vector<1x1x16xf32>,
      %get3A_749 = vector.shape_cast %get3A_748 : vector<1x1x16xf32> to vector<16xf32>
      %bitcast_convert_type3A_750 = tpu.bitcast %get3A_749 : vector<16xf32> -> vector<16xi32>
      %add3A_751 = arith.constant 32768 : i32
      %add3A_752 = vector.broadcast %add3A_751 : i32 to vector<16xi32>
      %add3A_753 = arith.addi %bitcast_convert_type3A_750, %add3A_752 : vector<16xi32>
      %and3A_754 = arith.constant -65536 : i32
      %and3A_755 = vector.broadcast %and3A_754 : i32 to vector<16xi32>
      %and3A_756 = arith.andi %add3A_753, %and3A_755 : vector<16xi32>
      %or3A_757 = arith.ori %shift_right_logical3A_743, %and3A_756 : vector<16xi32>
      %swap3A_758 = arith.constant 0 : i32
      %swap3A_759 = arith.index_cast %swap3A_758 : i32 to index
      %swap3A_760 = arith.index_cast %scan3A_600 : i32 to index
      %swap3A_761 = arith.constant 64 : index
      %swap3A_762 = tpu.vector_load %arg11[%swap3A_759, %swap3A_760, %swap3A_761] {strides = array<i32>} : memref<1x64x128xi32, #tpu.memory_space<vmem>>, vector<1x1x16xi32>,
      %swap3A_763 = vector.shape_cast %swap3A_762 : vector<1x1x16xi32> to vector<16xi32>
      %swap3A_764 = vector.shape_cast %or3A_757 : vector<16xi32> to vector<1x1x16xi32>
      tpu.vector_store %arg11[%swap3A_759, %swap3A_760, %swap3A_761], %swap3A_764 {strides = array<i32>} : memref<1x64x128xi32, #tpu.memory_space<vmem>>, vector<1x1x16xi32>,
      %get3A_765 = arith.constant 1 : i32
      %get3A_766 = arith.index_cast %get3A_765 : i32 to index
      %get3A_767 = arith.index_cast %scan3A_600 : i32 to index
      %get3A_768 = arith.constant 80 : index
      %get3A_769 = tpu.vector_load %arg9[%get3A_766, %get3A_767, %get3A_768] {strides = array<i32>} : memref<2x64x128xf32, #tpu.memory_space<vmem>>, vector<1x1x16xf32>,
      %get3A_770 = vector.shape_cast %get3A_769 : vector<1x1x16xf32> to vector<16xf32>
      %bitcast_convert_type3A_771 = tpu.bitcast %get3A_770 : vector<16xf32> -> vector<16xi32>
      %add3A_772 = arith.constant 32768 : i32
      %add3A_773 = vector.broadcast %add3A_772 : i32 to vector<16xi32>
      %add3A_774 = arith.addi %bitcast_convert_type3A_771, %add3A_773 : vector<16xi32>
      %shift_right_logical3A_775 = arith.constant 16 : i32
      %shift_right_logical3A_776 = vector.broadcast %shift_right_logical3A_775 : i32 to vector<16xi32>
      %shift_right_logical3A_777 = arith.shrui %add3A_774, %shift_right_logical3A_776 : vector<16xi32>
      %get3A_778 = arith.constant 1 : i32
      %get3A_779 = arith.index_cast %get3A_778 : i32 to index
      %get3A_780 = arith.index_cast %scan3A_600 : i32 to index
      %get3A_781 = arith.constant 80 : index
      %get3A_782 = tpu.vector_load %arg10[%get3A_779, %get3A_780, %get3A_781] {strides = array<i32>} : memref<2x64x128xf32, #tpu.memory_space<vmem>>, vector<1x1x16xf32>,
      %get3A_783 = vector.shape_cast %get3A_782 : vector<1x1x16xf32> to vector<16xf32>
      %bitcast_convert_type3A_784 = tpu.bitcast %get3A_783 : vector<16xf32> -> vector<16xi32>
      %add3A_785 = arith.constant 32768 : i32
      %add3A_786 = vector.broadcast %add3A_785 : i32 to vector<16xi32>
      %add3A_787 = arith.addi %bitcast_convert_type3A_784, %add3A_786 : vector<16xi32>
      %and3A_788 = arith.constant -65536 : i32
      %and3A_789 = vector.broadcast %and3A_788 : i32 to vector<16xi32>
      %and3A_790 = arith.andi %add3A_787, %and3A_789 : vector<16xi32>
      %or3A_791 = arith.ori %shift_right_logical3A_777, %and3A_790 : vector<16xi32>
      %swap3A_792 = arith.constant 0 : i32
      %swap3A_793 = arith.index_cast %swap3A_792 : i32 to index
      %swap3A_794 = arith.index_cast %scan3A_600 : i32 to index
      %swap3A_795 = arith.constant 80 : index
      %swap3A_796 = tpu.vector_load %arg11[%swap3A_793, %swap3A_794, %swap3A_795] {strides = array<i32>} : memref<1x64x128xi32, #tpu.memory_space<vmem>>, vector<1x1x16xi32>,
      %swap3A_797 = vector.shape_cast %swap3A_796 : vector<1x1x16xi32> to vector<16xi32>
      %swap3A_798 = vector.shape_cast %or3A_791 : vector<16xi32> to vector<1x1x16xi32>
      tpu.vector_store %arg11[%swap3A_793, %swap3A_794, %swap3A_795], %swap3A_798 {strides = array<i32>} : memref<1x64x128xi32, #tpu.memory_space<vmem>>, vector<1x1x16xi32>,
      %get3A_799 = arith.constant 1 : i32
      %get3A_800 = arith.index_cast %get3A_799 : i32 to index
      %get3A_801 = arith.index_cast %scan3A_600 : i32 to index
      %get3A_802 = arith.constant 96 : index
      %get3A_803 = tpu.vector_load %arg9[%get3A_800, %get3A_801, %get3A_802] {strides = array<i32>} : memref<2x64x128xf32, #tpu.memory_space<vmem>>, vector<1x1x16xf32>,
      %get3A_804 = vector.shape_cast %get3A_803 : vector<1x1x16xf32> to vector<16xf32>
      %bitcast_convert_type3A_805 = tpu.bitcast %get3A_804 : vector<16xf32> -> vector<16xi32>
      %add3A_806 = arith.constant 32768 : i32
      %add3A_807 = vector.broadcast %add3A_806 : i32 to vector<16xi32>
      %add3A_808 = arith.addi %bitcast_convert_type3A_805, %add3A_807 : vector<16xi32>
      %shift_right_logical3A_809 = arith.constant 16 : i32
      %shift_right_logical3A_810 = vector.broadcast %shift_right_logical3A_809 : i32 to vector<16xi32>
      %shift_right_logical3A_811 = arith.shrui %add3A_808, %shift_right_logical3A_810 : vector<16xi32>
      %get3A_812 = arith.constant 1 : i32
      %get3A_813 = arith.index_cast %get3A_812 : i32 to index
      %get3A_814 = arith.index_cast %scan3A_600 : i32 to index
      %get3A_815 = arith.constant 96 : index
      %get3A_816 = tpu.vector_load %arg10[%get3A_813, %get3A_814, %get3A_815] {strides = array<i32>} : memref<2x64x128xf32, #tpu.memory_space<vmem>>, vector<1x1x16xf32>,
      %get3A_817 = vector.shape_cast %get3A_816 : vector<1x1x16xf32> to vector<16xf32>
      %bitcast_convert_type3A_818 = tpu.bitcast %get3A_817 : vector<16xf32> -> vector<16xi32>
      %add3A_819 = arith.constant 32768 : i32
      %add3A_820 = vector.broadcast %add3A_819 : i32 to vector<16xi32>
      %add3A_821 = arith.addi %bitcast_convert_type3A_818, %add3A_820 : vector<16xi32>
      %and3A_822 = arith.constant -65536 : i32
      %and3A_823 = vector.broadcast %and3A_822 : i32 to vector<16xi32>
      %and3A_824 = arith.andi %add3A_821, %and3A_823 : vector<16xi32>
      %or3A_825 = arith.ori %shift_right_logical3A_811, %and3A_824 : vector<16xi32>
      %swap3A_826 = arith.constant 0 : i32
      %swap3A_827 = arith.index_cast %swap3A_826 : i32 to index
      %swap3A_828 = arith.index_cast %scan3A_600 : i32 to index
      %swap3A_829 = arith.constant 96 : index
      %swap3A_830 = tpu.vector_load %arg11[%swap3A_827, %swap3A_828, %swap3A_829] {strides = array<i32>} : memref<1x64x128xi32, #tpu.memory_space<vmem>>, vector<1x1x16xi32>,
      %swap3A_831 = vector.shape_cast %swap3A_830 : vector<1x1x16xi32> to vector<16xi32>
      %swap3A_832 = vector.shape_cast %or3A_825 : vector<16xi32> to vector<1x1x16xi32>
      tpu.vector_store %arg11[%swap3A_827, %swap3A_828, %swap3A_829], %swap3A_832 {strides = array<i32>} : memref<1x64x128xi32, #tpu.memory_space<vmem>>, vector<1x1x16xi32>,
      %get3A_833 = arith.constant 1 : i32
      %get3A_834 = arith.index_cast %get3A_833 : i32 to index
      %get3A_835 = arith.index_cast %scan3A_600 : i32 to index
      %get3A_836 = arith.constant 112 : index
      %get3A_837 = tpu.vector_load %arg9[%get3A_834, %get3A_835, %get3A_836] {strides = array<i32>} : memref<2x64x128xf32, #tpu.memory_space<vmem>>, vector<1x1x16xf32>,
      %get3A_838 = vector.shape_cast %get3A_837 : vector<1x1x16xf32> to vector<16xf32>
      %bitcast_convert_type3A_839 = tpu.bitcast %get3A_838 : vector<16xf32> -> vector<16xi32>
      %add3A_840 = arith.constant 32768 : i32
      %add3A_841 = vector.broadcast %add3A_840 : i32 to vector<16xi32>
      %add3A_842 = arith.addi %bitcast_convert_type3A_839, %add3A_841 : vector<16xi32>
      %shift_right_logical3A_843 = arith.constant 16 : i32
      %shift_right_logical3A_844 = vector.broadcast %shift_right_logical3A_843 : i32 to vector<16xi32>
      %shift_right_logical3A_845 = arith.shrui %add3A_842, %shift_right_logical3A_844 : vector<16xi32>
      %get3A_846 = arith.constant 1 : i32
      %get3A_847 = arith.index_cast %get3A_846 : i32 to index
      %get3A_848 = arith.index_cast %scan3A_600 : i32 to index
      %get3A_849 = arith.constant 112 : index
      %get3A_850 = tpu.vector_load %arg10[%get3A_847, %get3A_848, %get3A_849] {strides = array<i32>} : memref<2x64x128xf32, #tpu.memory_space<vmem>>, vector<1x1x16xf32>,
      %get3A_851 = vector.shape_cast %get3A_850 : vector<1x1x16xf32> to vector<16xf32>
      %bitcast_convert_type3A_852 = tpu.bitcast %get3A_851 : vector<16xf32> -> vector<16xi32>
      %add3A_853 = arith.constant 32768 : i32
      %add3A_854 = vector.broadcast %add3A_853 : i32 to vector<16xi32>
      %add3A_855 = arith.addi %bitcast_convert_type3A_852, %add3A_854 : vector<16xi32>
      %and3A_856 = arith.constant -65536 : i32
      %and3A_857 = vector.broadcast %and3A_856 : i32 to vector<16xi32>
      %and3A_858 = arith.andi %add3A_855, %and3A_857 : vector<16xi32>
      %or3A_859 = arith.ori %shift_right_logical3A_845, %and3A_858 : vector<16xi32>
      %swap3A_860 = arith.constant 0 : i32
      %swap3A_861 = arith.index_cast %swap3A_860 : i32 to index
      %swap3A_862 = arith.index_cast %scan3A_600 : i32 to index
      %swap3A_863 = arith.constant 112 : index
      %swap3A_864 = tpu.vector_load %arg11[%swap3A_861, %swap3A_862, %swap3A_863] {strides = array<i32>} : memref<1x64x128xi32, #tpu.memory_space<vmem>>, vector<1x1x16xi32>,
      %swap3A_865 = vector.shape_cast %swap3A_864 : vector<1x1x16xi32> to vector<16xi32>
      %swap3A_866 = vector.shape_cast %or3A_859 : vector<16xi32> to vector<1x1x16xi32>
      tpu.vector_store %arg11[%swap3A_861, %swap3A_862, %swap3A_863], %swap3A_866 {strides = array<i32>} : memref<1x64x128xi32, #tpu.memory_space<vmem>>, vector<1x1x16xi32>,
    }
    %scan3A_571 = arith.constant 64 : i32
    %add3A_572 = arith.constant 448 : i32
    %add3A_573 = arith.addi %mul3A_2, %add3A_572 : i32
    %dma_start3A_574 = arith.constant 0 : i32
    %dma_start3A_575 = arith.constant 0 : i32
    %dma_start3A_576 = arith.constant 0 : i32
    %dma_start3A_577 = tpu.memref_slice %arg11[%dma_start3A_574, %dma_start3A_575, %dma_start3A_576] : memref<1x64x128xi32, #tpu.memory_space<vmem>> -> memref<1x64x128xi32, #tpu.memory_space<vmem>>
    %dma_start3A_578 = tpu.memref_squeeze %dma_start3A_577 : memref<1x64x128xi32, #tpu.memory_space<vmem>> -> memref<64x128xi32, #tpu.memory_space<vmem>>
    %dma_start3A_579 = arith.constant 0 : i32
    %dma_start3A_580 = tpu.memref_slice %arg6[%add3A_573, %dma_start3A_579] : memref<16384x128xi32, #tpu.memory_space<hbm>> -> memref<64x128xi32, #tpu.memory_space<hbm>>
    %dma_start3A_581 = arith.constant 0 : i32
    %dma_start3A_582 = tpu.memref_slice %arg6[%add3A_573, %dma_start3A_581] : memref<16384x128xi32, #tpu.memory_space<hbm>> -> memref<64x128xi32, #tpu.memory_space<hbm>>
    %dma_start3A_583 = arith.constant 0 : i32
    %dma_start3A_584 = arith.constant 0 : i32
    %dma_start3A_585 = tpu.memref_slice %arg11[%dma_start3A_574, %dma_start3A_583, %dma_start3A_584] : memref<1x64x128xi32, #tpu.memory_space<vmem>> -> memref<1x64x128xi32, #tpu.memory_space<vmem>>
    %dma_start3A_586 = tpu.memref_squeeze %dma_start3A_585 : memref<1x64x128xi32, #tpu.memory_space<vmem>> -> memref<64x128xi32, #tpu.memory_space<vmem>>
    tpu.enqueue_dma source(%dma_start3A_586 : memref<64x128xi32, #tpu.memory_space<vmem>>) target(%dma_start3A_582 : memref<64x128xi32, #tpu.memory_space<hbm>>) target_semaphore(%arg16 : memref<!tpu.dma_semaphore, #tpu.memory_space<semaphore_mem>>)
    %dma_wait3A_587 = arith.constant 0 : i32
    %dma_wait3A_588 = arith.constant 0 : i32
    %dma_wait3A_589 = arith.constant 0 : i32
    %dma_wait3A_590 = tpu.memref_slice %arg11[%dma_wait3A_587, %dma_wait3A_588, %dma_wait3A_589] : memref<1x64x128xi32, #tpu.memory_space<vmem>> -> memref<1x64x128xi32, #tpu.memory_space<vmem>>
    %dma_wait3A_591 = tpu.memref_squeeze %dma_wait3A_590 : memref<1x64x128xi32, #tpu.memory_space<vmem>> -> memref<64x128xi32, #tpu.memory_space<vmem>>
    %dma_wait3A_592 = arith.constant 0 : i32
    %dma_wait3A_593 = tpu.memref_slice %arg6[%add3A_573, %dma_wait3A_592] : memref<16384x128xi32, #tpu.memory_space<hbm>> -> memref<64x128xi32, #tpu.memory_space<hbm>>
    %dma_wait3A_594 = arith.constant 0 : i32
    %dma_wait3A_595 = tpu.memref_slice %arg6[%add3A_573, %dma_wait3A_594] : memref<16384x128xi32, #tpu.memory_space<hbm>> -> memref<64x128xi32, #tpu.memory_space<hbm>>
    %dma_wait3A_596 = arith.constant 0 : i32
    %dma_wait3A_597 = arith.constant 0 : i32
    %dma_wait3A_598 = tpu.memref_slice %arg11[%dma_wait3A_587, %dma_wait3A_596, %dma_wait3A_597] : memref<1x64x128xi32, #tpu.memory_space<vmem>> -> memref<1x64x128xi32, #tpu.memory_space<vmem>>
    %dma_wait3A_599 = tpu.memref_squeeze %dma_wait3A_598 : memref<1x64x128xi32, #tpu.memory_space<vmem>> -> memref<64x128xi32, #tpu.memory_space<vmem>>
    tpu.wait_dma2 semaphore(%arg16 : memref<!tpu.dma_semaphore, #tpu.memory_space<semaphore_mem>>) src(%dma_wait3A_599 : memref<64x128xi32, #tpu.memory_space<vmem>>) dst(%dma_wait3A_595 : memref<64x128xi32, #tpu.memory_space<hbm>>)
    return
  }
}

module attributes {stable_mosaic.version = 14 : i64} {
  func.func @body(%arg0: i32, %arg1: memref<8192x128xi32, #tpu.memory_space<vmem>>, %arg2: memref<128x128xf32, #tpu.memory_space<vmem>>, %arg3: memref<1x128xf32, #tpu.memory_space<vmem>>, %arg4: memref<128x128xf32, #tpu.memory_space<vmem>>, %arg5: memref<1x128xf32, #tpu.memory_space<vmem>>, %arg6: memref<1x1x8192xf32, #tpu.memory_space<vmem>>) attributes {dimension_semantics = [#tpu.dimension_semantics<arbitrary>], iteration_bounds = array<i64: 2>, scalar_prefetch = 0 : i64, scratch_operands = 0 : i64, tpu.core_type = #tpu.core_type<tc>, window_params = [{transform_indices = @transform_0, window_bounds = array<i64: 8192, 128>}, {pipeline_mode = #tpu.pipeline_mode<synchronous>, transform_indices = @transform_1, window_bounds = array<i64: 128, 128>}, {pipeline_mode = #tpu.pipeline_mode<synchronous>, transform_indices = @transform_2, window_bounds = array<i64: 1, 128>}, {pipeline_mode = #tpu.pipeline_mode<synchronous>, transform_indices = @transform_3, window_bounds = array<i64: 128, 128>}, {pipeline_mode = #tpu.pipeline_mode<synchronous>, transform_indices = @transform_4, window_bounds = array<i64: 1, 128>}, {transform_indices = @transform_5, window_bounds = array<i64: 1, 1, 8192>}]} {
    %get3A = arith.constant 0 : index
    %get3A_0 = arith.constant 0 : index
    %get3A_1 = vector.load %arg1[%get3A, %get3A_0] : memref<8192x128xi32, #tpu.memory_space<vmem>>, vector<8192x128xi32>
    %shift_left3A = arith.constant 16 : i32
    %shift_left3A_2 = vector.broadcast %shift_left3A : i32 to vector<8192x128xi32>
    %shift_left3A_3 = arith.shli %get3A_1, %shift_left3A_2 : vector<8192x128xi32>
    %bitcast_convert_type3A = tpu.bitcast %shift_left3A_3 : vector<8192x128xi32> -> vector<8192x128xf32>
    %and3A = arith.constant -65536 : i32
    %and3A_4 = vector.broadcast %and3A : i32 to vector<8192x128xi32>
    %and3A_5 = arith.andi %get3A_1, %and3A_4 : vector<8192x128xi32>
    %bitcast_convert_type3A_6 = tpu.bitcast %and3A_5 : vector<8192x128xi32> -> vector<8192x128xf32>
    %get3A_7 = arith.constant 0 : index
    %get3A_8 = arith.constant 0 : index
    %get3A_9 = vector.load %arg2[%get3A_7, %get3A_8] : memref<128x128xf32, #tpu.memory_space<vmem>>, vector<128x128xf32>
    %dot_general3A = arith.constant dense<0.000000e+00> : vector<8192x128xf32>
    %dot_general3A_10 = tpu.matmul %bitcast_convert_type3A_6, %get3A_9, %dot_general3A {dimension_numbers = #tpu.dot_dimension_numbers<[1], [0], [0], [1], [0, 0, 1, 1], [], []>, transpose_lhs_hint = false} : vector<8192x128xf32>, vector<128x128xf32>, vector<8192x128xf32> -> vector<8192x128xf32>
    %get3A_11 = arith.constant 0 : index
    %get3A_12 = arith.constant 0 : index
    %get3A_13 = vector.load %arg3[%get3A_11, %get3A_12] : memref<1x128xf32, #tpu.memory_space<vmem>>, vector<1x128xf32>
    %add3A = vector.broadcast %get3A_13 : vector<1x128xf32> to vector<8192x128xf32>
    %add3A_14 = arith.addf %dot_general3A_10, %add3A : vector<8192x128xf32>
    %max3A = arith.constant 0.000000e+00 : f32
    %max3A_15 = vector.broadcast %max3A : f32 to vector<8192x128xf32>
    %max3A_16 = arith.maximumf %add3A_14, %max3A_15 : vector<8192x128xf32>
    %get3A_17 = arith.constant 0 : index
    %get3A_18 = arith.constant 0 : index
    %get3A_19 = vector.load %arg4[%get3A_17, %get3A_18] : memref<128x128xf32, #tpu.memory_space<vmem>>, vector<128x128xf32>
    %dot_general3A_20 = arith.constant dense<0.000000e+00> : vector<8192x128xf32>
    %dot_general3A_21 = tpu.matmul %max3A_16, %get3A_19, %dot_general3A_20 {dimension_numbers = #tpu.dot_dimension_numbers<[1], [0], [0], [1], [0, 0, 1, 1], [], []>, transpose_lhs_hint = false} : vector<8192x128xf32>, vector<128x128xf32>, vector<8192x128xf32> -> vector<8192x128xf32>
    %get3A_22 = arith.constant 0 : index
    %get3A_23 = arith.constant 0 : index
    %get3A_24 = vector.load %arg5[%get3A_22, %get3A_23] : memref<1x128xf32, #tpu.memory_space<vmem>>, vector<1x128xf32>
    %add3A_25 = vector.broadcast %get3A_24 : vector<1x128xf32> to vector<8192x128xf32>
    %add3A_26 = arith.addf %dot_general3A_21, %add3A_25 : vector<8192x128xf32>
    %mul3A = arith.mulf %bitcast_convert_type3A, %add3A_26 : vector<8192x128xf32>
    %transpose3A = tpu.transpose %mul3A, [1, 0] : vector<8192x128xf32> -> vector<128x8192xf32>
    %reduce_sum3A = arith.constant dense<0.000000e+00> : vector<8192xf32>
    %reduce_sum3A_27 = vector.multi_reduction <add>, %transpose3A, %reduce_sum3A [0] : vector<128x8192xf32> to vector<8192xf32>
    %broadcast_in_dim3A = vector.shape_cast %reduce_sum3A_27 : vector<8192xf32> to vector<1x1x8192xf32>
    %swap3A = arith.constant 0 : index
    %swap3A_28 = arith.constant 0 : index
    %swap3A_29 = arith.constant 0 : index
    %swap3A_30 = vector.load %arg6[%swap3A, %swap3A_28, %swap3A_29] : memref<1x1x8192xf32, #tpu.memory_space<vmem>>, vector<1x1x8192xf32>
    tpu.vector_store %arg6[%swap3A, %swap3A_28, %swap3A_29], %broadcast_in_dim3A {strides = array<i32>} : memref<1x1x8192xf32, #tpu.memory_space<vmem>>, vector<1x1x8192xf32>,
    return
  }
  func.func @transform_0(%arg0: i32) -> (i32, i32) {
    %c0_i32 = arith.constant 0 : i32
    %c0_i32_0 = arith.constant 0 : i32
    return %arg0, %c0_i32 : i32, i32
  }
  func.func @transform_1(%arg0: i32) -> (i32, i32) {
    %c0_i32 = arith.constant 0 : i32
    %c0_i32_0 = arith.constant 0 : i32
    %c0_i32_1 = arith.constant 0 : i32
    return %c0_i32, %c0_i32_0 : i32, i32
  }
  func.func @transform_2(%arg0: i32) -> (i32, i32) {
    %c0_i32 = arith.constant 0 : i32
    %c0_i32_0 = arith.constant 0 : i32
    %c0_i32_1 = arith.constant 0 : i32
    return %c0_i32, %c0_i32_0 : i32, i32
  }
  func.func @transform_3(%arg0: i32) -> (i32, i32) {
    %c0_i32 = arith.constant 0 : i32
    %c0_i32_0 = arith.constant 0 : i32
    %c0_i32_1 = arith.constant 0 : i32
    return %c0_i32, %c0_i32_0 : i32, i32
  }
  func.func @transform_4(%arg0: i32) -> (i32, i32) {
    %c0_i32 = arith.constant 0 : i32
    %c0_i32_0 = arith.constant 0 : i32
    %c0_i32_1 = arith.constant 0 : i32
    return %c0_i32, %c0_i32_0 : i32, i32
  }
  func.func @transform_5(%arg0: i32) -> (i32, i32, i32) {
    %c0_i32 = arith.constant 0 : i32
    %c0_i32_0 = arith.constant 0 : i32
    %c0_i32_1 = arith.constant 0 : i32
    return %arg0, %c0_i32, %c0_i32_0 : i32, i32, i32
  }
}

</mosaic_0001>

<sc_bundles>
// kernel: kernel.4.cloned.1.call-start
scs
__scs_entry_jumppad:
0x0: {  	(pc) =	sbr.rel $0x88, $3  }
0x1: {  	(tag) =	ssettag $0x0;
	lr =	simm.s32 $0x1  }
0x2: {  	[smem:$0x3F99] =	sst lr;
	_ =	strace $0xD0000000  }
0x3: {  	_ = 	snop  }
0x4: {  	_ = 	snop  }
0x5: {  	_ = 	snop  }
0x6: {  	_ = 	snop  }
0x7: {  	_ = 	snop  }
__scs_overlays_trampoline_lowered:
0x8: {  	[smem:$0x3FA8] =	sst s0  }
0x9: {  	[smem:$0x3FA9] =	sst s1  }
0xa: {  	[smem:$0x3FAA] =	sst s2  }
0xb: {  	[smem:$0x3FAB] =	sst s3  }
0xc: {  	[smem:$0x3FAC] =	sst s4  }
0xd: {  	[smem:$0x3FAD] =	sst s5  }
0xe: {  	[smem:$0x3FAE] =	sst s6  }
0xf: {  	[smem:$0x3FAF] =	sst s7  }
0x10: {  	[smem:$0x3FB0] =	sst s8  }
0x11: {  	[smem:$0x3FB1] =	sst s9;
	s0 =	simm.s32 @!p0 $0x0  }
0x12: {  	s1 =	sld [smem:$0x3F97];
	s0 =	simm.s32 @p0 $0x1  }
0x13: {  	[smem:$0x3FB2] =	sst s0;
	s0 =	simm.s32 @!p1 $0x0  }
0x14: {  	s2 =	sld [smem:$0x3F96];
	s0 =	simm.s32 @p1 $0x1  }
0x15: {  	[smem:$0x3FB3] =	sst s0;
	s0 =	simm.s32 @!p2 $0x0  }
0x16: {  	s3 =	sld [smem:$0x3FDB];
	s0 =	simm.s32 @p2 $0x1  }
0x17: {  	s4 =	simm.s32 $0x1BF5;
	[smem:$0x3FB5] =	sst s0  }
0x18: {  	s0 =	sld [smem:$0x3F98];
	_ =	swait.ge [sflag:s4], $0x0  }
0x19: {  	s7 =	sld [smem:$0x3F99]  }
0x1a: {  	s8 =	sadd.s32 $0xFFFFE003, lr  }
0x1b: {  	s9 =	sadd.s32 $0xFFFFFEF7, lr;
	s5 =	simm.s32 $0xFFFFFFFF;
	p2 =	slt.u32 s8, $0xFFFFF086  }
0x1c: {  	p1 =	slt.u32 s9, $0xF7A;
	s5 =	simm.s32 @!p2 $0x0  }
0x1d: {  	s5 =	simm.s32 @p1 $0x1;
	p0 =	seq.s32 s7, s2  }
0x1e: {  	s7 =	smul.u32 @!p0 $0xF7A, s2;
	p2 =	seq.s32 @!p0 s5, $0x0  }
0x1f: {  	s9 =	smul.u32 $0xF7A, s1;
	s8 =	simm.s32 @!p0 $0x1BF5;
	p2 =	por !p2, p0  }
0x20: {  	[sflag:s8] =	ssyncset.s32 @!p0 $0xFFFFF086;
	s6 =	sadd.s32 @!p0 s3, s7;
	s7 =	simm.s32 @!p0 $0x108  }
0x21: {  	s3 =	sadd.s32 s3, s9;
	s6 =	sadd.s32 @!p0 $0x88, s6;
	s7 =	simm.s32 @p2 $0x1082  }
0x22: {  	[simem:s7], [sflag:s8] =	dma.local @!p0 [hbm:s6], $0xF7A  }
0x23: {  	s9 =	sor.u32 $0xD0000000, s2;
	s6 =	simm.s32 $0x108;
	_ =	swait.ge @!p0 [sflag:s8], $0x0  }
0x24: {  	s3 =	sadd.s32 $0x88, s3;
	s6 =	simm.s32 @!p1 $0x1082;
	[sflag:s4] =	ssyncset.s32 $0xFFFFF086  }
0x25: {  	[simem:s6], [sflag:s4] =	dma.local [hbm:s3], $0xF7A  }
0x26: {  	[smem:$0x3F99] =	sst s1;
	(tag) =	ssettag s2;
	_ =	strace s9  }
0x27: {  	s1 =	sld [smem:$0x3FA9]  }
0x28: {  	s2 =	sld [smem:$0x3FAA]  }
0x29: {  	s4 =	sld [smem:$0x3FAC]  }
0x2a: {  	p0 =	seq.s32 s5, $0x0;
	s5 =	sld [smem:$0x3FAD]  }
0x2b: {  	s6 =	sld [smem:$0x3FAE]  }
0x2c: {  	s7 =	sld [smem:$0x3FAF]  }
0x2d: {  	s3 =	simm.s32 $0x108;
	s8 =	sld [smem:$0x3FB0]  }
0x2e: {  	s3 =	simm.s32 @!p0 $0x1082;
	s9 =	sld [smem:$0x3FB1]  }
0x2f: {  	lr =	sadd.s32 s0, s3;
	s0 =	sld [smem:$0x3FA8]  }
0x30: {  	s3 =	sld [smem:$0x3FAB]  }
0x31: {  	[smem:$0x3FB4] =	sst s10  }
0x32: {  	s10 =	sld [smem:$0x3FB2];
	_ =	sdelay $0x3  }
0x33: {  	p0 =	seq.s32 s10, $0x1;
	s10 =	sld [smem:$0x3FB4];
	_ =	sdelay $0x3  }
0x34: {  	[smem:$0x3FB4] =	sst s10  }
0x35: {  	s10 =	sld [smem:$0x3FB3];
	_ =	sdelay $0x3  }
0x36: {  	p1 =	seq.s32 s10, $0x1;
	s10 =	sld [smem:$0x3FB4];
	_ =	sdelay $0x3  }
0x37: {  	[smem:$0x3FB4] =	sst s10  }
0x38: {  	s10 =	sld [smem:$0x3FB5]  }
0x39: {  	_ = 	snop;
	(pc) =	sbr.ind lr, $3  }
0x3a: {  	_ = 	snop  }
0x3b: {  	_ = 	snop  }
0x3c: {  	p2 =	seq.s32 s10, $0x1;
	s10 =	sld [smem:$0x3FB4]  }
0x3d: {  	_ =	shalt  }
0x3e: {  	_ =	shalt  }
0x3f: {  	_ =	shalt  }
0x40: {  	_ =	shalt  }
0x41: {  	_ =	shalt  }
0x42: {  	_ =	shalt  }
0x43: {  	_ =	shalt  }
0x44: {  	_ =	shalt  }
0x45: {  	_ =	shalt  }
0x46: {  	_ =	shalt  }
0x47: {  	_ =	shalt  }
0x48: {  	_ =	shalt  }
0x49: {  	_ =	shalt  }
0x4a: {  	_ =	shalt  }
0x4b: {  	_ =	shalt  }
0x4c: {  	_ =	shalt  }
0x4d: {  	_ =	shalt  }
0x4e: {  	_ =	shalt  }
0x4f: {  	_ =	shalt  }
0x50: {  	_ =	shalt  }
0x51: {  	_ =	shalt  }
0x52: {  	_ =	shalt  }
0x53: {  	_ =	shalt  }
0x54: {  	_ =	shalt  }
0x55: {  	_ =	shalt  }
0x56: {  	_ =	shalt  }
0x57: {  	_ =	shalt  }
0x58: {  	_ =	shalt  }
0x59: {  	_ =	shalt  }
0x5a: {  	_ =	shalt  }
0x5b: {  	_ =	shalt  }
0x5c: {  	_ =	shalt  }
0x5d: {  	_ =	shalt  }
0x5e: {  	_ =	shalt  }
0x5f: {  	_ =	shalt  }
0x60: {  	_ =	shalt  }
0x61: {  	_ =	shalt  }
0x62: {  	_ =	shalt  }
0x63: {  	_ =	shalt  }
0x64: {  	_ =	shalt  }
0x65: {  	_ =	shalt  }
0x66: {  	_ =	shalt  }
0x67: {  	_ =	shalt  }
0x68: {  	_ =	shalt  }
0x69: {  	_ =	shalt  }
0x6a: {  	_ =	shalt  }
0x6b: {  	_ =	shalt  }
0x6c: {  	_ =	shalt  }
0x6d: {  	_ =	shalt  }
0x6e: {  	_ =	shalt  }
0x6f: {  	_ =	shalt  }
0x70: {  	_ =	shalt  }
0x71: {  	_ =	shalt  }
0x72: {  	_ =	shalt  }
0x73: {  	_ =	shalt  }
0x74: {  	_ =	shalt  }
0x75: {  	_ =	shalt  }
0x76: {  	_ =	shalt  }
0x77: {  	_ =	shalt  }
0x78: {  	_ =	shalt  }
0x79: {  	_ =	shalt  }
0x7a: {  	_ =	shalt  }
0x7b: {  	_ =	shalt  }
0x7c: {  	_ =	shalt  }
0x7d: {  	_ =	shalt  }
0x7e: {  	_ =	shalt  }
0x7f: {  	_ =	shalt  }
0x80: {  	_ =	shalt  }
0x81: {  	_ =	shalt  }
0x82: {  	_ =	shalt  }
0x83: {  	_ =	shalt  }
0x84: {  	_ =	shalt  }
0x85: {  	_ =	shalt  }
0x86: {  	_ =	shalt  }
0x87: {  	_ =	shalt  }
.Lfunc_end0:
.L_simem_size_0:
called_computation_lowered:
.L_overlay_start_0:
0x88: {  	s2 =	sld [smem:$0x3FD9]  }
0x89: {  	s3 =	sld [smem:$0x3FFE];
	_ =	sdelay $0x1  }
0x8a: {  	s1 =	srdreg.scid  }
0x8b: {  	s0 =	sand.u32 $0x1, s1  }
0x8c: {  	s17 =	sshll.u32 s0, $0xA;
	s2 =	sadd.s32 s3, s2  }
0x8d: {  	s2 =	sadd.s32 s2, s17  }
0x8e: {  	[smem:$0x3FC0] =	sst s2  }
0x8f: {  	_ = 	snop  }
0x90: {  	s2 =	sld [smem:$0x3FC9]  }
0x91: {  	s18 =	sld [smem:$0x3FC8]  }
0x92: {  	s4 =	sld [smem:$0x3FC7]  }
0x93: {  	s5 =	sld [smem:$0x3FC6];
	(tm) =	ssettm $0x1  }
0x94: {  	s6 =	sld [smem:$0x3FFB];
	_ =	sdelay $0x3  }
0x95: {  	_ =	strace s6  }
0x96: {  	s6 =	sld [smem:$0x3FFC];
	_ =	sdelay $0x3  }
0x97: {  	_ =	strace s6  }
0x98: {  	s6 =	sld [smem:$0x3FFD];
	_ =	sdelay $0x3  }
0x99: {  	_ =	strace s6  }
0x9a: {  	_ =	strace $0x8FFFFFFF  }
0x9b: {  	s19 =	sld [smem:$0x3FDB];
	_ =	sdelay $0x1  }
0x9c: {  	s7 =	simm.s32 $_scs_section_size  }
0x9d: {  	s8 =	simm.s32 $_size__tile_overlayer_lowered;
	s9 =	simm.s32 $_tile_overlayer_lowered  }
0x9e: {  	s22 =	simm.s32 $0x1BFF;
	s21 =	sshll.u32 s9, $0x1;
	s6 =	sadd.s32 s7, s19  }
0x9f: {  	s10 =	simm.s32 $0x0;
	s20 =	sshll.u32 s8, $0x1;
	s8 =	sadd.s32 s21, s6  }
0xa0: {  	[timem:s10], [sflag:s22] =	dma.local [hbm:s8], s20  }
0xa1: {  	_ =	swait.ge [sflag:s22], s20  }
0xa2: {  	s7 =	ssub.s32 $0x0, s20;
	[sflag:s22] =	ssyncset.done $0x0  }
0xa3: {  	[sflag:s22] =	ssyncadd.s32 s7;
	_ =	sdelay $0x1  }
0xa4: {  	s23 =	simm.s32 $0x1B8B  }
0xa5: {  	_ =	swait.ge [sflag:s23], $0x1  }
0xa6: {  	[sflag:s23] =	ssyncset.done $0x0  }
0xa7: {  	s25 =	simm.s32 $0x1B8E;
	s24 =	sld [smem:$0x3FFE];
	[sflag:s23] =	ssyncadd.s32 $0xFFFFFFFF  }
0xa8: {  	s26 =	simm.s32 $execute0_lowered;
	[smem:$0x3FD2] =	sst s25  }
0xa9: {  	s8 =	sshll.u32 s26, $0x1;
	_ =	strace $0x80000046;
	[dreg:$0x1] =	wrdreg $0xFFFFFFFF  }
0xaa: {  	s28 =	simm.s32 $_size_execute0_lowered;
	s6 =	sadd.s32 s6, s8;
	[dreg:$0x0] =	wrdreg $0x0  }
0xab: {  	s8 =	sshll.u32 s28, $0x1;
	[dreg:$0x2] =	wrdreg s6  }
0xac: {  	[dreg:$0x3] =	wrdreg s8  }
0xad: {  	[dreg:$0x4] =	wrdreg $0xC0  }
0xae: {  	_ =	task [dreg:s10], $0x5FFFF  }
0xaf: {  	[dreg:$0x1] =	wrdreg $0xFFFFFFFF  }
0xb0: {  	[dreg:$0x0] =	wrdreg $0x60  }
0xb1: {  	[dreg:$0x2] =	wrdreg s2  }
0xb2: {  	[dreg:$0x3] =	wrdreg s18  }
0xb3: {  	[dreg:$0x4] =	wrdreg s4  }
0xb4: {  	[dreg:$0x5] =	wrdreg s5  }
0xb5: {  	[dreg:$0x6] =	wrdreg s24  }
0xb6: {  	[dreg:$0x7] =	wrdreg $0x9  }
0xb7: {  	_ =	task.clear_ibuf [dreg:s10], $0x8FFFF;
	_ =	strace $0x90000046  }
0xb8: {  	s29 =	simm.s32 $0x9;
	_ =	strace $0x80000048  }
0xb9: {  	_ =	swait.ge [sflag:s29], $0x1  }
0xba: {  	[sflag:s29] =	ssyncadd.s32 $0xFFFFFFFF  }
0xbb: {  	_ =	strace $0x90000048  }
0xbc: {  	_ =	sfence  }
0xbd: {  	s30 =	sld [smem:$0x0];
	_ =	sdelay $0x2  }
0xbe: {  	s31 =	sshll.u32 s1, $0xD;
	s1 =	sshrl.u32 s1, $0x2  }
0xbf: {  	s3 =	sand.u32 $0x4000, s31;
	s1 =	sadd.s32 s1, s30  }
0xc0: {  	s0 =	sor.u32 s3, s0;
	s1 =	sshll.u32 s1, $0x11  }
0xc1: {  	s0 =	sor.u32 s1, s0  }
0xc2: {  	s0 =	sadd.s32 $0x8F2B, s0  }
0xc3: {  	[sflag:s0] =	ssyncadd.remote.s32 $0x1  }
0xc4: {  	_ =	sfence.sel $0xFFFF  }
0xc5: {  	[dreg:$0x0] =	wrdreg $0xFFFFFFFF;
	(pc) =	sbr.abs _section_cstart, $3  }
0xc6: {  	[dreg:$0x1] =	wrdreg $0xFFFFFFFF  }
0xc7: {  	_ =	task.clear_ibuf [dreg:s10], $0x2FFFF;
	_ =	strace $0x9FFFFFFF  }
0xc8: {  	(tm) =	ssettm $0x7FFFFFFF  }
0xc9: {  	_ =	shalt  }
tec
execute0_lowered:
.L_overlay_start_1:
0x0: {  	(tag) =	ssettag $0x1  }
0x1: {  	s0 =	rddreg [dreg:$0x0]  }
0x2: {  	s3 =	rddreg [dreg:$0x1]  }
0x3: {  	s1 =	rddreg [dreg:$0x2]  }
0x4: {  	s2 =	rddreg [dreg:$0x3]  }
0x5: {  	s5 =	rddreg [dreg:$0x4];
	s6 =	srdreg.scid  }
0x6: {  	s4 =	simm.s32 $0x0;
	s7 =	stileid.u32;
	s16 =	simm.s32 $0x200  }
0x7: {  	s17 =	simm.s32 $0x5;
	s18 =	simm.s32 $0x40;
	s19 =	simm.s32 $0x400  }
0x8: {  	s20 =	simm.s32 $0x4400;
	s21 =	simm.s32 $0x1;
	s22 =	simm.s32 $0x3  }
0x9: {  	s23 =	simm.s32 $0x2400;
	s25 =	simm.s32 $0x6400;
	s26 =	simm.s32 $0x8400  }
0xa: {  	s28 =	simm.s32 $0x2;
	s29 =	simm.s32 $0x4;
	s6 =	sand.u32 $0x1, s6  }
0xb: {  	s31 =	simm.s32 $0x3C0;
	s7 =	sshll.u32 s7, $0xA;
	s8 =	sshll.u32 s6, $0x9  }
0xc: {  	[smem:$0x7FF] =	sst s4;
	s6 =	ssub.s32 $0x2, s6;
	s7 =	sor.u32 s8, s7  }
0xd: {  	_ =	strace $0x80000047;
	s9 =	sshrl.u32 s6, $0x1;
	s8 =	sshll.u32 s7, $0x4  }
0xe: {  	s7 =	sshrl.u32 s7, $0x3;
	s15 =	ssub.s32 s6, s9;
	s14 =	sadd.s32 s8, s5  }
0xf: {  	s5 =	sadd.s32 s0, s7;
	s6 =	sadd.s32 s3, s7;
	s15 =	smax.u32 s15, $0x1  }
0x10: {  	s0 =	simm.s32 $0x0;
	s7 =	sadd.s32 $0xE00, s14;
	s8 =	sadd.s32 $0x1200, s14  }
0x11: {  	s9 =	sadd.s32 $0x1600, s14;
	s10 =	sadd.s32 $0x1A00, s14;
	s11 =	sadd.s32 $0x1E00, s14  }
0x12: {  	s12 =	sadd.s32 $0x2200, s14;
	s13 =	sadd.s32 $0x2600, s14;
	s14 =	sadd.s32 $0x2A00, s14  }
.LBB2_1:
0x13: {  	[tilespmem:s4], [sflag:$0x5] =	stream.linear.gather [hbm4b:s5+s4], $0x200, $0x38;
	[tilespmem:$0xA400] =	vst v63  }
0x14: {  	_ = 	snop  }
0x15: {  	[tilespmem:s16], [sflag:$0x5] =	stream.linear.gather [hbm4b:s6+s4], $0x200, $0x38;
	[tilespmem:$0xA400] =	vst v63  }
0x16: {  	_ =	swait.ge [sflag:s17], $0x200  }
0x17: {  	[sflag:s17] =	ssyncset.done $0x0  }
0x18: {  	[sflag:s17] =	ssyncadd.s32 $0xFFFFFE00  }
0x19: {  	_ =	swait.ge [sflag:s17], $0x200  }
0x1a: {  	[sflag:s17] =	ssyncset.done $0x0  }
0x1b: {  	[sflag:s17] =	ssyncadd.s32 $0xFFFFFE00  }
0x1c: {  	[tilespmem:s19], [sflag:$0x1] =	stream.indirect.gather [hbm4b:s1+s18], $0x80, s4, s18, $0xb8;
	[tilespmem:$0xA400] =	vst v63  }
0x1d: {  	_ = 	snop  }
0x1e: {  	[tilespmem:s20], [sflag:$0x3] =	stream.indirect.gather [hbm4b:s2+s18], $0x80, s16, s18, $0xb8;
	[tilespmem:$0xA400] =	vst v63  }
0x1f: {  	_ =	swait.ge [sflag:s21], $0x2000  }
0x20: {  	[sflag:s21] =	ssyncset.done $0x0  }
0x21: {  	[sflag:s21] =	ssyncadd.s32 $0xFFFFE000  }
0x22: {  	_ =	swait.ge [sflag:s22], $0x2000  }
0x23: {  	[sflag:s22] =	ssyncset.done $0x0  }
0x24: {  	[sflag:s22] =	ssyncadd.s32 $0xFFFFE000  }
0x25: {  	[tilespmem:s23], [sflag:$0x2] =	stream.indirect.gather [hbm4b:s1+s18], $0x80, s18, s18, $0xb8;
	[tilespmem:$0xA400] =	vst v63  }
0x26: {  	s3 =	simm.s32 $0x240  }
0x27: {  	[tilespmem:s25], [sflag:$0x4] =	stream.indirect.gather [hbm4b:s2+s18], $0x80, s3, s18, $0xb8;
	[tilespmem:$0xA400] =	vst v63  }
0x28: {  	s3 =	simm.s32 $0x0  }
0x29: {  	v0 =	vld [tilespmem:s3+$0x470]  }
0x2a: {  	v1 =	vld [tilespmem:s3+$0x4470]  }
0x2b: {  	v2 =	vld [tilespmem:s3+$0x400]  }
0x2c: {  	v3 =	vld [tilespmem:s3+$0x4400]  }
0x2d: {  	v4 =	vld [tilespmem:s3+$0x410]  }
0x2e: {  	v5 =	vld [tilespmem:s3+$0x4410]  }
0x2f: {  	v6 =	vld [tilespmem:s3+$0x420]  }
0x30: {  	v7 =	vld [tilespmem:s3+$0x4420];
	v0 =	vadd.s32 $0x8000, v0;
	v1 =	vadd.s32 $0x8000, v1;
	v2 =	vadd.s32 $0x8000, v2  }
0x31: {  	v8 =	vld [tilespmem:s3+$0x430];
	v3 =	vadd.s32 $0x8000, v3;
	v0 =	vshrl.u32 v0, $0x10;
	v1 =	vand.u32 $0xFFFF0000, v1  }
0x32: {  	v9 =	vld [tilespmem:s3+$0x4430];
	v0 =	vor.u32 v0, v1;
	v1 =	vshrl.u32 v2, $0x10;
	v2 =	vand.u32 $0xFFFF0000, v3  }
0x33: {  	v10 =	vld [tilespmem:s3+$0x440];
	[tilespmem:s3+$0x8470] =	vst v0;
	v0 =	vor.u32 v1, v2;
	v1 =	vadd.s32 $0x8000, v4;
	v2 =	vadd.s32 $0x8000, v5  }
0x34: {  	v11 =	vld [tilespmem:s3+$0x4440];
	[tilespmem:s3+$0x8400] =	vst v0;
	v0 =	vshrl.u32 v1, $0x10;
	v1 =	vand.u32 $0xFFFF0000, v2  }
0x35: {  	v3 =	vadd.s32 $0x8000, v7;
	v2 =	vadd.s32 $0x8000, v6;
	v0 =	vor.u32 v0, v1;
	v1 =	vld [tilespmem:s3+$0x450]  }
0x36: {  	[tilespmem:s3+$0x8410] =	vst v0;
	v0 =	vshrl.u32 v2, $0x10;
	v2 =	vand.u32 $0xFFFF0000, v3;
	v3 =	vld [tilespmem:s3+$0x4450]  }
0x37: {  	v4 =	vadd.s32 $0x8000, v8;
	v5 =	vadd.s32 $0x8000, v9;
	v0 =	vor.u32 v0, v2;
	v2 =	vld [tilespmem:s3+$0x460]  }
0x38: {  	s24 =	simm.s32 $0x80;
	v7 =	vadd.s32 $0x8000, v10;
	v6 =	vshrl.u32 v4, $0x10;
	v5 =	vand.u32 $0xFFFF0000, v5;
	v4 =	vld [tilespmem:s3+$0x4460];
	[tilespmem:s3+$0x8420] =	vst v0  }
0x39: {  	s30 =	simm.s32 $0x400;
	v6 =	vor.u32 v6, v5;
	v5 =	vshrl.u32 v7, $0x10;
	v7 =	vadd.s32 $0x8000, v11;
	v0 =	vld [tilespmem:s24+$0x470]  }
.LBB2_2:
0x3a: {  	p0 =	sne.s32 s30, $0x7E00;
	v8 =	vld [tilespmem:s24+$0x4470];
	[tilespmem:s3+$0x8430] =	vst v6;
	v6 =	vand.u32 $0xFFFF0000, v7;
	v1 =	vadd.s32 $0x8000, v1  }
0x3b: {  	v7 =	vld [tilespmem:s24+$0x400];
	v5 =	vor.u32 v5, v6;
	v1 =	vshrl.u32 v1, $0x10;
	v3 =	vadd.s32 $0x8000, v3  }
0x3c: {  	v6 =	vld [tilespmem:s24+$0x4400];
	[tilespmem:s3+$0x8440] =	vst v5;
	v3 =	vand.u32 $0xFFFF0000, v3;
	v2 =	vadd.s32 $0x8000, v2  }
0x3d: {  	v5 =	vld [tilespmem:s24+$0x410];
	v1 =	vor.u32 v1, v3;
	v2 =	vshrl.u32 v2, $0x10;
	v3 =	vadd.s32 $0x8000, v4  }
0x3e: {  	v4 =	vld [tilespmem:s24+$0x4410];
	[tilespmem:s3+$0x8450] =	vst v1;
	v1 =	vand.u32 $0xFFFF0000, v3  }
0x3f: {  	v0 =	vadd.s32 $0x8000, v0;
	v3 =	vld [tilespmem:s24+$0x420];
	v8 =	vadd.s32 $0x8000, v8;
	v1 =	vor.u32 v2, v1  }
0x40: {  	v0 =	vshrl.u32 v0, $0x10;
	v2 =	vadd.s32 $0x8000, v7;
	v7 =	vld [tilespmem:s24+$0x4420];
	v8 =	vand.u32 $0xFFFF0000, v8;
	[tilespmem:s3+$0x8460] =	vst v1;
	s3 =	smov.u32 s24  }
0x41: {  	v1 =	vshrl.u32 v2, $0x10;
	v2 =	vadd.s32 $0x8000, v6;
	v6 =	vld [tilespmem:s3+$0x430];
	v0 =	vor.u32 v0, v8  }
0x42: {  	v2 =	vand.u32 $0xFFFF0000, v2;
	v5 =	vadd.s32 $0x8000, v5;
	v8 =	vld [tilespmem:s3+$0x4430];
	[tilespmem:s3+$0x8470] =	vst v0  }
0x43: {  	v0 =	vor.u32 v1, v2;
	v1 =	vshrl.u32 v5, $0x10;
	v2 =	vadd.s32 $0x8000, v4;
	v4 =	vld [tilespmem:s3+$0x440]  }
0x44: {  	[tilespmem:s3+$0x8400] =	vst v0;
	v0 =	vand.u32 $0xFFFF0000, v2;
	v2 =	vadd.s32 $0x8000, v3;
	v9 =	vld [tilespmem:s3+$0x4440]  }
.Ltmp0:
0x45: {  	v0 =	vor.u32 v1, v0;
	v2 =	vshrl.u32 v2, $0x10;
	v3 =	vadd.s32 $0x8000, v7;
	v1 =	vld [tilespmem:s3+$0x450];
	(pc) =	sbr.rel @p0 .LBB2_2-.Ltmp0, $4  }
0x46: {  	[tilespmem:s3+$0x8410] =	vst v0;
	v0 =	vand.u32 $0xFFFF0000, v3;
	v5 =	vadd.s32 $0x8000, v6;
	v3 =	vld [tilespmem:s3+$0x4450]  }
0x47: {  	v0 =	vor.u32 v2, v0;
	v5 =	vshrl.u32 v5, $0x10;
	v6 =	vadd.s32 $0x8000, v8;
	v2 =	vld [tilespmem:s3+$0x460]  }
0x48: {  	s24 =	sshra.s32 s30, $0x2;
	[tilespmem:s3+$0x8420] =	vst v0;
	v6 =	vand.u32 $0xFFFF0000, v6;
	v7 =	vadd.s32 $0x8000, v4;
	v4 =	vld [tilespmem:s3+$0x4460]  }
0x49: {  	s30 =	sadd.s32 $0x200, s30;
	v0 =	vld [tilespmem:s24+$0x470];
	v6 =	vor.u32 v5, v6;
	v5 =	vshrl.u32 v7, $0x10;
	v7 =	vadd.s32 $0x8000, v9  }
0x4a: {  	v8 =	vld [tilespmem:s24+$0x4470];
	[tilespmem:s3+$0x8430] =	vst v6;
	v6 =	vand.u32 $0xFFFF0000, v7  }
0x4b: {  	v1 =	vadd.s32 $0x8000, v1;
	v7 =	vld [tilespmem:s24+$0x400];
	v5 =	vor.u32 v5, v6;
	v3 =	vadd.s32 $0x8000, v3  }
0x4c: {  	v6 =	vld [tilespmem:s24+$0x4400];
	v1 =	vshrl.u32 v1, $0x10;
	[tilespmem:s3+$0x8440] =	vst v5;
	v3 =	vand.u32 $0xFFFF0000, v3  }
0x4d: {  	v2 =	vadd.s32 $0x8000, v2;
	v5 =	vld [tilespmem:s24+$0x410];
	v1 =	vor.u32 v1, v3;
	v4 =	vadd.s32 $0x8000, v4  }
0x4e: {  	v3 =	vld [tilespmem:s24+$0x4410];
	[tilespmem:s3+$0x8450] =	vst v1;
	v1 =	vshrl.u32 v2, $0x10;
	v2 =	vand.u32 $0xFFFF0000, v4  }
0x4f: {  	v0 =	vadd.s32 $0x8000, v0;
	v4 =	vld [tilespmem:s24+$0x420];
	v1 =	vor.u32 v1, v2  }
0x50: {  	v2 =	vld [tilespmem:s24+$0x4420];
	v8 =	vadd.s32 $0x8000, v8;
	v0 =	vshrl.u32 v0, $0x10;
	[tilespmem:s3+$0x8460] =	vst v1  }
0x51: {  	v1 =	vand.u32 $0xFFFF0000, v8;
	v7 =	vadd.s32 $0x8000, v7;
	v6 =	vadd.s32 $0x8000, v6;
	v8 =	vld [tilespmem:s24+$0x430]  }
0x52: {  	v0 =	vor.u32 v0, v1;
	v1 =	vld [tilespmem:s24+$0x4430];
	v7 =	vshrl.u32 v7, $0x10;
	v6 =	vand.u32 $0xFFFF0000, v6  }
0x53: {  	[tilespmem:s24+$0x8470] =	vst v0;
	v0 =	vor.u32 v7, v6;
	v6 =	vld [tilespmem:s24+$0x440];
	v5 =	vadd.s32 $0x8000, v5;
	v3 =	vadd.s32 $0x8000, v3  }
0x54: {  	v7 =	vld [tilespmem:s24+$0x4460];
	[tilespmem:s24+$0x8400] =	vst v0;
	v0 =	vshrl.u32 v5, $0x10;
	v3 =	vand.u32 $0xFFFF0000, v3  }
0x55: {  	v5 =	vld [tilespmem:s24+$0x4440];
	v0 =	vor.u32 v0, v3;
	v4 =	vadd.s32 $0x8000, v4;
	v2 =	vadd.s32 $0x8000, v2  }
0x56: {  	v3 =	vld [tilespmem:s24+$0x450];
	[tilespmem:s24+$0x8410] =	vst v0;
	v0 =	vshrl.u32 v4, $0x10;
	v2 =	vand.u32 $0xFFFF0000, v2  }
0x57: {  	v4 =	vld [tilespmem:s24+$0x4450];
	v0 =	vor.u32 v0, v2  }
0x58: {  	v2 =	vld [tilespmem:s24+$0x460];
	v1 =	vadd.s32 $0x8000, v1;
	[tilespmem:s24+$0x8420] =	vst v0;
	v0 =	vadd.s32 $0x8000, v8  }
0x59: {  	v1 =	vand.u32 $0xFFFF0000, v1;
	v0 =	vshrl.u32 v0, $0x10  }
0x5a: {  	v6 =	vadd.s32 $0x8000, v6;
	v0 =	vor.u32 v0, v1;
	v1 =	vadd.s32 $0x8000, v5  }
0x5b: {  	v5 =	vshrl.u32 v6, $0x10;
	v3 =	vadd.s32 $0x8000, v3;
	v1 =	vand.u32 $0xFFFF0000, v1  }
0x5c: {  	v3 =	vshrl.u32 v3, $0x10;
	v4 =	vadd.s32 $0x8000, v4;
	v1 =	vor.u32 v5, v1  }
0x5d: {  	[tilespmem:s24+$0x8430] =	vst v0;
	v0 =	vand.u32 $0xFFFF0000, v4;
	v2 =	vadd.s32 $0x8000, v2;
	v4 =	vadd.s32 $0x8000, v7  }
0x5e: {  	[tilespmem:s24+$0x8440] =	vst v1;
	v0 =	vor.u32 v3, v0;
	v1 =	vshrl.u32 v2, $0x10;
	v2 =	vand.u32 $0xFFFF0000, v4  }
0x5f: {  	[tilespmem:s24+$0x8450] =	vst v0;
	v0 =	vor.u32 v1, v2  }
0x60: {  	[tilespmem:s24+$0x8460] =	vst v0;
	s24 =	simm.s32 $0x0  }
0x61: {  	[hbm4b:s7+s24] =	stream.linear.scatter [tilespmem:s26], [sflag:$0x5], $0x2000, $0x38;
	[tilespmem:$0xA400] =	vst v63  }
0x62: {  	_ =	swait.ge [sflag:s28], $0x2000  }
0x63: {  	[sflag:s28] =	ssyncset.done $0x0  }
0x64: {  	[sflag:s28] =	ssyncadd.s32 $0xFFFFE000  }
0x65: {  	_ =	swait.ge [sflag:s29], $0x2000  }
0x66: {  	[sflag:s29] =	ssyncset.done $0x0  }
0x67: {  	s24 =	simm.s32 $0x80;
	[sflag:s29] =	ssyncadd.s32 $0xFFFFE000  }
0x68: {  	[tilespmem:s19], [sflag:$0x1] =	stream.indirect.gather [hbm4b:s1+s18], $0x80, s24, s18, $0xb8;
	[tilespmem:$0xA400] =	vst v63  }
0x69: {  	s24 =	simm.s32 $0x280  }
0x6a: {  	[tilespmem:s20], [sflag:$0x3] =	stream.indirect.gather [hbm4b:s2+s18], $0x80, s24, s18, $0xb8;
	[tilespmem:$0xA400] =	vst v63  }
0x6b: {  	_ =	swait.ge [sflag:s17], $0x2000  }
0x6c: {  	[sflag:s17] =	ssyncset.done $0x0  }
0x6d: {  	s3 =	simm.s32 $0x0;
	[sflag:s17] =	ssyncadd.s32 $0xFFFFE000  }
0x6e: {  	v0 =	vld [tilespmem:s3+$0x2470]  }
0x6f: {  	v1 =	vld [tilespmem:s3+$0x6470]  }
0x70: {  	v2 =	vld [tilespmem:s3+$0x2400]  }
0x71: {  	v3 =	vld [tilespmem:s3+$0x6400]  }
0x72: {  	v4 =	vld [tilespmem:s3+$0x2410]  }
0x73: {  	v5 =	vld [tilespmem:s3+$0x6410]  }
0x74: {  	v6 =	vld [tilespmem:s3+$0x2420]  }
0x75: {  	v7 =	vld [tilespmem:s3+$0x6420];
	v0 =	vadd.s32 $0x8000, v0;
	v1 =	vadd.s32 $0x8000, v1;
	v2 =	vadd.s32 $0x8000, v2  }
0x76: {  	v8 =	vld [tilespmem:s3+$0x2430];
	v3 =	vadd.s32 $0x8000, v3;
	v0 =	vshrl.u32 v0, $0x10;
	v1 =	vand.u32 $0xFFFF0000, v1  }
0x77: {  	v9 =	vld [tilespmem:s3+$0x6430];
	v0 =	vor.u32 v0, v1;
	v1 =	vshrl.u32 v2, $0x10;
	v2 =	vand.u32 $0xFFFF0000, v3  }
0x78: {  	v10 =	vld [tilespmem:s3+$0x2440];
	[tilespmem:s3+$0x8470] =	vst v0;
	v0 =	vor.u32 v1, v2;
	v1 =	vadd.s32 $0x8000, v4;
	v2 =	vadd.s32 $0x8000, v5  }
0x79: {  	v11 =	vld [tilespmem:s3+$0x6440];
	[tilespmem:s3+$0x8400] =	vst v0;
	v0 =	vshrl.u32 v1, $0x10;
	v1 =	vand.u32 $0xFFFF0000, v2  }
0x7a: {  	v3 =	vadd.s32 $0x8000, v7;
	v2 =	vadd.s32 $0x8000, v6;
	v0 =	vor.u32 v0, v1;
	v1 =	vld [tilespmem:s3+$0x2450]  }
0x7b: {  	[tilespmem:s3+$0x8410] =	vst v0;
	v0 =	vshrl.u32 v2, $0x10;
	v2 =	vand.u32 $0xFFFF0000, v3;
	v3 =	vld [tilespmem:s3+$0x6450]  }
0x7c: {  	v4 =	vadd.s32 $0x8000, v8;
	v5 =	vadd.s32 $0x8000, v9;
	v0 =	vor.u32 v0, v2;
	v2 =	vld [tilespmem:s3+$0x2460]  }
0x7d: {  	s24 =	simm.s32 $0x80;
	v7 =	vadd.s32 $0x8000, v10;
	v6 =	vshrl.u32 v4, $0x10;
	v5 =	vand.u32 $0xFFFF0000, v5;
	v4 =	vld [tilespmem:s3+$0x6460];
	[tilespmem:s3+$0x8420] =	vst v0  }
0x7e: {  	s30 =	simm.s32 $0x400;
	v6 =	vor.u32 v6, v5;
	v5 =	vshrl.u32 v7, $0x10;
	v7 =	vadd.s32 $0x8000, v11;
	v0 =	vld [tilespmem:s24+$0x2470]  }
.LBB2_4:
0x7f: {  	p0 =	sne.s32 s30, $0x7E00;
	v8 =	vld [tilespmem:s24+$0x6470];
	[tilespmem:s3+$0x8430] =	vst v6;
	v6 =	vand.u32 $0xFFFF0000, v7;
	v1 =	vadd.s32 $0x8000, v1  }
0x80: {  	v7 =	vld [tilespmem:s24+$0x2400];
	v5 =	vor.u32 v5, v6;
	v1 =	vshrl.u32 v1, $0x10;
	v3 =	vadd.s32 $0x8000, v3  }
0x81: {  	v6 =	vld [tilespmem:s24+$0x6400];
	[tilespmem:s3+$0x8440] =	vst v5;
	v3 =	vand.u32 $0xFFFF0000, v3;
	v2 =	vadd.s32 $0x8000, v2  }
0x82: {  	v5 =	vld [tilespmem:s24+$0x2410];
	v1 =	vor.u32 v1, v3;
	v2 =	vshrl.u32 v2, $0x10;
	v3 =	vadd.s32 $0x8000, v4  }
0x83: {  	v4 =	vld [tilespmem:s24+$0x6410];
	[tilespmem:s3+$0x8450] =	vst v1;
	v1 =	vand.u32 $0xFFFF0000, v3  }
0x84: {  	v0 =	vadd.s32 $0x8000, v0;
	v3 =	vld [tilespmem:s24+$0x2420];
	v8 =	vadd.s32 $0x8000, v8;
	v1 =	vor.u32 v2, v1  }
0x85: {  	v0 =	vshrl.u32 v0, $0x10;
	v2 =	vadd.s32 $0x8000, v7;
	v7 =	vld [tilespmem:s24+$0x6420];
	v8 =	vand.u32 $0xFFFF0000, v8;
	[tilespmem:s3+$0x8460] =	vst v1;
	s3 =	smov.u32 s24  }
0x86: {  	v1 =	vshrl.u32 v2, $0x10;
	v2 =	vadd.s32 $0x8000, v6;
	v6 =	vld [tilespmem:s3+$0x2430];
	v0 =	vor.u32 v0, v8  }
0x87: {  	v2 =	vand.u32 $0xFFFF0000, v2;
	v5 =	vadd.s32 $0x8000, v5;
	v8 =	vld [tilespmem:s3+$0x6430];
	[tilespmem:s3+$0x8470] =	vst v0  }
0x88: {  	v0 =	vor.u32 v1, v2;
	v1 =	vshrl.u32 v5, $0x10;
	v2 =	vadd.s32 $0x8000, v4;
	v4 =	vld [tilespmem:s3+$0x2440]  }
0x89: {  	[tilespmem:s3+$0x8400] =	vst v0;
	v0 =	vand.u32 $0xFFFF0000, v2;
	v2 =	vadd.s32 $0x8000, v3;
	v9 =	vld [tilespmem:s3+$0x6440]  }
.Ltmp1:
0x8a: {  	v0 =	vor.u32 v1, v0;
	v2 =	vshrl.u32 v2, $0x10;
	v3 =	vadd.s32 $0x8000, v7;
	v1 =	vld [tilespmem:s3+$0x2450];
	(pc) =	sbr.rel @p0 .LBB2_4-.Ltmp1, $4  }
0x8b: {  	[tilespmem:s3+$0x8410] =	vst v0;
	v0 =	vand.u32 $0xFFFF0000, v3;
	v5 =	vadd.s32 $0x8000, v6;
	v3 =	vld [tilespmem:s3+$0x6450]  }
0x8c: {  	v0 =	vor.u32 v2, v0;
	v5 =	vshrl.u32 v5, $0x10;
	v6 =	vadd.s32 $0x8000, v8;
	v2 =	vld [tilespmem:s3+$0x2460]  }
0x8d: {  	s24 =	sshra.s32 s30, $0x2;
	[tilespmem:s3+$0x8420] =	vst v0;
	v6 =	vand.u32 $0xFFFF0000, v6;
	v7 =	vadd.s32 $0x8000, v4;
	v4 =	vld [tilespmem:s3+$0x6460]  }
0x8e: {  	s30 =	sadd.s32 $0x200, s30;
	v0 =	vld [tilespmem:s24+$0x2470];
	v6 =	vor.u32 v5, v6;
	v5 =	vshrl.u32 v7, $0x10;
	v7 =	vadd.s32 $0x8000, v9  }
0x8f: {  	v8 =	vld [tilespmem:s24+$0x6470];
	[tilespmem:s3+$0x8430] =	vst v6;
	v6 =	vand.u32 $0xFFFF0000, v7  }
0x90: {  	v1 =	vadd.s32 $0x8000, v1;
	v7 =	vld [tilespmem:s24+$0x2400];
	v5 =	vor.u32 v5, v6;
	v3 =	vadd.s32 $0x8000, v3  }
0x91: {  	v6 =	vld [tilespmem:s24+$0x6400];
	v1 =	vshrl.u32 v1, $0x10;
	[tilespmem:s3+$0x8440] =	vst v5;
	v3 =	vand.u32 $0xFFFF0000, v3  }
0x92: {  	v2 =	vadd.s32 $0x8000, v2;
	v5 =	vld [tilespmem:s24+$0x2410];
	v1 =	vor.u32 v1, v3;
	v4 =	vadd.s32 $0x8000, v4  }
0x93: {  	v3 =	vld [tilespmem:s24+$0x6410];
	[tilespmem:s3+$0x8450] =	vst v1;
	v1 =	vshrl.u32 v2, $0x10;
	v2 =	vand.u32 $0xFFFF0000, v4  }
0x94: {  	v0 =	vadd.s32 $0x8000, v0;
	v4 =	vld [tilespmem:s24+$0x2420];
	v1 =	vor.u32 v1, v2  }
0x95: {  	v2 =	vld [tilespmem:s24+$0x6420];
	v8 =	vadd.s32 $0x8000, v8;
	v0 =	vshrl.u32 v0, $0x10;
	[tilespmem:s3+$0x8460] =	vst v1  }
0x96: {  	v1 =	vand.u32 $0xFFFF0000, v8;
	v7 =	vadd.s32 $0x8000, v7;
	v6 =	vadd.s32 $0x8000, v6;
	v8 =	vld [tilespmem:s24+$0x2430]  }
0x97: {  	v0 =	vor.u32 v0, v1;
	v1 =	vld [tilespmem:s24+$0x6430];
	v7 =	vshrl.u32 v7, $0x10;
	v6 =	vand.u32 $0xFFFF0000, v6  }
0x98: {  	[tilespmem:s24+$0x8470] =	vst v0;
	v0 =	vor.u32 v7, v6;
	v6 =	vld [tilespmem:s24+$0x2440];
	v5 =	vadd.s32 $0x8000, v5;
	v3 =	vadd.s32 $0x8000, v3  }
0x99: {  	v7 =	vld [tilespmem:s24+$0x6460];
	[tilespmem:s24+$0x8400] =	vst v0;
	v0 =	vshrl.u32 v5, $0x10;
	v3 =	vand.u32 $0xFFFF0000, v3  }
0x9a: {  	v5 =	vld [tilespmem:s24+$0x6440];
	v0 =	vor.u32 v0, v3;
	v4 =	vadd.s32 $0x8000, v4;
	v2 =	vadd.s32 $0x8000, v2  }
0x9b: {  	v3 =	vld [tilespmem:s24+$0x2450];
	[tilespmem:s24+$0x8410] =	vst v0;
	v0 =	vshrl.u32 v4, $0x10;
	v2 =	vand.u32 $0xFFFF0000, v2  }
0x9c: {  	v4 =	vld [tilespmem:s24+$0x6450];
	v0 =	vor.u32 v0, v2  }
0x9d: {  	v2 =	vld [tilespmem:s24+$0x2460];
	v1 =	vadd.s32 $0x8000, v1;
	[tilespmem:s24+$0x8420] =	vst v0;
	v0 =	vadd.s32 $0x8000, v8  }
0x9e: {  	v1 =	vand.u32 $0xFFFF0000, v1;
	v0 =	vshrl.u32 v0, $0x10  }
0x9f: {  	v6 =	vadd.s32 $0x8000, v6;
	v0 =	vor.u32 v0, v1;
	v1 =	vadd.s32 $0x8000, v5  }
0xa0: {  	v5 =	vshrl.u32 v6, $0x10;
	v3 =	vadd.s32 $0x8000, v3;
	v1 =	vand.u32 $0xFFFF0000, v1  }
0xa1: {  	v3 =	vshrl.u32 v3, $0x10;
	v4 =	vadd.s32 $0x8000, v4;
	v1 =	vor.u32 v5, v1  }
0xa2: {  	[tilespmem:s24+$0x8430] =	vst v0;
	v0 =	vand.u32 $0xFFFF0000, v4;
	v2 =	vadd.s32 $0x8000, v2;
	v4 =	vadd.s32 $0x8000, v7  }
0xa3: {  	[tilespmem:s24+$0x8440] =	vst v1;
	v0 =	vor.u32 v3, v0;
	v1 =	vshrl.u32 v2, $0x10;
	v2 =	vand.u32 $0xFFFF0000, v4  }
0xa4: {  	[tilespmem:s24+$0x8450] =	vst v0;
	v0 =	vor.u32 v1, v2  }
0xa5: {  	[tilespmem:s24+$0x8460] =	vst v0;
	s24 =	simm.s32 $0x0  }
0xa6: {  	[hbm4b:s8+s24] =	stream.linear.scatter [tilespmem:s26], [sflag:$0x5], $0x2000, $0x38;
	[tilespmem:$0xA400] =	vst v63  }
0xa7: {  	_ =	swait.ge [sflag:s21], $0x2000  }
0xa8: {  	[sflag:s21] =	ssyncset.done $0x0  }
0xa9: {  	[sflag:s21] =	ssyncadd.s32 $0xFFFFE000  }
0xaa: {  	_ =	swait.ge [sflag:s22], $0x2000  }
0xab: {  	[sflag:s22] =	ssyncset.done $0x0  }
0xac: {  	s24 =	simm.s32 $0xC0;
	[sflag:s22] =	ssyncadd.s32 $0xFFFFE000  }
0xad: {  	[tilespmem:s23], [sflag:$0x2] =	stream.indirect.gather [hbm4b:s1+s18], $0x80, s24, s18, $0xb8;
	[tilespmem:$0xA400] =	vst v63  }
0xae: {  	s24 =	simm.s32 $0x2C0  }
0xaf: {  	[tilespmem:s25], [sflag:$0x4] =	stream.indirect.gather [hbm4b:s2+s18], $0x80, s24, s18, $0xb8;
	[tilespmem:$0xA400] =	vst v63  }
0xb0: {  	_ =	swait.ge [sflag:s17], $0x2000  }
0xb1: {  	[sflag:s17] =	ssyncset.done $0x0  }
0xb2: {  	s3 =	simm.s32 $0x0;
	[sflag:s17] =	ssyncadd.s32 $0xFFFFE000  }
0xb3: {  	v0 =	vld [tilespmem:s3+$0x470]  }
0xb4: {  	v1 =	vld [tilespmem:s3+$0x4470]  }
0xb5: {  	v2 =	vld [tilespmem:s3+$0x400]  }
0xb6: {  	v3 =	vld [tilespmem:s3+$0x4400]  }
0xb7: {  	v4 =	vld [tilespmem:s3+$0x410]  }
0xb8: {  	v5 =	vld [tilespmem:s3+$0x4410]  }
0xb9: {  	v6 =	vld [tilespmem:s3+$0x420]  }
0xba: {  	v7 =	vld [tilespmem:s3+$0x4420];
	v0 =	vadd.s32 $0x8000, v0;
	v1 =	vadd.s32 $0x8000, v1;
	v2 =	vadd.s32 $0x8000, v2  }
0xbb: {  	v8 =	vld [tilespmem:s3+$0x430];
	v3 =	vadd.s32 $0x8000, v3;
	v0 =	vshrl.u32 v0, $0x10;
	v1 =	vand.u32 $0xFFFF0000, v1  }
0xbc: {  	v9 =	vld [tilespmem:s3+$0x4430];
	v0 =	vor.u32 v0, v1;
	v1 =	vshrl.u32 v2, $0x10;
	v2 =	vand.u32 $0xFFFF0000, v3  }
0xbd: {  	v10 =	vld [tilespmem:s3+$0x440];
	[tilespmem:s3+$0x8470] =	vst v0;
	v0 =	vor.u32 v1, v2;
	v1 =	vadd.s32 $0x8000, v4;
	v2 =	vadd.s32 $0x8000, v5  }
0xbe: {  	v11 =	vld [tilespmem:s3+$0x4440];
	[tilespmem:s3+$0x8400] =	vst v0;
	v0 =	vshrl.u32 v1, $0x10;
	v1 =	vand.u32 $0xFFFF0000, v2  }
0xbf: {  	v3 =	vadd.s32 $0x8000, v7;
	v2 =	vadd.s32 $0x8000, v6;
	v0 =	vor.u32 v0, v1;
	v1 =	vld [tilespmem:s3+$0x450]  }
0xc0: {  	[tilespmem:s3+$0x8410] =	vst v0;
	v0 =	vshrl.u32 v2, $0x10;
	v2 =	vand.u32 $0xFFFF0000, v3;
	v3 =	vld [tilespmem:s3+$0x4450]  }
0xc1: {  	v4 =	vadd.s32 $0x8000, v8;
	v5 =	vadd.s32 $0x8000, v9;
	v0 =	vor.u32 v0, v2;
	v2 =	vld [tilespmem:s3+$0x460]  }
0xc2: {  	s24 =	simm.s32 $0x80;
	v7 =	vadd.s32 $0x8000, v10;
	v6 =	vshrl.u32 v4, $0x10;
	v5 =	vand.u32 $0xFFFF0000, v5;
	v4 =	vld [tilespmem:s3+$0x4460];
	[tilespmem:s3+$0x8420] =	vst v0  }
0xc3: {  	s30 =	simm.s32 $0x400;
	v6 =	vor.u32 v6, v5;
	v5 =	vshrl.u32 v7, $0x10;
	v7 =	vadd.s32 $0x8000, v11;
	v0 =	vld [tilespmem:s24+$0x470]  }
.LBB2_6:
0xc4: {  	p0 =	sne.s32 s30, $0x7E00;
	v8 =	vld [tilespmem:s24+$0x4470];
	[tilespmem:s3+$0x8430] =	vst v6;
	v6 =	vand.u32 $0xFFFF0000, v7;
	v1 =	vadd.s32 $0x8000, v1  }
0xc5: {  	v7 =	vld [tilespmem:s24+$0x400];
	v5 =	vor.u32 v5, v6;
	v1 =	vshrl.u32 v1, $0x10;
	v3 =	vadd.s32 $0x8000, v3  }
0xc6: {  	v6 =	vld [tilespmem:s24+$0x4400];
	[tilespmem:s3+$0x8440] =	vst v5;
	v3 =	vand.u32 $0xFFFF0000, v3;
	v2 =	vadd.s32 $0x8000, v2  }
0xc7: {  	v5 =	vld [tilespmem:s24+$0x410];
	v1 =	vor.u32 v1, v3;
	v2 =	vshrl.u32 v2, $0x10;
	v3 =	vadd.s32 $0x8000, v4  }
0xc8: {  	v4 =	vld [tilespmem:s24+$0x4410];
	[tilespmem:s3+$0x8450] =	vst v1;
	v1 =	vand.u32 $0xFFFF0000, v3  }
0xc9: {  	v0 =	vadd.s32 $0x8000, v0;
	v3 =	vld [tilespmem:s24+$0x420];
	v8 =	vadd.s32 $0x8000, v8;
	v1 =	vor.u32 v2, v1  }
0xca: {  	v0 =	vshrl.u32 v0, $0x10;
	v2 =	vadd.s32 $0x8000, v7;
	v7 =	vld [tilespmem:s24+$0x4420];
	v8 =	vand.u32 $0xFFFF0000, v8;
	[tilespmem:s3+$0x8460] =	vst v1;
	s3 =	smov.u32 s24  }
0xcb: {  	v1 =	vshrl.u32 v2, $0x10;
	v2 =	vadd.s32 $0x8000, v6;
	v6 =	vld [tilespmem:s3+$0x430];
	v0 =	vor.u32 v0, v8  }
0xcc: {  	v2 =	vand.u32 $0xFFFF0000, v2;
	v5 =	vadd.s32 $0x8000, v5;
	v8 =	vld [tilespmem:s3+$0x4430];
	[tilespmem:s3+$0x8470] =	vst v0  }
0xcd: {  	v0 =	vor.u32 v1, v2;
	v1 =	vshrl.u32 v5, $0x10;
	v2 =	vadd.s32 $0x8000, v4;
	v4 =	vld [tilespmem:s3+$0x440]  }
0xce: {  	[tilespmem:s3+$0x8400] =	vst v0;
	v0 =	vand.u32 $0xFFFF0000, v2;
	v2 =	vadd.s32 $0x8000, v3;
	v9 =	vld [tilespmem:s3+$0x4440]  }
.Ltmp2:
0xcf: {  	v0 =	vor.u32 v1, v0;
	v2 =	vshrl.u32 v2, $0x10;
	v3 =	vadd.s32 $0x8000, v7;
	v1 =	vld [tilespmem:s3+$0x450];
	(pc) =	sbr.rel @p0 .LBB2_6-.Ltmp2, $4  }
0xd0: {  	[tilespmem:s3+$0x8410] =	vst v0;
	v0 =	vand.u32 $0xFFFF0000, v3;
	v5 =	vadd.s32 $0x8000, v6;
	v3 =	vld [tilespmem:s3+$0x4450]  }
0xd1: {  	v0 =	vor.u32 v2, v0;
	v5 =	vshrl.u32 v5, $0x10;
	v6 =	vadd.s32 $0x8000, v8;
	v2 =	vld [tilespmem:s3+$0x460]  }
0xd2: {  	s24 =	sshra.s32 s30, $0x2;
	[tilespmem:s3+$0x8420] =	vst v0;
	v6 =	vand.u32 $0xFFFF0000, v6;
	v7 =	vadd.s32 $0x8000, v4;
	v4 =	vld [tilespmem:s3+$0x4460]  }
0xd3: {  	s30 =	sadd.s32 $0x200, s30;
	v0 =	vld [tilespmem:s24+$0x470];
	v6 =	vor.u32 v5, v6;
	v5 =	vshrl.u32 v7, $0x10;
	v7 =	vadd.s32 $0x8000, v9  }
0xd4: {  	v8 =	vld [tilespmem:s24+$0x4470];
	[tilespmem:s3+$0x8430] =	vst v6;
	v6 =	vand.u32 $0xFFFF0000, v7  }
0xd5: {  	v1 =	vadd.s32 $0x8000, v1;
	v7 =	vld [tilespmem:s24+$0x400];
	v5 =	vor.u32 v5, v6;
	v3 =	vadd.s32 $0x8000, v3  }
0xd6: {  	v6 =	vld [tilespmem:s24+$0x4400];
	v1 =	vshrl.u32 v1, $0x10;
	[tilespmem:s3+$0x8440] =	vst v5;
	v3 =	vand.u32 $0xFFFF0000, v3  }
0xd7: {  	v2 =	vadd.s32 $0x8000, v2;
	v5 =	vld [tilespmem:s24+$0x410];
	v1 =	vor.u32 v1, v3;
	v4 =	vadd.s32 $0x8000, v4  }
0xd8: {  	v3 =	vld [tilespmem:s24+$0x4410];
	[tilespmem:s3+$0x8450] =	vst v1;
	v1 =	vshrl.u32 v2, $0x10;
	v2 =	vand.u32 $0xFFFF0000, v4  }
0xd9: {  	v0 =	vadd.s32 $0x8000, v0;
	v4 =	vld [tilespmem:s24+$0x420];
	v1 =	vor.u32 v1, v2  }
0xda: {  	v2 =	vld [tilespmem:s24+$0x4420];
	v8 =	vadd.s32 $0x8000, v8;
	v0 =	vshrl.u32 v0, $0x10;
	[tilespmem:s3+$0x8460] =	vst v1  }
0xdb: {  	v1 =	vand.u32 $0xFFFF0000, v8;
	v7 =	vadd.s32 $0x8000, v7;
	v6 =	vadd.s32 $0x8000, v6;
	v8 =	vld [tilespmem:s24+$0x430]  }
0xdc: {  	v0 =	vor.u32 v0, v1;
	v1 =	vld [tilespmem:s24+$0x4430];
	v7 =	vshrl.u32 v7, $0x10;
	v6 =	vand.u32 $0xFFFF0000, v6  }
0xdd: {  	[tilespmem:s24+$0x8470] =	vst v0;
	v0 =	vor.u32 v7, v6;
	v6 =	vld [tilespmem:s24+$0x440];
	v5 =	vadd.s32 $0x8000, v5;
	v3 =	vadd.s32 $0x8000, v3  }
0xde: {  	v7 =	vld [tilespmem:s24+$0x4460];
	[tilespmem:s24+$0x8400] =	vst v0;
	v0 =	vshrl.u32 v5, $0x10;
	v3 =	vand.u32 $0xFFFF0000, v3  }
0xdf: {  	v5 =	vld [tilespmem:s24+$0x4440];
	v0 =	vor.u32 v0, v3;
	v4 =	vadd.s32 $0x8000, v4;
	v2 =	vadd.s32 $0x8000, v2  }
0xe0: {  	v3 =	vld [tilespmem:s24+$0x450];
	[tilespmem:s24+$0x8410] =	vst v0;
	v0 =	vshrl.u32 v4, $0x10;
	v2 =	vand.u32 $0xFFFF0000, v2  }
0xe1: {  	v4 =	vld [tilespmem:s24+$0x4450];
	v0 =	vor.u32 v0, v2  }
0xe2: {  	v2 =	vld [tilespmem:s24+$0x460];
	v1 =	vadd.s32 $0x8000, v1;
	[tilespmem:s24+$0x8420] =	vst v0;
	v0 =	vadd.s32 $0x8000, v8  }
0xe3: {  	v1 =	vand.u32 $0xFFFF0000, v1;
	v0 =	vshrl.u32 v0, $0x10  }
0xe4: {  	v6 =	vadd.s32 $0x8000, v6;
	v0 =	vor.u32 v0, v1;
	v1 =	vadd.s32 $0x8000, v5  }
0xe5: {  	v5 =	vshrl.u32 v6, $0x10;
	v3 =	vadd.s32 $0x8000, v3;
	v1 =	vand.u32 $0xFFFF0000, v1  }
0xe6: {  	v3 =	vshrl.u32 v3, $0x10;
	v4 =	vadd.s32 $0x8000, v4;
	v1 =	vor.u32 v5, v1  }
0xe7: {  	[tilespmem:s24+$0x8430] =	vst v0;
	v0 =	vand.u32 $0xFFFF0000, v4;
	v2 =	vadd.s32 $0x8000, v2;
	v4 =	vadd.s32 $0x8000, v7  }
0xe8: {  	[tilespmem:s24+$0x8440] =	vst v1;
	v0 =	vor.u32 v3, v0;
	v1 =	vshrl.u32 v2, $0x10;
	v2 =	vand.u32 $0xFFFF0000, v4  }
0xe9: {  	[tilespmem:s24+$0x8450] =	vst v0;
	v0 =	vor.u32 v1, v2  }
0xea: {  	[tilespmem:s24+$0x8460] =	vst v0;
	s24 =	simm.s32 $0x0  }
0xeb: {  	[hbm4b:s9+s24] =	stream.linear.scatter [tilespmem:s26], [sflag:$0x5], $0x2000, $0x38;
	[tilespmem:$0xA400] =	vst v63  }
0xec: {  	_ =	swait.ge [sflag:s28], $0x2000  }
0xed: {  	[sflag:s28] =	ssyncset.done $0x0  }
0xee: {  	[sflag:s28] =	ssyncadd.s32 $0xFFFFE000  }
0xef: {  	_ =	swait.ge [sflag:s29], $0x2000  }
0xf0: {  	[sflag:s29] =	ssyncset.done $0x0  }
0xf1: {  	s24 =	simm.s32 $0x100;
	[sflag:s29] =	ssyncadd.s32 $0xFFFFE000  }
0xf2: {  	[tilespmem:s19], [sflag:$0x1] =	stream.indirect.gather [hbm4b:s1+s18], $0x80, s24, s18, $0xb8;
	[tilespmem:$0xA400] =	vst v63  }
0xf3: {  	s24 =	simm.s32 $0x300  }
0xf4: {  	[tilespmem:s20], [sflag:$0x3] =	stream.indirect.gather [hbm4b:s2+s18], $0x80, s24, s18, $0xb8;
	[tilespmem:$0xA400] =	vst v63  }
0xf5: {  	_ =	swait.ge [sflag:s17], $0x2000  }
0xf6: {  	[sflag:s17] =	ssyncset.done $0x0  }
0xf7: {  	s3 =	simm.s32 $0x0;
	[sflag:s17] =	ssyncadd.s32 $0xFFFFE000  }
0xf8: {  	v0 =	vld [tilespmem:s3+$0x2470]  }
0xf9: {  	v1 =	vld [tilespmem:s3+$0x6470]  }
0xfa: {  	v2 =	vld [tilespmem:s3+$0x2400]  }
0xfb: {  	v3 =	vld [tilespmem:s3+$0x6400]  }
0xfc: {  	v4 =	vld [tilespmem:s3+$0x2410]  }
0xfd: {  	v5 =	vld [tilespmem:s3+$0x6410]  }
0xfe: {  	v6 =	vld [tilespmem:s3+$0x2420]  }
0xff: {  	v7 =	vld [tilespmem:s3+$0x6420];
	v0 =	vadd.s32 $0x8000, v0;
	v1 =	vadd.s32 $0x8000, v1;
	v2 =	vadd.s32 $0x8000, v2  }
0x100: {  	v8 =	vld [tilespmem:s3+$0x2430];
	v3 =	vadd.s32 $0x8000, v3;
	v0 =	vshrl.u32 v0, $0x10;
	v1 =	vand.u32 $0xFFFF0000, v1  }
0x101: {  	v9 =	vld [tilespmem:s3+$0x6430];
	v0 =	vor.u32 v0, v1;
	v1 =	vshrl.u32 v2, $0x10;
	v2 =	vand.u32 $0xFFFF0000, v3  }
0x102: {  	v10 =	vld [tilespmem:s3+$0x2440];
	[tilespmem:s3+$0x8470] =	vst v0;
	v0 =	vor.u32 v1, v2;
	v1 =	vadd.s32 $0x8000, v4;
	v2 =	vadd.s32 $0x8000, v5  }
0x103: {  	v11 =	vld [tilespmem:s3+$0x6440];
	[tilespmem:s3+$0x8400] =	vst v0;
	v0 =	vshrl.u32 v1, $0x10;
	v1 =	vand.u32 $0xFFFF0000, v2  }
0x104: {  	v3 =	vadd.s32 $0x8000, v7;
	v2 =	vadd.s32 $0x8000, v6;
	v0 =	vor.u32 v0, v1;
	v1 =	vld [tilespmem:s3+$0x2450]  }
0x105: {  	[tilespmem:s3+$0x8410] =	vst v0;
	v0 =	vshrl.u32 v2, $0x10;
	v2 =	vand.u32 $0xFFFF0000, v3;
	v3 =	vld [tilespmem:s3+$0x6450]  }
0x106: {  	v4 =	vadd.s32 $0x8000, v8;
	v5 =	vadd.s32 $0x8000, v9;
	v0 =	vor.u32 v0, v2;
	v2 =	vld [tilespmem:s3+$0x2460]  }
0x107: {  	s24 =	simm.s32 $0x80;
	v7 =	vadd.s32 $0x8000, v10;
	v6 =	vshrl.u32 v4, $0x10;
	v5 =	vand.u32 $0xFFFF0000, v5;
	v4 =	vld [tilespmem:s3+$0x6460];
	[tilespmem:s3+$0x8420] =	vst v0  }
0x108: {  	s30 =	simm.s32 $0x400;
	v6 =	vor.u32 v6, v5;
	v5 =	vshrl.u32 v7, $0x10;
	v7 =	vadd.s32 $0x8000, v11;
	v0 =	vld [tilespmem:s24+$0x2470]  }
.LBB2_8:
0x109: {  	p0 =	sne.s32 s30, $0x7E00;
	v8 =	vld [tilespmem:s24+$0x6470];
	[tilespmem:s3+$0x8430] =	vst v6;
	v6 =	vand.u32 $0xFFFF0000, v7;
	v1 =	vadd.s32 $0x8000, v1  }
0x10a: {  	v7 =	vld [tilespmem:s24+$0x2400];
	v5 =	vor.u32 v5, v6;
	v1 =	vshrl.u32 v1, $0x10;
	v3 =	vadd.s32 $0x8000, v3  }
0x10b: {  	v6 =	vld [tilespmem:s24+$0x6400];
	[tilespmem:s3+$0x8440] =	vst v5;
	v3 =	vand.u32 $0xFFFF0000, v3;
	v2 =	vadd.s32 $0x8000, v2  }
0x10c: {  	v5 =	vld [tilespmem:s24+$0x2410];
	v1 =	vor.u32 v1, v3;
	v2 =	vshrl.u32 v2, $0x10;
	v3 =	vadd.s32 $0x8000, v4  }
0x10d: {  	v4 =	vld [tilespmem:s24+$0x6410];
	[tilespmem:s3+$0x8450] =	vst v1;
	v1 =	vand.u32 $0xFFFF0000, v3  }
0x10e: {  	v0 =	vadd.s32 $0x8000, v0;
	v3 =	vld [tilespmem:s24+$0x2420];
	v8 =	vadd.s32 $0x8000, v8;
	v1 =	vor.u32 v2, v1  }
0x10f: {  	v0 =	vshrl.u32 v0, $0x10;
	v2 =	vadd.s32 $0x8000, v7;
	v7 =	vld [tilespmem:s24+$0x6420];
	v8 =	vand.u32 $0xFFFF0000, v8;
	[tilespmem:s3+$0x8460] =	vst v1;
	s3 =	smov.u32 s24  }
0x110: {  	v1 =	vshrl.u32 v2, $0x10;
	v2 =	vadd.s32 $0x8000, v6;
	v6 =	vld [tilespmem:s3+$0x2430];
	v0 =	vor.u32 v0, v8  }
0x111: {  	v2 =	vand.u32 $0xFFFF0000, v2;
	v5 =	vadd.s32 $0x8000, v5;
	v8 =	vld [tilespmem:s3+$0x6430];
	[tilespmem:s3+$0x8470] =	vst v0  }
0x112: {  	v0 =	vor.u32 v1, v2;
	v1 =	vshrl.u32 v5, $0x10;
	v2 =	vadd.s32 $0x8000, v4;
	v4 =	vld [tilespmem:s3+$0x2440]  }
0x113: {  	[tilespmem:s3+$0x8400] =	vst v0;
	v0 =	vand.u32 $0xFFFF0000, v2;
	v2 =	vadd.s32 $0x8000, v3;
	v9 =	vld [tilespmem:s3+$0x6440]  }
.Ltmp3:
0x114: {  	v0 =	vor.u32 v1, v0;
	v2 =	vshrl.u32 v2, $0x10;
	v3 =	vadd.s32 $0x8000, v7;
	v1 =	vld [tilespmem:s3+$0x2450];
	(pc) =	sbr.rel @p0 .LBB2_8-.Ltmp3, $4  }
0x115: {  	[tilespmem:s3+$0x8410] =	vst v0;
	v0 =	vand.u32 $0xFFFF0000, v3;
	v5 =	vadd.s32 $0x8000, v6;
	v3 =	vld [tilespmem:s3+$0x6450]  }
0x116: {  	v0 =	vor.u32 v2, v0;
	v5 =	vshrl.u32 v5, $0x10;
	v6 =	vadd.s32 $0x8000, v8;
	v2 =	vld [tilespmem:s3+$0x2460]  }
0x117: {  	s24 =	sshra.s32 s30, $0x2;
	[tilespmem:s3+$0x8420] =	vst v0;
	v6 =	vand.u32 $0xFFFF0000, v6;
	v7 =	vadd.s32 $0x8000, v4;
	v4 =	vld [tilespmem:s3+$0x6460]  }
0x118: {  	s30 =	sadd.s32 $0x200, s30;
	v0 =	vld [tilespmem:s24+$0x2470];
	v6 =	vor.u32 v5, v6;
	v5 =	vshrl.u32 v7, $0x10;
	v7 =	vadd.s32 $0x8000, v9  }
0x119: {  	v8 =	vld [tilespmem:s24+$0x6470];
	[tilespmem:s3+$0x8430] =	vst v6;
	v6 =	vand.u32 $0xFFFF0000, v7  }
0x11a: {  	v1 =	vadd.s32 $0x8000, v1;
	v7 =	vld [tilespmem:s24+$0x2400];
	v5 =	vor.u32 v5, v6;
	v3 =	vadd.s32 $0x8000, v3  }
0x11b: {  	v6 =	vld [tilespmem:s24+$0x6400];
	v1 =	vshrl.u32 v1, $0x10;
	[tilespmem:s3+$0x8440] =	vst v5;
	v3 =	vand.u32 $0xFFFF0000, v3  }
0x11c: {  	v2 =	vadd.s32 $0x8000, v2;
	v5 =	vld [tilespmem:s24+$0x2410];
	v1 =	vor.u32 v1, v3;
	v4 =	vadd.s32 $0x8000, v4  }
0x11d: {  	v3 =	vld [tilespmem:s24+$0x6410];
	[tilespmem:s3+$0x8450] =	vst v1;
	v1 =	vshrl.u32 v2, $0x10;
	v2 =	vand.u32 $0xFFFF0000, v4  }
0x11e: {  	v0 =	vadd.s32 $0x8000, v0;
	v4 =	vld [tilespmem:s24+$0x2420];
	v1 =	vor.u32 v1, v2  }
0x11f: {  	v2 =	vld [tilespmem:s24+$0x6420];
	v8 =	vadd.s32 $0x8000, v8;
	v0 =	vshrl.u32 v0, $0x10;
	[tilespmem:s3+$0x8460] =	vst v1  }
0x120: {  	v1 =	vand.u32 $0xFFFF0000, v8;
	v7 =	vadd.s32 $0x8000, v7;
	v6 =	vadd.s32 $0x8000, v6;
	v8 =	vld [tilespmem:s24+$0x2430]  }
0x121: {  	v0 =	vor.u32 v0, v1;
	v1 =	vld [tilespmem:s24+$0x6430];
	v7 =	vshrl.u32 v7, $0x10;
	v6 =	vand.u32 $0xFFFF0000, v6  }
0x122: {  	[tilespmem:s24+$0x8470] =	vst v0;
	v0 =	vor.u32 v7, v6;
	v6 =	vld [tilespmem:s24+$0x2440];
	v5 =	vadd.s32 $0x8000, v5;
	v3 =	vadd.s32 $0x8000, v3  }
0x123: {  	v7 =	vld [tilespmem:s24+$0x6460];
	[tilespmem:s24+$0x8400] =	vst v0;
	v0 =	vshrl.u32 v5, $0x10;
	v3 =	vand.u32 $0xFFFF0000, v3  }
0x124: {  	v5 =	vld [tilespmem:s24+$0x6440];
	v0 =	vor.u32 v0, v3;
	v4 =	vadd.s32 $0x8000, v4;
	v2 =	vadd.s32 $0x8000, v2  }
0x125: {  	v3 =	vld [tilespmem:s24+$0x2450];
	[tilespmem:s24+$0x8410] =	vst v0;
	v0 =	vshrl.u32 v4, $0x10;
	v2 =	vand.u32 $0xFFFF0000, v2  }
0x126: {  	v4 =	vld [tilespmem:s24+$0x6450];
	v0 =	vor.u32 v0, v2  }
0x127: {  	v2 =	vld [tilespmem:s24+$0x2460];
	v1 =	vadd.s32 $0x8000, v1;
	[tilespmem:s24+$0x8420] =	vst v0;
	v0 =	vadd.s32 $0x8000, v8  }
0x128: {  	v1 =	vand.u32 $0xFFFF0000, v1;
	v0 =	vshrl.u32 v0, $0x10  }
0x129: {  	v6 =	vadd.s32 $0x8000, v6;
	v0 =	vor.u32 v0, v1;
	v1 =	vadd.s32 $0x8000, v5  }
0x12a: {  	v5 =	vshrl.u32 v6, $0x10;
	v3 =	vadd.s32 $0x8000, v3;
	v1 =	vand.u32 $0xFFFF0000, v1  }
0x12b: {  	v3 =	vshrl.u32 v3, $0x10;
	v4 =	vadd.s32 $0x8000, v4;
	v1 =	vor.u32 v5, v1  }
0x12c: {  	[tilespmem:s24+$0x8430] =	vst v0;
	v0 =	vand.u32 $0xFFFF0000, v4;
	v2 =	vadd.s32 $0x8000, v2;
	v4 =	vadd.s32 $0x8000, v7  }
0x12d: {  	[tilespmem:s24+$0x8440] =	vst v1;
	v0 =	vor.u32 v3, v0;
	v1 =	vshrl.u32 v2, $0x10;
	v2 =	vand.u32 $0xFFFF0000, v4  }
0x12e: {  	[tilespmem:s24+$0x8450] =	vst v0;
	v0 =	vor.u32 v1, v2  }
0x12f: {  	[tilespmem:s24+$0x8460] =	vst v0;
	s24 =	simm.s32 $0x0  }
0x130: {  	[hbm4b:s10+s24] =	stream.linear.scatter [tilespmem:s26], [sflag:$0x5], $0x2000, $0x38;
	[tilespmem:$0xA400] =	vst v63  }
0x131: {  	_ =	swait.ge [sflag:s21], $0x2000  }
0x132: {  	[sflag:s21] =	ssyncset.done $0x0  }
0x133: {  	[sflag:s21] =	ssyncadd.s32 $0xFFFFE000  }
0x134: {  	_ =	swait.ge [sflag:s22], $0x2000  }
0x135: {  	[sflag:s22] =	ssyncset.done $0x0  }
0x136: {  	s24 =	simm.s32 $0x140;
	[sflag:s22] =	ssyncadd.s32 $0xFFFFE000  }
0x137: {  	[tilespmem:s23], [sflag:$0x2] =	stream.indirect.gather [hbm4b:s1+s18], $0x80, s24, s18, $0xb8;
	[tilespmem:$0xA400] =	vst v63  }
0x138: {  	s24 =	simm.s32 $0x340  }
0x139: {  	[tilespmem:s25], [sflag:$0x4] =	stream.indirect.gather [hbm4b:s2+s18], $0x80, s24, s18, $0xb8;
	[tilespmem:$0xA400] =	vst v63  }
0x13a: {  	_ =	swait.ge [sflag:s17], $0x2000  }
0x13b: {  	[sflag:s17] =	ssyncset.done $0x0  }
0x13c: {  	s3 =	simm.s32 $0x0;
	[sflag:s17] =	ssyncadd.s32 $0xFFFFE000  }
0x13d: {  	v0 =	vld [tilespmem:s3+$0x470]  }
0x13e: {  	v1 =	vld [tilespmem:s3+$0x4470]  }
0x13f: {  	v2 =	vld [tilespmem:s3+$0x400]  }
0x140: {  	v3 =	vld [tilespmem:s3+$0x4400]  }
0x141: {  	v4 =	vld [tilespmem:s3+$0x410]  }
0x142: {  	v5 =	vld [tilespmem:s3+$0x4410]  }
0x143: {  	v6 =	vld [tilespmem:s3+$0x420]  }
0x144: {  	v7 =	vld [tilespmem:s3+$0x4420];
	v0 =	vadd.s32 $0x8000, v0;
	v1 =	vadd.s32 $0x8000, v1;
	v2 =	vadd.s32 $0x8000, v2  }
0x145: {  	v8 =	vld [tilespmem:s3+$0x430];
	v3 =	vadd.s32 $0x8000, v3;
	v0 =	vshrl.u32 v0, $0x10;
	v1 =	vand.u32 $0xFFFF0000, v1  }
0x146: {  	v9 =	vld [tilespmem:s3+$0x4430];
	v0 =	vor.u32 v0, v1;
	v1 =	vshrl.u32 v2, $0x10;
	v2 =	vand.u32 $0xFFFF0000, v3  }
0x147: {  	v10 =	vld [tilespmem:s3+$0x440];
	[tilespmem:s3+$0x8470] =	vst v0;
	v0 =	vor.u32 v1, v2;
	v1 =	vadd.s32 $0x8000, v4;
	v2 =	vadd.s32 $0x8000, v5  }
0x148: {  	v11 =	vld [tilespmem:s3+$0x4440];
	[tilespmem:s3+$0x8400] =	vst v0;
	v0 =	vshrl.u32 v1, $0x10;
	v1 =	vand.u32 $0xFFFF0000, v2  }
0x149: {  	v3 =	vadd.s32 $0x8000, v7;
	v2 =	vadd.s32 $0x8000, v6;
	v0 =	vor.u32 v0, v1;
	v1 =	vld [tilespmem:s3+$0x450]  }
0x14a: {  	[tilespmem:s3+$0x8410] =	vst v0;
	v0 =	vshrl.u32 v2, $0x10;
	v2 =	vand.u32 $0xFFFF0000, v3;
	v3 =	vld [tilespmem:s3+$0x4450]  }
0x14b: {  	v4 =	vadd.s32 $0x8000, v8;
	v5 =	vadd.s32 $0x8000, v9;
	v0 =	vor.u32 v0, v2;
	v2 =	vld [tilespmem:s3+$0x460]  }
0x14c: {  	s24 =	simm.s32 $0x80;
	v7 =	vadd.s32 $0x8000, v10;
	v6 =	vshrl.u32 v4, $0x10;
	v5 =	vand.u32 $0xFFFF0000, v5;
	v4 =	vld [tilespmem:s3+$0x4460];
	[tilespmem:s3+$0x8420] =	vst v0  }
0x14d: {  	s30 =	simm.s32 $0x400;
	v6 =	vor.u32 v6, v5;
	v5 =	vshrl.u32 v7, $0x10;
	v7 =	vadd.s32 $0x8000, v11;
	v0 =	vld [tilespmem:s24+$0x470]  }
.LBB2_10:
0x14e: {  	p0 =	sne.s32 s30, $0x7E00;
	v8 =	vld [tilespmem:s24+$0x4470];
	[tilespmem:s3+$0x8430] =	vst v6;
	v6 =	vand.u32 $0xFFFF0000, v7;
	v1 =	vadd.s32 $0x8000, v1  }
0x14f: {  	v7 =	vld [tilespmem:s24+$0x400];
	v5 =	vor.u32 v5, v6;
	v1 =	vshrl.u32 v1, $0x10;
	v3 =	vadd.s32 $0x8000, v3  }
0x150: {  	v6 =	vld [tilespmem:s24+$0x4400];
	[tilespmem:s3+$0x8440] =	vst v5;
	v3 =	vand.u32 $0xFFFF0000, v3;
	v2 =	vadd.s32 $0x8000, v2  }
0x151: {  	v5 =	vld [tilespmem:s24+$0x410];
	v1 =	vor.u32 v1, v3;
	v2 =	vshrl.u32 v2, $0x10;
	v3 =	vadd.s32 $0x8000, v4  }
0x152: {  	v4 =	vld [tilespmem:s24+$0x4410];
	[tilespmem:s3+$0x8450] =	vst v1;
	v1 =	vand.u32 $0xFFFF0000, v3  }
0x153: {  	v0 =	vadd.s32 $0x8000, v0;
	v3 =	vld [tilespmem:s24+$0x420];
	v8 =	vadd.s32 $0x8000, v8;
	v1 =	vor.u32 v2, v1  }
0x154: {  	v0 =	vshrl.u32 v0, $0x10;
	v2 =	vadd.s32 $0x8000, v7;
	v7 =	vld [tilespmem:s24+$0x4420];
	v8 =	vand.u32 $0xFFFF0000, v8;
	[tilespmem:s3+$0x8460] =	vst v1;
	s3 =	smov.u32 s24  }
0x155: {  	v1 =	vshrl.u32 v2, $0x10;
	v2 =	vadd.s32 $0x8000, v6;
	v6 =	vld [tilespmem:s3+$0x430];
	v0 =	vor.u32 v0, v8  }
0x156: {  	v2 =	vand.u32 $0xFFFF0000, v2;
	v5 =	vadd.s32 $0x8000, v5;
	v8 =	vld [tilespmem:s3+$0x4430];
	[tilespmem:s3+$0x8470] =	vst v0  }
0x157: {  	v0 =	vor.u32 v1, v2;
	v1 =	vshrl.u32 v5, $0x10;
	v2 =	vadd.s32 $0x8000, v4;
	v4 =	vld [tilespmem:s3+$0x440]  }
0x158: {  	[tilespmem:s3+$0x8400] =	vst v0;
	v0 =	vand.u32 $0xFFFF0000, v2;
	v2 =	vadd.s32 $0x8000, v3;
	v9 =	vld [tilespmem:s3+$0x4440]  }
.Ltmp4:
0x159: {  	v0 =	vor.u32 v1, v0;
	v2 =	vshrl.u32 v2, $0x10;
	v3 =	vadd.s32 $0x8000, v7;
	v1 =	vld [tilespmem:s3+$0x450];
	(pc) =	sbr.rel @p0 .LBB2_10-.Ltmp4, $4  }
0x15a: {  	[tilespmem:s3+$0x8410] =	vst v0;
	v0 =	vand.u32 $0xFFFF0000, v3;
	v5 =	vadd.s32 $0x8000, v6;
	v3 =	vld [tilespmem:s3+$0x4450]  }
0x15b: {  	v0 =	vor.u32 v2, v0;
	v5 =	vshrl.u32 v5, $0x10;
	v6 =	vadd.s32 $0x8000, v8;
	v2 =	vld [tilespmem:s3+$0x460]  }
0x15c: {  	s24 =	sshra.s32 s30, $0x2;
	[tilespmem:s3+$0x8420] =	vst v0;
	v6 =	vand.u32 $0xFFFF0000, v6;
	v7 =	vadd.s32 $0x8000, v4;
	v4 =	vld [tilespmem:s3+$0x4460]  }
0x15d: {  	s30 =	sadd.s32 $0x200, s30;
	v0 =	vld [tilespmem:s24+$0x470];
	v6 =	vor.u32 v5, v6;
	v5 =	vshrl.u32 v7, $0x10;
	v7 =	vadd.s32 $0x8000, v9  }
0x15e: {  	v8 =	vld [tilespmem:s24+$0x4470];
	[tilespmem:s3+$0x8430] =	vst v6;
	v6 =	vand.u32 $0xFFFF0000, v7  }
0x15f: {  	v1 =	vadd.s32 $0x8000, v1;
	v7 =	vld [tilespmem:s24+$0x400];
	v5 =	vor.u32 v5, v6;
	v3 =	vadd.s32 $0x8000, v3  }
0x160: {  	v6 =	vld [tilespmem:s24+$0x4400];
	v1 =	vshrl.u32 v1, $0x10;
	[tilespmem:s3+$0x8440] =	vst v5;
	v3 =	vand.u32 $0xFFFF0000, v3  }
0x161: {  	v2 =	vadd.s32 $0x8000, v2;
	v5 =	vld [tilespmem:s24+$0x410];
	v1 =	vor.u32 v1, v3;
	v4 =	vadd.s32 $0x8000, v4  }
0x162: {  	v3 =	vld [tilespmem:s24+$0x4410];
	[tilespmem:s3+$0x8450] =	vst v1;
	v1 =	vshrl.u32 v2, $0x10;
	v2 =	vand.u32 $0xFFFF0000, v4  }
0x163: {  	v0 =	vadd.s32 $0x8000, v0;
	v4 =	vld [tilespmem:s24+$0x420];
	v1 =	vor.u32 v1, v2  }
0x164: {  	v2 =	vld [tilespmem:s24+$0x4420];
	v8 =	vadd.s32 $0x8000, v8;
	v0 =	vshrl.u32 v0, $0x10;
	[tilespmem:s3+$0x8460] =	vst v1  }
0x165: {  	v1 =	vand.u32 $0xFFFF0000, v8;
	v7 =	vadd.s32 $0x8000, v7;
	v6 =	vadd.s32 $0x8000, v6;
	v8 =	vld [tilespmem:s24+$0x430]  }
0x166: {  	v0 =	vor.u32 v0, v1;
	v1 =	vld [tilespmem:s24+$0x4430];
	v7 =	vshrl.u32 v7, $0x10;
	v6 =	vand.u32 $0xFFFF0000, v6  }
0x167: {  	[tilespmem:s24+$0x8470] =	vst v0;
	v0 =	vor.u32 v7, v6;
	v6 =	vld [tilespmem:s24+$0x440];
	v5 =	vadd.s32 $0x8000, v5;
	v3 =	vadd.s32 $0x8000, v3  }
0x168: {  	v7 =	vld [tilespmem:s24+$0x4460];
	[tilespmem:s24+$0x8400] =	vst v0;
	v0 =	vshrl.u32 v5, $0x10;
	v3 =	vand.u32 $0xFFFF0000, v3  }
0x169: {  	v5 =	vld [tilespmem:s24+$0x4440];
	v0 =	vor.u32 v0, v3;
	v4 =	vadd.s32 $0x8000, v4;
	v2 =	vadd.s32 $0x8000, v2  }
0x16a: {  	v3 =	vld [tilespmem:s24+$0x450];
	[tilespmem:s24+$0x8410] =	vst v0;
	v0 =	vshrl.u32 v4, $0x10;
	v2 =	vand.u32 $0xFFFF0000, v2  }
0x16b: {  	v4 =	vld [tilespmem:s24+$0x4450];
	v0 =	vor.u32 v0, v2  }
0x16c: {  	v2 =	vld [tilespmem:s24+$0x460];
	v1 =	vadd.s32 $0x8000, v1;
	[tilespmem:s24+$0x8420] =	vst v0;
	v0 =	vadd.s32 $0x8000, v8  }
0x16d: {  	v1 =	vand.u32 $0xFFFF0000, v1;
	v0 =	vshrl.u32 v0, $0x10  }
0x16e: {  	v6 =	vadd.s32 $0x8000, v6;
	v0 =	vor.u32 v0, v1;
	v1 =	vadd.s32 $0x8000, v5  }
0x16f: {  	v5 =	vshrl.u32 v6, $0x10;
	v3 =	vadd.s32 $0x8000, v3;
	v1 =	vand.u32 $0xFFFF0000, v1  }
0x170: {  	v3 =	vshrl.u32 v3, $0x10;
	v4 =	vadd.s32 $0x8000, v4;
	v1 =	vor.u32 v5, v1  }
0x171: {  	[tilespmem:s24+$0x8430] =	vst v0;
	v0 =	vand.u32 $0xFFFF0000, v4;
	v2 =	vadd.s32 $0x8000, v2;
	v4 =	vadd.s32 $0x8000, v7  }
0x172: {  	[tilespmem:s24+$0x8440] =	vst v1;
	v0 =	vor.u32 v3, v0;
	v1 =	vshrl.u32 v2, $0x10;
	v2 =	vand.u32 $0xFFFF0000, v4  }
0x173: {  	[tilespmem:s24+$0x8450] =	vst v0;
	v0 =	vor.u32 v1, v2  }
0x174: {  	[tilespmem:s24+$0x8460] =	vst v0;
	s24 =	simm.s32 $0x0  }
0x175: {  	[hbm4b:s11+s24] =	stream.linear.scatter [tilespmem:s26], [sflag:$0x5], $0x2000, $0x38;
	[tilespmem:$0xA400] =	vst v63  }
0x176: {  	_ =	swait.ge [sflag:s28], $0x2000  }
0x177: {  	[sflag:s28] =	ssyncset.done $0x0  }
0x178: {  	[sflag:s28] =	ssyncadd.s32 $0xFFFFE000  }
0x179: {  	_ =	swait.ge [sflag:s29], $0x2000  }
0x17a: {  	[sflag:s29] =	ssyncset.done $0x0  }
0x17b: {  	s24 =	simm.s32 $0x180;
	[sflag:s29] =	ssyncadd.s32 $0xFFFFE000  }
0x17c: {  	[tilespmem:s19], [sflag:$0x1] =	stream.indirect.gather [hbm4b:s1+s18], $0x80, s24, s18, $0xb8;
	[tilespmem:$0xA400] =	vst v63  }
0x17d: {  	s24 =	simm.s32 $0x380  }
0x17e: {  	[tilespmem:s20], [sflag:$0x3] =	stream.indirect.gather [hbm4b:s2+s18], $0x80, s24, s18, $0xb8;
	[tilespmem:$0xA400] =	vst v63  }
0x17f: {  	_ =	swait.ge [sflag:s17], $0x2000  }
0x180: {  	[sflag:s17] =	ssyncset.done $0x0  }
0x181: {  	s3 =	simm.s32 $0x0;
	[sflag:s17] =	ssyncadd.s32 $0xFFFFE000  }
0x182: {  	v0 =	vld [tilespmem:s3+$0x2470]  }
0x183: {  	v1 =	vld [tilespmem:s3+$0x6470]  }
0x184: {  	v2 =	vld [tilespmem:s3+$0x2400]  }
0x185: {  	v3 =	vld [tilespmem:s3+$0x6400]  }
0x186: {  	v4 =	vld [tilespmem:s3+$0x2410]  }
0x187: {  	v5 =	vld [tilespmem:s3+$0x6410]  }
0x188: {  	v6 =	vld [tilespmem:s3+$0x2420]  }
0x189: {  	v7 =	vld [tilespmem:s3+$0x6420];
	v0 =	vadd.s32 $0x8000, v0;
	v1 =	vadd.s32 $0x8000, v1;
	v2 =	vadd.s32 $0x8000, v2  }
0x18a: {  	v8 =	vld [tilespmem:s3+$0x2430];
	v3 =	vadd.s32 $0x8000, v3;
	v0 =	vshrl.u32 v0, $0x10;
	v1 =	vand.u32 $0xFFFF0000, v1  }
0x18b: {  	v9 =	vld [tilespmem:s3+$0x6430];
	v0 =	vor.u32 v0, v1;
	v1 =	vshrl.u32 v2, $0x10;
	v2 =	vand.u32 $0xFFFF0000, v3  }
0x18c: {  	v10 =	vld [tilespmem:s3+$0x2440];
	[tilespmem:s3+$0x8470] =	vst v0;
	v0 =	vor.u32 v1, v2;
	v1 =	vadd.s32 $0x8000, v4;
	v2 =	vadd.s32 $0x8000, v5  }
0x18d: {  	v11 =	vld [tilespmem:s3+$0x6440];
	[tilespmem:s3+$0x8400] =	vst v0;
	v0 =	vshrl.u32 v1, $0x10;
	v1 =	vand.u32 $0xFFFF0000, v2  }
0x18e: {  	v3 =	vadd.s32 $0x8000, v7;
	v2 =	vadd.s32 $0x8000, v6;
	v0 =	vor.u32 v0, v1;
	v1 =	vld [tilespmem:s3+$0x2450]  }
0x18f: {  	[tilespmem:s3+$0x8410] =	vst v0;
	v0 =	vshrl.u32 v2, $0x10;
	v2 =	vand.u32 $0xFFFF0000, v3;
	v3 =	vld [tilespmem:s3+$0x6450]  }
0x190: {  	v4 =	vadd.s32 $0x8000, v8;
	v5 =	vadd.s32 $0x8000, v9;
	v0 =	vor.u32 v0, v2;
	v2 =	vld [tilespmem:s3+$0x2460]  }
0x191: {  	s24 =	simm.s32 $0x80;
	v7 =	vadd.s32 $0x8000, v10;
	v6 =	vshrl.u32 v4, $0x10;
	v5 =	vand.u32 $0xFFFF0000, v5;
	v4 =	vld [tilespmem:s3+$0x6460];
	[tilespmem:s3+$0x8420] =	vst v0  }
0x192: {  	s30 =	simm.s32 $0x400;
	v6 =	vor.u32 v6, v5;
	v5 =	vshrl.u32 v7, $0x10;
	v7 =	vadd.s32 $0x8000, v11;
	v0 =	vld [tilespmem:s24+$0x2470]  }
.LBB2_12:
0x193: {  	p0 =	sne.s32 s30, $0x7E00;
	v8 =	vld [tilespmem:s24+$0x6470];
	[tilespmem:s3+$0x8430] =	vst v6;
	v6 =	vand.u32 $0xFFFF0000, v7;
	v1 =	vadd.s32 $0x8000, v1  }
0x194: {  	v7 =	vld [tilespmem:s24+$0x2400];
	v5 =	vor.u32 v5, v6;
	v1 =	vshrl.u32 v1, $0x10;
	v3 =	vadd.s32 $0x8000, v3  }
0x195: {  	v6 =	vld [tilespmem:s24+$0x6400];
	[tilespmem:s3+$0x8440] =	vst v5;
	v3 =	vand.u32 $0xFFFF0000, v3;
	v2 =	vadd.s32 $0x8000, v2  }
0x196: {  	v5 =	vld [tilespmem:s24+$0x2410];
	v1 =	vor.u32 v1, v3;
	v2 =	vshrl.u32 v2, $0x10;
	v3 =	vadd.s32 $0x8000, v4  }
0x197: {  	v4 =	vld [tilespmem:s24+$0x6410];
	[tilespmem:s3+$0x8450] =	vst v1;
	v1 =	vand.u32 $0xFFFF0000, v3  }
0x198: {  	v0 =	vadd.s32 $0x8000, v0;
	v3 =	vld [tilespmem:s24+$0x2420];
	v8 =	vadd.s32 $0x8000, v8;
	v1 =	vor.u32 v2, v1  }
0x199: {  	v0 =	vshrl.u32 v0, $0x10;
	v2 =	vadd.s32 $0x8000, v7;
	v7 =	vld [tilespmem:s24+$0x6420];
	v8 =	vand.u32 $0xFFFF0000, v8;
	[tilespmem:s3+$0x8460] =	vst v1;
	s3 =	smov.u32 s24  }
0x19a: {  	v1 =	vshrl.u32 v2, $0x10;
	v2 =	vadd.s32 $0x8000, v6;
	v6 =	vld [tilespmem:s3+$0x2430];
	v0 =	vor.u32 v0, v8  }
0x19b: {  	v2 =	vand.u32 $0xFFFF0000, v2;
	v5 =	vadd.s32 $0x8000, v5;
	v8 =	vld [tilespmem:s3+$0x6430];
	[tilespmem:s3+$0x8470] =	vst v0  }
0x19c: {  	v0 =	vor.u32 v1, v2;
	v1 =	vshrl.u32 v5, $0x10;
	v2 =	vadd.s32 $0x8000, v4;
	v4 =	vld [tilespmem:s3+$0x2440]  }
0x19d: {  	[tilespmem:s3+$0x8400] =	vst v0;
	v0 =	vand.u32 $0xFFFF0000, v2;
	v2 =	vadd.s32 $0x8000, v3;
	v9 =	vld [tilespmem:s3+$0x6440]  }
.Ltmp5:
0x19e: {  	v0 =	vor.u32 v1, v0;
	v2 =	vshrl.u32 v2, $0x10;
	v3 =	vadd.s32 $0x8000, v7;
	v1 =	vld [tilespmem:s3+$0x2450];
	(pc) =	sbr.rel @p0 .LBB2_12-.Ltmp5, $4  }
0x19f: {  	[tilespmem:s3+$0x8410] =	vst v0;
	v0 =	vand.u32 $0xFFFF0000, v3;
	v5 =	vadd.s32 $0x8000, v6;
	v3 =	vld [tilespmem:s3+$0x6450]  }
0x1a0: {  	v0 =	vor.u32 v2, v0;
	v5 =	vshrl.u32 v5, $0x10;
	v6 =	vadd.s32 $0x8000, v8;
	v2 =	vld [tilespmem:s3+$0x2460]  }
0x1a1: {  	s24 =	sshra.s32 s30, $0x2;
	[tilespmem:s3+$0x8420] =	vst v0;
	v6 =	vand.u32 $0xFFFF0000, v6;
	v7 =	vadd.s32 $0x8000, v4;
	v4 =	vld [tilespmem:s3+$0x6460]  }
0x1a2: {  	s30 =	sadd.s32 $0x200, s30;
	v0 =	vld [tilespmem:s24+$0x2470];
	v6 =	vor.u32 v5, v6;
	v5 =	vshrl.u32 v7, $0x10;
	v7 =	vadd.s32 $0x8000, v9  }
0x1a3: {  	v8 =	vld [tilespmem:s24+$0x6470];
	[tilespmem:s3+$0x8430] =	vst v6;
	v6 =	vand.u32 $0xFFFF0000, v7  }
0x1a4: {  	v1 =	vadd.s32 $0x8000, v1;
	v7 =	vld [tilespmem:s24+$0x2400];
	v5 =	vor.u32 v5, v6;
	v3 =	vadd.s32 $0x8000, v3  }
0x1a5: {  	v6 =	vld [tilespmem:s24+$0x6400];
	v1 =	vshrl.u32 v1, $0x10;
	[tilespmem:s3+$0x8440] =	vst v5;
	v3 =	vand.u32 $0xFFFF0000, v3  }
0x1a6: {  	v2 =	vadd.s32 $0x8000, v2;
	v5 =	vld [tilespmem:s24+$0x2410];
	v1 =	vor.u32 v1, v3;
	v4 =	vadd.s32 $0x8000, v4  }
0x1a7: {  	v3 =	vld [tilespmem:s24+$0x6410];
	[tilespmem:s3+$0x8450] =	vst v1;
	v1 =	vshrl.u32 v2, $0x10;
	v2 =	vand.u32 $0xFFFF0000, v4  }
0x1a8: {  	v0 =	vadd.s32 $0x8000, v0;
	v4 =	vld [tilespmem:s24+$0x2420];
	v1 =	vor.u32 v1, v2  }
0x1a9: {  	v2 =	vld [tilespmem:s24+$0x6420];
	v8 =	vadd.s32 $0x8000, v8;
	v0 =	vshrl.u32 v0, $0x10;
	[tilespmem:s3+$0x8460] =	vst v1  }
0x1aa: {  	v1 =	vand.u32 $0xFFFF0000, v8;
	v7 =	vadd.s32 $0x8000, v7;
	v6 =	vadd.s32 $0x8000, v6;
	v8 =	vld [tilespmem:s24+$0x2430]  }
0x1ab: {  	v0 =	vor.u32 v0, v1;
	v1 =	vld [tilespmem:s24+$0x6430];
	v7 =	vshrl.u32 v7, $0x10;
	v6 =	vand.u32 $0xFFFF0000, v6  }
0x1ac: {  	[tilespmem:s24+$0x8470] =	vst v0;
	v0 =	vor.u32 v7, v6;
	v6 =	vld [tilespmem:s24+$0x2440];
	v5 =	vadd.s32 $0x8000, v5;
	v3 =	vadd.s32 $0x8000, v3  }
0x1ad: {  	v7 =	vld [tilespmem:s24+$0x6460];
	[tilespmem:s24+$0x8400] =	vst v0;
	v0 =	vshrl.u32 v5, $0x10;
	v3 =	vand.u32 $0xFFFF0000, v3  }
0x1ae: {  	v5 =	vld [tilespmem:s24+$0x6440];
	v0 =	vor.u32 v0, v3;
	v4 =	vadd.s32 $0x8000, v4;
	v2 =	vadd.s32 $0x8000, v2  }
0x1af: {  	v3 =	vld [tilespmem:s24+$0x2450];
	[tilespmem:s24+$0x8410] =	vst v0;
	v0 =	vshrl.u32 v4, $0x10;
	v2 =	vand.u32 $0xFFFF0000, v2  }
0x1b0: {  	v4 =	vld [tilespmem:s24+$0x6450];
	v0 =	vor.u32 v0, v2  }
0x1b1: {  	v2 =	vld [tilespmem:s24+$0x2460];
	v1 =	vadd.s32 $0x8000, v1;
	[tilespmem:s24+$0x8420] =	vst v0;
	v0 =	vadd.s32 $0x8000, v8  }
0x1b2: {  	v1 =	vand.u32 $0xFFFF0000, v1;
	v0 =	vshrl.u32 v0, $0x10  }
0x1b3: {  	v6 =	vadd.s32 $0x8000, v6;
	v0 =	vor.u32 v0, v1;
	v1 =	vadd.s32 $0x8000, v5  }
0x1b4: {  	v5 =	vshrl.u32 v6, $0x10;
	v3 =	vadd.s32 $0x8000, v3;
	v1 =	vand.u32 $0xFFFF0000, v1  }
0x1b5: {  	v3 =	vshrl.u32 v3, $0x10;
	v4 =	vadd.s32 $0x8000, v4;
	v1 =	vor.u32 v5, v1  }
0x1b6: {  	[tilespmem:s24+$0x8430] =	vst v0;
	v0 =	vand.u32 $0xFFFF0000, v4;
	v2 =	vadd.s32 $0x8000, v2;
	v4 =	vadd.s32 $0x8000, v7  }
0x1b7: {  	[tilespmem:s24+$0x8440] =	vst v1;
	v0 =	vor.u32 v3, v0;
	v1 =	vshrl.u32 v2, $0x10;
	v2 =	vand.u32 $0xFFFF0000, v4  }
0x1b8: {  	[tilespmem:s24+$0x8450] =	vst v0;
	v0 =	vor.u32 v1, v2  }
0x1b9: {  	[tilespmem:s24+$0x8460] =	vst v0;
	s24 =	simm.s32 $0x0  }
0x1ba: {  	[hbm4b:s12+s24] =	stream.linear.scatter [tilespmem:s26], [sflag:$0x5], $0x2000, $0x38;
	[tilespmem:$0xA400] =	vst v63  }
0x1bb: {  	_ =	swait.ge [sflag:s21], $0x2000  }
0x1bc: {  	[sflag:s21] =	ssyncset.done $0x0  }
0x1bd: {  	[sflag:s21] =	ssyncadd.s32 $0xFFFFE000  }
0x1be: {  	_ =	swait.ge [sflag:s22], $0x2000  }
0x1bf: {  	[sflag:s22] =	ssyncset.done $0x0  }
0x1c0: {  	s24 =	simm.s32 $0x1C0;
	[sflag:s22] =	ssyncadd.s32 $0xFFFFE000  }
0x1c1: {  	[tilespmem:s23], [sflag:$0x2] =	stream.indirect.gather [hbm4b:s1+s18], $0x80, s24, s18, $0xb8;
	[tilespmem:$0xA400] =	vst v63  }
0x1c2: {  	_ = 	snop  }
0x1c3: {  	[tilespmem:s25], [sflag:$0x4] =	stream.indirect.gather [hbm4b:s2+s18], $0x80, s31, s18, $0xb8;
	[tilespmem:$0xA400] =	vst v63  }
0x1c4: {  	_ =	swait.ge [sflag:s17], $0x2000  }
0x1c5: {  	[sflag:s17] =	ssyncset.done $0x0  }
0x1c6: {  	s3 =	simm.s32 $0x0;
	[sflag:s17] =	ssyncadd.s32 $0xFFFFE000  }
0x1c7: {  	v0 =	vld [tilespmem:s3+$0x470]  }
0x1c8: {  	v1 =	vld [tilespmem:s3+$0x4470]  }
0x1c9: {  	v2 =	vld [tilespmem:s3+$0x400]  }
0x1ca: {  	v3 =	vld [tilespmem:s3+$0x4400]  }
0x1cb: {  	v4 =	vld [tilespmem:s3+$0x410]  }
0x1cc: {  	v5 =	vld [tilespmem:s3+$0x4410]  }
0x1cd: {  	v6 =	vld [tilespmem:s3+$0x420]  }
0x1ce: {  	v7 =	vld [tilespmem:s3+$0x4420];
	v0 =	vadd.s32 $0x8000, v0;
	v1 =	vadd.s32 $0x8000, v1;
	v2 =	vadd.s32 $0x8000, v2  }
0x1cf: {  	v8 =	vld [tilespmem:s3+$0x430];
	v3 =	vadd.s32 $0x8000, v3;
	v0 =	vshrl.u32 v0, $0x10;
	v1 =	vand.u32 $0xFFFF0000, v1  }
0x1d0: {  	v9 =	vld [tilespmem:s3+$0x4430];
	v0 =	vor.u32 v0, v1;
	v1 =	vshrl.u32 v2, $0x10;
	v2 =	vand.u32 $0xFFFF0000, v3  }
0x1d1: {  	v10 =	vld [tilespmem:s3+$0x440];
	[tilespmem:s3+$0x8470] =	vst v0;
	v0 =	vor.u32 v1, v2;
	v1 =	vadd.s32 $0x8000, v4;
	v2 =	vadd.s32 $0x8000, v5  }
0x1d2: {  	v11 =	vld [tilespmem:s3+$0x4440];
	[tilespmem:s3+$0x8400] =	vst v0;
	v0 =	vshrl.u32 v1, $0x10;
	v1 =	vand.u32 $0xFFFF0000, v2  }
0x1d3: {  	v3 =	vadd.s32 $0x8000, v7;
	v2 =	vadd.s32 $0x8000, v6;
	v0 =	vor.u32 v0, v1;
	v1 =	vld [tilespmem:s3+$0x450]  }
0x1d4: {  	[tilespmem:s3+$0x8410] =	vst v0;
	v0 =	vshrl.u32 v2, $0x10;
	v2 =	vand.u32 $0xFFFF0000, v3;
	v3 =	vld [tilespmem:s3+$0x4450]  }
0x1d5: {  	v4 =	vadd.s32 $0x8000, v8;
	v5 =	vadd.s32 $0x8000, v9;
	v0 =	vor.u32 v0, v2;
	v2 =	vld [tilespmem:s3+$0x460]  }
0x1d6: {  	s24 =	simm.s32 $0x80;
	v7 =	vadd.s32 $0x8000, v10;
	v6 =	vshrl.u32 v4, $0x10;
	v5 =	vand.u32 $0xFFFF0000, v5;
	v4 =	vld [tilespmem:s3+$0x4460];
	[tilespmem:s3+$0x8420] =	vst v0  }
0x1d7: {  	s30 =	simm.s32 $0x400;
	v6 =	vor.u32 v6, v5;
	v5 =	vshrl.u32 v7, $0x10;
	v7 =	vadd.s32 $0x8000, v11;
	v0 =	vld [tilespmem:s24+$0x470]  }
.LBB2_14:
0x1d8: {  	p0 =	sne.s32 s30, $0x7E00;
	v8 =	vld [tilespmem:s24+$0x4470];
	[tilespmem:s3+$0x8430] =	vst v6;
	v6 =	vand.u32 $0xFFFF0000, v7;
	v1 =	vadd.s32 $0x8000, v1  }
0x1d9: {  	v7 =	vld [tilespmem:s24+$0x400];
	v5 =	vor.u32 v5, v6;
	v1 =	vshrl.u32 v1, $0x10;
	v3 =	vadd.s32 $0x8000, v3  }
0x1da: {  	v6 =	vld [tilespmem:s24+$0x4400];
	[tilespmem:s3+$0x8440] =	vst v5;
	v3 =	vand.u32 $0xFFFF0000, v3;
	v2 =	vadd.s32 $0x8000, v2  }
0x1db: {  	v5 =	vld [tilespmem:s24+$0x410];
	v1 =	vor.u32 v1, v3;
	v2 =	vshrl.u32 v2, $0x10;
	v3 =	vadd.s32 $0x8000, v4  }
0x1dc: {  	v4 =	vld [tilespmem:s24+$0x4410];
	[tilespmem:s3+$0x8450] =	vst v1;
	v1 =	vand.u32 $0xFFFF0000, v3  }
0x1dd: {  	v0 =	vadd.s32 $0x8000, v0;
	v3 =	vld [tilespmem:s24+$0x420];
	v8 =	vadd.s32 $0x8000, v8;
	v1 =	vor.u32 v2, v1  }
0x1de: {  	v0 =	vshrl.u32 v0, $0x10;
	v2 =	vadd.s32 $0x8000, v7;
	v7 =	vld [tilespmem:s24+$0x4420];
	v8 =	vand.u32 $0xFFFF0000, v8;
	[tilespmem:s3+$0x8460] =	vst v1;
	s3 =	smov.u32 s24  }
0x1df: {  	v1 =	vshrl.u32 v2, $0x10;
	v2 =	vadd.s32 $0x8000, v6;
	v6 =	vld [tilespmem:s3+$0x430];
	v0 =	vor.u32 v0, v8  }
0x1e0: {  	v2 =	vand.u32 $0xFFFF0000, v2;
	v5 =	vadd.s32 $0x8000, v5;
	v8 =	vld [tilespmem:s3+$0x4430];
	[tilespmem:s3+$0x8470] =	vst v0  }
0x1e1: {  	v0 =	vor.u32 v1, v2;
	v1 =	vshrl.u32 v5, $0x10;
	v2 =	vadd.s32 $0x8000, v4;
	v4 =	vld [tilespmem:s3+$0x440]  }
0x1e2: {  	[tilespmem:s3+$0x8400] =	vst v0;
	v0 =	vand.u32 $0xFFFF0000, v2;
	v2 =	vadd.s32 $0x8000, v3;
	v9 =	vld [tilespmem:s3+$0x4440]  }
.Ltmp6:
0x1e3: {  	v0 =	vor.u32 v1, v0;
	v2 =	vshrl.u32 v2, $0x10;
	v3 =	vadd.s32 $0x8000, v7;
	v1 =	vld [tilespmem:s3+$0x450];
	(pc) =	sbr.rel @p0 .LBB2_14-.Ltmp6, $4  }
0x1e4: {  	[tilespmem:s3+$0x8410] =	vst v0;
	v0 =	vand.u32 $0xFFFF0000, v3;
	v5 =	vadd.s32 $0x8000, v6;
	v3 =	vld [tilespmem:s3+$0x4450]  }
0x1e5: {  	v0 =	vor.u32 v2, v0;
	v5 =	vshrl.u32 v5, $0x10;
	v6 =	vadd.s32 $0x8000, v8;
	v2 =	vld [tilespmem:s3+$0x460]  }
0x1e6: {  	s24 =	sshra.s32 s30, $0x2;
	[tilespmem:s3+$0x8420] =	vst v0;
	v6 =	vand.u32 $0xFFFF0000, v6;
	v7 =	vadd.s32 $0x8000, v4;
	v4 =	vld [tilespmem:s3+$0x4460]  }
0x1e7: {  	s30 =	sadd.s32 $0x200, s30;
	v0 =	vld [tilespmem:s24+$0x470];
	v6 =	vor.u32 v5, v6;
	v5 =	vshrl.u32 v7, $0x10;
	v7 =	vadd.s32 $0x8000, v9  }
0x1e8: {  	v8 =	vld [tilespmem:s24+$0x4470];
	[tilespmem:s3+$0x8430] =	vst v6;
	v6 =	vand.u32 $0xFFFF0000, v7  }
0x1e9: {  	v1 =	vadd.s32 $0x8000, v1;
	v7 =	vld [tilespmem:s24+$0x400];
	v5 =	vor.u32 v5, v6;
	v3 =	vadd.s32 $0x8000, v3  }
0x1ea: {  	v6 =	vld [tilespmem:s24+$0x4400];
	v1 =	vshrl.u32 v1, $0x10;
	[tilespmem:s3+$0x8440] =	vst v5;
	v3 =	vand.u32 $0xFFFF0000, v3  }
0x1eb: {  	v2 =	vadd.s32 $0x8000, v2;
	v5 =	vld [tilespmem:s24+$0x410];
	v1 =	vor.u32 v1, v3;
	v4 =	vadd.s32 $0x8000, v4  }
0x1ec: {  	v3 =	vld [tilespmem:s24+$0x4410];
	[tilespmem:s3+$0x8450] =	vst v1;
	v1 =	vshrl.u32 v2, $0x10;
	v2 =	vand.u32 $0xFFFF0000, v4  }
0x1ed: {  	v0 =	vadd.s32 $0x8000, v0;
	v4 =	vld [tilespmem:s24+$0x420];
	v1 =	vor.u32 v1, v2  }
0x1ee: {  	v2 =	vld [tilespmem:s24+$0x4420];
	v8 =	vadd.s32 $0x8000, v8;
	v0 =	vshrl.u32 v0, $0x10;
	[tilespmem:s3+$0x8460] =	vst v1  }
0x1ef: {  	v1 =	vand.u32 $0xFFFF0000, v8;
	v7 =	vadd.s32 $0x8000, v7;
	v6 =	vadd.s32 $0x8000, v6;
	v8 =	vld [tilespmem:s24+$0x430]  }
0x1f0: {  	v0 =	vor.u32 v0, v1;
	v1 =	vld [tilespmem:s24+$0x4430];
	v7 =	vshrl.u32 v7, $0x10;
	v6 =	vand.u32 $0xFFFF0000, v6  }
0x1f1: {  	[tilespmem:s24+$0x8470] =	vst v0;
	v0 =	vor.u32 v7, v6;
	v6 =	vld [tilespmem:s24+$0x440];
	v5 =	vadd.s32 $0x8000, v5;
	v3 =	vadd.s32 $0x8000, v3  }
0x1f2: {  	v7 =	vld [tilespmem:s24+$0x4460];
	[tilespmem:s24+$0x8400] =	vst v0;
	v0 =	vshrl.u32 v5, $0x10;
	v3 =	vand.u32 $0xFFFF0000, v3  }
0x1f3: {  	v5 =	vld [tilespmem:s24+$0x4440];
	v0 =	vor.u32 v0, v3;
	v4 =	vadd.s32 $0x8000, v4;
	v2 =	vadd.s32 $0x8000, v2  }
0x1f4: {  	v3 =	vld [tilespmem:s24+$0x450];
	[tilespmem:s24+$0x8410] =	vst v0;
	v0 =	vshrl.u32 v4, $0x10;
	v2 =	vand.u32 $0xFFFF0000, v2  }
0x1f5: {  	v4 =	vld [tilespmem:s24+$0x4450];
	v0 =	vor.u32 v0, v2  }
0x1f6: {  	v2 =	vld [tilespmem:s24+$0x460];
	v1 =	vadd.s32 $0x8000, v1;
	[tilespmem:s24+$0x8420] =	vst v0;
	v0 =	vadd.s32 $0x8000, v8  }
0x1f7: {  	v1 =	vand.u32 $0xFFFF0000, v1;
	v0 =	vshrl.u32 v0, $0x10  }
0x1f8: {  	v6 =	vadd.s32 $0x8000, v6;
	v0 =	vor.u32 v0, v1;
	v1 =	vadd.s32 $0x8000, v5  }
0x1f9: {  	v5 =	vshrl.u32 v6, $0x10;
	v3 =	vadd.s32 $0x8000, v3;
	v1 =	vand.u32 $0xFFFF0000, v1  }
0x1fa: {  	v3 =	vshrl.u32 v3, $0x10;
	v4 =	vadd.s32 $0x8000, v4;
	v1 =	vor.u32 v5, v1  }
0x1fb: {  	[tilespmem:s24+$0x8430] =	vst v0;
	v0 =	vand.u32 $0xFFFF0000, v4;
	v2 =	vadd.s32 $0x8000, v2;
	v4 =	vadd.s32 $0x8000, v7  }
0x1fc: {  	[tilespmem:s24+$0x8440] =	vst v1;
	v0 =	vor.u32 v3, v0;
	v1 =	vshrl.u32 v2, $0x10;
	v2 =	vand.u32 $0xFFFF0000, v4  }
0x1fd: {  	[tilespmem:s24+$0x8450] =	vst v0;
	v0 =	vor.u32 v1, v2  }
0x1fe: {  	[tilespmem:s24+$0x8460] =	vst v0;
	s24 =	simm.s32 $0x0  }
0x1ff: {  	[hbm4b:s13+s24] =	stream.linear.scatter [tilespmem:s26], [sflag:$0x5], $0x2000, $0x38;
	[tilespmem:$0xA400] =	vst v63  }
0x200: {  	_ =	swait.ge [sflag:s28], $0x2000  }
0x201: {  	[sflag:s28] =	ssyncset.done $0x0  }
0x202: {  	[sflag:s28] =	ssyncadd.s32 $0xFFFFE000  }
0x203: {  	_ =	swait.ge [sflag:s29], $0x2000  }
0x204: {  	[sflag:s29] =	ssyncset.done $0x0  }
0x205: {  	[sflag:s29] =	ssyncadd.s32 $0xFFFFE000  }
0x206: {  	_ =	swait.ge [sflag:s17], $0x2000  }
0x207: {  	[sflag:s17] =	ssyncset.done $0x0  }
0x208: {  	s3 =	simm.s32 $0x0;
	[sflag:s17] =	ssyncadd.s32 $0xFFFFE000  }
0x209: {  	v0 =	vld [tilespmem:s3+$0x2470]  }
0x20a: {  	v1 =	vld [tilespmem:s3+$0x6470]  }
0x20b: {  	v2 =	vld [tilespmem:s3+$0x2400]  }
0x20c: {  	v3 =	vld [tilespmem:s3+$0x6400]  }
0x20d: {  	v4 =	vld [tilespmem:s3+$0x2410]  }
0x20e: {  	v5 =	vld [tilespmem:s3+$0x6410]  }
0x20f: {  	v6 =	vld [tilespmem:s3+$0x2420]  }
0x210: {  	v7 =	vld [tilespmem:s3+$0x6420];
	v0 =	vadd.s32 $0x8000, v0;
	v1 =	vadd.s32 $0x8000, v1;
	v2 =	vadd.s32 $0x8000, v2  }
0x211: {  	v8 =	vld [tilespmem:s3+$0x2430];
	v3 =	vadd.s32 $0x8000, v3;
	v0 =	vshrl.u32 v0, $0x10;
	v1 =	vand.u32 $0xFFFF0000, v1  }
0x212: {  	v9 =	vld [tilespmem:s3+$0x6430];
	v0 =	vor.u32 v0, v1;
	v1 =	vshrl.u32 v2, $0x10;
	v2 =	vand.u32 $0xFFFF0000, v3  }
0x213: {  	v10 =	vld [tilespmem:s3+$0x2440];
	[tilespmem:s3+$0x8470] =	vst v0;
	v0 =	vor.u32 v1, v2;
	v1 =	vadd.s32 $0x8000, v4;
	v2 =	vadd.s32 $0x8000, v5  }
0x214: {  	v11 =	vld [tilespmem:s3+$0x6440];
	[tilespmem:s3+$0x8400] =	vst v0;
	v0 =	vshrl.u32 v1, $0x10;
	v1 =	vand.u32 $0xFFFF0000, v2  }
0x215: {  	v3 =	vadd.s32 $0x8000, v7;
	v2 =	vadd.s32 $0x8000, v6;
	v0 =	vor.u32 v0, v1;
	v1 =	vld [tilespmem:s3+$0x2450]  }
0x216: {  	[tilespmem:s3+$0x8410] =	vst v0;
	v0 =	vshrl.u32 v2, $0x10;
	v2 =	vand.u32 $0xFFFF0000, v3;
	v3 =	vld [tilespmem:s3+$0x6450]  }
0x217: {  	v4 =	vadd.s32 $0x8000, v8;
	v5 =	vadd.s32 $0x8000, v9;
	v0 =	vor.u32 v0, v2;
	v2 =	vld [tilespmem:s3+$0x2460]  }
0x218: {  	s24 =	simm.s32 $0x80;
	v7 =	vadd.s32 $0x8000, v10;
	v6 =	vshrl.u32 v4, $0x10;
	v5 =	vand.u32 $0xFFFF0000, v5;
	v4 =	vld [tilespmem:s3+$0x6460];
	[tilespmem:s3+$0x8420] =	vst v0  }
0x219: {  	s30 =	simm.s32 $0x400;
	v6 =	vor.u32 v6, v5;
	v5 =	vshrl.u32 v7, $0x10;
	v7 =	vadd.s32 $0x8000, v11;
	v0 =	vld [tilespmem:s24+$0x2470]  }
.LBB2_16:
0x21a: {  	p0 =	sne.s32 s30, $0x7E00;
	v8 =	vld [tilespmem:s24+$0x6470];
	[tilespmem:s3+$0x8430] =	vst v6;
	v6 =	vand.u32 $0xFFFF0000, v7;
	v1 =	vadd.s32 $0x8000, v1  }
0x21b: {  	v7 =	vld [tilespmem:s24+$0x2400];
	v5 =	vor.u32 v5, v6;
	v1 =	vshrl.u32 v1, $0x10;
	v3 =	vadd.s32 $0x8000, v3  }
0x21c: {  	v6 =	vld [tilespmem:s24+$0x6400];
	[tilespmem:s3+$0x8440] =	vst v5;
	v3 =	vand.u32 $0xFFFF0000, v3;
	v2 =	vadd.s32 $0x8000, v2  }
0x21d: {  	v5 =	vld [tilespmem:s24+$0x2410];
	v1 =	vor.u32 v1, v3;
	v2 =	vshrl.u32 v2, $0x10;
	v3 =	vadd.s32 $0x8000, v4  }
0x21e: {  	v4 =	vld [tilespmem:s24+$0x6410];
	[tilespmem:s3+$0x8450] =	vst v1;
	v1 =	vand.u32 $0xFFFF0000, v3  }
0x21f: {  	v0 =	vadd.s32 $0x8000, v0;
	v3 =	vld [tilespmem:s24+$0x2420];
	v8 =	vadd.s32 $0x8000, v8;
	v1 =	vor.u32 v2, v1  }
0x220: {  	v0 =	vshrl.u32 v0, $0x10;
	v2 =	vadd.s32 $0x8000, v7;
	v7 =	vld [tilespmem:s24+$0x6420];
	v8 =	vand.u32 $0xFFFF0000, v8;
	[tilespmem:s3+$0x8460] =	vst v1;
	s3 =	smov.u32 s24  }
0x221: {  	v1 =	vshrl.u32 v2, $0x10;
	v2 =	vadd.s32 $0x8000, v6;
	v6 =	vld [tilespmem:s3+$0x2430];
	v0 =	vor.u32 v0, v8  }
0x222: {  	v2 =	vand.u32 $0xFFFF0000, v2;
	v5 =	vadd.s32 $0x8000, v5;
	v8 =	vld [tilespmem:s3+$0x6430];
	[tilespmem:s3+$0x8470] =	vst v0  }
0x223: {  	v0 =	vor.u32 v1, v2;
	v1 =	vshrl.u32 v5, $0x10;
	v2 =	vadd.s32 $0x8000, v4;
	v4 =	vld [tilespmem:s3+$0x2440]  }
0x224: {  	[tilespmem:s3+$0x8400] =	vst v0;
	v0 =	vand.u32 $0xFFFF0000, v2;
	v2 =	vadd.s32 $0x8000, v3;
	v9 =	vld [tilespmem:s3+$0x6440]  }
.Ltmp7:
0x225: {  	v0 =	vor.u32 v1, v0;
	v2 =	vshrl.u32 v2, $0x10;
	v3 =	vadd.s32 $0x8000, v7;
	v1 =	vld [tilespmem:s3+$0x2450];
	(pc) =	sbr.rel @p0 .LBB2_16-.Ltmp7, $4  }
0x226: {  	[tilespmem:s3+$0x8410] =	vst v0;
	v0 =	vand.u32 $0xFFFF0000, v3;
	v5 =	vadd.s32 $0x8000, v6;
	v3 =	vld [tilespmem:s3+$0x6450]  }
0x227: {  	v0 =	vor.u32 v2, v0;
	v5 =	vshrl.u32 v5, $0x10;
	v6 =	vadd.s32 $0x8000, v8;
	v2 =	vld [tilespmem:s3+$0x2460]  }
0x228: {  	s24 =	sshra.s32 s30, $0x2;
	[tilespmem:s3+$0x8420] =	vst v0;
	v6 =	vand.u32 $0xFFFF0000, v6;
	v7 =	vadd.s32 $0x8000, v4;
	v4 =	vld [tilespmem:s3+$0x6460]  }
0x229: {  	s30 =	sadd.s32 $0x200, s30;
	v0 =	vld [tilespmem:s24+$0x2470];
	v6 =	vor.u32 v5, v6;
	v5 =	vshrl.u32 v7, $0x10;
	v7 =	vadd.s32 $0x8000, v9  }
0x22a: {  	v8 =	vld [tilespmem:s24+$0x6470];
	[tilespmem:s3+$0x8430] =	vst v6;
	v36 =	vand.u32 $0xFFFF0000, v7  }
0x22b: {  	v1 =	vadd.s32 $0x8000, v1;
	v37 =	vld [tilespmem:s24+$0x2400];
	v5 =	vor.u32 v5, v36;
	v3 =	vadd.s32 $0x8000, v3  }
0x22c: {  	v38 =	vld [tilespmem:s24+$0x6400];
	v1 =	vshrl.u32 v1, $0x10;
	[tilespmem:s3+$0x8440] =	vst v5;
	v3 =	vand.u32 $0xFFFF0000, v3  }
0x22d: {  	v2 =	vadd.s32 $0x8000, v2;
	v5 =	vld [tilespmem:s24+$0x2410];
	v1 =	vor.u32 v1, v3;
	v4 =	vadd.s32 $0x8000, v4  }
0x22e: {  	v39 =	vld [tilespmem:s24+$0x6410];
	v40 =	vshrl.u32 v2, $0x10;
	[tilespmem:s3+$0x8450] =	vst v1;
	v41 =	vand.u32 $0xFFFF0000, v4  }
0x22f: {  	v42 =	vld [tilespmem:s24+$0x2420];
	v1 =	vor.u32 v40, v41  }
0x230: {  	v43 =	vld [tilespmem:s24+$0x6420];
	[tilespmem:s3+$0x8460] =	vst v1  }
0x231: {  	v45 =	vld [tilespmem:s24+$0x2430]  }
0x232: {  	v46 =	vld [tilespmem:s24+$0x6430]  }
0x233: {  	v0 =	vadd.s32 $0x8000, v0;
	v48 =	vld [tilespmem:s24+$0x2440]  }
0x234: {  	v8 =	vadd.s32 $0x8000, v8;
	v0 =	vshrl.u32 v0, $0x10;
	v50 =	vld [tilespmem:s24+$0x6440]  }
0x235: {  	v44 =	vand.u32 $0xFFFF0000, v8;
	v7 =	vadd.s32 $0x8000, v37;
	v6 =	vadd.s32 $0x8000, v38;
	v51 =	vld [tilespmem:s24+$0x2450]  }
0x236: {  	v0 =	vor.u32 v0, v44;
	v7 =	vshrl.u32 v7, $0x10;
	v53 =	vld [tilespmem:s24+$0x6450];
	v5 =	vadd.s32 $0x8000, v5  }
0x237: {  	v6 =	vand.u32 $0xFFFF0000, v6;
	v54 =	vld [tilespmem:s24+$0x2460];
	v3 =	vadd.s32 $0x8000, v39;
	v49 =	vshrl.u32 v5, $0x10  }
0x238: {  	v56 =	vld [tilespmem:s24+$0x6460];
	v3 =	vand.u32 $0xFFFF0000, v3;
	v4 =	vadd.s32 $0x8000, v42;
	v2 =	vadd.s32 $0x8000, v43  }
0x239: {  	[tilespmem:s24+$0x8470] =	vst v0;
	v0 =	vor.u32 v49, v3;
	v52 =	vshrl.u32 v4, $0x10;
	v2 =	vand.u32 $0xFFFF0000, v2  }
0x23a: {  	v47 =	vor.u32 v7, v6;
	[tilespmem:s24+$0x8410] =	vst v0;
	v0 =	vor.u32 v52, v2;
	v55 =	vadd.s32 $0x8000, v45  }
0x23b: {  	v1 =	vadd.s32 $0x8000, v46;
	v6 =	vadd.s32 $0x8000, v48;
	v57 =	vadd.s32 $0x8000, v50  }
0x23c: {  	v3 =	vadd.s32 $0x8000, v51;
	v4 =	vadd.s32 $0x8000, v53;
	v2 =	vadd.s32 $0x8000, v54  }
0x23d: {  	v60 =	vadd.s32 $0x8000, v56;
	[tilespmem:s24+$0x8420] =	vst v0;
	v0 =	vshrl.u32 v55, $0x10;
	v1 =	vand.u32 $0xFFFF0000, v1  }
0x23e: {  	[tilespmem:s24+$0x8400] =	vst v47;
	v61 =	vshrl.u32 v2, $0x10;
	v62 =	vand.u32 $0xFFFF0000, v60;
	v0 =	vor.u32 v0, v1  }
0x23f: {  	v58 =	vshrl.u32 v6, $0x10;
	v1 =	vand.u32 $0xFFFF0000, v57;
	v63 =	vor.u32 v61, v62;
	[tilespmem:s24+$0x8430] =	vst v0  }
0x240: {  	s0 =	sadd.s32 $0x1, s0;
	v3 =	vshrl.u32 v3, $0x10;
	v59 =	vand.u32 $0xFFFF0000, v4;
	v1 =	vor.u32 v58, v1;
	[tilespmem:s24+$0x8460] =	vst v63  }
0x241: {  	p0 =	sne.s32 s0, s15;
	v0 =	vor.u32 v3, v59;
	[tilespmem:s24+$0x8440] =	vst v1  }
.Ltmp8:
0x242: {  	[tilespmem:s24+$0x8450] =	vst v0;
	(pc) =	sbr.rel @p0 .LBB2_1-.Ltmp8, $4  }
0x243: {  	[hbm4b:s14+s4] =	stream.linear.scatter [tilespmem:s26], [sflag:$0x5], $0x2000, $0x38;
	[tilespmem:$0xA400] =	vst v63  }
0x244: {  	_ =	swait.ge [sflag:s17], $0x2000  }
0x245: {  	[sflag:s17] =	ssyncset.done $0x0  }
0x246: {  	[sflag:s17] =	ssyncadd.s32 $0xFFFFE000  }
0x247: {  	_ =	sfence.sel $0x180000  }
0x248: {  	[bflag:$0x0] =	sbarrier.arrive $0xFFFF  }
0x249: {  	_ =	strace $0x90000047  }
0x24a: {  	s0 =	stileid.u32;
	[bflag:$0x2] =	sbarrier.arrive $0xFFFF  }
0x24b: {  	p0 =	sne.s32 s0, $0x0;
	s0 =	rddreg [dreg:$0x5]  }
0x24c: {  	s0 =	sadd.s32 @!p0 $0x100000, s0  }
0x24d: {  	[sflag:s0] =	ssyncadd.tile.s32 @!p0 $0x1;
	_ =	shalt  }
.Lfunc_end2:
_tile_overlayer_lowered:
.L_overlay_start_2:
0x24e: {  	(tag) =	ssettag $0x2  }
0x24f: {  	s0 =	rddreg [dreg:$0x0];
	s2 =	stileid.u32  }
0x250: {  	s1 =	rddreg [dreg:$0x1];
	p0 =	sne.s32 s2, $0x0  }
0x251: {  	s3 =	rddreg [dreg:$0x2];
	[bflag:$0x3] =	sbarrier.arrive $0xFFFF;
	s2 =	simm.s32 @!p0 $0x1C06  }
0x252: {  	[timem:s3], [sflag:s2] =	dma.local @!p0 [hbm:s0], s1  }
0x253: {  	s0 =	simm.s32 @!p0 $0x6  }
0x254: {  	_ =	swait.ge @!p0 [sflag:s0], s1  }
0x255: {  	s1 =	ssub.s32 @!p0 $0x0, s1;
	[sflag:s0] =	ssyncset.done @!p0 $0x0  }
0x256: {  	[sflag:s0] =	ssyncadd.s32 @!p0 s1  }
0x257: {  	[bflag:$0x3] =	sbarrier.arrive $0xFFFF  }
0x258: {  	_ =	shalt  }

</sc_bundles>
